<compile_context>
chip_gen: v7x
topology: tpu7x:2x2x1
jax: 0.10.2.dev20260603
libtpu: 0.0.44.dev20260713+nightly
codegen_flags: <defaults>
</compile_context>

<pallas_src>
import functools

import jax
import jax.numpy as jnp
from jax import lax
from jax.experimental import pallas as pl
from jax.experimental.pallas import tpu as pltpu
from jax.experimental.pallas import tpu_sc as plsc

_K = 32
_BIG = 3.0e38


def _sc_topk(xs, ys, B, N, K):
    NW = 32
    RPW = (B * N) // NW
    WPB = N // RPW
    NCH = N // 16
    CAP = N + 64
    mesh = plsc.VectorSubcoreMesh(core_axis_name="c", subcore_axis_name="s")

    @functools.partial(
        pl.kernel,
        mesh=mesh,
        compiler_params=pltpu.CompilerParams(needs_layout_passes=False),
        out_type=[
            jax.ShapeDtypeStruct((B * N * K,), jnp.float32),
            jax.ShapeDtypeStruct((B * N * K,), jnp.int32),
        ],
        scratch_types=[
            pltpu.VMEM((N,), jnp.float32),
            pltpu.VMEM((N,), jnp.float32),
            pltpu.VMEM((N,), jnp.float32),
            pltpu.VMEM((N,), jnp.float32),
            pltpu.VMEM((CAP,), jnp.float32),
            pltpu.VMEM((CAP,), jnp.int32),
            pltpu.VMEM((CAP,), jnp.float32),
            pltpu.VMEM((CAP,), jnp.int32),
            pltpu.VMEM((RPW * K,), jnp.float32),
            pltpu.VMEM((RPW * K,), jnp.int32),
        ],
    )
    def topk(xs_hbm, ys_hbm, vout_hbm, iout_hbm,
             xs_v, ys_v, db0, db1, cd0, ci0, cd1, ci1, ov, oi):
        wid = lax.axis_index("c") * 16 + lax.axis_index("s")
        batch = wid // WPB
        row0 = (wid % WPB) * RPW
        big = jnp.float32(_BIG)
        big16 = jnp.full((16,), big, jnp.float32)
        z16 = jnp.zeros((16,), jnp.int32)
        iota = lax.iota(jnp.int32, 16)

        pltpu.sync_copy(xs_hbm.at[batch], xs_v)
        pltpu.sync_copy(ys_hbm.at[batch], ys_v)

        def pair_body(pr, _):
            r0 = 2 * pr
            i0 = row0 + r0
            i0_16 = jnp.broadcast_to(i0, (16,))
            i1_16 = i0_16 + 1
            x0 = plsc.load_gather(xs_v, [i0_16])
            y0 = plsc.load_gather(ys_v, [i0_16])
            x1 = plsc.load_gather(xs_v, [i1_16])
            y1 = plsc.load_gather(ys_v, [i1_16])

            def dist2(c):
                o = c * 16
                xj = xs_v[pl.ds(o, 16)]
                yj = ys_v[pl.ds(o, 16)]
                colv = iota + o
                dx0 = xj - x0
                dy0 = yj - y0
                d0 = dx0 * dx0 + dy0 * dy0
                d0 = jnp.where(colv == i0_16, big, d0)
                db0[pl.ds(o, 16)] = d0
                dx1 = xj - x1
                dy1 = yj - y1
                d1 = dx1 * dx1 + dy1 * dy1
                d1 = jnp.where(colv == i1_16, big, d1)
                db1[pl.ds(o, 16)] = d1
                return d0, d1

            @plsc.parallel_loop(jnp.int32(0), jnp.int32(NCH // 2),
                                jnp.int32(1),
                                carry=(big16, big16, big16, big16), unroll=4)
            def pa(t, accs):
                t = lax.convert_element_type(t, jnp.int32)
                ae0, ao0, ae1, ao1 = accs
                de0, de1 = dist2(2 * t)
                do0, do1 = dist2(2 * t + 1)
                return (jnp.minimum(ae0, de0), jnp.minimum(ao0, do0),
                        jnp.minimum(ae1, de1), jnp.minimum(ao1, do1))

            ae0, ao0, ae1, ao1 = pa
            if NCH % 2:
                dl0, dl1 = dist2(NCH - 1)
                ae0 = jnp.minimum(ae0, dl0)
                ae1 = jnp.minimum(ae1, dl1)
            T0 = jnp.max(jnp.maximum(ae0, ao0))
            T1 = jnp.max(jnp.maximum(ae1, ao1))
            T0_16 = jnp.broadcast_to(T0, (16,))
            T1_16 = jnp.broadcast_to(T1, (16,))

            @plsc.parallel_loop(jnp.int32(0), jnp.int32(NCH), jnp.int32(1),
                                carry=(z16, z16), unroll=4)
            def pb(c, cnts):
                cnt0, cnt1 = cnts
                o = lax.convert_element_type(c, jnp.int32) * 16
                colv = iota + o
                d0 = db0[pl.ds(o, 16)]
                m0 = d0 <= T0_16
                cs0 = plsc.cumsum(m0.astype(jnp.int32))
                plsc.store_scatter(cd0, [cnt0 + cs0 - 1], d0, mask=m0)
                plsc.store_scatter(ci0, [cnt0 + cs0 - 1], colv, mask=m0)
                d1 = db1[pl.ds(o, 16)]
                m1 = d1 <= T1_16
                cs1 = plsc.cumsum(m1.astype(jnp.int32))
                plsc.store_scatter(cd1, [cnt1 + cs1 - 1], d1, mask=m1)
                plsc.store_scatter(ci1, [cnt1 + cs1 - 1], colv, mask=m1)
                return (cnt0 + plsc.all_reduce_population_count(m0),
                        cnt1 + plsc.all_reduce_population_count(m1))

            cnt0_16, cnt1_16 = pb
            cnt0 = jnp.max(cnt0_16)
            cnt1 = jnp.max(cnt1_16)
            plsc.store_scatter(cd0, [cnt0_16 + iota], big16)
            plsc.store_scatter(cd1, [cnt1_16 + iota], big16)

            def merge(lo, lov, hi, hiv, ck, cv):
                rk = lax.rev(ck, (0,))
                rv = lax.rev(cv, (0,))
                m = hi <= rk
                nhk = jnp.where(m, hi, rk)
                nhv = jnp.where(m, hiv, rv)
                m2 = lo <= nhk
                ak = jnp.where(m2, lo, nhk)
                av = jnp.where(m2, lov, nhv)
                bk = jnp.where(m2, nhk, lo)
                bv = jnp.where(m2, nhv, lov)
                lo, lov = plsc.sort_key_val(ak, av)
                hi, hiv = plsc.sort_key_val(bk, bv)
                return lo, lov, hi, hiv

            nv0 = (cnt0 + 15) // 16
            nv1 = (cnt1 + 15) // 16
            nvm = jnp.maximum(nv0, nv1)
            nv0_16 = jnp.broadcast_to(nv0, (16,))
            nv1_16 = jnp.broadcast_to(nv1, (16,))

            def pc(j, st):
                l0, lv0, h0, hv0, l1, lv1, h1, hv1 = st
                o = j * 16
                j16 = jnp.broadcast_to(j, (16,))
                ck0 = jnp.where(j16 < nv0_16, cd0[pl.ds(o, 16)], big16)
                ck1 = jnp.where(j16 < nv1_16, cd1[pl.ds(o, 16)], big16)
                sk0, sv0 = plsc.sort_key_val(ck0, ci0[pl.ds(o, 16)])
                sk1, sv1 = plsc.sort_key_val(ck1, ci1[pl.ds(o, 16)])
                l0, lv0, h0, hv0 = merge(l0, lv0, h0, hv0, sk0, sv0)
                l1, lv1, h1, hv1 = merge(l1, lv1, h1, hv1, sk1, sv1)
                return l0, lv0, h0, hv0, l1, lv1, h1, hv1

            l0, lv0, h0, hv0, l1, lv1, h1, hv1 = lax.fori_loop(
                jnp.int32(0), nvm, pc,
                (big16, z16, big16, z16, big16, z16, big16, z16))

            off = jnp.broadcast_to(batch * N, (16,))
            ov[pl.ds(r0 * K, 16)] = l0
            ov[pl.ds(r0 * K + 16, 16)] = h0
            oi[pl.ds(r0 * K, 16)] = lv0 + off
            oi[pl.ds(r0 * K + 16, 16)] = hv0 + off
            ov[pl.ds(r0 * K + 32, 16)] = l1
            ov[pl.ds(r0 * K + 48, 16)] = h1
            oi[pl.ds(r0 * K + 32, 16)] = lv1 + off
            oi[pl.ds(r0 * K + 48, 16)] = hv1 + off
            return _

        lax.fori_loop(jnp.int32(0), jnp.int32(RPW // 2), pair_body, 0)
        pltpu.sync_copy(ov, vout_hbm.at[pl.ds(wid * RPW * K, RPW * K)])
        pltpu.sync_copy(oi, iout_hbm.at[pl.ds(wid * RPW * K, RPW * K)])

    return topk(xs, ys)


def _edge_body(v_ref, w_ref, b_ref, out_ref, src_ref, *, rows, emb):
    gi = pl.program_id(0)
    sv = jnp.sqrt(v_ref[...])
    svt = sv.T
    for j in range(rows):
        out_ref[pl.ds(j * emb, emb), :] = (
            svt[:, j:j + 1] * w_ref[...] + b_ref[...])
    r = gi * rows + jax.lax.broadcasted_iota(jnp.int32, (rows, emb), 0)
    lane = jax.lax.broadcasted_iota(jnp.int32, (rows, emb), 1)
    e = r * emb + lane
    src_ref[...] = jax.lax.shift_right_logical(e, jnp.int32(5))


def kernel(locs, init_embeddings, W, b):
    B, N, _ = locs.shape
    EMB = W.shape[0]
    K = _K

    xs = locs[..., 0]
    ys = locs[..., 1]
    valsq, dst = _sc_topk(xs, ys, B, N, K)

    ROWS = 200
    vals_2d = valsq.reshape((B * N * K) // EMB, EMB)
    w_row = W.reshape(1, EMB)
    b_row = b.reshape(1, EMB)
    GE = (B * N * K) // (ROWS * EMB)
    edge_emb, src = pl.pallas_call(
        functools.partial(_edge_body, rows=ROWS, emb=EMB),
        grid=(GE,),
        in_specs=[
            pl.BlockSpec((ROWS, EMB), lambda gi: (gi, gi * 0)),
            pl.BlockSpec((1, EMB), lambda gi: (gi * 0, gi * 0)),
            pl.BlockSpec((1, EMB), lambda gi: (gi * 0, gi * 0)),
        ],
        out_specs=[
            pl.BlockSpec((ROWS * EMB, EMB), lambda gi: (gi, gi * 0)),
            pl.BlockSpec((ROWS, EMB), lambda gi: (gi, gi * 0)),
        ],
        out_shape=[
            jax.ShapeDtypeStruct((B * N * K, EMB), jnp.float32),
            jax.ShapeDtypeStruct(((B * N * K) // EMB, EMB), jnp.int32),
        ],
    )(vals_2d, w_row, b_row)

    edge_index = jnp.stack(
        [src.reshape(-1), dst]).astype(jnp.int64)
    x = init_embeddings.reshape(B * N, EMB)
    return x, edge_index, edge_emb

# --- scband reference (transcript-rebuilt; emitter-appended) ---
"""Pipeline reference for scband-tspedge-embedding-2250562863229 (READ-ONLY COPY).

The authoritative reference and input builder live on the scoring server;
editing this copy changes nothing except your own understanding.
"""

import jax, jax.numpy as jnp
import numpy as np
jax.config.update('jax_enable_x64', True)

B, N, K, EMB = 8, 2000, 32, 128

def setup_inputs(seed: int = 0) -> dict:
    key = jax.random.key(seed)
    k1, k2, k3, k4 = jax.random.split(key, 4)
    locs = jax.random.uniform(k1, (B, N, 2), dtype=jnp.float32)
    init_embeddings = jax.random.normal(k2, (B, N, EMB), dtype=jnp.float32)
    # nn.Linear(1, EMB) parameters
    W = jax.random.uniform(k3, (EMB, 1), dtype=jnp.float32, minval=-1.0, maxval=1.0)
    b = jax.random.uniform(k4, (EMB,), dtype=jnp.float32, minval=-1.0, maxval=1.0)
    return {"locs": locs, "init_embeddings": init_embeddings, "W": W, "b": b}

def reference(locs, init_embeddings, W, b):
    # get_distance_matrix: pairwise euclidean distances [B, N, N]
    diff = locs[:, :, None, :] - locs[:, None, :, :]
    sq = jnp.sum(diff * diff, axis=-1)
    eye = jnp.eye(N, dtype=bool)
    sq = jnp.where(eye[None, :, :], jnp.inf, sq)  # mask self-loops before sqrt
    dist = jnp.sqrt(sq)
    # sparsify_graph: k smallest distances per node (self-loop excluded)
    neg_vals, idx = jax.lax.top_k(-dist, K)  # [B, N, K]
    vals = -neg_vals
    edge_attr = vals.reshape(B * N * K, 1)
    # edge_embed = nn.Linear(1, EMB)
    edge_emb = edge_attr @ W.T + b  # [B*N*K, EMB]
    # Batch.from_data_list: node indices offset by graph index
    offsets = (jnp.arange(B) * N)[:, None]
    src = jnp.broadcast_to(jnp.repeat(jnp.arange(N), K)[None, :], (B, N * K)) + offsets
    dst = idx.reshape(B, N * K) + offsets
    edge_index = jnp.stack([src.reshape(-1), dst.reshape(-1)]).astype(jnp.int64)  # [2, B*N*K]
    x = init_embeddings.reshape(B * N, EMB)
    return x, edge_index, edge_emb

if __name__ == "__main__":
    import jax
    _d = setup_inputs()
    print(jax.jit(kernel)(*tuple(_d.values())))

</pallas_src>

<mosaic_0001>
#map = affine_map<(d0, d1) -> (0, 0)>
#map1 = affine_map<(d0, d1) -> (0)>
module attributes {stable_mosaic.version = 14 : i64} {
  func.func @topk(%arg0: i32, %arg1: i32, %arg2: memref<8x2000xf32, #tpu.memory_space<hbm>>, %arg3: memref<8x2000xf32, #tpu.memory_space<hbm>>, %arg4: memref<512000xf32, #tpu.memory_space<hbm>>, %arg5: memref<512000xi32, #tpu.memory_space<hbm>>, %arg6: memref<2000xf32, #tpu.memory_space<vmem>>, %arg7: memref<2000xf32, #tpu.memory_space<vmem>>, %arg8: memref<2000xf32, #tpu.memory_space<vmem>>, %arg9: memref<2000xf32, #tpu.memory_space<vmem>>, %arg10: memref<2064xf32, #tpu.memory_space<vmem>>, %arg11: memref<2064xi32, #tpu.memory_space<vmem>>, %arg12: memref<2064xf32, #tpu.memory_space<vmem>>, %arg13: memref<2064xi32, #tpu.memory_space<vmem>>, %arg14: memref<16000xf32, #tpu.memory_space<vmem>>, %arg15: memref<16000xi32, #tpu.memory_space<vmem>>) attributes {dimension_semantics = [#tpu.dimension_semantics<core_parallel>, #tpu.dimension_semantics<subcore_parallel>], iteration_bounds = array<i64: 2, 16>, scalar_prefetch = 0 : i64, scratch_operands = 10 : i64, tpu.core_type = #tpu.core_type<sc_vector_subcore>, window_params = [{transform_indices = #map}, {transform_indices = #map}, {transform_indices = #map1}, {transform_indices = #map1}]} {
    %mul3A = arith.constant 16 : i32
    %mul3A_0 = arith.muli %arg0, %mul3A : i32
    %add3A = arith.addi %mul3A_0, %arg1 : i32
    %jit3A = arith.constant 4 : i64
    %convert_element_type3A = arith.trunci %jit3A : i64 to i32
    %div3A = arith.divsi %add3A, %convert_element_type3A : i32
    %sign3A = arith.constant 0 : i32
    %sign3A_1 = arith.cmpi sgt, %add3A, %sign3A : i32
    %sign3A_2 = arith.extui %sign3A_1 : i1 to i32
    %sign3A_3 = arith.constant 0 : i32
    %sign3A_4 = arith.cmpi slt, %add3A, %sign3A_3 : i32
    %sign3A_5 = arith.extui %sign3A_4 : i1 to i32
    %sign3A_6 = arith.subi %sign3A_2, %sign3A_5 : i32
    %sign3A_7 = arith.constant 0 : i32
    %sign3A_8 = arith.cmpi sgt, %convert_element_type3A, %sign3A_7 : i32
    %sign3A_9 = arith.extui %sign3A_8 : i1 to i32
    %sign3A_10 = arith.constant 0 : i32
    %sign3A_11 = arith.cmpi slt, %convert_element_type3A, %sign3A_10 : i32
    %sign3A_12 = arith.extui %sign3A_11 : i1 to i32
    %sign3A_13 = arith.subi %sign3A_9, %sign3A_12 : i32
    %ne3A = arith.cmpi ne, %sign3A_6, %sign3A_13 : i32
    %rem3A = arith.remsi %add3A, %convert_element_type3A : i32
    %ne3A_14 = arith.constant 0 : i32
    %ne3A_15 = arith.cmpi ne, %rem3A, %ne3A_14 : i32
    %and3A = arith.andi %ne3A, %ne3A_15 : i1
    %sub3A = arith.constant 1 : i32
    %sub3A_16 = arith.subi %div3A, %sub3A : i32
    %select_n3A = arith.select %and3A, %sub3A_16, %div3A : i32
    %jit3A_17 = arith.constant 4 : i64
    %convert_element_type3A_18 = arith.trunci %jit3A_17 : i64 to i32
    %eq3A = arith.constant 0 : i32
    %eq3A_19 = arith.cmpi eq, %convert_element_type3A_18, %eq3A : i32
    %jit3A_20 = arith.constant 1 : i32
    %select_n3A_21 = arith.select %eq3A_19, %jit3A_20, %convert_element_type3A_18 : i32
    %rem3A_22 = arith.remsi %add3A, %select_n3A_21 : i32
    %ne3A_23 = arith.constant 0 : i32
    %ne3A_24 = arith.cmpi ne, %rem3A_22, %ne3A_23 : i32
    %lt3A = arith.constant 0 : i32
    %lt3A_25 = arith.cmpi slt, %rem3A_22, %lt3A : i32
    %lt3A_26 = arith.constant 0 : i32
    %lt3A_27 = arith.cmpi slt, %select_n3A_21, %lt3A_26 : i32
    %ne3A_28 = arith.xori %lt3A_25, %lt3A_27 : i1
    %and3A_29 = arith.andi %ne3A_28, %ne3A_24 : i1
    %add3A_30 = arith.addi %rem3A_22, %select_n3A_21 : i32
    %select_n3A_31 = arith.select %and3A_29, %add3A_30, %rem3A_22 : i32
    %mul3A_32 = arith.constant 500 : i32
    %mul3A_33 = arith.muli %select_n3A_31, %mul3A_32 : i32
    %broadcast_in_dim3A = arith.constant 3.000000e+38 : f32
    %broadcast_in_dim3A_34 = vector.broadcast %broadcast_in_dim3A : f32 to vector<16xf32>
    %broadcast_in_dim3A_35 = arith.constant 0 : i32
    %broadcast_in_dim3A_36 = vector.broadcast %broadcast_in_dim3A_35 : i32 to vector<16xi32>
    %iota3A = tpu.iota {dimensions = array<i32: 0>} : vector<16xi32>
    "tpu.region"() ({
      %run_scoped3A = tpu.sem_alloc : memref<!tpu.dma_semaphore, #tpu.memory_space<semaphore_mem>>
      %dma_start3A = arith.constant 0 : i32
      %dma_start3A_56 = tpu.memref_slice %arg2[%select_n3A, %dma_start3A] : memref<8x2000xf32, #tpu.memory_space<hbm>> -> memref<1x2000xf32, #tpu.memory_space<hbm>>
      %dma_start3A_57 = tpu.memref_squeeze %dma_start3A_56 : memref<1x2000xf32, #tpu.memory_space<hbm>> -> memref<2000xf32, #tpu.memory_space<hbm>>
      %dma_start3A_58 = arith.constant 0 : i32
      %dma_start3A_59 = tpu.memref_slice %arg2[%select_n3A, %dma_start3A_58] : memref<8x2000xf32, #tpu.memory_space<hbm>> -> memref<1x2000xf32, #tpu.memory_space<hbm>>
      %dma_start3A_60 = tpu.memref_squeeze %dma_start3A_59 : memref<1x2000xf32, #tpu.memory_space<hbm>> -> memref<2000xf32, #tpu.memory_space<hbm>>
      tpu.enqueue_dma source(%dma_start3A_60 : memref<2000xf32, #tpu.memory_space<hbm>>) target(%arg6 : memref<2000xf32, #tpu.memory_space<vmem>>) target_semaphore(%run_scoped3A : memref<!tpu.dma_semaphore, #tpu.memory_space<semaphore_mem>>)
      %dma_wait3A = arith.constant 0 : i32
      %dma_wait3A_61 = tpu.memref_slice %arg2[%select_n3A, %dma_wait3A] : memref<8x2000xf32, #tpu.memory_space<hbm>> -> memref<1x2000xf32, #tpu.memory_space<hbm>>
      %dma_wait3A_62 = tpu.memref_squeeze %dma_wait3A_61 : memref<1x2000xf32, #tpu.memory_space<hbm>> -> memref<2000xf32, #tpu.memory_space<hbm>>
      %dma_wait3A_63 = arith.constant 0 : i32
      %dma_wait3A_64 = tpu.memref_slice %arg2[%select_n3A, %dma_wait3A_63] : memref<8x2000xf32, #tpu.memory_space<hbm>> -> memref<1x2000xf32, #tpu.memory_space<hbm>>
      %dma_wait3A_65 = tpu.memref_squeeze %dma_wait3A_64 : memref<1x2000xf32, #tpu.memory_space<hbm>> -> memref<2000xf32, #tpu.memory_space<hbm>>
      tpu.wait_dma2 semaphore(%run_scoped3A : memref<!tpu.dma_semaphore, #tpu.memory_space<semaphore_mem>>) src(%dma_wait3A_65 : memref<2000xf32, #tpu.memory_space<hbm>>) dst(%arg6 : memref<2000xf32, #tpu.memory_space<vmem>>)
      tpu.yield
    }) : () -> ()
    "tpu.region"() ({
      %run_scoped3A = tpu.sem_alloc : memref<!tpu.dma_semaphore, #tpu.memory_space<semaphore_mem>>
      %dma_start3A = arith.constant 0 : i32
      %dma_start3A_56 = tpu.memref_slice %arg3[%select_n3A, %dma_start3A] : memref<8x2000xf32, #tpu.memory_space<hbm>> -> memref<1x2000xf32, #tpu.memory_space<hbm>>
      %dma_start3A_57 = tpu.memref_squeeze %dma_start3A_56 : memref<1x2000xf32, #tpu.memory_space<hbm>> -> memref<2000xf32, #tpu.memory_space<hbm>>
      %dma_start3A_58 = arith.constant 0 : i32
      %dma_start3A_59 = tpu.memref_slice %arg3[%select_n3A, %dma_start3A_58] : memref<8x2000xf32, #tpu.memory_space<hbm>> -> memref<1x2000xf32, #tpu.memory_space<hbm>>
      %dma_start3A_60 = tpu.memref_squeeze %dma_start3A_59 : memref<1x2000xf32, #tpu.memory_space<hbm>> -> memref<2000xf32, #tpu.memory_space<hbm>>
      tpu.enqueue_dma source(%dma_start3A_60 : memref<2000xf32, #tpu.memory_space<hbm>>) target(%arg7 : memref<2000xf32, #tpu.memory_space<vmem>>) target_semaphore(%run_scoped3A : memref<!tpu.dma_semaphore, #tpu.memory_space<semaphore_mem>>)
      %dma_wait3A = arith.constant 0 : i32
      %dma_wait3A_61 = tpu.memref_slice %arg3[%select_n3A, %dma_wait3A] : memref<8x2000xf32, #tpu.memory_space<hbm>> -> memref<1x2000xf32, #tpu.memory_space<hbm>>
      %dma_wait3A_62 = tpu.memref_squeeze %dma_wait3A_61 : memref<1x2000xf32, #tpu.memory_space<hbm>> -> memref<2000xf32, #tpu.memory_space<hbm>>
      %dma_wait3A_63 = arith.constant 0 : i32
      %dma_wait3A_64 = tpu.memref_slice %arg3[%select_n3A, %dma_wait3A_63] : memref<8x2000xf32, #tpu.memory_space<hbm>> -> memref<1x2000xf32, #tpu.memory_space<hbm>>
      %dma_wait3A_65 = tpu.memref_squeeze %dma_wait3A_64 : memref<1x2000xf32, #tpu.memory_space<hbm>> -> memref<2000xf32, #tpu.memory_space<hbm>>
      tpu.wait_dma2 semaphore(%run_scoped3A : memref<!tpu.dma_semaphore, #tpu.memory_space<semaphore_mem>>) src(%dma_wait3A_65 : memref<2000xf32, #tpu.memory_space<hbm>>) dst(%arg7 : memref<2000xf32, #tpu.memory_space<vmem>>)
      tpu.yield
    }) : () -> ()
    %while3A = arith.constant 0 : i64
    %while3A_37 = arith.constant 3.000000e+38 : f32
    %while3A_38 = arith.constant 0 : i32
    %while3A_39 = arith.constant 250 : i32
    %while3A_40 = arith.subi %while3A_39, %while3A_38 : i32
    %while3A_41 = arith.addi %while3A_38, %while3A_40 : i32
    %while3A_42 = arith.constant 1 : i32
    %while3A_43 = arith.divsi %while3A_40, %while3A_42 : i32
    %while3A_44 = arith.muli %while3A_43, %while3A_42 : i32
    %while3A_45 = arith.addi %while3A_38, %while3A_44 : i32
    %while3A_46 = arith.constant 1 : i32
    scf.for %while3A_56 = %while3A_38 to %while3A_45 step %while3A_46  : i32 {
      %mul3A_57 = arith.constant 2 : i32
      %mul3A_58 = arith.muli %mul3A_57, %while3A_56 : i32
      %add3A_59 = arith.addi %mul3A_33, %mul3A_58 : i32
      %broadcast_in_dim3A_60 = vector.broadcast %add3A_59 : i32 to vector<16xi32>
      %add3A_61 = arith.constant 1 : i32
      %add3A_62 = vector.broadcast %add3A_61 : i32 to vector<16xi32>
      %add3A_63 = arith.addi %broadcast_in_dim3A_60, %add3A_62 : vector<16xi32>
      %gather3A = tpu.vector_load_idx %arg6[%broadcast_in_dim3A_60] : memref<2000xf32, #tpu.memory_space<vmem>>[vector<16xi32>], vector<16xf32>,
      %gather3A_64 = tpu.vector_load_idx %arg7[%broadcast_in_dim3A_60] : memref<2000xf32, #tpu.memory_space<vmem>>[vector<16xi32>], vector<16xf32>,
      %gather3A_65 = tpu.vector_load_idx %arg6[%add3A_63] : memref<2000xf32, #tpu.memory_space<vmem>>[vector<16xi32>], vector<16xf32>,
      %gather3A_66 = tpu.vector_load_idx %arg7[%add3A_63] : memref<2000xf32, #tpu.memory_space<vmem>>[vector<16xi32>], vector<16xf32>,
      %parallel_loop3A = arith.constant 0 : i32
      %parallel_loop3A_67 = arith.constant 62 : i32
      %parallel_loop3A_68 = arith.constant 1 : i32
      %parallel_loop3A_69:4 = scf.for %parallel_loop3A_247 = %parallel_loop3A to %parallel_loop3A_67 step %parallel_loop3A_68 iter_args(%parallel_loop3A_248 = %broadcast_in_dim3A_34, %parallel_loop3A_249 = %broadcast_in_dim3A_34, %parallel_loop3A_250 = %broadcast_in_dim3A_34, %parallel_loop3A_251 = %broadcast_in_dim3A_34) -> (vector<16xf32>, vector<16xf32>, vector<16xf32>, vector<16xf32>)  : i32 {
        %parallel_loop3A_252 = arith.constant 2 : i32
        %parallel_loop3A_253 = arith.muli %parallel_loop3A_252, %parallel_loop3A_247 : i32
        %parallel_loop3A_254 = arith.constant 16 : i32
        %parallel_loop3A_255 = arith.muli %parallel_loop3A_253, %parallel_loop3A_254 : i32
        %parallel_loop3A_256 = arith.index_cast %parallel_loop3A_255 : i32 to index
        %parallel_loop3A_257 = tpu.vector_load %arg6[%parallel_loop3A_256] {strides = array<i32>} : memref<2000xf32, #tpu.memory_space<vmem>>, vector<16xf32>,
        %parallel_loop3A_258 = arith.index_cast %parallel_loop3A_255 : i32 to index
        %parallel_loop3A_259 = tpu.vector_load %arg7[%parallel_loop3A_258] {strides = array<i32>} : memref<2000xf32, #tpu.memory_space<vmem>>, vector<16xf32>,
        %parallel_loop3A_260 = vector.broadcast %parallel_loop3A_255 : i32 to vector<16xi32>
        %parallel_loop3A_261 = arith.addi %iota3A, %parallel_loop3A_260 : vector<16xi32>
        %parallel_loop3A_262 = arith.subf %parallel_loop3A_257, %gather3A : vector<16xf32>
        %parallel_loop3A_263 = arith.subf %parallel_loop3A_259, %gather3A_64 : vector<16xf32>
        %parallel_loop3A_264 = arith.mulf %parallel_loop3A_262, %parallel_loop3A_262 : vector<16xf32>
        %parallel_loop3A_265 = arith.mulf %parallel_loop3A_263, %parallel_loop3A_263 : vector<16xf32>
        %parallel_loop3A_266 = arith.addf %parallel_loop3A_264, %parallel_loop3A_265 : vector<16xf32>
        %parallel_loop3A_267 = arith.cmpi eq, %parallel_loop3A_261, %broadcast_in_dim3A_60 : vector<16xi32>
        %parallel_loop3A_268 = vector.broadcast %while3A_37 : f32 to vector<16xf32>
        %parallel_loop3A_269 = arith.select %parallel_loop3A_267, %parallel_loop3A_268, %parallel_loop3A_266 : vector<16xi1>, vector<16xf32>
        %parallel_loop3A_270 = arith.index_cast %parallel_loop3A_255 : i32 to index
        %parallel_loop3A_271 = tpu.vector_load %arg8[%parallel_loop3A_270] {strides = array<i32>} : memref<2000xf32, #tpu.memory_space<vmem>>, vector<16xf32>,
        tpu.vector_store %arg8[%parallel_loop3A_270], %parallel_loop3A_269 {strides = array<i32>} : memref<2000xf32, #tpu.memory_space<vmem>>, vector<16xf32>,
        %parallel_loop3A_272 = arith.subf %parallel_loop3A_257, %gather3A_65 : vector<16xf32>
        %parallel_loop3A_273 = arith.subf %parallel_loop3A_259, %gather3A_66 : vector<16xf32>
        %parallel_loop3A_274 = arith.mulf %parallel_loop3A_272, %parallel_loop3A_272 : vector<16xf32>
        %parallel_loop3A_275 = arith.mulf %parallel_loop3A_273, %parallel_loop3A_273 : vector<16xf32>
        %parallel_loop3A_276 = arith.addf %parallel_loop3A_274, %parallel_loop3A_275 : vector<16xf32>
        %parallel_loop3A_277 = arith.cmpi eq, %parallel_loop3A_261, %add3A_63 : vector<16xi32>
        %parallel_loop3A_278 = vector.broadcast %while3A_37 : f32 to vector<16xf32>
        %parallel_loop3A_279 = arith.select %parallel_loop3A_277, %parallel_loop3A_278, %parallel_loop3A_276 : vector<16xi1>, vector<16xf32>
        %parallel_loop3A_280 = arith.index_cast %parallel_loop3A_255 : i32 to index
        %parallel_loop3A_281 = tpu.vector_load %arg9[%parallel_loop3A_280] {strides = array<i32>} : memref<2000xf32, #tpu.memory_space<vmem>>, vector<16xf32>,
        tpu.vector_store %arg9[%parallel_loop3A_280], %parallel_loop3A_279 {strides = array<i32>} : memref<2000xf32, #tpu.memory_space<vmem>>, vector<16xf32>,
        %parallel_loop3A_282 = arith.constant 2 : i32
        %parallel_loop3A_283 = arith.muli %parallel_loop3A_282, %parallel_loop3A_247 : i32
        %parallel_loop3A_284 = arith.constant 1 : i32
        %parallel_loop3A_285 = arith.addi %parallel_loop3A_283, %parallel_loop3A_284 : i32
        %parallel_loop3A_286 = arith.constant 16 : i32
        %parallel_loop3A_287 = arith.muli %parallel_loop3A_285, %parallel_loop3A_286 : i32
        %parallel_loop3A_288 = arith.index_cast %parallel_loop3A_287 : i32 to index
        %parallel_loop3A_289 = tpu.vector_load %arg6[%parallel_loop3A_288] {strides = array<i32>} : memref<2000xf32, #tpu.memory_space<vmem>>, vector<16xf32>,
        %parallel_loop3A_290 = arith.index_cast %parallel_loop3A_287 : i32 to index
        %parallel_loop3A_291 = tpu.vector_load %arg7[%parallel_loop3A_290] {strides = array<i32>} : memref<2000xf32, #tpu.memory_space<vmem>>, vector<16xf32>,
        %parallel_loop3A_292 = vector.broadcast %parallel_loop3A_287 : i32 to vector<16xi32>
        %parallel_loop3A_293 = arith.addi %iota3A, %parallel_loop3A_292 : vector<16xi32>
        %parallel_loop3A_294 = arith.subf %parallel_loop3A_289, %gather3A : vector<16xf32>
        %parallel_loop3A_295 = arith.subf %parallel_loop3A_291, %gather3A_64 : vector<16xf32>
        %parallel_loop3A_296 = arith.mulf %parallel_loop3A_294, %parallel_loop3A_294 : vector<16xf32>
        %parallel_loop3A_297 = arith.mulf %parallel_loop3A_295, %parallel_loop3A_295 : vector<16xf32>
        %parallel_loop3A_298 = arith.addf %parallel_loop3A_296, %parallel_loop3A_297 : vector<16xf32>
        %parallel_loop3A_299 = arith.cmpi eq, %parallel_loop3A_293, %broadcast_in_dim3A_60 : vector<16xi32>
        %parallel_loop3A_300 = vector.broadcast %while3A_37 : f32 to vector<16xf32>
        %parallel_loop3A_301 = arith.select %parallel_loop3A_299, %parallel_loop3A_300, %parallel_loop3A_298 : vector<16xi1>, vector<16xf32>
        %parallel_loop3A_302 = arith.index_cast %parallel_loop3A_287 : i32 to index
        %parallel_loop3A_303 = tpu.vector_load %arg8[%parallel_loop3A_302] {strides = array<i32>} : memref<2000xf32, #tpu.memory_space<vmem>>, vector<16xf32>,
        tpu.vector_store %arg8[%parallel_loop3A_302], %parallel_loop3A_301 {strides = array<i32>} : memref<2000xf32, #tpu.memory_space<vmem>>, vector<16xf32>,
        %parallel_loop3A_304 = arith.subf %parallel_loop3A_289, %gather3A_65 : vector<16xf32>
        %parallel_loop3A_305 = arith.subf %parallel_loop3A_291, %gather3A_66 : vector<16xf32>
        %parallel_loop3A_306 = arith.mulf %parallel_loop3A_304, %parallel_loop3A_304 : vector<16xf32>
        %parallel_loop3A_307 = arith.mulf %parallel_loop3A_305, %parallel_loop3A_305 : vector<16xf32>
        %parallel_loop3A_308 = arith.addf %parallel_loop3A_306, %parallel_loop3A_307 : vector<16xf32>
        %parallel_loop3A_309 = arith.cmpi eq, %parallel_loop3A_293, %add3A_63 : vector<16xi32>
        %parallel_loop3A_310 = vector.broadcast %while3A_37 : f32 to vector<16xf32>
        %parallel_loop3A_311 = arith.select %parallel_loop3A_309, %parallel_loop3A_310, %parallel_loop3A_308 : vector<16xi1>, vector<16xf32>
        %parallel_loop3A_312 = arith.index_cast %parallel_loop3A_287 : i32 to index
        %parallel_loop3A_313 = tpu.vector_load %arg9[%parallel_loop3A_312] {strides = array<i32>} : memref<2000xf32, #tpu.memory_space<vmem>>, vector<16xf32>,
        tpu.vector_store %arg9[%parallel_loop3A_312], %parallel_loop3A_311 {strides = array<i32>} : memref<2000xf32, #tpu.memory_space<vmem>>, vector<16xf32>,
        %parallel_loop3A_314 = arith.minimumf %parallel_loop3A_248, %parallel_loop3A_269 : vector<16xf32>
        %parallel_loop3A_315 = arith.minimumf %parallel_loop3A_249, %parallel_loop3A_301 : vector<16xf32>
        %parallel_loop3A_316 = arith.minimumf %parallel_loop3A_250, %parallel_loop3A_279 : vector<16xf32>
        %parallel_loop3A_317 = arith.minimumf %parallel_loop3A_251, %parallel_loop3A_311 : vector<16xf32>
        scf.yield %parallel_loop3A_314, %parallel_loop3A_315, %parallel_loop3A_316, %parallel_loop3A_317 : vector<16xf32>, vector<16xf32>, vector<16xf32>, vector<16xf32>
      } {sc.loop_unroll_factor = 4 : i64, sc.parallel_access}
      %get3A = arith.constant 1984 : index
      %get3A_70 = tpu.vector_load %arg6[%get3A] {strides = array<i32>} : memref<2000xf32, #tpu.memory_space<vmem>>, vector<16xf32>,
      %get3A_71 = arith.constant 1984 : index
      %get3A_72 = tpu.vector_load %arg7[%get3A_71] {strides = array<i32>} : memref<2000xf32, #tpu.memory_space<vmem>>, vector<16xf32>,
      %add3A_73 = arith.constant 1984 : i32
      %add3A_74 = vector.broadcast %add3A_73 : i32 to vector<16xi32>
      %add3A_75 = arith.addi %iota3A, %add3A_74 : vector<16xi32>
      %sub3A_76 = arith.subf %get3A_70, %gather3A : vector<16xf32>
      %sub3A_77 = arith.subf %get3A_72, %gather3A_64 : vector<16xf32>
      %mul3A_78 = arith.mulf %sub3A_76, %sub3A_76 : vector<16xf32>
      %mul3A_79 = arith.mulf %sub3A_77, %sub3A_77 : vector<16xf32>
      %add3A_80 = arith.addf %mul3A_78, %mul3A_79 : vector<16xf32>
      %eq3A_81 = arith.cmpi eq, %add3A_75, %broadcast_in_dim3A_60 : vector<16xi32>
      %broadcast_in_dim3A_82 = vector.broadcast %while3A_37 : f32 to vector<16xf32>
      %select_n3A_83 = arith.select %eq3A_81, %broadcast_in_dim3A_82, %add3A_80 : vector<16xi1>, vector<16xf32>
      %swap3A = arith.constant 1984 : index
      %swap3A_84 = tpu.vector_load %arg8[%swap3A] {strides = array<i32>} : memref<2000xf32, #tpu.memory_space<vmem>>, vector<16xf32>,
      tpu.vector_store %arg8[%swap3A], %select_n3A_83 {strides = array<i32>} : memref<2000xf32, #tpu.memory_space<vmem>>, vector<16xf32>,
      %sub3A_85 = arith.subf %get3A_70, %gather3A_65 : vector<16xf32>
      %sub3A_86 = arith.subf %get3A_72, %gather3A_66 : vector<16xf32>
      %mul3A_87 = arith.mulf %sub3A_85, %sub3A_85 : vector<16xf32>
      %mul3A_88 = arith.mulf %sub3A_86, %sub3A_86 : vector<16xf32>
      %add3A_89 = arith.addf %mul3A_87, %mul3A_88 : vector<16xf32>
      %eq3A_90 = arith.cmpi eq, %add3A_75, %add3A_63 : vector<16xi32>
      %broadcast_in_dim3A_91 = vector.broadcast %while3A_37 : f32 to vector<16xf32>
      %select_n3A_92 = arith.select %eq3A_90, %broadcast_in_dim3A_91, %add3A_89 : vector<16xi1>, vector<16xf32>
      %swap3A_93 = arith.constant 1984 : index
      %swap3A_94 = tpu.vector_load %arg9[%swap3A_93] {strides = array<i32>} : memref<2000xf32, #tpu.memory_space<vmem>>, vector<16xf32>,
      tpu.vector_store %arg9[%swap3A_93], %select_n3A_92 {strides = array<i32>} : memref<2000xf32, #tpu.memory_space<vmem>>, vector<16xf32>,
      %min3A = arith.minimumf %parallel_loop3A_69#0, %select_n3A_83 : vector<16xf32>
      %min3A_95 = arith.minimumf %parallel_loop3A_69#2, %select_n3A_92 : vector<16xf32>
      %max3A = arith.maximumf %min3A, %parallel_loop3A_69#1 : vector<16xf32>
      %reduce_max3A = arith.constant true
      %reduce_max3A_96 = vector.broadcast %reduce_max3A : i1 to vector<16xi1>
      %reduce_max3A_97 = tpu.scan <max>, %max3A masked %reduce_max3A_96 : vector<16xf32>, vector<16xi1> -> vector<16xf32>
      %reduce_max3A_98 = vector.extract %reduce_max3A_97[15] : f32 from vector<16xf32>
      %max3A_99 = arith.maximumf %min3A_95, %parallel_loop3A_69#3 : vector<16xf32>
      %reduce_max3A_100 = arith.constant true
      %reduce_max3A_101 = vector.broadcast %reduce_max3A_100 : i1 to vector<16xi1>
      %reduce_max3A_102 = tpu.scan <max>, %max3A_99 masked %reduce_max3A_101 : vector<16xf32>, vector<16xi1> -> vector<16xf32>
      %reduce_max3A_103 = vector.extract %reduce_max3A_102[15] : f32 from vector<16xf32>
      %broadcast_in_dim3A_104 = vector.broadcast %reduce_max3A_98 : f32 to vector<16xf32>
      %broadcast_in_dim3A_105 = vector.broadcast %reduce_max3A_103 : f32 to vector<16xf32>
      %parallel_loop3A_106 = arith.constant 0 : i32
      %parallel_loop3A_107 = arith.constant 125 : i32
      %parallel_loop3A_108 = arith.constant 1 : i32
      %parallel_loop3A_109:2 = scf.for %parallel_loop3A_247 = %parallel_loop3A_106 to %parallel_loop3A_107 step %parallel_loop3A_108 iter_args(%parallel_loop3A_248 = %broadcast_in_dim3A_36, %parallel_loop3A_249 = %broadcast_in_dim3A_36) -> (vector<16xi32>, vector<16xi32>)  : i32 {
        %parallel_loop3A_250 = arith.constant 16 : i32
        %parallel_loop3A_251 = arith.muli %parallel_loop3A_247, %parallel_loop3A_250 : i32
        %parallel_loop3A_252 = vector.broadcast %parallel_loop3A_251 : i32 to vector<16xi32>
        %parallel_loop3A_253 = arith.addi %iota3A, %parallel_loop3A_252 : vector<16xi32>
        %parallel_loop3A_254 = arith.index_cast %parallel_loop3A_251 : i32 to index
        %parallel_loop3A_255 = tpu.vector_load %arg8[%parallel_loop3A_254] {strides = array<i32>} : memref<2000xf32, #tpu.memory_space<vmem>>, vector<16xf32>,
        %parallel_loop3A_256 = arith.cmpf ole, %parallel_loop3A_255, %broadcast_in_dim3A_104 : vector<16xf32>
        %parallel_loop3A_257 = arith.extui %parallel_loop3A_256 : vector<16xi1> to vector<16xi32>
        %parallel_loop3A_258 = arith.constant true
        %parallel_loop3A_259 = vector.broadcast %parallel_loop3A_258 : i1 to vector<16xi1>
        %parallel_loop3A_260 = tpu.scan <sum>, %parallel_loop3A_257 masked %parallel_loop3A_259 : vector<16xi32>, vector<16xi1> -> vector<16xi32>
        %parallel_loop3A_261 = arith.addi %parallel_loop3A_248, %parallel_loop3A_260 : vector<16xi32>
        %parallel_loop3A_262 = arith.constant 1 : i32
        %parallel_loop3A_263 = vector.broadcast %parallel_loop3A_262 : i32 to vector<16xi32>
        %parallel_loop3A_264 = arith.subi %parallel_loop3A_261, %parallel_loop3A_263 : vector<16xi32>
        tpu.vector_store_idx %arg10[%parallel_loop3A_264], %parallel_loop3A_255 masked %parallel_loop3A_256 : memref<2064xf32, #tpu.memory_space<vmem>>[vector<16xi32>], vector<16xf32>, vector<16xi1>
        %parallel_loop3A_265 = arith.addi %parallel_loop3A_248, %parallel_loop3A_260 : vector<16xi32>
        %parallel_loop3A_266 = arith.constant 1 : i32
        %parallel_loop3A_267 = vector.broadcast %parallel_loop3A_266 : i32 to vector<16xi32>
        %parallel_loop3A_268 = arith.subi %parallel_loop3A_265, %parallel_loop3A_267 : vector<16xi32>
        tpu.vector_store_idx %arg11[%parallel_loop3A_268], %parallel_loop3A_253 masked %parallel_loop3A_256 : memref<2064xi32, #tpu.memory_space<vmem>>[vector<16xi32>], vector<16xi32>, vector<16xi1>
        %parallel_loop3A_269 = arith.index_cast %parallel_loop3A_251 : i32 to index
        %parallel_loop3A_270 = tpu.vector_load %arg9[%parallel_loop3A_269] {strides = array<i32>} : memref<2000xf32, #tpu.memory_space<vmem>>, vector<16xf32>,
        %parallel_loop3A_271 = arith.cmpf ole, %parallel_loop3A_270, %broadcast_in_dim3A_105 : vector<16xf32>
        %parallel_loop3A_272 = arith.extui %parallel_loop3A_271 : vector<16xi1> to vector<16xi32>
        %parallel_loop3A_273 = arith.constant true
        %parallel_loop3A_274 = vector.broadcast %parallel_loop3A_273 : i1 to vector<16xi1>
        %parallel_loop3A_275 = tpu.scan <sum>, %parallel_loop3A_272 masked %parallel_loop3A_274 : vector<16xi32>, vector<16xi1> -> vector<16xi32>
        %parallel_loop3A_276 = arith.addi %parallel_loop3A_249, %parallel_loop3A_275 : vector<16xi32>
        %parallel_loop3A_277 = arith.constant 1 : i32
        %parallel_loop3A_278 = vector.broadcast %parallel_loop3A_277 : i32 to vector<16xi32>
        %parallel_loop3A_279 = arith.subi %parallel_loop3A_276, %parallel_loop3A_278 : vector<16xi32>
        tpu.vector_store_idx %arg12[%parallel_loop3A_279], %parallel_loop3A_270 masked %parallel_loop3A_271 : memref<2064xf32, #tpu.memory_space<vmem>>[vector<16xi32>], vector<16xf32>, vector<16xi1>
        %parallel_loop3A_280 = arith.addi %parallel_loop3A_249, %parallel_loop3A_275 : vector<16xi32>
        %parallel_loop3A_281 = arith.constant 1 : i32
        %parallel_loop3A_282 = vector.broadcast %parallel_loop3A_281 : i32 to vector<16xi32>
        %parallel_loop3A_283 = arith.subi %parallel_loop3A_280, %parallel_loop3A_282 : vector<16xi32>
        tpu.vector_store_idx %arg13[%parallel_loop3A_283], %parallel_loop3A_253 masked %parallel_loop3A_271 : memref<2064xi32, #tpu.memory_space<vmem>>[vector<16xi32>], vector<16xi32>, vector<16xi1>
        %parallel_loop3A_284 = tpu.all_reduce %parallel_loop3A_256 {dim = 0 : i64, kind = #tpu.reduction_kind<sum>} : vector<16xi1> -> vector<16xi32>
        %parallel_loop3A_285 = arith.addi %parallel_loop3A_248, %parallel_loop3A_284 : vector<16xi32>
        %parallel_loop3A_286 = tpu.all_reduce %parallel_loop3A_271 {dim = 0 : i64, kind = #tpu.reduction_kind<sum>} : vector<16xi1> -> vector<16xi32>
        %parallel_loop3A_287 = arith.addi %parallel_loop3A_249, %parallel_loop3A_286 : vector<16xi32>
        scf.yield %parallel_loop3A_285, %parallel_loop3A_287 : vector<16xi32>, vector<16xi32>
      } {sc.loop_unroll_factor = 4 : i64, sc.parallel_access}
      %reduce_max3A_110 = arith.constant true
      %reduce_max3A_111 = vector.broadcast %reduce_max3A_110 : i1 to vector<16xi1>
      %reduce_max3A_112 = arith.constant -2147483648 : i32
      %reduce_max3A_113 = vector.broadcast %reduce_max3A_112 : i32 to vector<16xi32>
      %reduce_max3A_114 = arith.xori %parallel_loop3A_109#0, %reduce_max3A_113 : vector<16xi32>
      %reduce_max3A_115 = tpu.scan <max>, %reduce_max3A_114 masked %reduce_max3A_111 : vector<16xi32>, vector<16xi1> -> vector<16xi32>
      %reduce_max3A_116 = arith.xori %reduce_max3A_115, %reduce_max3A_113 : vector<16xi32>
      %reduce_max3A_117 = vector.extract %reduce_max3A_116[15] : i32 from vector<16xi32>
      %reduce_max3A_118 = arith.constant true
      %reduce_max3A_119 = vector.broadcast %reduce_max3A_118 : i1 to vector<16xi1>
      %reduce_max3A_120 = arith.constant -2147483648 : i32
      %reduce_max3A_121 = vector.broadcast %reduce_max3A_120 : i32 to vector<16xi32>
      %reduce_max3A_122 = arith.xori %parallel_loop3A_109#1, %reduce_max3A_121 : vector<16xi32>
      %reduce_max3A_123 = tpu.scan <max>, %reduce_max3A_122 masked %reduce_max3A_119 : vector<16xi32>, vector<16xi1> -> vector<16xi32>
      %reduce_max3A_124 = arith.xori %reduce_max3A_123, %reduce_max3A_121 : vector<16xi32>
      %reduce_max3A_125 = vector.extract %reduce_max3A_124[15] : i32 from vector<16xi32>
      %add3A_126 = arith.addi %parallel_loop3A_109#0, %iota3A : vector<16xi32>
      tpu.vector_store_idx %arg10[%add3A_126], %broadcast_in_dim3A_34 : memref<2064xf32, #tpu.memory_space<vmem>>[vector<16xi32>], vector<16xf32>,
      %add3A_127 = arith.addi %parallel_loop3A_109#1, %iota3A : vector<16xi32>
      tpu.vector_store_idx %arg12[%add3A_127], %broadcast_in_dim3A_34 : memref<2064xf32, #tpu.memory_space<vmem>>[vector<16xi32>], vector<16xf32>,
      %add3A_128 = arith.constant 15 : i32
      %add3A_129 = arith.addi %reduce_max3A_117, %add3A_128 : i32
      %jit3A_130 = arith.constant 16 : i64
      %convert_element_type3A_131 = arith.trunci %jit3A_130 : i64 to i32
      %div3A_132 = arith.divsi %add3A_129, %convert_element_type3A_131 : i32
      %sign3A_133 = arith.constant 0 : i32
      %sign3A_134 = arith.cmpi sgt, %add3A_129, %sign3A_133 : i32
      %sign3A_135 = arith.extui %sign3A_134 : i1 to i32
      %sign3A_136 = arith.constant 0 : i32
      %sign3A_137 = arith.cmpi slt, %add3A_129, %sign3A_136 : i32
      %sign3A_138 = arith.extui %sign3A_137 : i1 to i32
      %sign3A_139 = arith.subi %sign3A_135, %sign3A_138 : i32
      %sign3A_140 = arith.constant 0 : i32
      %sign3A_141 = arith.cmpi sgt, %convert_element_type3A_131, %sign3A_140 : i32
      %sign3A_142 = arith.extui %sign3A_141 : i1 to i32
      %sign3A_143 = arith.constant 0 : i32
      %sign3A_144 = arith.cmpi slt, %convert_element_type3A_131, %sign3A_143 : i32
      %sign3A_145 = arith.extui %sign3A_144 : i1 to i32
      %sign3A_146 = arith.subi %sign3A_142, %sign3A_145 : i32
      %ne3A_147 = arith.cmpi ne, %sign3A_139, %sign3A_146 : i32
      %rem3A_148 = arith.remsi %add3A_129, %convert_element_type3A_131 : i32
      %ne3A_149 = arith.constant 0 : i32
      %ne3A_150 = arith.cmpi ne, %rem3A_148, %ne3A_149 : i32
      %and3A_151 = arith.andi %ne3A_147, %ne3A_150 : i1
      %sub3A_152 = arith.constant 1 : i32
      %sub3A_153 = arith.subi %div3A_132, %sub3A_152 : i32
      %select_n3A_154 = arith.select %and3A_151, %sub3A_153, %div3A_132 : i32
      %add3A_155 = arith.constant 15 : i32
      %add3A_156 = arith.addi %reduce_max3A_125, %add3A_155 : i32
      %jit3A_157 = arith.constant 16 : i64
      %convert_element_type3A_158 = arith.trunci %jit3A_157 : i64 to i32
      %div3A_159 = arith.divsi %add3A_156, %convert_element_type3A_158 : i32
      %sign3A_160 = arith.constant 0 : i32
      %sign3A_161 = arith.cmpi sgt, %add3A_156, %sign3A_160 : i32
      %sign3A_162 = arith.extui %sign3A_161 : i1 to i32
      %sign3A_163 = arith.constant 0 : i32
      %sign3A_164 = arith.cmpi slt, %add3A_156, %sign3A_163 : i32
      %sign3A_165 = arith.extui %sign3A_164 : i1 to i32
      %sign3A_166 = arith.subi %sign3A_162, %sign3A_165 : i32
      %sign3A_167 = arith.constant 0 : i32
      %sign3A_168 = arith.cmpi sgt, %convert_element_type3A_158, %sign3A_167 : i32
      %sign3A_169 = arith.extui %sign3A_168 : i1 to i32
      %sign3A_170 = arith.constant 0 : i32
      %sign3A_171 = arith.cmpi slt, %convert_element_type3A_158, %sign3A_170 : i32
      %sign3A_172 = arith.extui %sign3A_171 : i1 to i32
      %sign3A_173 = arith.subi %sign3A_169, %sign3A_172 : i32
      %ne3A_174 = arith.cmpi ne, %sign3A_166, %sign3A_173 : i32
      %rem3A_175 = arith.remsi %add3A_156, %convert_element_type3A_158 : i32
      %ne3A_176 = arith.constant 0 : i32
      %ne3A_177 = arith.cmpi ne, %rem3A_175, %ne3A_176 : i32
      %and3A_178 = arith.andi %ne3A_174, %ne3A_177 : i1
      %sub3A_179 = arith.constant 1 : i32
      %sub3A_180 = arith.subi %div3A_159, %sub3A_179 : i32
      %select_n3A_181 = arith.select %and3A_178, %sub3A_180, %div3A_159 : i32
      %max3A_182 = arith.maxsi %select_n3A_154, %select_n3A_181 : i32
      %broadcast_in_dim3A_183 = vector.broadcast %select_n3A_154 : i32 to vector<16xi32>
      %broadcast_in_dim3A_184 = vector.broadcast %select_n3A_181 : i32 to vector<16xi32>
      %while3A_185 = arith.constant 0 : i32
      %while3A_186 = arith.subi %max3A_182, %while3A_185 : i32
      %while3A_187 = arith.addi %while3A_185, %while3A_186 : i32
      %while3A_188 = arith.constant 1 : i32
      %while3A_189 = arith.divsi %while3A_186, %while3A_188 : i32
      %while3A_190 = arith.muli %while3A_189, %while3A_188 : i32
      %while3A_191 = arith.addi %while3A_185, %while3A_190 : i32
      %while3A_192 = arith.constant 1 : i32
      %while3A_193:8 = scf.for %while3A_247 = %while3A_185 to %while3A_191 step %while3A_192 iter_args(%while3A_248 = %broadcast_in_dim3A_34, %while3A_249 = %broadcast_in_dim3A_36, %while3A_250 = %broadcast_in_dim3A_34, %while3A_251 = %broadcast_in_dim3A_36, %while3A_252 = %broadcast_in_dim3A_34, %while3A_253 = %broadcast_in_dim3A_36, %while3A_254 = %broadcast_in_dim3A_34, %while3A_255 = %broadcast_in_dim3A_36) -> (vector<16xf32>, vector<16xi32>, vector<16xf32>, vector<16xi32>, vector<16xf32>, vector<16xi32>, vector<16xf32>, vector<16xi32>)  : i32 {
        %mul3A_256 = arith.constant 16 : i32
        %mul3A_257 = arith.muli %while3A_247, %mul3A_256 : i32
        %broadcast_in_dim3A_258 = vector.broadcast %while3A_247 : i32 to vector<16xi32>
        %lt3A_259 = arith.cmpi slt, %broadcast_in_dim3A_258, %broadcast_in_dim3A_183 : vector<16xi32>
        %get3A_260 = arith.index_cast %mul3A_257 : i32 to index
        %get3A_261 = tpu.vector_load %arg10[%get3A_260] {strides = array<i32>} : memref<2064xf32, #tpu.memory_space<vmem>>, vector<16xf32>,
        %select_n3A_262 = arith.select %lt3A_259, %get3A_261, %broadcast_in_dim3A_34 : vector<16xi1>, vector<16xf32>
        %lt3A_263 = arith.cmpi slt, %broadcast_in_dim3A_258, %broadcast_in_dim3A_184 : vector<16xi32>
        %get3A_264 = arith.index_cast %mul3A_257 : i32 to index
        %get3A_265 = tpu.vector_load %arg12[%get3A_264] {strides = array<i32>} : memref<2064xf32, #tpu.memory_space<vmem>>, vector<16xf32>,
        %select_n3A_266 = arith.select %lt3A_263, %get3A_265, %broadcast_in_dim3A_34 : vector<16xi1>, vector<16xf32>
        %get3A_267 = arith.index_cast %mul3A_257 : i32 to index
        %get3A_268 = tpu.vector_load %arg11[%get3A_267] {strides = array<i32>} : memref<2064xi32, #tpu.memory_space<vmem>>, vector<16xi32>,
        %masked_sort3A = arith.constant dense<true> : vector<16xi1>
        %masked_sort3A_269, %masked_sort3A_270, %masked_sort3A_271 = tpu.sort %select_n3A_262, %get3A_268 masked %masked_sort3A : (vector<16xf32>, vector<16xi32>, vector<16xi1>) -> (vector<16xi1>, vector<16xf32>, vector<16xi32>)
        %get3A_272 = arith.index_cast %mul3A_257 : i32 to index
        %get3A_273 = tpu.vector_load %arg13[%get3A_272] {strides = array<i32>} : memref<2064xi32, #tpu.memory_space<vmem>>, vector<16xi32>,
        %masked_sort3A_274 = arith.constant dense<true> : vector<16xi1>
        %masked_sort3A_275, %masked_sort3A_276, %masked_sort3A_277 = tpu.sort %select_n3A_266, %get3A_273 masked %masked_sort3A_274 : (vector<16xf32>, vector<16xi32>, vector<16xi1>) -> (vector<16xi1>, vector<16xf32>, vector<16xi32>)
        %rev3A = arith.constant 15 : i32
        %rev3A_278 = vector.broadcast %rev3A : i32 to vector<16xi32>
        %rev3A_279 = tpu.iota {dimensions = array<i32: 0>} : vector<16xi32>
        %rev3A_280 = arith.subi %rev3A_278, %rev3A_279 : vector<16xi32>
        %rev3A_281 = tpu.dynamic_gather %masked_sort3A_270[%rev3A_280] in [0] : vector<16xf32>, vector<16xi32> -> vector<16xf32>
        %rev3A_282 = arith.constant 15 : i32
        %rev3A_283 = vector.broadcast %rev3A_282 : i32 to vector<16xi32>
        %rev3A_284 = tpu.iota {dimensions = array<i32: 0>} : vector<16xi32>
        %rev3A_285 = arith.subi %rev3A_283, %rev3A_284 : vector<16xi32>
        %rev3A_286 = tpu.dynamic_gather %masked_sort3A_271[%rev3A_285] in [0] : vector<16xi32>, vector<16xi32> -> vector<16xi32>
        %le3A = arith.cmpf ole, %while3A_250, %rev3A_281 : vector<16xf32>
        %select_n3A_287 = arith.select %le3A, %while3A_250, %rev3A_281 : vector<16xi1>, vector<16xf32>
        %select_n3A_288 = arith.select %le3A, %while3A_251, %rev3A_286 : vector<16xi1>, vector<16xi32>
        %le3A_289 = arith.cmpf ole, %while3A_248, %select_n3A_287 : vector<16xf32>
        %select_n3A_290 = arith.select %le3A_289, %while3A_248, %select_n3A_287 : vector<16xi1>, vector<16xf32>
        %select_n3A_291 = arith.select %le3A_289, %while3A_249, %select_n3A_288 : vector<16xi1>, vector<16xi32>
        %select_n3A_292 = arith.select %le3A_289, %select_n3A_287, %while3A_248 : vector<16xi1>, vector<16xf32>
        %select_n3A_293 = arith.select %le3A_289, %select_n3A_288, %while3A_249 : vector<16xi1>, vector<16xi32>
        %masked_sort3A_294 = arith.constant dense<true> : vector<16xi1>
        %masked_sort3A_295, %masked_sort3A_296, %masked_sort3A_297 = tpu.sort %select_n3A_290, %select_n3A_291 masked %masked_sort3A_294 : (vector<16xf32>, vector<16xi32>, vector<16xi1>) -> (vector<16xi1>, vector<16xf32>, vector<16xi32>)
        %masked_sort3A_298 = arith.constant dense<true> : vector<16xi1>
        %masked_sort3A_299, %masked_sort3A_300, %masked_sort3A_301 = tpu.sort %select_n3A_292, %select_n3A_293 masked %masked_sort3A_298 : (vector<16xf32>, vector<16xi32>, vector<16xi1>) -> (vector<16xi1>, vector<16xf32>, vector<16xi32>)
        %rev3A_302 = arith.constant 15 : i32
        %rev3A_303 = vector.broadcast %rev3A_302 : i32 to vector<16xi32>
        %rev3A_304 = tpu.iota {dimensions = array<i32: 0>} : vector<16xi32>
        %rev3A_305 = arith.subi %rev3A_303, %rev3A_304 : vector<16xi32>
        %rev3A_306 = tpu.dynamic_gather %masked_sort3A_276[%rev3A_305] in [0] : vector<16xf32>, vector<16xi32> -> vector<16xf32>
        %rev3A_307 = arith.constant 15 : i32
        %rev3A_308 = vector.broadcast %rev3A_307 : i32 to vector<16xi32>
        %rev3A_309 = tpu.iota {dimensions = array<i32: 0>} : vector<16xi32>
        %rev3A_310 = arith.subi %rev3A_308, %rev3A_309 : vector<16xi32>
        %rev3A_311 = tpu.dynamic_gather %masked_sort3A_277[%rev3A_310] in [0] : vector<16xi32>, vector<16xi32> -> vector<16xi32>
        %le3A_312 = arith.cmpf ole, %while3A_254, %rev3A_306 : vector<16xf32>
        %select_n3A_313 = arith.select %le3A_312, %while3A_254, %rev3A_306 : vector<16xi1>, vector<16xf32>
        %select_n3A_314 = arith.select %le3A_312, %while3A_255, %rev3A_311 : vector<16xi1>, vector<16xi32>
        %le3A_315 = arith.cmpf ole, %while3A_252, %select_n3A_313 : vector<16xf32>
        %select_n3A_316 = arith.select %le3A_315, %while3A_252, %select_n3A_313 : vector<16xi1>, vector<16xf32>
        %select_n3A_317 = arith.select %le3A_315, %while3A_253, %select_n3A_314 : vector<16xi1>, vector<16xi32>
        %select_n3A_318 = arith.select %le3A_315, %select_n3A_313, %while3A_252 : vector<16xi1>, vector<16xf32>
        %select_n3A_319 = arith.select %le3A_315, %select_n3A_314, %while3A_253 : vector<16xi1>, vector<16xi32>
        %masked_sort3A_320 = arith.constant dense<true> : vector<16xi1>
        %masked_sort3A_321, %masked_sort3A_322, %masked_sort3A_323 = tpu.sort %select_n3A_316, %select_n3A_317 masked %masked_sort3A_320 : (vector<16xf32>, vector<16xi32>, vector<16xi1>) -> (vector<16xi1>, vector<16xf32>, vector<16xi32>)
        %masked_sort3A_324 = arith.constant dense<true> : vector<16xi1>
        %masked_sort3A_325, %masked_sort3A_326, %masked_sort3A_327 = tpu.sort %select_n3A_318, %select_n3A_319 masked %masked_sort3A_324 : (vector<16xf32>, vector<16xi32>, vector<16xi1>) -> (vector<16xi1>, vector<16xf32>, vector<16xi32>)
        scf.yield %masked_sort3A_296, %masked_sort3A_297, %masked_sort3A_300, %masked_sort3A_301, %masked_sort3A_322, %masked_sort3A_323, %masked_sort3A_326, %masked_sort3A_327 : vector<16xf32>, vector<16xi32>, vector<16xf32>, vector<16xi32>, vector<16xf32>, vector<16xi32>, vector<16xf32>, vector<16xi32>
      }
      %while3A_194 = arith.constant 1 : i32
      %while3A_195:8 = scf.for %while3A_247 = %while3A_191 to %while3A_187 step %while3A_194 iter_args(%while3A_248 = %while3A_193#0, %while3A_249 = %while3A_193#1, %while3A_250 = %while3A_193#2, %while3A_251 = %while3A_193#3, %while3A_252 = %while3A_193#4, %while3A_253 = %while3A_193#5, %while3A_254 = %while3A_193#6, %while3A_255 = %while3A_193#7) -> (vector<16xf32>, vector<16xi32>, vector<16xf32>, vector<16xi32>, vector<16xf32>, vector<16xi32>, vector<16xf32>, vector<16xi32>)  : i32 {
        %mul3A_256 = arith.constant 16 : i32
        %mul3A_257 = arith.muli %while3A_247, %mul3A_256 : i32
        %broadcast_in_dim3A_258 = vector.broadcast %while3A_247 : i32 to vector<16xi32>
        %lt3A_259 = arith.cmpi slt, %broadcast_in_dim3A_258, %broadcast_in_dim3A_183 : vector<16xi32>
        %get3A_260 = arith.index_cast %mul3A_257 : i32 to index
        %get3A_261 = tpu.vector_load %arg10[%get3A_260] {strides = array<i32>} : memref<2064xf32, #tpu.memory_space<vmem>>, vector<16xf32>,
        %select_n3A_262 = arith.select %lt3A_259, %get3A_261, %broadcast_in_dim3A_34 : vector<16xi1>, vector<16xf32>
        %lt3A_263 = arith.cmpi slt, %broadcast_in_dim3A_258, %broadcast_in_dim3A_184 : vector<16xi32>
        %get3A_264 = arith.index_cast %mul3A_257 : i32 to index
        %get3A_265 = tpu.vector_load %arg12[%get3A_264] {strides = array<i32>} : memref<2064xf32, #tpu.memory_space<vmem>>, vector<16xf32>,
        %select_n3A_266 = arith.select %lt3A_263, %get3A_265, %broadcast_in_dim3A_34 : vector<16xi1>, vector<16xf32>
        %get3A_267 = arith.index_cast %mul3A_257 : i32 to index
        %get3A_268 = tpu.vector_load %arg11[%get3A_267] {strides = array<i32>} : memref<2064xi32, #tpu.memory_space<vmem>>, vector<16xi32>,
        %masked_sort3A = arith.constant dense<true> : vector<16xi1>
        %masked_sort3A_269, %masked_sort3A_270, %masked_sort3A_271 = tpu.sort %select_n3A_262, %get3A_268 masked %masked_sort3A : (vector<16xf32>, vector<16xi32>, vector<16xi1>) -> (vector<16xi1>, vector<16xf32>, vector<16xi32>)
        %get3A_272 = arith.index_cast %mul3A_257 : i32 to index
        %get3A_273 = tpu.vector_load %arg13[%get3A_272] {strides = array<i32>} : memref<2064xi32, #tpu.memory_space<vmem>>, vector<16xi32>,
        %masked_sort3A_274 = arith.constant dense<true> : vector<16xi1>
        %masked_sort3A_275, %masked_sort3A_276, %masked_sort3A_277 = tpu.sort %select_n3A_266, %get3A_273 masked %masked_sort3A_274 : (vector<16xf32>, vector<16xi32>, vector<16xi1>) -> (vector<16xi1>, vector<16xf32>, vector<16xi32>)
        %rev3A = arith.constant 15 : i32
        %rev3A_278 = vector.broadcast %rev3A : i32 to vector<16xi32>
        %rev3A_279 = tpu.iota {dimensions = array<i32: 0>} : vector<16xi32>
        %rev3A_280 = arith.subi %rev3A_278, %rev3A_279 : vector<16xi32>
        %rev3A_281 = tpu.dynamic_gather %masked_sort3A_270[%rev3A_280] in [0] : vector<16xf32>, vector<16xi32> -> vector<16xf32>
        %rev3A_282 = arith.constant 15 : i32
        %rev3A_283 = vector.broadcast %rev3A_282 : i32 to vector<16xi32>
        %rev3A_284 = tpu.iota {dimensions = array<i32: 0>} : vector<16xi32>
        %rev3A_285 = arith.subi %rev3A_283, %rev3A_284 : vector<16xi32>
        %rev3A_286 = tpu.dynamic_gather %masked_sort3A_271[%rev3A_285] in [0] : vector<16xi32>, vector<16xi32> -> vector<16xi32>
        %le3A = arith.cmpf ole, %while3A_250, %rev3A_281 : vector<16xf32>
        %select_n3A_287 = arith.select %le3A, %while3A_250, %rev3A_281 : vector<16xi1>, vector<16xf32>
        %select_n3A_288 = arith.select %le3A, %while3A_251, %rev3A_286 : vector<16xi1>, vector<16xi32>
        %le3A_289 = arith.cmpf ole, %while3A_248, %select_n3A_287 : vector<16xf32>
        %select_n3A_290 = arith.select %le3A_289, %while3A_248, %select_n3A_287 : vector<16xi1>, vector<16xf32>
        %select_n3A_291 = arith.select %le3A_289, %while3A_249, %select_n3A_288 : vector<16xi1>, vector<16xi32>
        %select_n3A_292 = arith.select %le3A_289, %select_n3A_287, %while3A_248 : vector<16xi1>, vector<16xf32>
        %select_n3A_293 = arith.select %le3A_289, %select_n3A_288, %while3A_249 : vector<16xi1>, vector<16xi32>
        %masked_sort3A_294 = arith.constant dense<true> : vector<16xi1>
        %masked_sort3A_295, %masked_sort3A_296, %masked_sort3A_297 = tpu.sort %select_n3A_290, %select_n3A_291 masked %masked_sort3A_294 : (vector<16xf32>, vector<16xi32>, vector<16xi1>) -> (vector<16xi1>, vector<16xf32>, vector<16xi32>)
        %masked_sort3A_298 = arith.constant dense<true> : vector<16xi1>
        %masked_sort3A_299, %masked_sort3A_300, %masked_sort3A_301 = tpu.sort %select_n3A_292, %select_n3A_293 masked %masked_sort3A_298 : (vector<16xf32>, vector<16xi32>, vector<16xi1>) -> (vector<16xi1>, vector<16xf32>, vector<16xi32>)
        %rev3A_302 = arith.constant 15 : i32
        %rev3A_303 = vector.broadcast %rev3A_302 : i32 to vector<16xi32>
        %rev3A_304 = tpu.iota {dimensions = array<i32: 0>} : vector<16xi32>
        %rev3A_305 = arith.subi %rev3A_303, %rev3A_304 : vector<16xi32>
        %rev3A_306 = tpu.dynamic_gather %masked_sort3A_276[%rev3A_305] in [0] : vector<16xf32>, vector<16xi32> -> vector<16xf32>
        %rev3A_307 = arith.constant 15 : i32
        %rev3A_308 = vector.broadcast %rev3A_307 : i32 to vector<16xi32>
        %rev3A_309 = tpu.iota {dimensions = array<i32: 0>} : vector<16xi32>
        %rev3A_310 = arith.subi %rev3A_308, %rev3A_309 : vector<16xi32>
        %rev3A_311 = tpu.dynamic_gather %masked_sort3A_277[%rev3A_310] in [0] : vector<16xi32>, vector<16xi32> -> vector<16xi32>
        %le3A_312 = arith.cmpf ole, %while3A_254, %rev3A_306 : vector<16xf32>
        %select_n3A_313 = arith.select %le3A_312, %while3A_254, %rev3A_306 : vector<16xi1>, vector<16xf32>
        %select_n3A_314 = arith.select %le3A_312, %while3A_255, %rev3A_311 : vector<16xi1>, vector<16xi32>
        %le3A_315 = arith.cmpf ole, %while3A_252, %select_n3A_313 : vector<16xf32>
        %select_n3A_316 = arith.select %le3A_315, %while3A_252, %select_n3A_313 : vector<16xi1>, vector<16xf32>
        %select_n3A_317 = arith.select %le3A_315, %while3A_253, %select_n3A_314 : vector<16xi1>, vector<16xi32>
        %select_n3A_318 = arith.select %le3A_315, %select_n3A_313, %while3A_252 : vector<16xi1>, vector<16xf32>
        %select_n3A_319 = arith.select %le3A_315, %select_n3A_314, %while3A_253 : vector<16xi1>, vector<16xi32>
        %masked_sort3A_320 = arith.constant dense<true> : vector<16xi1>
        %masked_sort3A_321, %masked_sort3A_322, %masked_sort3A_323 = tpu.sort %select_n3A_316, %select_n3A_317 masked %masked_sort3A_320 : (vector<16xf32>, vector<16xi32>, vector<16xi1>) -> (vector<16xi1>, vector<16xf32>, vector<16xi32>)
        %masked_sort3A_324 = arith.constant dense<true> : vector<16xi1>
        %masked_sort3A_325, %masked_sort3A_326, %masked_sort3A_327 = tpu.sort %select_n3A_318, %select_n3A_319 masked %masked_sort3A_324 : (vector<16xf32>, vector<16xi32>, vector<16xi1>) -> (vector<16xi1>, vector<16xf32>, vector<16xi32>)
        scf.yield %masked_sort3A_296, %masked_sort3A_297, %masked_sort3A_300, %masked_sort3A_301, %masked_sort3A_322, %masked_sort3A_323, %masked_sort3A_326, %masked_sort3A_327 : vector<16xf32>, vector<16xi32>, vector<16xf32>, vector<16xi32>, vector<16xf32>, vector<16xi32>, vector<16xf32>, vector<16xi32>
      }
      %mul3A_196 = arith.constant 2000 : i32
      %mul3A_197 = arith.muli %select_n3A, %mul3A_196 : i32
      %broadcast_in_dim3A_198 = vector.broadcast %mul3A_197 : i32 to vector<16xi32>
      %mul3A_199 = arith.constant 32 : i32
      %mul3A_200 = arith.muli %mul3A_58, %mul3A_199 : i32
      %swap3A_201 = arith.index_cast %mul3A_200 : i32 to index
      %swap3A_202 = tpu.vector_load %arg14[%swap3A_201] {strides = array<i32>} : memref<16000xf32, #tpu.memory_space<vmem>>, vector<16xf32>,
      tpu.vector_store %arg14[%swap3A_201], %while3A_195#0 {strides = array<i32>} : memref<16000xf32, #tpu.memory_space<vmem>>, vector<16xf32>,
      %mul3A_203 = arith.constant 32 : i32
      %mul3A_204 = arith.muli %mul3A_58, %mul3A_203 : i32
      %add3A_205 = arith.constant 16 : i32
      %add3A_206 = arith.addi %mul3A_204, %add3A_205 : i32
      %swap3A_207 = arith.index_cast %add3A_206 : i32 to index
      %swap3A_208 = tpu.vector_load %arg14[%swap3A_207] {strides = array<i32>} : memref<16000xf32, #tpu.memory_space<vmem>>, vector<16xf32>,
      tpu.vector_store %arg14[%swap3A_207], %while3A_195#2 {strides = array<i32>} : memref<16000xf32, #tpu.memory_space<vmem>>, vector<16xf32>,
      %add3A_209 = arith.addi %while3A_195#1, %broadcast_in_dim3A_198 : vector<16xi32>
      %mul3A_210 = arith.constant 32 : i32
      %mul3A_211 = arith.muli %mul3A_58, %mul3A_210 : i32
      %swap3A_212 = arith.index_cast %mul3A_211 : i32 to index
      %swap3A_213 = tpu.vector_load %arg15[%swap3A_212] {strides = array<i32>} : memref<16000xi32, #tpu.memory_space<vmem>>, vector<16xi32>,
      tpu.vector_store %arg15[%swap3A_212], %add3A_209 {strides = array<i32>} : memref<16000xi32, #tpu.memory_space<vmem>>, vector<16xi32>,
      %add3A_214 = arith.addi %while3A_195#3, %broadcast_in_dim3A_198 : vector<16xi32>
      %mul3A_215 = arith.constant 32 : i32
      %mul3A_216 = arith.muli %mul3A_58, %mul3A_215 : i32
      %add3A_217 = arith.constant 16 : i32
      %add3A_218 = arith.addi %mul3A_216, %add3A_217 : i32
      %swap3A_219 = arith.index_cast %add3A_218 : i32 to index
      %swap3A_220 = tpu.vector_load %arg15[%swap3A_219] {strides = array<i32>} : memref<16000xi32, #tpu.memory_space<vmem>>, vector<16xi32>,
      tpu.vector_store %arg15[%swap3A_219], %add3A_214 {strides = array<i32>} : memref<16000xi32, #tpu.memory_space<vmem>>, vector<16xi32>,
      %mul3A_221 = arith.constant 32 : i32
      %mul3A_222 = arith.muli %mul3A_58, %mul3A_221 : i32
      %add3A_223 = arith.constant 32 : i32
      %add3A_224 = arith.addi %mul3A_222, %add3A_223 : i32
      %swap3A_225 = arith.index_cast %add3A_224 : i32 to index
      %swap3A_226 = tpu.vector_load %arg14[%swap3A_225] {strides = array<i32>} : memref<16000xf32, #tpu.memory_space<vmem>>, vector<16xf32>,
      tpu.vector_store %arg14[%swap3A_225], %while3A_195#4 {strides = array<i32>} : memref<16000xf32, #tpu.memory_space<vmem>>, vector<16xf32>,
      %mul3A_227 = arith.constant 32 : i32
      %mul3A_228 = arith.muli %mul3A_58, %mul3A_227 : i32
      %add3A_229 = arith.constant 48 : i32
      %add3A_230 = arith.addi %mul3A_228, %add3A_229 : i32
      %swap3A_231 = arith.index_cast %add3A_230 : i32 to index
      %swap3A_232 = tpu.vector_load %arg14[%swap3A_231] {strides = array<i32>} : memref<16000xf32, #tpu.memory_space<vmem>>, vector<16xf32>,
      tpu.vector_store %arg14[%swap3A_231], %while3A_195#6 {strides = array<i32>} : memref<16000xf32, #tpu.memory_space<vmem>>, vector<16xf32>,
      %add3A_233 = arith.addi %while3A_195#5, %broadcast_in_dim3A_198 : vector<16xi32>
      %mul3A_234 = arith.constant 32 : i32
      %mul3A_235 = arith.muli %mul3A_58, %mul3A_234 : i32
      %add3A_236 = arith.constant 32 : i32
      %add3A_237 = arith.addi %mul3A_235, %add3A_236 : i32
      %swap3A_238 = arith.index_cast %add3A_237 : i32 to index
      %swap3A_239 = tpu.vector_load %arg15[%swap3A_238] {strides = array<i32>} : memref<16000xi32, #tpu.memory_space<vmem>>, vector<16xi32>,
      tpu.vector_store %arg15[%swap3A_238], %add3A_233 {strides = array<i32>} : memref<16000xi32, #tpu.memory_space<vmem>>, vector<16xi32>,
      %add3A_240 = arith.addi %while3A_195#7, %broadcast_in_dim3A_198 : vector<16xi32>
      %mul3A_241 = arith.constant 32 : i32
      %mul3A_242 = arith.muli %mul3A_58, %mul3A_241 : i32
      %add3A_243 = arith.constant 48 : i32
      %add3A_244 = arith.addi %mul3A_242, %add3A_243 : i32
      %swap3A_245 = arith.index_cast %add3A_244 : i32 to index
      %swap3A_246 = tpu.vector_load %arg15[%swap3A_245] {strides = array<i32>} : memref<16000xi32, #tpu.memory_space<vmem>>, vector<16xi32>,
      tpu.vector_store %arg15[%swap3A_245], %add3A_240 {strides = array<i32>} : memref<16000xi32, #tpu.memory_space<vmem>>, vector<16xi32>,
    }
    %while3A_47 = arith.constant 1 : i32
    scf.for %while3A_56 = %while3A_45 to %while3A_41 step %while3A_47  : i32 {
      %mul3A_57 = arith.constant 2 : i32
      %mul3A_58 = arith.muli %mul3A_57, %while3A_56 : i32
      %add3A_59 = arith.addi %mul3A_33, %mul3A_58 : i32
      %broadcast_in_dim3A_60 = vector.broadcast %add3A_59 : i32 to vector<16xi32>
      %add3A_61 = arith.constant 1 : i32
      %add3A_62 = vector.broadcast %add3A_61 : i32 to vector<16xi32>
      %add3A_63 = arith.addi %broadcast_in_dim3A_60, %add3A_62 : vector<16xi32>
      %gather3A = tpu.vector_load_idx %arg6[%broadcast_in_dim3A_60] : memref<2000xf32, #tpu.memory_space<vmem>>[vector<16xi32>], vector<16xf32>,
      %gather3A_64 = tpu.vector_load_idx %arg7[%broadcast_in_dim3A_60] : memref<2000xf32, #tpu.memory_space<vmem>>[vector<16xi32>], vector<16xf32>,
      %gather3A_65 = tpu.vector_load_idx %arg6[%add3A_63] : memref<2000xf32, #tpu.memory_space<vmem>>[vector<16xi32>], vector<16xf32>,
      %gather3A_66 = tpu.vector_load_idx %arg7[%add3A_63] : memref<2000xf32, #tpu.memory_space<vmem>>[vector<16xi32>], vector<16xf32>,
      %parallel_loop3A = arith.constant 0 : i32
      %parallel_loop3A_67 = arith.constant 62 : i32
      %parallel_loop3A_68 = arith.constant 1 : i32
      %parallel_loop3A_69:4 = scf.for %parallel_loop3A_247 = %parallel_loop3A to %parallel_loop3A_67 step %parallel_loop3A_68 iter_args(%parallel_loop3A_248 = %broadcast_in_dim3A_34, %parallel_loop3A_249 = %broadcast_in_dim3A_34, %parallel_loop3A_250 = %broadcast_in_dim3A_34, %parallel_loop3A_251 = %broadcast_in_dim3A_34) -> (vector<16xf32>, vector<16xf32>, vector<16xf32>, vector<16xf32>)  : i32 {
        %parallel_loop3A_252 = arith.constant 2 : i32
        %parallel_loop3A_253 = arith.muli %parallel_loop3A_252, %parallel_loop3A_247 : i32
        %parallel_loop3A_254 = arith.constant 16 : i32
        %parallel_loop3A_255 = arith.muli %parallel_loop3A_253, %parallel_loop3A_254 : i32
        %parallel_loop3A_256 = arith.index_cast %parallel_loop3A_255 : i32 to index
        %parallel_loop3A_257 = tpu.vector_load %arg6[%parallel_loop3A_256] {strides = array<i32>} : memref<2000xf32, #tpu.memory_space<vmem>>, vector<16xf32>,
        %parallel_loop3A_258 = arith.index_cast %parallel_loop3A_255 : i32 to index
        %parallel_loop3A_259 = tpu.vector_load %arg7[%parallel_loop3A_258] {strides = array<i32>} : memref<2000xf32, #tpu.memory_space<vmem>>, vector<16xf32>,
        %parallel_loop3A_260 = vector.broadcast %parallel_loop3A_255 : i32 to vector<16xi32>
        %parallel_loop3A_261 = arith.addi %iota3A, %parallel_loop3A_260 : vector<16xi32>
        %parallel_loop3A_262 = arith.subf %parallel_loop3A_257, %gather3A : vector<16xf32>
        %parallel_loop3A_263 = arith.subf %parallel_loop3A_259, %gather3A_64 : vector<16xf32>
        %parallel_loop3A_264 = arith.mulf %parallel_loop3A_262, %parallel_loop3A_262 : vector<16xf32>
        %parallel_loop3A_265 = arith.mulf %parallel_loop3A_263, %parallel_loop3A_263 : vector<16xf32>
        %parallel_loop3A_266 = arith.addf %parallel_loop3A_264, %parallel_loop3A_265 : vector<16xf32>
        %parallel_loop3A_267 = arith.cmpi eq, %parallel_loop3A_261, %broadcast_in_dim3A_60 : vector<16xi32>
        %parallel_loop3A_268 = vector.broadcast %while3A_37 : f32 to vector<16xf32>
        %parallel_loop3A_269 = arith.select %parallel_loop3A_267, %parallel_loop3A_268, %parallel_loop3A_266 : vector<16xi1>, vector<16xf32>
        %parallel_loop3A_270 = arith.index_cast %parallel_loop3A_255 : i32 to index
        %parallel_loop3A_271 = tpu.vector_load %arg8[%parallel_loop3A_270] {strides = array<i32>} : memref<2000xf32, #tpu.memory_space<vmem>>, vector<16xf32>,
        tpu.vector_store %arg8[%parallel_loop3A_270], %parallel_loop3A_269 {strides = array<i32>} : memref<2000xf32, #tpu.memory_space<vmem>>, vector<16xf32>,
        %parallel_loop3A_272 = arith.subf %parallel_loop3A_257, %gather3A_65 : vector<16xf32>
        %parallel_loop3A_273 = arith.subf %parallel_loop3A_259, %gather3A_66 : vector<16xf32>
        %parallel_loop3A_274 = arith.mulf %parallel_loop3A_272, %parallel_loop3A_272 : vector<16xf32>
        %parallel_loop3A_275 = arith.mulf %parallel_loop3A_273, %parallel_loop3A_273 : vector<16xf32>
        %parallel_loop3A_276 = arith.addf %parallel_loop3A_274, %parallel_loop3A_275 : vector<16xf32>
        %parallel_loop3A_277 = arith.cmpi eq, %parallel_loop3A_261, %add3A_63 : vector<16xi32>
        %parallel_loop3A_278 = vector.broadcast %while3A_37 : f32 to vector<16xf32>
        %parallel_loop3A_279 = arith.select %parallel_loop3A_277, %parallel_loop3A_278, %parallel_loop3A_276 : vector<16xi1>, vector<16xf32>
        %parallel_loop3A_280 = arith.index_cast %parallel_loop3A_255 : i32 to index
        %parallel_loop3A_281 = tpu.vector_load %arg9[%parallel_loop3A_280] {strides = array<i32>} : memref<2000xf32, #tpu.memory_space<vmem>>, vector<16xf32>,
        tpu.vector_store %arg9[%parallel_loop3A_280], %parallel_loop3A_279 {strides = array<i32>} : memref<2000xf32, #tpu.memory_space<vmem>>, vector<16xf32>,
        %parallel_loop3A_282 = arith.constant 2 : i32
        %parallel_loop3A_283 = arith.muli %parallel_loop3A_282, %parallel_loop3A_247 : i32
        %parallel_loop3A_284 = arith.constant 1 : i32
        %parallel_loop3A_285 = arith.addi %parallel_loop3A_283, %parallel_loop3A_284 : i32
        %parallel_loop3A_286 = arith.constant 16 : i32
        %parallel_loop3A_287 = arith.muli %parallel_loop3A_285, %parallel_loop3A_286 : i32
        %parallel_loop3A_288 = arith.index_cast %parallel_loop3A_287 : i32 to index
        %parallel_loop3A_289 = tpu.vector_load %arg6[%parallel_loop3A_288] {strides = array<i32>} : memref<2000xf32, #tpu.memory_space<vmem>>, vector<16xf32>,
        %parallel_loop3A_290 = arith.index_cast %parallel_loop3A_287 : i32 to index
        %parallel_loop3A_291 = tpu.vector_load %arg7[%parallel_loop3A_290] {strides = array<i32>} : memref<2000xf32, #tpu.memory_space<vmem>>, vector<16xf32>,
        %parallel_loop3A_292 = vector.broadcast %parallel_loop3A_287 : i32 to vector<16xi32>
        %parallel_loop3A_293 = arith.addi %iota3A, %parallel_loop3A_292 : vector<16xi32>
        %parallel_loop3A_294 = arith.subf %parallel_loop3A_289, %gather3A : vector<16xf32>
        %parallel_loop3A_295 = arith.subf %parallel_loop3A_291, %gather3A_64 : vector<16xf32>
        %parallel_loop3A_296 = arith.mulf %parallel_loop3A_294, %parallel_loop3A_294 : vector<16xf32>
        %parallel_loop3A_297 = arith.mulf %parallel_loop3A_295, %parallel_loop3A_295 : vector<16xf32>
        %parallel_loop3A_298 = arith.addf %parallel_loop3A_296, %parallel_loop3A_297 : vector<16xf32>
        %parallel_loop3A_299 = arith.cmpi eq, %parallel_loop3A_293, %broadcast_in_dim3A_60 : vector<16xi32>
        %parallel_loop3A_300 = vector.broadcast %while3A_37 : f32 to vector<16xf32>
        %parallel_loop3A_301 = arith.select %parallel_loop3A_299, %parallel_loop3A_300, %parallel_loop3A_298 : vector<16xi1>, vector<16xf32>
        %parallel_loop3A_302 = arith.index_cast %parallel_loop3A_287 : i32 to index
        %parallel_loop3A_303 = tpu.vector_load %arg8[%parallel_loop3A_302] {strides = array<i32>} : memref<2000xf32, #tpu.memory_space<vmem>>, vector<16xf32>,
        tpu.vector_store %arg8[%parallel_loop3A_302], %parallel_loop3A_301 {strides = array<i32>} : memref<2000xf32, #tpu.memory_space<vmem>>, vector<16xf32>,
        %parallel_loop3A_304 = arith.subf %parallel_loop3A_289, %gather3A_65 : vector<16xf32>
        %parallel_loop3A_305 = arith.subf %parallel_loop3A_291, %gather3A_66 : vector<16xf32>
        %parallel_loop3A_306 = arith.mulf %parallel_loop3A_304, %parallel_loop3A_304 : vector<16xf32>
        %parallel_loop3A_307 = arith.mulf %parallel_loop3A_305, %parallel_loop3A_305 : vector<16xf32>
        %parallel_loop3A_308 = arith.addf %parallel_loop3A_306, %parallel_loop3A_307 : vector<16xf32>
        %parallel_loop3A_309 = arith.cmpi eq, %parallel_loop3A_293, %add3A_63 : vector<16xi32>
        %parallel_loop3A_310 = vector.broadcast %while3A_37 : f32 to vector<16xf32>
        %parallel_loop3A_311 = arith.select %parallel_loop3A_309, %parallel_loop3A_310, %parallel_loop3A_308 : vector<16xi1>, vector<16xf32>
        %parallel_loop3A_312 = arith.index_cast %parallel_loop3A_287 : i32 to index
        %parallel_loop3A_313 = tpu.vector_load %arg9[%parallel_loop3A_312] {strides = array<i32>} : memref<2000xf32, #tpu.memory_space<vmem>>, vector<16xf32>,
        tpu.vector_store %arg9[%parallel_loop3A_312], %parallel_loop3A_311 {strides = array<i32>} : memref<2000xf32, #tpu.memory_space<vmem>>, vector<16xf32>,
        %parallel_loop3A_314 = arith.minimumf %parallel_loop3A_248, %parallel_loop3A_269 : vector<16xf32>
        %parallel_loop3A_315 = arith.minimumf %parallel_loop3A_249, %parallel_loop3A_301 : vector<16xf32>
        %parallel_loop3A_316 = arith.minimumf %parallel_loop3A_250, %parallel_loop3A_279 : vector<16xf32>
        %parallel_loop3A_317 = arith.minimumf %parallel_loop3A_251, %parallel_loop3A_311 : vector<16xf32>
        scf.yield %parallel_loop3A_314, %parallel_loop3A_315, %parallel_loop3A_316, %parallel_loop3A_317 : vector<16xf32>, vector<16xf32>, vector<16xf32>, vector<16xf32>
      } {sc.loop_unroll_factor = 4 : i64, sc.parallel_access}
      %get3A = arith.constant 1984 : index
      %get3A_70 = tpu.vector_load %arg6[%get3A] {strides = array<i32>} : memref<2000xf32, #tpu.memory_space<vmem>>, vector<16xf32>,
      %get3A_71 = arith.constant 1984 : index
      %get3A_72 = tpu.vector_load %arg7[%get3A_71] {strides = array<i32>} : memref<2000xf32, #tpu.memory_space<vmem>>, vector<16xf32>,
      %add3A_73 = arith.constant 1984 : i32
      %add3A_74 = vector.broadcast %add3A_73 : i32 to vector<16xi32>
      %add3A_75 = arith.addi %iota3A, %add3A_74 : vector<16xi32>
      %sub3A_76 = arith.subf %get3A_70, %gather3A : vector<16xf32>
      %sub3A_77 = arith.subf %get3A_72, %gather3A_64 : vector<16xf32>
      %mul3A_78 = arith.mulf %sub3A_76, %sub3A_76 : vector<16xf32>
      %mul3A_79 = arith.mulf %sub3A_77, %sub3A_77 : vector<16xf32>
      %add3A_80 = arith.addf %mul3A_78, %mul3A_79 : vector<16xf32>
      %eq3A_81 = arith.cmpi eq, %add3A_75, %broadcast_in_dim3A_60 : vector<16xi32>
      %broadcast_in_dim3A_82 = vector.broadcast %while3A_37 : f32 to vector<16xf32>
      %select_n3A_83 = arith.select %eq3A_81, %broadcast_in_dim3A_82, %add3A_80 : vector<16xi1>, vector<16xf32>
      %swap3A = arith.constant 1984 : index
      %swap3A_84 = tpu.vector_load %arg8[%swap3A] {strides = array<i32>} : memref<2000xf32, #tpu.memory_space<vmem>>, vector<16xf32>,
      tpu.vector_store %arg8[%swap3A], %select_n3A_83 {strides = array<i32>} : memref<2000xf32, #tpu.memory_space<vmem>>, vector<16xf32>,
      %sub3A_85 = arith.subf %get3A_70, %gather3A_65 : vector<16xf32>
      %sub3A_86 = arith.subf %get3A_72, %gather3A_66 : vector<16xf32>
      %mul3A_87 = arith.mulf %sub3A_85, %sub3A_85 : vector<16xf32>
      %mul3A_88 = arith.mulf %sub3A_86, %sub3A_86 : vector<16xf32>
      %add3A_89 = arith.addf %mul3A_87, %mul3A_88 : vector<16xf32>
      %eq3A_90 = arith.cmpi eq, %add3A_75, %add3A_63 : vector<16xi32>
      %broadcast_in_dim3A_91 = vector.broadcast %while3A_37 : f32 to vector<16xf32>
      %select_n3A_92 = arith.select %eq3A_90, %broadcast_in_dim3A_91, %add3A_89 : vector<16xi1>, vector<16xf32>
      %swap3A_93 = arith.constant 1984 : index
      %swap3A_94 = tpu.vector_load %arg9[%swap3A_93] {strides = array<i32>} : memref<2000xf32, #tpu.memory_space<vmem>>, vector<16xf32>,
      tpu.vector_store %arg9[%swap3A_93], %select_n3A_92 {strides = array<i32>} : memref<2000xf32, #tpu.memory_space<vmem>>, vector<16xf32>,
      %min3A = arith.minimumf %parallel_loop3A_69#0, %select_n3A_83 : vector<16xf32>
      %min3A_95 = arith.minimumf %parallel_loop3A_69#2, %select_n3A_92 : vector<16xf32>
      %max3A = arith.maximumf %min3A, %parallel_loop3A_69#1 : vector<16xf32>
      %reduce_max3A = arith.constant true
      %reduce_max3A_96 = vector.broadcast %reduce_max3A : i1 to vector<16xi1>
      %reduce_max3A_97 = tpu.scan <max>, %max3A masked %reduce_max3A_96 : vector<16xf32>, vector<16xi1> -> vector<16xf32>
      %reduce_max3A_98 = vector.extract %reduce_max3A_97[15] : f32 from vector<16xf32>
      %max3A_99 = arith.maximumf %min3A_95, %parallel_loop3A_69#3 : vector<16xf32>
      %reduce_max3A_100 = arith.constant true
      %reduce_max3A_101 = vector.broadcast %reduce_max3A_100 : i1 to vector<16xi1>
      %reduce_max3A_102 = tpu.scan <max>, %max3A_99 masked %reduce_max3A_101 : vector<16xf32>, vector<16xi1> -> vector<16xf32>
      %reduce_max3A_103 = vector.extract %reduce_max3A_102[15] : f32 from vector<16xf32>
      %broadcast_in_dim3A_104 = vector.broadcast %reduce_max3A_98 : f32 to vector<16xf32>
      %broadcast_in_dim3A_105 = vector.broadcast %reduce_max3A_103 : f32 to vector<16xf32>
      %parallel_loop3A_106 = arith.constant 0 : i32
      %parallel_loop3A_107 = arith.constant 125 : i32
      %parallel_loop3A_108 = arith.constant 1 : i32
      %parallel_loop3A_109:2 = scf.for %parallel_loop3A_247 = %parallel_loop3A_106 to %parallel_loop3A_107 step %parallel_loop3A_108 iter_args(%parallel_loop3A_248 = %broadcast_in_dim3A_36, %parallel_loop3A_249 = %broadcast_in_dim3A_36) -> (vector<16xi32>, vector<16xi32>)  : i32 {
        %parallel_loop3A_250 = arith.constant 16 : i32
        %parallel_loop3A_251 = arith.muli %parallel_loop3A_247, %parallel_loop3A_250 : i32
        %parallel_loop3A_252 = vector.broadcast %parallel_loop3A_251 : i32 to vector<16xi32>
        %parallel_loop3A_253 = arith.addi %iota3A, %parallel_loop3A_252 : vector<16xi32>
        %parallel_loop3A_254 = arith.index_cast %parallel_loop3A_251 : i32 to index
        %parallel_loop3A_255 = tpu.vector_load %arg8[%parallel_loop3A_254] {strides = array<i32>} : memref<2000xf32, #tpu.memory_space<vmem>>, vector<16xf32>,
        %parallel_loop3A_256 = arith.cmpf ole, %parallel_loop3A_255, %broadcast_in_dim3A_104 : vector<16xf32>
        %parallel_loop3A_257 = arith.extui %parallel_loop3A_256 : vector<16xi1> to vector<16xi32>
        %parallel_loop3A_258 = arith.constant true
        %parallel_loop3A_259 = vector.broadcast %parallel_loop3A_258 : i1 to vector<16xi1>
        %parallel_loop3A_260 = tpu.scan <sum>, %parallel_loop3A_257 masked %parallel_loop3A_259 : vector<16xi32>, vector<16xi1> -> vector<16xi32>
        %parallel_loop3A_261 = arith.addi %parallel_loop3A_248, %parallel_loop3A_260 : vector<16xi32>
        %parallel_loop3A_262 = arith.constant 1 : i32
        %parallel_loop3A_263 = vector.broadcast %parallel_loop3A_262 : i32 to vector<16xi32>
        %parallel_loop3A_264 = arith.subi %parallel_loop3A_261, %parallel_loop3A_263 : vector<16xi32>
        tpu.vector_store_idx %arg10[%parallel_loop3A_264], %parallel_loop3A_255 masked %parallel_loop3A_256 : memref<2064xf32, #tpu.memory_space<vmem>>[vector<16xi32>], vector<16xf32>, vector<16xi1>
        %parallel_loop3A_265 = arith.addi %parallel_loop3A_248, %parallel_loop3A_260 : vector<16xi32>
        %parallel_loop3A_266 = arith.constant 1 : i32
        %parallel_loop3A_267 = vector.broadcast %parallel_loop3A_266 : i32 to vector<16xi32>
        %parallel_loop3A_268 = arith.subi %parallel_loop3A_265, %parallel_loop3A_267 : vector<16xi32>
        tpu.vector_store_idx %arg11[%parallel_loop3A_268], %parallel_loop3A_253 masked %parallel_loop3A_256 : memref<2064xi32, #tpu.memory_space<vmem>>[vector<16xi32>], vector<16xi32>, vector<16xi1>
        %parallel_loop3A_269 = arith.index_cast %parallel_loop3A_251 : i32 to index
        %parallel_loop3A_270 = tpu.vector_load %arg9[%parallel_loop3A_269] {strides = array<i32>} : memref<2000xf32, #tpu.memory_space<vmem>>, vector<16xf32>,
        %parallel_loop3A_271 = arith.cmpf ole, %parallel_loop3A_270, %broadcast_in_dim3A_105 : vector<16xf32>
        %parallel_loop3A_272 = arith.extui %parallel_loop3A_271 : vector<16xi1> to vector<16xi32>
        %parallel_loop3A_273 = arith.constant true
        %parallel_loop3A_274 = vector.broadcast %parallel_loop3A_273 : i1 to vector<16xi1>
        %parallel_loop3A_275 = tpu.scan <sum>, %parallel_loop3A_272 masked %parallel_loop3A_274 : vector<16xi32>, vector<16xi1> -> vector<16xi32>
        %parallel_loop3A_276 = arith.addi %parallel_loop3A_249, %parallel_loop3A_275 : vector<16xi32>
        %parallel_loop3A_277 = arith.constant 1 : i32
        %parallel_loop3A_278 = vector.broadcast %parallel_loop3A_277 : i32 to vector<16xi32>
        %parallel_loop3A_279 = arith.subi %parallel_loop3A_276, %parallel_loop3A_278 : vector<16xi32>
        tpu.vector_store_idx %arg12[%parallel_loop3A_279], %parallel_loop3A_270 masked %parallel_loop3A_271 : memref<2064xf32, #tpu.memory_space<vmem>>[vector<16xi32>], vector<16xf32>, vector<16xi1>
        %parallel_loop3A_280 = arith.addi %parallel_loop3A_249, %parallel_loop3A_275 : vector<16xi32>
        %parallel_loop3A_281 = arith.constant 1 : i32
        %parallel_loop3A_282 = vector.broadcast %parallel_loop3A_281 : i32 to vector<16xi32>
        %parallel_loop3A_283 = arith.subi %parallel_loop3A_280, %parallel_loop3A_282 : vector<16xi32>
        tpu.vector_store_idx %arg13[%parallel_loop3A_283], %parallel_loop3A_253 masked %parallel_loop3A_271 : memref<2064xi32, #tpu.memory_space<vmem>>[vector<16xi32>], vector<16xi32>, vector<16xi1>
        %parallel_loop3A_284 = tpu.all_reduce %parallel_loop3A_256 {dim = 0 : i64, kind = #tpu.reduction_kind<sum>} : vector<16xi1> -> vector<16xi32>
        %parallel_loop3A_285 = arith.addi %parallel_loop3A_248, %parallel_loop3A_284 : vector<16xi32>
        %parallel_loop3A_286 = tpu.all_reduce %parallel_loop3A_271 {dim = 0 : i64, kind = #tpu.reduction_kind<sum>} : vector<16xi1> -> vector<16xi32>
        %parallel_loop3A_287 = arith.addi %parallel_loop3A_249, %parallel_loop3A_286 : vector<16xi32>
        scf.yield %parallel_loop3A_285, %parallel_loop3A_287 : vector<16xi32>, vector<16xi32>
      } {sc.loop_unroll_factor = 4 : i64, sc.parallel_access}
      %reduce_max3A_110 = arith.constant true
      %reduce_max3A_111 = vector.broadcast %reduce_max3A_110 : i1 to vector<16xi1>
      %reduce_max3A_112 = arith.constant -2147483648 : i32
      %reduce_max3A_113 = vector.broadcast %reduce_max3A_112 : i32 to vector<16xi32>
      %reduce_max3A_114 = arith.xori %parallel_loop3A_109#0, %reduce_max3A_113 : vector<16xi32>
      %reduce_max3A_115 = tpu.scan <max>, %reduce_max3A_114 masked %reduce_max3A_111 : vector<16xi32>, vector<16xi1> -> vector<16xi32>
      %reduce_max3A_116 = arith.xori %reduce_max3A_115, %reduce_max3A_113 : vector<16xi32>
      %reduce_max3A_117 = vector.extract %reduce_max3A_116[15] : i32 from vector<16xi32>
      %reduce_max3A_118 = arith.constant true
      %reduce_max3A_119 = vector.broadcast %reduce_max3A_118 : i1 to vector<16xi1>
      %reduce_max3A_120 = arith.constant -2147483648 : i32
      %reduce_max3A_121 = vector.broadcast %reduce_max3A_120 : i32 to vector<16xi32>
      %reduce_max3A_122 = arith.xori %parallel_loop3A_109#1, %reduce_max3A_121 : vector<16xi32>
      %reduce_max3A_123 = tpu.scan <max>, %reduce_max3A_122 masked %reduce_max3A_119 : vector<16xi32>, vector<16xi1> -> vector<16xi32>
      %reduce_max3A_124 = arith.xori %reduce_max3A_123, %reduce_max3A_121 : vector<16xi32>
      %reduce_max3A_125 = vector.extract %reduce_max3A_124[15] : i32 from vector<16xi32>
      %add3A_126 = arith.addi %parallel_loop3A_109#0, %iota3A : vector<16xi32>
      tpu.vector_store_idx %arg10[%add3A_126], %broadcast_in_dim3A_34 : memref<2064xf32, #tpu.memory_space<vmem>>[vector<16xi32>], vector<16xf32>,
      %add3A_127 = arith.addi %parallel_loop3A_109#1, %iota3A : vector<16xi32>
      tpu.vector_store_idx %arg12[%add3A_127], %broadcast_in_dim3A_34 : memref<2064xf32, #tpu.memory_space<vmem>>[vector<16xi32>], vector<16xf32>,
      %add3A_128 = arith.constant 15 : i32
      %add3A_129 = arith.addi %reduce_max3A_117, %add3A_128 : i32
      %jit3A_130 = arith.constant 16 : i64
      %convert_element_type3A_131 = arith.trunci %jit3A_130 : i64 to i32
      %div3A_132 = arith.divsi %add3A_129, %convert_element_type3A_131 : i32
      %sign3A_133 = arith.constant 0 : i32
      %sign3A_134 = arith.cmpi sgt, %add3A_129, %sign3A_133 : i32
      %sign3A_135 = arith.extui %sign3A_134 : i1 to i32
      %sign3A_136 = arith.constant 0 : i32
      %sign3A_137 = arith.cmpi slt, %add3A_129, %sign3A_136 : i32
      %sign3A_138 = arith.extui %sign3A_137 : i1 to i32
      %sign3A_139 = arith.subi %sign3A_135, %sign3A_138 : i32
      %sign3A_140 = arith.constant 0 : i32
      %sign3A_141 = arith.cmpi sgt, %convert_element_type3A_131, %sign3A_140 : i32
      %sign3A_142 = arith.extui %sign3A_141 : i1 to i32
      %sign3A_143 = arith.constant 0 : i32
      %sign3A_144 = arith.cmpi slt, %convert_element_type3A_131, %sign3A_143 : i32
      %sign3A_145 = arith.extui %sign3A_144 : i1 to i32
      %sign3A_146 = arith.subi %sign3A_142, %sign3A_145 : i32
      %ne3A_147 = arith.cmpi ne, %sign3A_139, %sign3A_146 : i32
      %rem3A_148 = arith.remsi %add3A_129, %convert_element_type3A_131 : i32
      %ne3A_149 = arith.constant 0 : i32
      %ne3A_150 = arith.cmpi ne, %rem3A_148, %ne3A_149 : i32
      %and3A_151 = arith.andi %ne3A_147, %ne3A_150 : i1
      %sub3A_152 = arith.constant 1 : i32
      %sub3A_153 = arith.subi %div3A_132, %sub3A_152 : i32
      %select_n3A_154 = arith.select %and3A_151, %sub3A_153, %div3A_132 : i32
      %add3A_155 = arith.constant 15 : i32
      %add3A_156 = arith.addi %reduce_max3A_125, %add3A_155 : i32
      %jit3A_157 = arith.constant 16 : i64
      %convert_element_type3A_158 = arith.trunci %jit3A_157 : i64 to i32
      %div3A_159 = arith.divsi %add3A_156, %convert_element_type3A_158 : i32
      %sign3A_160 = arith.constant 0 : i32
      %sign3A_161 = arith.cmpi sgt, %add3A_156, %sign3A_160 : i32
      %sign3A_162 = arith.extui %sign3A_161 : i1 to i32
      %sign3A_163 = arith.constant 0 : i32
      %sign3A_164 = arith.cmpi slt, %add3A_156, %sign3A_163 : i32
      %sign3A_165 = arith.extui %sign3A_164 : i1 to i32
      %sign3A_166 = arith.subi %sign3A_162, %sign3A_165 : i32
      %sign3A_167 = arith.constant 0 : i32
      %sign3A_168 = arith.cmpi sgt, %convert_element_type3A_158, %sign3A_167 : i32
      %sign3A_169 = arith.extui %sign3A_168 : i1 to i32
      %sign3A_170 = arith.constant 0 : i32
      %sign3A_171 = arith.cmpi slt, %convert_element_type3A_158, %sign3A_170 : i32
      %sign3A_172 = arith.extui %sign3A_171 : i1 to i32
      %sign3A_173 = arith.subi %sign3A_169, %sign3A_172 : i32
      %ne3A_174 = arith.cmpi ne, %sign3A_166, %sign3A_173 : i32
      %rem3A_175 = arith.remsi %add3A_156, %convert_element_type3A_158 : i32
      %ne3A_176 = arith.constant 0 : i32
      %ne3A_177 = arith.cmpi ne, %rem3A_175, %ne3A_176 : i32
      %and3A_178 = arith.andi %ne3A_174, %ne3A_177 : i1
      %sub3A_179 = arith.constant 1 : i32
      %sub3A_180 = arith.subi %div3A_159, %sub3A_179 : i32
      %select_n3A_181 = arith.select %and3A_178, %sub3A_180, %div3A_159 : i32
      %max3A_182 = arith.maxsi %select_n3A_154, %select_n3A_181 : i32
      %broadcast_in_dim3A_183 = vector.broadcast %select_n3A_154 : i32 to vector<16xi32>
      %broadcast_in_dim3A_184 = vector.broadcast %select_n3A_181 : i32 to vector<16xi32>
      %while3A_185 = arith.constant 0 : i32
      %while3A_186 = arith.subi %max3A_182, %while3A_185 : i32
      %while3A_187 = arith.addi %while3A_185, %while3A_186 : i32
      %while3A_188 = arith.constant 1 : i32
      %while3A_189 = arith.divsi %while3A_186, %while3A_188 : i32
      %while3A_190 = arith.muli %while3A_189, %while3A_188 : i32
      %while3A_191 = arith.addi %while3A_185, %while3A_190 : i32
      %while3A_192 = arith.constant 1 : i32
      %while3A_193:8 = scf.for %while3A_247 = %while3A_185 to %while3A_191 step %while3A_192 iter_args(%while3A_248 = %broadcast_in_dim3A_34, %while3A_249 = %broadcast_in_dim3A_36, %while3A_250 = %broadcast_in_dim3A_34, %while3A_251 = %broadcast_in_dim3A_36, %while3A_252 = %broadcast_in_dim3A_34, %while3A_253 = %broadcast_in_dim3A_36, %while3A_254 = %broadcast_in_dim3A_34, %while3A_255 = %broadcast_in_dim3A_36) -> (vector<16xf32>, vector<16xi32>, vector<16xf32>, vector<16xi32>, vector<16xf32>, vector<16xi32>, vector<16xf32>, vector<16xi32>)  : i32 {
        %mul3A_256 = arith.constant 16 : i32
        %mul3A_257 = arith.muli %while3A_247, %mul3A_256 : i32
        %broadcast_in_dim3A_258 = vector.broadcast %while3A_247 : i32 to vector<16xi32>
        %lt3A_259 = arith.cmpi slt, %broadcast_in_dim3A_258, %broadcast_in_dim3A_183 : vector<16xi32>
        %get3A_260 = arith.index_cast %mul3A_257 : i32 to index
        %get3A_261 = tpu.vector_load %arg10[%get3A_260] {strides = array<i32>} : memref<2064xf32, #tpu.memory_space<vmem>>, vector<16xf32>,
        %select_n3A_262 = arith.select %lt3A_259, %get3A_261, %broadcast_in_dim3A_34 : vector<16xi1>, vector<16xf32>
        %lt3A_263 = arith.cmpi slt, %broadcast_in_dim3A_258, %broadcast_in_dim3A_184 : vector<16xi32>
        %get3A_264 = arith.index_cast %mul3A_257 : i32 to index
        %get3A_265 = tpu.vector_load %arg12[%get3A_264] {strides = array<i32>} : memref<2064xf32, #tpu.memory_space<vmem>>, vector<16xf32>,
        %select_n3A_266 = arith.select %lt3A_263, %get3A_265, %broadcast_in_dim3A_34 : vector<16xi1>, vector<16xf32>
        %get3A_267 = arith.index_cast %mul3A_257 : i32 to index
        %get3A_268 = tpu.vector_load %arg11[%get3A_267] {strides = array<i32>} : memref<2064xi32, #tpu.memory_space<vmem>>, vector<16xi32>,
        %masked_sort3A = arith.constant dense<true> : vector<16xi1>
        %masked_sort3A_269, %masked_sort3A_270, %masked_sort3A_271 = tpu.sort %select_n3A_262, %get3A_268 masked %masked_sort3A : (vector<16xf32>, vector<16xi32>, vector<16xi1>) -> (vector<16xi1>, vector<16xf32>, vector<16xi32>)
        %get3A_272 = arith.index_cast %mul3A_257 : i32 to index
        %get3A_273 = tpu.vector_load %arg13[%get3A_272] {strides = array<i32>} : memref<2064xi32, #tpu.memory_space<vmem>>, vector<16xi32>,
        %masked_sort3A_274 = arith.constant dense<true> : vector<16xi1>
        %masked_sort3A_275, %masked_sort3A_276, %masked_sort3A_277 = tpu.sort %select_n3A_266, %get3A_273 masked %masked_sort3A_274 : (vector<16xf32>, vector<16xi32>, vector<16xi1>) -> (vector<16xi1>, vector<16xf32>, vector<16xi32>)
        %rev3A = arith.constant 15 : i32
        %rev3A_278 = vector.broadcast %rev3A : i32 to vector<16xi32>
        %rev3A_279 = tpu.iota {dimensions = array<i32: 0>} : vector<16xi32>
        %rev3A_280 = arith.subi %rev3A_278, %rev3A_279 : vector<16xi32>
        %rev3A_281 = tpu.dynamic_gather %masked_sort3A_270[%rev3A_280] in [0] : vector<16xf32>, vector<16xi32> -> vector<16xf32>
        %rev3A_282 = arith.constant 15 : i32
        %rev3A_283 = vector.broadcast %rev3A_282 : i32 to vector<16xi32>
        %rev3A_284 = tpu.iota {dimensions = array<i32: 0>} : vector<16xi32>
        %rev3A_285 = arith.subi %rev3A_283, %rev3A_284 : vector<16xi32>
        %rev3A_286 = tpu.dynamic_gather %masked_sort3A_271[%rev3A_285] in [0] : vector<16xi32>, vector<16xi32> -> vector<16xi32>
        %le3A = arith.cmpf ole, %while3A_250, %rev3A_281 : vector<16xf32>
        %select_n3A_287 = arith.select %le3A, %while3A_250, %rev3A_281 : vector<16xi1>, vector<16xf32>
        %select_n3A_288 = arith.select %le3A, %while3A_251, %rev3A_286 : vector<16xi1>, vector<16xi32>
        %le3A_289 = arith.cmpf ole, %while3A_248, %select_n3A_287 : vector<16xf32>
        %select_n3A_290 = arith.select %le3A_289, %while3A_248, %select_n3A_287 : vector<16xi1>, vector<16xf32>
        %select_n3A_291 = arith.select %le3A_289, %while3A_249, %select_n3A_288 : vector<16xi1>, vector<16xi32>
        %select_n3A_292 = arith.select %le3A_289, %select_n3A_287, %while3A_248 : vector<16xi1>, vector<16xf32>
        %select_n3A_293 = arith.select %le3A_289, %select_n3A_288, %while3A_249 : vector<16xi1>, vector<16xi32>
        %masked_sort3A_294 = arith.constant dense<true> : vector<16xi1>
        %masked_sort3A_295, %masked_sort3A_296, %masked_sort3A_297 = tpu.sort %select_n3A_290, %select_n3A_291 masked %masked_sort3A_294 : (vector<16xf32>, vector<16xi32>, vector<16xi1>) -> (vector<16xi1>, vector<16xf32>, vector<16xi32>)
        %masked_sort3A_298 = arith.constant dense<true> : vector<16xi1>
        %masked_sort3A_299, %masked_sort3A_300, %masked_sort3A_301 = tpu.sort %select_n3A_292, %select_n3A_293 masked %masked_sort3A_298 : (vector<16xf32>, vector<16xi32>, vector<16xi1>) -> (vector<16xi1>, vector<16xf32>, vector<16xi32>)
        %rev3A_302 = arith.constant 15 : i32
        %rev3A_303 = vector.broadcast %rev3A_302 : i32 to vector<16xi32>
        %rev3A_304 = tpu.iota {dimensions = array<i32: 0>} : vector<16xi32>
        %rev3A_305 = arith.subi %rev3A_303, %rev3A_304 : vector<16xi32>
        %rev3A_306 = tpu.dynamic_gather %masked_sort3A_276[%rev3A_305] in [0] : vector<16xf32>, vector<16xi32> -> vector<16xf32>
        %rev3A_307 = arith.constant 15 : i32
        %rev3A_308 = vector.broadcast %rev3A_307 : i32 to vector<16xi32>
        %rev3A_309 = tpu.iota {dimensions = array<i32: 0>} : vector<16xi32>
        %rev3A_310 = arith.subi %rev3A_308, %rev3A_309 : vector<16xi32>
        %rev3A_311 = tpu.dynamic_gather %masked_sort3A_277[%rev3A_310] in [0] : vector<16xi32>, vector<16xi32> -> vector<16xi32>
        %le3A_312 = arith.cmpf ole, %while3A_254, %rev3A_306 : vector<16xf32>
        %select_n3A_313 = arith.select %le3A_312, %while3A_254, %rev3A_306 : vector<16xi1>, vector<16xf32>
        %select_n3A_314 = arith.select %le3A_312, %while3A_255, %rev3A_311 : vector<16xi1>, vector<16xi32>
        %le3A_315 = arith.cmpf ole, %while3A_252, %select_n3A_313 : vector<16xf32>
        %select_n3A_316 = arith.select %le3A_315, %while3A_252, %select_n3A_313 : vector<16xi1>, vector<16xf32>
        %select_n3A_317 = arith.select %le3A_315, %while3A_253, %select_n3A_314 : vector<16xi1>, vector<16xi32>
        %select_n3A_318 = arith.select %le3A_315, %select_n3A_313, %while3A_252 : vector<16xi1>, vector<16xf32>
        %select_n3A_319 = arith.select %le3A_315, %select_n3A_314, %while3A_253 : vector<16xi1>, vector<16xi32>
        %masked_sort3A_320 = arith.constant dense<true> : vector<16xi1>
        %masked_sort3A_321, %masked_sort3A_322, %masked_sort3A_323 = tpu.sort %select_n3A_316, %select_n3A_317 masked %masked_sort3A_320 : (vector<16xf32>, vector<16xi32>, vector<16xi1>) -> (vector<16xi1>, vector<16xf32>, vector<16xi32>)
        %masked_sort3A_324 = arith.constant dense<true> : vector<16xi1>
        %masked_sort3A_325, %masked_sort3A_326, %masked_sort3A_327 = tpu.sort %select_n3A_318, %select_n3A_319 masked %masked_sort3A_324 : (vector<16xf32>, vector<16xi32>, vector<16xi1>) -> (vector<16xi1>, vector<16xf32>, vector<16xi32>)
        scf.yield %masked_sort3A_296, %masked_sort3A_297, %masked_sort3A_300, %masked_sort3A_301, %masked_sort3A_322, %masked_sort3A_323, %masked_sort3A_326, %masked_sort3A_327 : vector<16xf32>, vector<16xi32>, vector<16xf32>, vector<16xi32>, vector<16xf32>, vector<16xi32>, vector<16xf32>, vector<16xi32>
      }
      %while3A_194 = arith.constant 1 : i32
      %while3A_195:8 = scf.for %while3A_247 = %while3A_191 to %while3A_187 step %while3A_194 iter_args(%while3A_248 = %while3A_193#0, %while3A_249 = %while3A_193#1, %while3A_250 = %while3A_193#2, %while3A_251 = %while3A_193#3, %while3A_252 = %while3A_193#4, %while3A_253 = %while3A_193#5, %while3A_254 = %while3A_193#6, %while3A_255 = %while3A_193#7) -> (vector<16xf32>, vector<16xi32>, vector<16xf32>, vector<16xi32>, vector<16xf32>, vector<16xi32>, vector<16xf32>, vector<16xi32>)  : i32 {
        %mul3A_256 = arith.constant 16 : i32
        %mul3A_257 = arith.muli %while3A_247, %mul3A_256 : i32
        %broadcast_in_dim3A_258 = vector.broadcast %while3A_247 : i32 to vector<16xi32>
        %lt3A_259 = arith.cmpi slt, %broadcast_in_dim3A_258, %broadcast_in_dim3A_183 : vector<16xi32>
        %get3A_260 = arith.index_cast %mul3A_257 : i32 to index
        %get3A_261 = tpu.vector_load %arg10[%get3A_260] {strides = array<i32>} : memref<2064xf32, #tpu.memory_space<vmem>>, vector<16xf32>,
        %select_n3A_262 = arith.select %lt3A_259, %get3A_261, %broadcast_in_dim3A_34 : vector<16xi1>, vector<16xf32>
        %lt3A_263 = arith.cmpi slt, %broadcast_in_dim3A_258, %broadcast_in_dim3A_184 : vector<16xi32>
        %get3A_264 = arith.index_cast %mul3A_257 : i32 to index
        %get3A_265 = tpu.vector_load %arg12[%get3A_264] {strides = array<i32>} : memref<2064xf32, #tpu.memory_space<vmem>>, vector<16xf32>,
        %select_n3A_266 = arith.select %lt3A_263, %get3A_265, %broadcast_in_dim3A_34 : vector<16xi1>, vector<16xf32>
        %get3A_267 = arith.index_cast %mul3A_257 : i32 to index
        %get3A_268 = tpu.vector_load %arg11[%get3A_267] {strides = array<i32>} : memref<2064xi32, #tpu.memory_space<vmem>>, vector<16xi32>,
        %masked_sort3A = arith.constant dense<true> : vector<16xi1>
        %masked_sort3A_269, %masked_sort3A_270, %masked_sort3A_271 = tpu.sort %select_n3A_262, %get3A_268 masked %masked_sort3A : (vector<16xf32>, vector<16xi32>, vector<16xi1>) -> (vector<16xi1>, vector<16xf32>, vector<16xi32>)
        %get3A_272 = arith.index_cast %mul3A_257 : i32 to index
        %get3A_273 = tpu.vector_load %arg13[%get3A_272] {strides = array<i32>} : memref<2064xi32, #tpu.memory_space<vmem>>, vector<16xi32>,
        %masked_sort3A_274 = arith.constant dense<true> : vector<16xi1>
        %masked_sort3A_275, %masked_sort3A_276, %masked_sort3A_277 = tpu.sort %select_n3A_266, %get3A_273 masked %masked_sort3A_274 : (vector<16xf32>, vector<16xi32>, vector<16xi1>) -> (vector<16xi1>, vector<16xf32>, vector<16xi32>)
        %rev3A = arith.constant 15 : i32
        %rev3A_278 = vector.broadcast %rev3A : i32 to vector<16xi32>
        %rev3A_279 = tpu.iota {dimensions = array<i32: 0>} : vector<16xi32>
        %rev3A_280 = arith.subi %rev3A_278, %rev3A_279 : vector<16xi32>
        %rev3A_281 = tpu.dynamic_gather %masked_sort3A_270[%rev3A_280] in [0] : vector<16xf32>, vector<16xi32> -> vector<16xf32>
        %rev3A_282 = arith.constant 15 : i32
        %rev3A_283 = vector.broadcast %rev3A_282 : i32 to vector<16xi32>
        %rev3A_284 = tpu.iota {dimensions = array<i32: 0>} : vector<16xi32>
        %rev3A_285 = arith.subi %rev3A_283, %rev3A_284 : vector<16xi32>
        %rev3A_286 = tpu.dynamic_gather %masked_sort3A_271[%rev3A_285] in [0] : vector<16xi32>, vector<16xi32> -> vector<16xi32>
        %le3A = arith.cmpf ole, %while3A_250, %rev3A_281 : vector<16xf32>
        %select_n3A_287 = arith.select %le3A, %while3A_250, %rev3A_281 : vector<16xi1>, vector<16xf32>
        %select_n3A_288 = arith.select %le3A, %while3A_251, %rev3A_286 : vector<16xi1>, vector<16xi32>
        %le3A_289 = arith.cmpf ole, %while3A_248, %select_n3A_287 : vector<16xf32>
        %select_n3A_290 = arith.select %le3A_289, %while3A_248, %select_n3A_287 : vector<16xi1>, vector<16xf32>
        %select_n3A_291 = arith.select %le3A_289, %while3A_249, %select_n3A_288 : vector<16xi1>, vector<16xi32>
        %select_n3A_292 = arith.select %le3A_289, %select_n3A_287, %while3A_248 : vector<16xi1>, vector<16xf32>
        %select_n3A_293 = arith.select %le3A_289, %select_n3A_288, %while3A_249 : vector<16xi1>, vector<16xi32>
        %masked_sort3A_294 = arith.constant dense<true> : vector<16xi1>
        %masked_sort3A_295, %masked_sort3A_296, %masked_sort3A_297 = tpu.sort %select_n3A_290, %select_n3A_291 masked %masked_sort3A_294 : (vector<16xf32>, vector<16xi32>, vector<16xi1>) -> (vector<16xi1>, vector<16xf32>, vector<16xi32>)
        %masked_sort3A_298 = arith.constant dense<true> : vector<16xi1>
        %masked_sort3A_299, %masked_sort3A_300, %masked_sort3A_301 = tpu.sort %select_n3A_292, %select_n3A_293 masked %masked_sort3A_298 : (vector<16xf32>, vector<16xi32>, vector<16xi1>) -> (vector<16xi1>, vector<16xf32>, vector<16xi32>)
        %rev3A_302 = arith.constant 15 : i32
        %rev3A_303 = vector.broadcast %rev3A_302 : i32 to vector<16xi32>
        %rev3A_304 = tpu.iota {dimensions = array<i32: 0>} : vector<16xi32>
        %rev3A_305 = arith.subi %rev3A_303, %rev3A_304 : vector<16xi32>
        %rev3A_306 = tpu.dynamic_gather %masked_sort3A_276[%rev3A_305] in [0] : vector<16xf32>, vector<16xi32> -> vector<16xf32>
        %rev3A_307 = arith.constant 15 : i32
        %rev3A_308 = vector.broadcast %rev3A_307 : i32 to vector<16xi32>
        %rev3A_309 = tpu.iota {dimensions = array<i32: 0>} : vector<16xi32>
        %rev3A_310 = arith.subi %rev3A_308, %rev3A_309 : vector<16xi32>
        %rev3A_311 = tpu.dynamic_gather %masked_sort3A_277[%rev3A_310] in [0] : vector<16xi32>, vector<16xi32> -> vector<16xi32>
        %le3A_312 = arith.cmpf ole, %while3A_254, %rev3A_306 : vector<16xf32>
        %select_n3A_313 = arith.select %le3A_312, %while3A_254, %rev3A_306 : vector<16xi1>, vector<16xf32>
        %select_n3A_314 = arith.select %le3A_312, %while3A_255, %rev3A_311 : vector<16xi1>, vector<16xi32>
        %le3A_315 = arith.cmpf ole, %while3A_252, %select_n3A_313 : vector<16xf32>
        %select_n3A_316 = arith.select %le3A_315, %while3A_252, %select_n3A_313 : vector<16xi1>, vector<16xf32>
        %select_n3A_317 = arith.select %le3A_315, %while3A_253, %select_n3A_314 : vector<16xi1>, vector<16xi32>
        %select_n3A_318 = arith.select %le3A_315, %select_n3A_313, %while3A_252 : vector<16xi1>, vector<16xf32>
        %select_n3A_319 = arith.select %le3A_315, %select_n3A_314, %while3A_253 : vector<16xi1>, vector<16xi32>
        %masked_sort3A_320 = arith.constant dense<true> : vector<16xi1>
        %masked_sort3A_321, %masked_sort3A_322, %masked_sort3A_323 = tpu.sort %select_n3A_316, %select_n3A_317 masked %masked_sort3A_320 : (vector<16xf32>, vector<16xi32>, vector<16xi1>) -> (vector<16xi1>, vector<16xf32>, vector<16xi32>)
        %masked_sort3A_324 = arith.constant dense<true> : vector<16xi1>
        %masked_sort3A_325, %masked_sort3A_326, %masked_sort3A_327 = tpu.sort %select_n3A_318, %select_n3A_319 masked %masked_sort3A_324 : (vector<16xf32>, vector<16xi32>, vector<16xi1>) -> (vector<16xi1>, vector<16xf32>, vector<16xi32>)
        scf.yield %masked_sort3A_296, %masked_sort3A_297, %masked_sort3A_300, %masked_sort3A_301, %masked_sort3A_322, %masked_sort3A_323, %masked_sort3A_326, %masked_sort3A_327 : vector<16xf32>, vector<16xi32>, vector<16xf32>, vector<16xi32>, vector<16xf32>, vector<16xi32>, vector<16xf32>, vector<16xi32>
      }
      %mul3A_196 = arith.constant 2000 : i32
      %mul3A_197 = arith.muli %select_n3A, %mul3A_196 : i32
      %broadcast_in_dim3A_198 = vector.broadcast %mul3A_197 : i32 to vector<16xi32>
      %mul3A_199 = arith.constant 32 : i32
      %mul3A_200 = arith.muli %mul3A_58, %mul3A_199 : i32
      %swap3A_201 = arith.index_cast %mul3A_200 : i32 to index
      %swap3A_202 = tpu.vector_load %arg14[%swap3A_201] {strides = array<i32>} : memref<16000xf32, #tpu.memory_space<vmem>>, vector<16xf32>,
      tpu.vector_store %arg14[%swap3A_201], %while3A_195#0 {strides = array<i32>} : memref<16000xf32, #tpu.memory_space<vmem>>, vector<16xf32>,
      %mul3A_203 = arith.constant 32 : i32
      %mul3A_204 = arith.muli %mul3A_58, %mul3A_203 : i32
      %add3A_205 = arith.constant 16 : i32
      %add3A_206 = arith.addi %mul3A_204, %add3A_205 : i32
      %swap3A_207 = arith.index_cast %add3A_206 : i32 to index
      %swap3A_208 = tpu.vector_load %arg14[%swap3A_207] {strides = array<i32>} : memref<16000xf32, #tpu.memory_space<vmem>>, vector<16xf32>,
      tpu.vector_store %arg14[%swap3A_207], %while3A_195#2 {strides = array<i32>} : memref<16000xf32, #tpu.memory_space<vmem>>, vector<16xf32>,
      %add3A_209 = arith.addi %while3A_195#1, %broadcast_in_dim3A_198 : vector<16xi32>
      %mul3A_210 = arith.constant 32 : i32
      %mul3A_211 = arith.muli %mul3A_58, %mul3A_210 : i32
      %swap3A_212 = arith.index_cast %mul3A_211 : i32 to index
      %swap3A_213 = tpu.vector_load %arg15[%swap3A_212] {strides = array<i32>} : memref<16000xi32, #tpu.memory_space<vmem>>, vector<16xi32>,
      tpu.vector_store %arg15[%swap3A_212], %add3A_209 {strides = array<i32>} : memref<16000xi32, #tpu.memory_space<vmem>>, vector<16xi32>,
      %add3A_214 = arith.addi %while3A_195#3, %broadcast_in_dim3A_198 : vector<16xi32>
      %mul3A_215 = arith.constant 32 : i32
      %mul3A_216 = arith.muli %mul3A_58, %mul3A_215 : i32
      %add3A_217 = arith.constant 16 : i32
      %add3A_218 = arith.addi %mul3A_216, %add3A_217 : i32
      %swap3A_219 = arith.index_cast %add3A_218 : i32 to index
      %swap3A_220 = tpu.vector_load %arg15[%swap3A_219] {strides = array<i32>} : memref<16000xi32, #tpu.memory_space<vmem>>, vector<16xi32>,
      tpu.vector_store %arg15[%swap3A_219], %add3A_214 {strides = array<i32>} : memref<16000xi32, #tpu.memory_space<vmem>>, vector<16xi32>,
      %mul3A_221 = arith.constant 32 : i32
      %mul3A_222 = arith.muli %mul3A_58, %mul3A_221 : i32
      %add3A_223 = arith.constant 32 : i32
      %add3A_224 = arith.addi %mul3A_222, %add3A_223 : i32
      %swap3A_225 = arith.index_cast %add3A_224 : i32 to index
      %swap3A_226 = tpu.vector_load %arg14[%swap3A_225] {strides = array<i32>} : memref<16000xf32, #tpu.memory_space<vmem>>, vector<16xf32>,
      tpu.vector_store %arg14[%swap3A_225], %while3A_195#4 {strides = array<i32>} : memref<16000xf32, #tpu.memory_space<vmem>>, vector<16xf32>,
      %mul3A_227 = arith.constant 32 : i32
      %mul3A_228 = arith.muli %mul3A_58, %mul3A_227 : i32
      %add3A_229 = arith.constant 48 : i32
      %add3A_230 = arith.addi %mul3A_228, %add3A_229 : i32
      %swap3A_231 = arith.index_cast %add3A_230 : i32 to index
      %swap3A_232 = tpu.vector_load %arg14[%swap3A_231] {strides = array<i32>} : memref<16000xf32, #tpu.memory_space<vmem>>, vector<16xf32>,
      tpu.vector_store %arg14[%swap3A_231], %while3A_195#6 {strides = array<i32>} : memref<16000xf32, #tpu.memory_space<vmem>>, vector<16xf32>,
      %add3A_233 = arith.addi %while3A_195#5, %broadcast_in_dim3A_198 : vector<16xi32>
      %mul3A_234 = arith.constant 32 : i32
      %mul3A_235 = arith.muli %mul3A_58, %mul3A_234 : i32
      %add3A_236 = arith.constant 32 : i32
      %add3A_237 = arith.addi %mul3A_235, %add3A_236 : i32
      %swap3A_238 = arith.index_cast %add3A_237 : i32 to index
      %swap3A_239 = tpu.vector_load %arg15[%swap3A_238] {strides = array<i32>} : memref<16000xi32, #tpu.memory_space<vmem>>, vector<16xi32>,
      tpu.vector_store %arg15[%swap3A_238], %add3A_233 {strides = array<i32>} : memref<16000xi32, #tpu.memory_space<vmem>>, vector<16xi32>,
      %add3A_240 = arith.addi %while3A_195#7, %broadcast_in_dim3A_198 : vector<16xi32>
      %mul3A_241 = arith.constant 32 : i32
      %mul3A_242 = arith.muli %mul3A_58, %mul3A_241 : i32
      %add3A_243 = arith.constant 48 : i32
      %add3A_244 = arith.addi %mul3A_242, %add3A_243 : i32
      %swap3A_245 = arith.index_cast %add3A_244 : i32 to index
      %swap3A_246 = tpu.vector_load %arg15[%swap3A_245] {strides = array<i32>} : memref<16000xi32, #tpu.memory_space<vmem>>, vector<16xi32>,
      tpu.vector_store %arg15[%swap3A_245], %add3A_240 {strides = array<i32>} : memref<16000xi32, #tpu.memory_space<vmem>>, vector<16xi32>,
    }
    %mul3A_48 = arith.constant 500 : i32
    %mul3A_49 = arith.muli %add3A, %mul3A_48 : i32
    %mul3A_50 = arith.constant 32 : i32
    %mul3A_51 = arith.muli %mul3A_49, %mul3A_50 : i32
    "tpu.region"() ({
      %run_scoped3A = tpu.sem_alloc : memref<!tpu.dma_semaphore, #tpu.memory_space<semaphore_mem>>
      %dma_start3A = tpu.memref_slice %arg4[%mul3A_51] : memref<512000xf32, #tpu.memory_space<hbm>> -> memref<16000xf32, #tpu.memory_space<hbm>>
      %dma_start3A_56 = tpu.memref_slice %arg4[%mul3A_51] : memref<512000xf32, #tpu.memory_space<hbm>> -> memref<16000xf32, #tpu.memory_space<hbm>>
      tpu.enqueue_dma source(%arg14 : memref<16000xf32, #tpu.memory_space<vmem>>) target(%dma_start3A_56 : memref<16000xf32, #tpu.memory_space<hbm>>) target_semaphore(%run_scoped3A : memref<!tpu.dma_semaphore, #tpu.memory_space<semaphore_mem>>)
      %dma_wait3A = tpu.memref_slice %arg4[%mul3A_51] : memref<512000xf32, #tpu.memory_space<hbm>> -> memref<16000xf32, #tpu.memory_space<hbm>>
      %dma_wait3A_57 = tpu.memref_slice %arg4[%mul3A_51] : memref<512000xf32, #tpu.memory_space<hbm>> -> memref<16000xf32, #tpu.memory_space<hbm>>
      tpu.wait_dma2 semaphore(%run_scoped3A : memref<!tpu.dma_semaphore, #tpu.memory_space<semaphore_mem>>) src(%arg14 : memref<16000xf32, #tpu.memory_space<vmem>>) dst(%dma_wait3A_57 : memref<16000xf32, #tpu.memory_space<hbm>>)
      tpu.yield
    }) : () -> ()
    %mul3A_52 = arith.constant 500 : i32
    %mul3A_53 = arith.muli %add3A, %mul3A_52 : i32
    %mul3A_54 = arith.constant 32 : i32
    %mul3A_55 = arith.muli %mul3A_53, %mul3A_54 : i32
    "tpu.region"() ({
      %run_scoped3A = tpu.sem_alloc : memref<!tpu.dma_semaphore, #tpu.memory_space<semaphore_mem>>
      %dma_start3A = tpu.memref_slice %arg5[%mul3A_55] : memref<512000xi32, #tpu.memory_space<hbm>> -> memref<16000xi32, #tpu.memory_space<hbm>>
      %dma_start3A_56 = tpu.memref_slice %arg5[%mul3A_55] : memref<512000xi32, #tpu.memory_space<hbm>> -> memref<16000xi32, #tpu.memory_space<hbm>>
      tpu.enqueue_dma source(%arg15 : memref<16000xi32, #tpu.memory_space<vmem>>) target(%dma_start3A_56 : memref<16000xi32, #tpu.memory_space<hbm>>) target_semaphore(%run_scoped3A : memref<!tpu.dma_semaphore, #tpu.memory_space<semaphore_mem>>)
      %dma_wait3A = tpu.memref_slice %arg5[%mul3A_55] : memref<512000xi32, #tpu.memory_space<hbm>> -> memref<16000xi32, #tpu.memory_space<hbm>>
      %dma_wait3A_57 = tpu.memref_slice %arg5[%mul3A_55] : memref<512000xi32, #tpu.memory_space<hbm>> -> memref<16000xi32, #tpu.memory_space<hbm>>
      tpu.wait_dma2 semaphore(%run_scoped3A : memref<!tpu.dma_semaphore, #tpu.memory_space<semaphore_mem>>) src(%arg15 : memref<16000xi32, #tpu.memory_space<vmem>>) dst(%dma_wait3A_57 : memref<16000xi32, #tpu.memory_space<hbm>>)
      tpu.yield
    }) : () -> ()
    return
  }
}

module attributes {stable_mosaic.version = 14 : i64} {
  func.func @_edge_body(%arg0: i32, %arg1: memref<200x128xf32, #tpu.memory_space<vmem>>, %arg2: memref<1x128xf32, #tpu.memory_space<vmem>>, %arg3: memref<1x128xf32, #tpu.memory_space<vmem>>, %arg4: memref<25600x128xf32, #tpu.memory_space<vmem>>, %arg5: memref<200x128xi32, #tpu.memory_space<vmem>>) attributes {dimension_semantics = [#tpu.dimension_semantics<arbitrary>], iteration_bounds = array<i64: 20>, scalar_prefetch = 0 : i64, scratch_operands = 0 : i64, tpu.core_type = #tpu.core_type<tc>, window_params = [{transform_indices = @transform_0, window_bounds = array<i64: 200, 128>}, {transform_indices = @transform_1, window_bounds = array<i64: 1, 128>}, {transform_indices = @transform_2, window_bounds = array<i64: 1, 128>}, {transform_indices = @transform_3, window_bounds = array<i64: 25600, 128>}, {transform_indices = @transform_4, window_bounds = array<i64: 200, 128>}]} {
    %get3A = arith.constant 0 : index
    %get3A_0 = arith.constant 0 : index
    %get3A_1 = vector.load %arg1[%get3A, %get3A_0] : memref<200x128xf32, #tpu.memory_space<vmem>>, vector<200x128xf32>
    %sqrt3A = math.sqrt %get3A_1 : vector<200x128xf32>
    %transpose3A = tpu.transpose %sqrt3A, [1, 0] : vector<200x128xf32> -> vector<128x200xf32>
    %slice3A = vector.extract_strided_slice %transpose3A {offsets = [0, 0], sizes = [128, 1], strides = [1, 1]} : vector<128x200xf32> to vector<128x1xf32>
    %get3A_2 = arith.constant 0 : index
    %get3A_3 = arith.constant 0 : index
    %get3A_4 = vector.load %arg2[%get3A_2, %get3A_3] : memref<1x128xf32, #tpu.memory_space<vmem>>, vector<1x128xf32>
    %mul3A = vector.broadcast %slice3A : vector<128x1xf32> to vector<128x128xf32>
    %mul3A_5 = vector.broadcast %get3A_4 : vector<1x128xf32> to vector<128x128xf32>
    %mul3A_6 = arith.mulf %mul3A, %mul3A_5 : vector<128x128xf32>
    %get3A_7 = arith.constant 0 : index
    %get3A_8 = arith.constant 0 : index
    %get3A_9 = vector.load %arg3[%get3A_7, %get3A_8] : memref<1x128xf32, #tpu.memory_space<vmem>>, vector<1x128xf32>
    %add3A = vector.broadcast %get3A_9 : vector<1x128xf32> to vector<128x128xf32>
    %add3A_10 = arith.addf %mul3A_6, %add3A : vector<128x128xf32>
    %swap3A = arith.constant 0 : index
    %swap3A_11 = arith.constant 0 : index
    %swap3A_12 = vector.load %arg4[%swap3A, %swap3A_11] : memref<25600x128xf32, #tpu.memory_space<vmem>>, vector<128x128xf32>
    tpu.vector_store %arg4[%swap3A, %swap3A_11], %add3A_10 {strides = array<i32>} : memref<25600x128xf32, #tpu.memory_space<vmem>>, vector<128x128xf32>,
    %slice3A_13 = vector.extract_strided_slice %transpose3A {offsets = [0, 1], sizes = [128, 1], strides = [1, 1]} : vector<128x200xf32> to vector<128x1xf32>
    %get3A_14 = arith.constant 0 : index
    %get3A_15 = arith.constant 0 : index
    %get3A_16 = vector.load %arg2[%get3A_14, %get3A_15] : memref<1x128xf32, #tpu.memory_space<vmem>>, vector<1x128xf32>
    %mul3A_17 = vector.broadcast %slice3A_13 : vector<128x1xf32> to vector<128x128xf32>
    %mul3A_18 = vector.broadcast %get3A_16 : vector<1x128xf32> to vector<128x128xf32>
    %mul3A_19 = arith.mulf %mul3A_17, %mul3A_18 : vector<128x128xf32>
    %get3A_20 = arith.constant 0 : index
    %get3A_21 = arith.constant 0 : index
    %get3A_22 = vector.load %arg3[%get3A_20, %get3A_21] : memref<1x128xf32, #tpu.memory_space<vmem>>, vector<1x128xf32>
    %add3A_23 = vector.broadcast %get3A_22 : vector<1x128xf32> to vector<128x128xf32>
    %add3A_24 = arith.addf %mul3A_19, %add3A_23 : vector<128x128xf32>
    %swap3A_25 = arith.constant 128 : index
    %swap3A_26 = arith.constant 0 : index
    %swap3A_27 = vector.load %arg4[%swap3A_25, %swap3A_26] : memref<25600x128xf32, #tpu.memory_space<vmem>>, vector<128x128xf32>
    tpu.vector_store %arg4[%swap3A_25, %swap3A_26], %add3A_24 {strides = array<i32>} : memref<25600x128xf32, #tpu.memory_space<vmem>>, vector<128x128xf32>,
    %slice3A_28 = vector.extract_strided_slice %transpose3A {offsets = [0, 2], sizes = [128, 1], strides = [1, 1]} : vector<128x200xf32> to vector<128x1xf32>
    %get3A_29 = arith.constant 0 : index
    %get3A_30 = arith.constant 0 : index
    %get3A_31 = vector.load %arg2[%get3A_29, %get3A_30] : memref<1x128xf32, #tpu.memory_space<vmem>>, vector<1x128xf32>
    %mul3A_32 = vector.broadcast %slice3A_28 : vector<128x1xf32> to vector<128x128xf32>
    %mul3A_33 = vector.broadcast %get3A_31 : vector<1x128xf32> to vector<128x128xf32>
    %mul3A_34 = arith.mulf %mul3A_32, %mul3A_33 : vector<128x128xf32>
    %get3A_35 = arith.constant 0 : index
    %get3A_36 = arith.constant 0 : index
    %get3A_37 = vector.load %arg3[%get3A_35, %get3A_36] : memref<1x128xf32, #tpu.memory_space<vmem>>, vector<1x128xf32>
    %add3A_38 = vector.broadcast %get3A_37 : vector<1x128xf32> to vector<128x128xf32>
    %add3A_39 = arith.addf %mul3A_34, %add3A_38 : vector<128x128xf32>
    %swap3A_40 = arith.constant 256 : index
    %swap3A_41 = arith.constant 0 : index
    %swap3A_42 = vector.load %arg4[%swap3A_40, %swap3A_41] : memref<25600x128xf32, #tpu.memory_space<vmem>>, vector<128x128xf32>
    tpu.vector_store %arg4[%swap3A_40, %swap3A_41], %add3A_39 {strides = array<i32>} : memref<25600x128xf32, #tpu.memory_space<vmem>>, vector<128x128xf32>,
    %slice3A_43 = vector.extract_strided_slice %transpose3A {offsets = [0, 3], sizes = [128, 1], strides = [1, 1]} : vector<128x200xf32> to vector<128x1xf32>
    %get3A_44 = arith.constant 0 : index
    %get3A_45 = arith.constant 0 : index
    %get3A_46 = vector.load %arg2[%get3A_44, %get3A_45] : memref<1x128xf32, #tpu.memory_space<vmem>>, vector<1x128xf32>
    %mul3A_47 = vector.broadcast %slice3A_43 : vector<128x1xf32> to vector<128x128xf32>
    %mul3A_48 = vector.broadcast %get3A_46 : vector<1x128xf32> to vector<128x128xf32>
    %mul3A_49 = arith.mulf %mul3A_47, %mul3A_48 : vector<128x128xf32>
    %get3A_50 = arith.constant 0 : index
    %get3A_51 = arith.constant 0 : index
    %get3A_52 = vector.load %arg3[%get3A_50, %get3A_51] : memref<1x128xf32, #tpu.memory_space<vmem>>, vector<1x128xf32>
    %add3A_53 = vector.broadcast %get3A_52 : vector<1x128xf32> to vector<128x128xf32>
    %add3A_54 = arith.addf %mul3A_49, %add3A_53 : vector<128x128xf32>
    %swap3A_55 = arith.constant 384 : index
    %swap3A_56 = arith.constant 0 : index
    %swap3A_57 = vector.load %arg4[%swap3A_55, %swap3A_56] : memref<25600x128xf32, #tpu.memory_space<vmem>>, vector<128x128xf32>
    tpu.vector_store %arg4[%swap3A_55, %swap3A_56], %add3A_54 {strides = array<i32>} : memref<25600x128xf32, #tpu.memory_space<vmem>>, vector<128x128xf32>,
    %slice3A_58 = vector.extract_strided_slice %transpose3A {offsets = [0, 4], sizes = [128, 1], strides = [1, 1]} : vector<128x200xf32> to vector<128x1xf32>
    %get3A_59 = arith.constant 0 : index
    %get3A_60 = arith.constant 0 : index
    %get3A_61 = vector.load %arg2[%get3A_59, %get3A_60] : memref<1x128xf32, #tpu.memory_space<vmem>>, vector<1x128xf32>
    %mul3A_62 = vector.broadcast %slice3A_58 : vector<128x1xf32> to vector<128x128xf32>
    %mul3A_63 = vector.broadcast %get3A_61 : vector<1x128xf32> to vector<128x128xf32>
    %mul3A_64 = arith.mulf %mul3A_62, %mul3A_63 : vector<128x128xf32>
    %get3A_65 = arith.constant 0 : index
    %get3A_66 = arith.constant 0 : index
    %get3A_67 = vector.load %arg3[%get3A_65, %get3A_66] : memref<1x128xf32, #tpu.memory_space<vmem>>, vector<1x128xf32>
    %add3A_68 = vector.broadcast %get3A_67 : vector<1x128xf32> to vector<128x128xf32>
    %add3A_69 = arith.addf %mul3A_64, %add3A_68 : vector<128x128xf32>
    %swap3A_70 = arith.constant 512 : index
    %swap3A_71 = arith.constant 0 : index
    %swap3A_72 = vector.load %arg4[%swap3A_70, %swap3A_71] : memref<25600x128xf32, #tpu.memory_space<vmem>>, vector<128x128xf32>
    tpu.vector_store %arg4[%swap3A_70, %swap3A_71], %add3A_69 {strides = array<i32>} : memref<25600x128xf32, #tpu.memory_space<vmem>>, vector<128x128xf32>,
    %slice3A_73 = vector.extract_strided_slice %transpose3A {offsets = [0, 5], sizes = [128, 1], strides = [1, 1]} : vector<128x200xf32> to vector<128x1xf32>
    %get3A_74 = arith.constant 0 : index
    %get3A_75 = arith.constant 0 : index
    %get3A_76 = vector.load %arg2[%get3A_74, %get3A_75] : memref<1x128xf32, #tpu.memory_space<vmem>>, vector<1x128xf32>
    %mul3A_77 = vector.broadcast %slice3A_73 : vector<128x1xf32> to vector<128x128xf32>
    %mul3A_78 = vector.broadcast %get3A_76 : vector<1x128xf32> to vector<128x128xf32>
    %mul3A_79 = arith.mulf %mul3A_77, %mul3A_78 : vector<128x128xf32>
    %get3A_80 = arith.constant 0 : index
    %get3A_81 = arith.constant 0 : index
    %get3A_82 = vector.load %arg3[%get3A_80, %get3A_81] : memref<1x128xf32, #tpu.memory_space<vmem>>, vector<1x128xf32>
    %add3A_83 = vector.broadcast %get3A_82 : vector<1x128xf32> to vector<128x128xf32>
    %add3A_84 = arith.addf %mul3A_79, %add3A_83 : vector<128x128xf32>
    %swap3A_85 = arith.constant 640 : index
    %swap3A_86 = arith.constant 0 : index
    %swap3A_87 = vector.load %arg4[%swap3A_85, %swap3A_86] : memref<25600x128xf32, #tpu.memory_space<vmem>>, vector<128x128xf32>
    tpu.vector_store %arg4[%swap3A_85, %swap3A_86], %add3A_84 {strides = array<i32>} : memref<25600x128xf32, #tpu.memory_space<vmem>>, vector<128x128xf32>,
    %slice3A_88 = vector.extract_strided_slice %transpose3A {offsets = [0, 6], sizes = [128, 1], strides = [1, 1]} : vector<128x200xf32> to vector<128x1xf32>
    %get3A_89 = arith.constant 0 : index
    %get3A_90 = arith.constant 0 : index
    %get3A_91 = vector.load %arg2[%get3A_89, %get3A_90] : memref<1x128xf32, #tpu.memory_space<vmem>>, vector<1x128xf32>
    %mul3A_92 = vector.broadcast %slice3A_88 : vector<128x1xf32> to vector<128x128xf32>
    %mul3A_93 = vector.broadcast %get3A_91 : vector<1x128xf32> to vector<128x128xf32>
    %mul3A_94 = arith.mulf %mul3A_92, %mul3A_93 : vector<128x128xf32>
    %get3A_95 = arith.constant 0 : index
    %get3A_96 = arith.constant 0 : index
    %get3A_97 = vector.load %arg3[%get3A_95, %get3A_96] : memref<1x128xf32, #tpu.memory_space<vmem>>, vector<1x128xf32>
    %add3A_98 = vector.broadcast %get3A_97 : vector<1x128xf32> to vector<128x128xf32>
    %add3A_99 = arith.addf %mul3A_94, %add3A_98 : vector<128x128xf32>
    %swap3A_100 = arith.constant 768 : index
    %swap3A_101 = arith.constant 0 : index
    %swap3A_102 = vector.load %arg4[%swap3A_100, %swap3A_101] : memref<25600x128xf32, #tpu.memory_space<vmem>>, vector<128x128xf32>
    tpu.vector_store %arg4[%swap3A_100, %swap3A_101], %add3A_99 {strides = array<i32>} : memref<25600x128xf32, #tpu.memory_space<vmem>>, vector<128x128xf32>,
    %slice3A_103 = vector.extract_strided_slice %transpose3A {offsets = [0, 7], sizes = [128, 1], strides = [1, 1]} : vector<128x200xf32> to vector<128x1xf32>
    %get3A_104 = arith.constant 0 : index
    %get3A_105 = arith.constant 0 : index
    %get3A_106 = vector.load %arg2[%get3A_104, %get3A_105] : memref<1x128xf32, #tpu.memory_space<vmem>>, vector<1x128xf32>
    %mul3A_107 = vector.broadcast %slice3A_103 : vector<128x1xf32> to vector<128x128xf32>
    %mul3A_108 = vector.broadcast %get3A_106 : vector<1x128xf32> to vector<128x128xf32>
    %mul3A_109 = arith.mulf %mul3A_107, %mul3A_108 : vector<128x128xf32>
    %get3A_110 = arith.constant 0 : index
    %get3A_111 = arith.constant 0 : index
    %get3A_112 = vector.load %arg3[%get3A_110, %get3A_111] : memref<1x128xf32, #tpu.memory_space<vmem>>, vector<1x128xf32>
    %add3A_113 = vector.broadcast %get3A_112 : vector<1x128xf32> to vector<128x128xf32>
    %add3A_114 = arith.addf %mul3A_109, %add3A_113 : vector<128x128xf32>
    %swap3A_115 = arith.constant 896 : index
    %swap3A_116 = arith.constant 0 : index
    %swap3A_117 = vector.load %arg4[%swap3A_115, %swap3A_116] : memref<25600x128xf32, #tpu.memory_space<vmem>>, vector<128x128xf32>
    tpu.vector_store %arg4[%swap3A_115, %swap3A_116], %add3A_114 {strides = array<i32>} : memref<25600x128xf32, #tpu.memory_space<vmem>>, vector<128x128xf32>,
    %slice3A_118 = vector.extract_strided_slice %transpose3A {offsets = [0, 8], sizes = [128, 1], strides = [1, 1]} : vector<128x200xf32> to vector<128x1xf32>
    %get3A_119 = arith.constant 0 : index
    %get3A_120 = arith.constant 0 : index
    %get3A_121 = vector.load %arg2[%get3A_119, %get3A_120] : memref<1x128xf32, #tpu.memory_space<vmem>>, vector<1x128xf32>
    %mul3A_122 = vector.broadcast %slice3A_118 : vector<128x1xf32> to vector<128x128xf32>
    %mul3A_123 = vector.broadcast %get3A_121 : vector<1x128xf32> to vector<128x128xf32>
    %mul3A_124 = arith.mulf %mul3A_122, %mul3A_123 : vector<128x128xf32>
    %get3A_125 = arith.constant 0 : index
    %get3A_126 = arith.constant 0 : index
    %get3A_127 = vector.load %arg3[%get3A_125, %get3A_126] : memref<1x128xf32, #tpu.memory_space<vmem>>, vector<1x128xf32>
    %add3A_128 = vector.broadcast %get3A_127 : vector<1x128xf32> to vector<128x128xf32>
    %add3A_129 = arith.addf %mul3A_124, %add3A_128 : vector<128x128xf32>
    %swap3A_130 = arith.constant 1024 : index
    %swap3A_131 = arith.constant 0 : index
    %swap3A_132 = vector.load %arg4[%swap3A_130, %swap3A_131] : memref<25600x128xf32, #tpu.memory_space<vmem>>, vector<128x128xf32>
    tpu.vector_store %arg4[%swap3A_130, %swap3A_131], %add3A_129 {strides = array<i32>} : memref<25600x128xf32, #tpu.memory_space<vmem>>, vector<128x128xf32>,
    %slice3A_133 = vector.extract_strided_slice %transpose3A {offsets = [0, 9], sizes = [128, 1], strides = [1, 1]} : vector<128x200xf32> to vector<128x1xf32>
    %get3A_134 = arith.constant 0 : index
    %get3A_135 = arith.constant 0 : index
    %get3A_136 = vector.load %arg2[%get3A_134, %get3A_135] : memref<1x128xf32, #tpu.memory_space<vmem>>, vector<1x128xf32>
    %mul3A_137 = vector.broadcast %slice3A_133 : vector<128x1xf32> to vector<128x128xf32>
    %mul3A_138 = vector.broadcast %get3A_136 : vector<1x128xf32> to vector<128x128xf32>
    %mul3A_139 = arith.mulf %mul3A_137, %mul3A_138 : vector<128x128xf32>
    %get3A_140 = arith.constant 0 : index
    %get3A_141 = arith.constant 0 : index
    %get3A_142 = vector.load %arg3[%get3A_140, %get3A_141] : memref<1x128xf32, #tpu.memory_space<vmem>>, vector<1x128xf32>
    %add3A_143 = vector.broadcast %get3A_142 : vector<1x128xf32> to vector<128x128xf32>
    %add3A_144 = arith.addf %mul3A_139, %add3A_143 : vector<128x128xf32>
    %swap3A_145 = arith.constant 1152 : index
    %swap3A_146 = arith.constant 0 : index
    %swap3A_147 = vector.load %arg4[%swap3A_145, %swap3A_146] : memref<25600x128xf32, #tpu.memory_space<vmem>>, vector<128x128xf32>
    tpu.vector_store %arg4[%swap3A_145, %swap3A_146], %add3A_144 {strides = array<i32>} : memref<25600x128xf32, #tpu.memory_space<vmem>>, vector<128x128xf32>,
    %slice3A_148 = vector.extract_strided_slice %transpose3A {offsets = [0, 10], sizes = [128, 1], strides = [1, 1]} : vector<128x200xf32> to vector<128x1xf32>
    %get3A_149 = arith.constant 0 : index
    %get3A_150 = arith.constant 0 : index
    %get3A_151 = vector.load %arg2[%get3A_149, %get3A_150] : memref<1x128xf32, #tpu.memory_space<vmem>>, vector<1x128xf32>
    %mul3A_152 = vector.broadcast %slice3A_148 : vector<128x1xf32> to vector<128x128xf32>
    %mul3A_153 = vector.broadcast %get3A_151 : vector<1x128xf32> to vector<128x128xf32>
    %mul3A_154 = arith.mulf %mul3A_152, %mul3A_153 : vector<128x128xf32>
    %get3A_155 = arith.constant 0 : index
    %get3A_156 = arith.constant 0 : index
    %get3A_157 = vector.load %arg3[%get3A_155, %get3A_156] : memref<1x128xf32, #tpu.memory_space<vmem>>, vector<1x128xf32>
    %add3A_158 = vector.broadcast %get3A_157 : vector<1x128xf32> to vector<128x128xf32>
    %add3A_159 = arith.addf %mul3A_154, %add3A_158 : vector<128x128xf32>
    %swap3A_160 = arith.constant 1280 : index
    %swap3A_161 = arith.constant 0 : index
    %swap3A_162 = vector.load %arg4[%swap3A_160, %swap3A_161] : memref<25600x128xf32, #tpu.memory_space<vmem>>, vector<128x128xf32>
    tpu.vector_store %arg4[%swap3A_160, %swap3A_161], %add3A_159 {strides = array<i32>} : memref<25600x128xf32, #tpu.memory_space<vmem>>, vector<128x128xf32>,
    %slice3A_163 = vector.extract_strided_slice %transpose3A {offsets = [0, 11], sizes = [128, 1], strides = [1, 1]} : vector<128x200xf32> to vector<128x1xf32>
    %get3A_164 = arith.constant 0 : index
    %get3A_165 = arith.constant 0 : index
    %get3A_166 = vector.load %arg2[%get3A_164, %get3A_165] : memref<1x128xf32, #tpu.memory_space<vmem>>, vector<1x128xf32>
    %mul3A_167 = vector.broadcast %slice3A_163 : vector<128x1xf32> to vector<128x128xf32>
    %mul3A_168 = vector.broadcast %get3A_166 : vector<1x128xf32> to vector<128x128xf32>
    %mul3A_169 = arith.mulf %mul3A_167, %mul3A_168 : vector<128x128xf32>
    %get3A_170 = arith.constant 0 : index
    %get3A_171 = arith.constant 0 : index
    %get3A_172 = vector.load %arg3[%get3A_170, %get3A_171] : memref<1x128xf32, #tpu.memory_space<vmem>>, vector<1x128xf32>
    %add3A_173 = vector.broadcast %get3A_172 : vector<1x128xf32> to vector<128x128xf32>
    %add3A_174 = arith.addf %mul3A_169, %add3A_173 : vector<128x128xf32>
    %swap3A_175 = arith.constant 1408 : index
    %swap3A_176 = arith.constant 0 : index
    %swap3A_177 = vector.load %arg4[%swap3A_175, %swap3A_176] : memref<25600x128xf32, #tpu.memory_space<vmem>>, vector<128x128xf32>
    tpu.vector_store %arg4[%swap3A_175, %swap3A_176], %add3A_174 {strides = array<i32>} : memref<25600x128xf32, #tpu.memory_space<vmem>>, vector<128x128xf32>,
    %slice3A_178 = vector.extract_strided_slice %transpose3A {offsets = [0, 12], sizes = [128, 1], strides = [1, 1]} : vector<128x200xf32> to vector<128x1xf32>
    %get3A_179 = arith.constant 0 : index
    %get3A_180 = arith.constant 0 : index
    %get3A_181 = vector.load %arg2[%get3A_179, %get3A_180] : memref<1x128xf32, #tpu.memory_space<vmem>>, vector<1x128xf32>
    %mul3A_182 = vector.broadcast %slice3A_178 : vector<128x1xf32> to vector<128x128xf32>
    %mul3A_183 = vector.broadcast %get3A_181 : vector<1x128xf32> to vector<128x128xf32>
    %mul3A_184 = arith.mulf %mul3A_182, %mul3A_183 : vector<128x128xf32>
    %get3A_185 = arith.constant 0 : index
    %get3A_186 = arith.constant 0 : index
    %get3A_187 = vector.load %arg3[%get3A_185, %get3A_186] : memref<1x128xf32, #tpu.memory_space<vmem>>, vector<1x128xf32>
    %add3A_188 = vector.broadcast %get3A_187 : vector<1x128xf32> to vector<128x128xf32>
    %add3A_189 = arith.addf %mul3A_184, %add3A_188 : vector<128x128xf32>
    %swap3A_190 = arith.constant 1536 : index
    %swap3A_191 = arith.constant 0 : index
    %swap3A_192 = vector.load %arg4[%swap3A_190, %swap3A_191] : memref<25600x128xf32, #tpu.memory_space<vmem>>, vector<128x128xf32>
    tpu.vector_store %arg4[%swap3A_190, %swap3A_191], %add3A_189 {strides = array<i32>} : memref<25600x128xf32, #tpu.memory_space<vmem>>, vector<128x128xf32>,
    %slice3A_193 = vector.extract_strided_slice %transpose3A {offsets = [0, 13], sizes = [128, 1], strides = [1, 1]} : vector<128x200xf32> to vector<128x1xf32>
    %get3A_194 = arith.constant 0 : index
    %get3A_195 = arith.constant 0 : index
    %get3A_196 = vector.load %arg2[%get3A_194, %get3A_195] : memref<1x128xf32, #tpu.memory_space<vmem>>, vector<1x128xf32>
    %mul3A_197 = vector.broadcast %slice3A_193 : vector<128x1xf32> to vector<128x128xf32>
    %mul3A_198 = vector.broadcast %get3A_196 : vector<1x128xf32> to vector<128x128xf32>
    %mul3A_199 = arith.mulf %mul3A_197, %mul3A_198 : vector<128x128xf32>
    %get3A_200 = arith.constant 0 : index
    %get3A_201 = arith.constant 0 : index
    %get3A_202 = vector.load %arg3[%get3A_200, %get3A_201] : memref<1x128xf32, #tpu.memory_space<vmem>>, vector<1x128xf32>
    %add3A_203 = vector.broadcast %get3A_202 : vector<1x128xf32> to vector<128x128xf32>
    %add3A_204 = arith.addf %mul3A_199, %add3A_203 : vector<128x128xf32>
    %swap3A_205 = arith.constant 1664 : index
    %swap3A_206 = arith.constant 0 : index
    %swap3A_207 = vector.load %arg4[%swap3A_205, %swap3A_206] : memref<25600x128xf32, #tpu.memory_space<vmem>>, vector<128x128xf32>
    tpu.vector_store %arg4[%swap3A_205, %swap3A_206], %add3A_204 {strides = array<i32>} : memref<25600x128xf32, #tpu.memory_space<vmem>>, vector<128x128xf32>,
    %slice3A_208 = vector.extract_strided_slice %transpose3A {offsets = [0, 14], sizes = [128, 1], strides = [1, 1]} : vector<128x200xf32> to vector<128x1xf32>
    %get3A_209 = arith.constant 0 : index
    %get3A_210 = arith.constant 0 : index
    %get3A_211 = vector.load %arg2[%get3A_209, %get3A_210] : memref<1x128xf32, #tpu.memory_space<vmem>>, vector<1x128xf32>
    %mul3A_212 = vector.broadcast %slice3A_208 : vector<128x1xf32> to vector<128x128xf32>
    %mul3A_213 = vector.broadcast %get3A_211 : vector<1x128xf32> to vector<128x128xf32>
    %mul3A_214 = arith.mulf %mul3A_212, %mul3A_213 : vector<128x128xf32>
    %get3A_215 = arith.constant 0 : index
    %get3A_216 = arith.constant 0 : index
    %get3A_217 = vector.load %arg3[%get3A_215, %get3A_216] : memref<1x128xf32, #tpu.memory_space<vmem>>, vector<1x128xf32>
    %add3A_218 = vector.broadcast %get3A_217 : vector<1x128xf32> to vector<128x128xf32>
    %add3A_219 = arith.addf %mul3A_214, %add3A_218 : vector<128x128xf32>
    %swap3A_220 = arith.constant 1792 : index
    %swap3A_221 = arith.constant 0 : index
    %swap3A_222 = vector.load %arg4[%swap3A_220, %swap3A_221] : memref<25600x128xf32, #tpu.memory_space<vmem>>, vector<128x128xf32>
    tpu.vector_store %arg4[%swap3A_220, %swap3A_221], %add3A_219 {strides = array<i32>} : memref<25600x128xf32, #tpu.memory_space<vmem>>, vector<128x128xf32>,
    %slice3A_223 = vector.extract_strided_slice %transpose3A {offsets = [0, 15], sizes = [128, 1], strides = [1, 1]} : vector<128x200xf32> to vector<128x1xf32>
    %get3A_224 = arith.constant 0 : index
    %get3A_225 = arith.constant 0 : index
    %get3A_226 = vector.load %arg2[%get3A_224, %get3A_225] : memref<1x128xf32, #tpu.memory_space<vmem>>, vector<1x128xf32>
    %mul3A_227 = vector.broadcast %slice3A_223 : vector<128x1xf32> to vector<128x128xf32>
    %mul3A_228 = vector.broadcast %get3A_226 : vector<1x128xf32> to vector<128x128xf32>
    %mul3A_229 = arith.mulf %mul3A_227, %mul3A_228 : vector<128x128xf32>
    %get3A_230 = arith.constant 0 : index
    %get3A_231 = arith.constant 0 : index
    %get3A_232 = vector.load %arg3[%get3A_230, %get3A_231] : memref<1x128xf32, #tpu.memory_space<vmem>>, vector<1x128xf32>
    %add3A_233 = vector.broadcast %get3A_232 : vector<1x128xf32> to vector<128x128xf32>
    %add3A_234 = arith.addf %mul3A_229, %add3A_233 : vector<128x128xf32>
    %swap3A_235 = arith.constant 1920 : index
    %swap3A_236 = arith.constant 0 : index
    %swap3A_237 = vector.load %arg4[%swap3A_235, %swap3A_236] : memref<25600x128xf32, #tpu.memory_space<vmem>>, vector<128x128xf32>
    tpu.vector_store %arg4[%swap3A_235, %swap3A_236], %add3A_234 {strides = array<i32>} : memref<25600x128xf32, #tpu.memory_space<vmem>>, vector<128x128xf32>,
    %slice3A_238 = vector.extract_strided_slice %transpose3A {offsets = [0, 16], sizes = [128, 1], strides = [1, 1]} : vector<128x200xf32> to vector<128x1xf32>
    %get3A_239 = arith.constant 0 : index
    %get3A_240 = arith.constant 0 : index
    %get3A_241 = vector.load %arg2[%get3A_239, %get3A_240] : memref<1x128xf32, #tpu.memory_space<vmem>>, vector<1x128xf32>
    %mul3A_242 = vector.broadcast %slice3A_238 : vector<128x1xf32> to vector<128x128xf32>
    %mul3A_243 = vector.broadcast %get3A_241 : vector<1x128xf32> to vector<128x128xf32>
    %mul3A_244 = arith.mulf %mul3A_242, %mul3A_243 : vector<128x128xf32>
    %get3A_245 = arith.constant 0 : index
    %get3A_246 = arith.constant 0 : index
    %get3A_247 = vector.load %arg3[%get3A_245, %get3A_246] : memref<1x128xf32, #tpu.memory_space<vmem>>, vector<1x128xf32>
    %add3A_248 = vector.broadcast %get3A_247 : vector<1x128xf32> to vector<128x128xf32>
    %add3A_249 = arith.addf %mul3A_244, %add3A_248 : vector<128x128xf32>
    %swap3A_250 = arith.constant 2048 : index
    %swap3A_251 = arith.constant 0 : index
    %swap3A_252 = vector.load %arg4[%swap3A_250, %swap3A_251] : memref<25600x128xf32, #tpu.memory_space<vmem>>, vector<128x128xf32>
    tpu.vector_store %arg4[%swap3A_250, %swap3A_251], %add3A_249 {strides = array<i32>} : memref<25600x128xf32, #tpu.memory_space<vmem>>, vector<128x128xf32>,
    %slice3A_253 = vector.extract_strided_slice %transpose3A {offsets = [0, 17], sizes = [128, 1], strides = [1, 1]} : vector<128x200xf32> to vector<128x1xf32>
    %get3A_254 = arith.constant 0 : index
    %get3A_255 = arith.constant 0 : index
    %get3A_256 = vector.load %arg2[%get3A_254, %get3A_255] : memref<1x128xf32, #tpu.memory_space<vmem>>, vector<1x128xf32>
    %mul3A_257 = vector.broadcast %slice3A_253 : vector<128x1xf32> to vector<128x128xf32>
    %mul3A_258 = vector.broadcast %get3A_256 : vector<1x128xf32> to vector<128x128xf32>
    %mul3A_259 = arith.mulf %mul3A_257, %mul3A_258 : vector<128x128xf32>
    %get3A_260 = arith.constant 0 : index
    %get3A_261 = arith.constant 0 : index
    %get3A_262 = vector.load %arg3[%get3A_260, %get3A_261] : memref<1x128xf32, #tpu.memory_space<vmem>>, vector<1x128xf32>
    %add3A_263 = vector.broadcast %get3A_262 : vector<1x128xf32> to vector<128x128xf32>
    %add3A_264 = arith.addf %mul3A_259, %add3A_263 : vector<128x128xf32>
    %swap3A_265 = arith.constant 2176 : index
    %swap3A_266 = arith.constant 0 : index
    %swap3A_267 = vector.load %arg4[%swap3A_265, %swap3A_266] : memref<25600x128xf32, #tpu.memory_space<vmem>>, vector<128x128xf32>
    tpu.vector_store %arg4[%swap3A_265, %swap3A_266], %add3A_264 {strides = array<i32>} : memref<25600x128xf32, #tpu.memory_space<vmem>>, vector<128x128xf32>,
    %slice3A_268 = vector.extract_strided_slice %transpose3A {offsets = [0, 18], sizes = [128, 1], strides = [1, 1]} : vector<128x200xf32> to vector<128x1xf32>
    %get3A_269 = arith.constant 0 : index
    %get3A_270 = arith.constant 0 : index
    %get3A_271 = vector.load %arg2[%get3A_269, %get3A_270] : memref<1x128xf32, #tpu.memory_space<vmem>>, vector<1x128xf32>
    %mul3A_272 = vector.broadcast %slice3A_268 : vector<128x1xf32> to vector<128x128xf32>
    %mul3A_273 = vector.broadcast %get3A_271 : vector<1x128xf32> to vector<128x128xf32>
    %mul3A_274 = arith.mulf %mul3A_272, %mul3A_273 : vector<128x128xf32>
    %get3A_275 = arith.constant 0 : index
    %get3A_276 = arith.constant 0 : index
    %get3A_277 = vector.load %arg3[%get3A_275, %get3A_276] : memref<1x128xf32, #tpu.memory_space<vmem>>, vector<1x128xf32>
    %add3A_278 = vector.broadcast %get3A_277 : vector<1x128xf32> to vector<128x128xf32>
    %add3A_279 = arith.addf %mul3A_274, %add3A_278 : vector<128x128xf32>
    %swap3A_280 = arith.constant 2304 : index
    %swap3A_281 = arith.constant 0 : index
    %swap3A_282 = vector.load %arg4[%swap3A_280, %swap3A_281] : memref<25600x128xf32, #tpu.memory_space<vmem>>, vector<128x128xf32>
    tpu.vector_store %arg4[%swap3A_280, %swap3A_281], %add3A_279 {strides = array<i32>} : memref<25600x128xf32, #tpu.memory_space<vmem>>, vector<128x128xf32>,
    %slice3A_283 = vector.extract_strided_slice %transpose3A {offsets = [0, 19], sizes = [128, 1], strides = [1, 1]} : vector<128x200xf32> to vector<128x1xf32>
    %get3A_284 = arith.constant 0 : index
    %get3A_285 = arith.constant 0 : index
    %get3A_286 = vector.load %arg2[%get3A_284, %get3A_285] : memref<1x128xf32, #tpu.memory_space<vmem>>, vector<1x128xf32>
    %mul3A_287 = vector.broadcast %slice3A_283 : vector<128x1xf32> to vector<128x128xf32>
    %mul3A_288 = vector.broadcast %get3A_286 : vector<1x128xf32> to vector<128x128xf32>
    %mul3A_289 = arith.mulf %mul3A_287, %mul3A_288 : vector<128x128xf32>
    %get3A_290 = arith.constant 0 : index
    %get3A_291 = arith.constant 0 : index
    %get3A_292 = vector.load %arg3[%get3A_290, %get3A_291] : memref<1x128xf32, #tpu.memory_space<vmem>>, vector<1x128xf32>
    %add3A_293 = vector.broadcast %get3A_292 : vector<1x128xf32> to vector<128x128xf32>
    %add3A_294 = arith.addf %mul3A_289, %add3A_293 : vector<128x128xf32>
    %swap3A_295 = arith.constant 2432 : index
    %swap3A_296 = arith.constant 0 : index
    %swap3A_297 = vector.load %arg4[%swap3A_295, %swap3A_296] : memref<25600x128xf32, #tpu.memory_space<vmem>>, vector<128x128xf32>
    tpu.vector_store %arg4[%swap3A_295, %swap3A_296], %add3A_294 {strides = array<i32>} : memref<25600x128xf32, #tpu.memory_space<vmem>>, vector<128x128xf32>,
    %slice3A_298 = vector.extract_strided_slice %transpose3A {offsets = [0, 20], sizes = [128, 1], strides = [1, 1]} : vector<128x200xf32> to vector<128x1xf32>
    %get3A_299 = arith.constant 0 : index
    %get3A_300 = arith.constant 0 : index
    %get3A_301 = vector.load %arg2[%get3A_299, %get3A_300] : memref<1x128xf32, #tpu.memory_space<vmem>>, vector<1x128xf32>
    %mul3A_302 = vector.broadcast %slice3A_298 : vector<128x1xf32> to vector<128x128xf32>
    %mul3A_303 = vector.broadcast %get3A_301 : vector<1x128xf32> to vector<128x128xf32>
    %mul3A_304 = arith.mulf %mul3A_302, %mul3A_303 : vector<128x128xf32>
    %get3A_305 = arith.constant 0 : index
    %get3A_306 = arith.constant 0 : index
    %get3A_307 = vector.load %arg3[%get3A_305, %get3A_306] : memref<1x128xf32, #tpu.memory_space<vmem>>, vector<1x128xf32>
    %add3A_308 = vector.broadcast %get3A_307 : vector<1x128xf32> to vector<128x128xf32>
    %add3A_309 = arith.addf %mul3A_304, %add3A_308 : vector<128x128xf32>
    %swap3A_310 = arith.constant 2560 : index
    %swap3A_311 = arith.constant 0 : index
    %swap3A_312 = vector.load %arg4[%swap3A_310, %swap3A_311] : memref<25600x128xf32, #tpu.memory_space<vmem>>, vector<128x128xf32>
    tpu.vector_store %arg4[%swap3A_310, %swap3A_311], %add3A_309 {strides = array<i32>} : memref<25600x128xf32, #tpu.memory_space<vmem>>, vector<128x128xf32>,
    %slice3A_313 = vector.extract_strided_slice %transpose3A {offsets = [0, 21], sizes = [128, 1], strides = [1, 1]} : vector<128x200xf32> to vector<128x1xf32>
    %get3A_314 = arith.constant 0 : index
    %get3A_315 = arith.constant 0 : index
    %get3A_316 = vector.load %arg2[%get3A_314, %get3A_315] : memref<1x128xf32, #tpu.memory_space<vmem>>, vector<1x128xf32>
    %mul3A_317 = vector.broadcast %slice3A_313 : vector<128x1xf32> to vector<128x128xf32>
    %mul3A_318 = vector.broadcast %get3A_316 : vector<1x128xf32> to vector<128x128xf32>
    %mul3A_319 = arith.mulf %mul3A_317, %mul3A_318 : vector<128x128xf32>
    %get3A_320 = arith.constant 0 : index
    %get3A_321 = arith.constant 0 : index
    %get3A_322 = vector.load %arg3[%get3A_320, %get3A_321] : memref<1x128xf32, #tpu.memory_space<vmem>>, vector<1x128xf32>
    %add3A_323 = vector.broadcast %get3A_322 : vector<1x128xf32> to vector<128x128xf32>
    %add3A_324 = arith.addf %mul3A_319, %add3A_323 : vector<128x128xf32>
    %swap3A_325 = arith.constant 2688 : index
    %swap3A_326 = arith.constant 0 : index
    %swap3A_327 = vector.load %arg4[%swap3A_325, %swap3A_326] : memref<25600x128xf32, #tpu.memory_space<vmem>>, vector<128x128xf32>
    tpu.vector_store %arg4[%swap3A_325, %swap3A_326], %add3A_324 {strides = array<i32>} : memref<25600x128xf32, #tpu.memory_space<vmem>>, vector<128x128xf32>,
    %slice3A_328 = vector.extract_strided_slice %transpose3A {offsets = [0, 22], sizes = [128, 1], strides = [1, 1]} : vector<128x200xf32> to vector<128x1xf32>
    %get3A_329 = arith.constant 0 : index
    %get3A_330 = arith.constant 0 : index
    %get3A_331 = vector.load %arg2[%get3A_329, %get3A_330] : memref<1x128xf32, #tpu.memory_space<vmem>>, vector<1x128xf32>
    %mul3A_332 = vector.broadcast %slice3A_328 : vector<128x1xf32> to vector<128x128xf32>
    %mul3A_333 = vector.broadcast %get3A_331 : vector<1x128xf32> to vector<128x128xf32>
    %mul3A_334 = arith.mulf %mul3A_332, %mul3A_333 : vector<128x128xf32>
    %get3A_335 = arith.constant 0 : index
    %get3A_336 = arith.constant 0 : index
    %get3A_337 = vector.load %arg3[%get3A_335, %get3A_336] : memref<1x128xf32, #tpu.memory_space<vmem>>, vector<1x128xf32>
    %add3A_338 = vector.broadcast %get3A_337 : vector<1x128xf32> to vector<128x128xf32>
    %add3A_339 = arith.addf %mul3A_334, %add3A_338 : vector<128x128xf32>
    %swap3A_340 = arith.constant 2816 : index
    %swap3A_341 = arith.constant 0 : index
    %swap3A_342 = vector.load %arg4[%swap3A_340, %swap3A_341] : memref<25600x128xf32, #tpu.memory_space<vmem>>, vector<128x128xf32>
    tpu.vector_store %arg4[%swap3A_340, %swap3A_341], %add3A_339 {strides = array<i32>} : memref<25600x128xf32, #tpu.memory_space<vmem>>, vector<128x128xf32>,
    %slice3A_343 = vector.extract_strided_slice %transpose3A {offsets = [0, 23], sizes = [128, 1], strides = [1, 1]} : vector<128x200xf32> to vector<128x1xf32>
    %get3A_344 = arith.constant 0 : index
    %get3A_345 = arith.constant 0 : index
    %get3A_346 = vector.load %arg2[%get3A_344, %get3A_345] : memref<1x128xf32, #tpu.memory_space<vmem>>, vector<1x128xf32>
    %mul3A_347 = vector.broadcast %slice3A_343 : vector<128x1xf32> to vector<128x128xf32>
    %mul3A_348 = vector.broadcast %get3A_346 : vector<1x128xf32> to vector<128x128xf32>
    %mul3A_349 = arith.mulf %mul3A_347, %mul3A_348 : vector<128x128xf32>
    %get3A_350 = arith.constant 0 : index
    %get3A_351 = arith.constant 0 : index
    %get3A_352 = vector.load %arg3[%get3A_350, %get3A_351] : memref<1x128xf32, #tpu.memory_space<vmem>>, vector<1x128xf32>
    %add3A_353 = vector.broadcast %get3A_352 : vector<1x128xf32> to vector<128x128xf32>
    %add3A_354 = arith.addf %mul3A_349, %add3A_353 : vector<128x128xf32>
    %swap3A_355 = arith.constant 2944 : index
    %swap3A_356 = arith.constant 0 : index
    %swap3A_357 = vector.load %arg4[%swap3A_355, %swap3A_356] : memref<25600x128xf32, #tpu.memory_space<vmem>>, vector<128x128xf32>
    tpu.vector_store %arg4[%swap3A_355, %swap3A_356], %add3A_354 {strides = array<i32>} : memref<25600x128xf32, #tpu.memory_space<vmem>>, vector<128x128xf32>,
    %slice3A_358 = vector.extract_strided_slice %transpose3A {offsets = [0, 24], sizes = [128, 1], strides = [1, 1]} : vector<128x200xf32> to vector<128x1xf32>
    %get3A_359 = arith.constant 0 : index
    %get3A_360 = arith.constant 0 : index
    %get3A_361 = vector.load %arg2[%get3A_359, %get3A_360] : memref<1x128xf32, #tpu.memory_space<vmem>>, vector<1x128xf32>
    %mul3A_362 = vector.broadcast %slice3A_358 : vector<128x1xf32> to vector<128x128xf32>
    %mul3A_363 = vector.broadcast %get3A_361 : vector<1x128xf32> to vector<128x128xf32>
    %mul3A_364 = arith.mulf %mul3A_362, %mul3A_363 : vector<128x128xf32>
    %get3A_365 = arith.constant 0 : index
    %get3A_366 = arith.constant 0 : index
    %get3A_367 = vector.load %arg3[%get3A_365, %get3A_366] : memref<1x128xf32, #tpu.memory_space<vmem>>, vector<1x128xf32>
    %add3A_368 = vector.broadcast %get3A_367 : vector<1x128xf32> to vector<128x128xf32>
    %add3A_369 = arith.addf %mul3A_364, %add3A_368 : vector<128x128xf32>
    %swap3A_370 = arith.constant 3072 : index
    %swap3A_371 = arith.constant 0 : index
    %swap3A_372 = vector.load %arg4[%swap3A_370, %swap3A_371] : memref<25600x128xf32, #tpu.memory_space<vmem>>, vector<128x128xf32>
    tpu.vector_store %arg4[%swap3A_370, %swap3A_371], %add3A_369 {strides = array<i32>} : memref<25600x128xf32, #tpu.memory_space<vmem>>, vector<128x128xf32>,
    %slice3A_373 = vector.extract_strided_slice %transpose3A {offsets = [0, 25], sizes = [128, 1], strides = [1, 1]} : vector<128x200xf32> to vector<128x1xf32>
    %get3A_374 = arith.constant 0 : index
    %get3A_375 = arith.constant 0 : index
    %get3A_376 = vector.load %arg2[%get3A_374, %get3A_375] : memref<1x128xf32, #tpu.memory_space<vmem>>, vector<1x128xf32>
    %mul3A_377 = vector.broadcast %slice3A_373 : vector<128x1xf32> to vector<128x128xf32>
    %mul3A_378 = vector.broadcast %get3A_376 : vector<1x128xf32> to vector<128x128xf32>
    %mul3A_379 = arith.mulf %mul3A_377, %mul3A_378 : vector<128x128xf32>
    %get3A_380 = arith.constant 0 : index
    %get3A_381 = arith.constant 0 : index
    %get3A_382 = vector.load %arg3[%get3A_380, %get3A_381] : memref<1x128xf32, #tpu.memory_space<vmem>>, vector<1x128xf32>
    %add3A_383 = vector.broadcast %get3A_382 : vector<1x128xf32> to vector<128x128xf32>
    %add3A_384 = arith.addf %mul3A_379, %add3A_383 : vector<128x128xf32>
    %swap3A_385 = arith.constant 3200 : index
    %swap3A_386 = arith.constant 0 : index
    %swap3A_387 = vector.load %arg4[%swap3A_385, %swap3A_386] : memref<25600x128xf32, #tpu.memory_space<vmem>>, vector<128x128xf32>
    tpu.vector_store %arg4[%swap3A_385, %swap3A_386], %add3A_384 {strides = array<i32>} : memref<25600x128xf32, #tpu.memory_space<vmem>>, vector<128x128xf32>,
    %slice3A_388 = vector.extract_strided_slice %transpose3A {offsets = [0, 26], sizes = [128, 1], strides = [1, 1]} : vector<128x200xf32> to vector<128x1xf32>
    %get3A_389 = arith.constant 0 : index
    %get3A_390 = arith.constant 0 : index
    %get3A_391 = vector.load %arg2[%get3A_389, %get3A_390] : memref<1x128xf32, #tpu.memory_space<vmem>>, vector<1x128xf32>
    %mul3A_392 = vector.broadcast %slice3A_388 : vector<128x1xf32> to vector<128x128xf32>
    %mul3A_393 = vector.broadcast %get3A_391 : vector<1x128xf32> to vector<128x128xf32>
    %mul3A_394 = arith.mulf %mul3A_392, %mul3A_393 : vector<128x128xf32>
    %get3A_395 = arith.constant 0 : index
    %get3A_396 = arith.constant 0 : index
    %get3A_397 = vector.load %arg3[%get3A_395, %get3A_396] : memref<1x128xf32, #tpu.memory_space<vmem>>, vector<1x128xf32>
    %add3A_398 = vector.broadcast %get3A_397 : vector<1x128xf32> to vector<128x128xf32>
    %add3A_399 = arith.addf %mul3A_394, %add3A_398 : vector<128x128xf32>
    %swap3A_400 = arith.constant 3328 : index
    %swap3A_401 = arith.constant 0 : index
    %swap3A_402 = vector.load %arg4[%swap3A_400, %swap3A_401] : memref<25600x128xf32, #tpu.memory_space<vmem>>, vector<128x128xf32>
    tpu.vector_store %arg4[%swap3A_400, %swap3A_401], %add3A_399 {strides = array<i32>} : memref<25600x128xf32, #tpu.memory_space<vmem>>, vector<128x128xf32>,
    %slice3A_403 = vector.extract_strided_slice %transpose3A {offsets = [0, 27], sizes = [128, 1], strides = [1, 1]} : vector<128x200xf32> to vector<128x1xf32>
    %get3A_404 = arith.constant 0 : index
    %get3A_405 = arith.constant 0 : index
    %get3A_406 = vector.load %arg2[%get3A_404, %get3A_405] : memref<1x128xf32, #tpu.memory_space<vmem>>, vector<1x128xf32>
    %mul3A_407 = vector.broadcast %slice3A_403 : vector<128x1xf32> to vector<128x128xf32>
    %mul3A_408 = vector.broadcast %get3A_406 : vector<1x128xf32> to vector<128x128xf32>
    %mul3A_409 = arith.mulf %mul3A_407, %mul3A_408 : vector<128x128xf32>
    %get3A_410 = arith.constant 0 : index
    %get3A_411 = arith.constant 0 : index
    %get3A_412 = vector.load %arg3[%get3A_410, %get3A_411] : memref<1x128xf32, #tpu.memory_space<vmem>>, vector<1x128xf32>
    %add3A_413 = vector.broadcast %get3A_412 : vector<1x128xf32> to vector<128x128xf32>
    %add3A_414 = arith.addf %mul3A_409, %add3A_413 : vector<128x128xf32>
    %swap3A_415 = arith.constant 3456 : index
    %swap3A_416 = arith.constant 0 : index
    %swap3A_417 = vector.load %arg4[%swap3A_415, %swap3A_416] : memref<25600x128xf32, #tpu.memory_space<vmem>>, vector<128x128xf32>
    tpu.vector_store %arg4[%swap3A_415, %swap3A_416], %add3A_414 {strides = array<i32>} : memref<25600x128xf32, #tpu.memory_space<vmem>>, vector<128x128xf32>,
    %slice3A_418 = vector.extract_strided_slice %transpose3A {offsets = [0, 28], sizes = [128, 1], strides = [1, 1]} : vector<128x200xf32> to vector<128x1xf32>
    %get3A_419 = arith.constant 0 : index
    %get3A_420 = arith.constant 0 : index
    %get3A_421 = vector.load %arg2[%get3A_419, %get3A_420] : memref<1x128xf32, #tpu.memory_space<vmem>>, vector<1x128xf32>
    %mul3A_422 = vector.broadcast %slice3A_418 : vector<128x1xf32> to vector<128x128xf32>
    %mul3A_423 = vector.broadcast %get3A_421 : vector<1x128xf32> to vector<128x128xf32>
    %mul3A_424 = arith.mulf %mul3A_422, %mul3A_423 : vector<128x128xf32>
    %get3A_425 = arith.constant 0 : index
    %get3A_426 = arith.constant 0 : index
    %get3A_427 = vector.load %arg3[%get3A_425, %get3A_426] : memref<1x128xf32, #tpu.memory_space<vmem>>, vector<1x128xf32>
    %add3A_428 = vector.broadcast %get3A_427 : vector<1x128xf32> to vector<128x128xf32>
    %add3A_429 = arith.addf %mul3A_424, %add3A_428 : vector<128x128xf32>
    %swap3A_430 = arith.constant 3584 : index
    %swap3A_431 = arith.constant 0 : index
    %swap3A_432 = vector.load %arg4[%swap3A_430, %swap3A_431] : memref<25600x128xf32, #tpu.memory_space<vmem>>, vector<128x128xf32>
    tpu.vector_store %arg4[%swap3A_430, %swap3A_431], %add3A_429 {strides = array<i32>} : memref<25600x128xf32, #tpu.memory_space<vmem>>, vector<128x128xf32>,
    %slice3A_433 = vector.extract_strided_slice %transpose3A {offsets = [0, 29], sizes = [128, 1], strides = [1, 1]} : vector<128x200xf32> to vector<128x1xf32>
    %get3A_434 = arith.constant 0 : index
    %get3A_435 = arith.constant 0 : index
    %get3A_436 = vector.load %arg2[%get3A_434, %get3A_435] : memref<1x128xf32, #tpu.memory_space<vmem>>, vector<1x128xf32>
    %mul3A_437 = vector.broadcast %slice3A_433 : vector<128x1xf32> to vector<128x128xf32>
    %mul3A_438 = vector.broadcast %get3A_436 : vector<1x128xf32> to vector<128x128xf32>
    %mul3A_439 = arith.mulf %mul3A_437, %mul3A_438 : vector<128x128xf32>
    %get3A_440 = arith.constant 0 : index
    %get3A_441 = arith.constant 0 : index
    %get3A_442 = vector.load %arg3[%get3A_440, %get3A_441] : memref<1x128xf32, #tpu.memory_space<vmem>>, vector<1x128xf32>
    %add3A_443 = vector.broadcast %get3A_442 : vector<1x128xf32> to vector<128x128xf32>
    %add3A_444 = arith.addf %mul3A_439, %add3A_443 : vector<128x128xf32>
    %swap3A_445 = arith.constant 3712 : index
    %swap3A_446 = arith.constant 0 : index
    %swap3A_447 = vector.load %arg4[%swap3A_445, %swap3A_446] : memref<25600x128xf32, #tpu.memory_space<vmem>>, vector<128x128xf32>
    tpu.vector_store %arg4[%swap3A_445, %swap3A_446], %add3A_444 {strides = array<i32>} : memref<25600x128xf32, #tpu.memory_space<vmem>>, vector<128x128xf32>,
    %slice3A_448 = vector.extract_strided_slice %transpose3A {offsets = [0, 30], sizes = [128, 1], strides = [1, 1]} : vector<128x200xf32> to vector<128x1xf32>
    %get3A_449 = arith.constant 0 : index
    %get3A_450 = arith.constant 0 : index
    %get3A_451 = vector.load %arg2[%get3A_449, %get3A_450] : memref<1x128xf32, #tpu.memory_space<vmem>>, vector<1x128xf32>
    %mul3A_452 = vector.broadcast %slice3A_448 : vector<128x1xf32> to vector<128x128xf32>
    %mul3A_453 = vector.broadcast %get3A_451 : vector<1x128xf32> to vector<128x128xf32>
    %mul3A_454 = arith.mulf %mul3A_452, %mul3A_453 : vector<128x128xf32>
    %get3A_455 = arith.constant 0 : index
    %get3A_456 = arith.constant 0 : index
    %get3A_457 = vector.load %arg3[%get3A_455, %get3A_456] : memref<1x128xf32, #tpu.memory_space<vmem>>, vector<1x128xf32>
    %add3A_458 = vector.broadcast %get3A_457 : vector<1x128xf32> to vector<128x128xf32>
    %add3A_459 = arith.addf %mul3A_454, %add3A_458 : vector<128x128xf32>
    %swap3A_460 = arith.constant 3840 : index
    %swap3A_461 = arith.constant 0 : index
    %swap3A_462 = vector.load %arg4[%swap3A_460, %swap3A_461] : memref<25600x128xf32, #tpu.memory_space<vmem>>, vector<128x128xf32>
    tpu.vector_store %arg4[%swap3A_460, %swap3A_461], %add3A_459 {strides = array<i32>} : memref<25600x128xf32, #tpu.memory_space<vmem>>, vector<128x128xf32>,
    %slice3A_463 = vector.extract_strided_slice %transpose3A {offsets = [0, 31], sizes = [128, 1], strides = [1, 1]} : vector<128x200xf32> to vector<128x1xf32>
    %get3A_464 = arith.constant 0 : index
    %get3A_465 = arith.constant 0 : index
    %get3A_466 = vector.load %arg2[%get3A_464, %get3A_465] : memref<1x128xf32, #tpu.memory_space<vmem>>, vector<1x128xf32>
    %mul3A_467 = vector.broadcast %slice3A_463 : vector<128x1xf32> to vector<128x128xf32>
    %mul3A_468 = vector.broadcast %get3A_466 : vector<1x128xf32> to vector<128x128xf32>
    %mul3A_469 = arith.mulf %mul3A_467, %mul3A_468 : vector<128x128xf32>
    %get3A_470 = arith.constant 0 : index
    %get3A_471 = arith.constant 0 : index
    %get3A_472 = vector.load %arg3[%get3A_470, %get3A_471] : memref<1x128xf32, #tpu.memory_space<vmem>>, vector<1x128xf32>
    %add3A_473 = vector.broadcast %get3A_472 : vector<1x128xf32> to vector<128x128xf32>
    %add3A_474 = arith.addf %mul3A_469, %add3A_473 : vector<128x128xf32>
    %swap3A_475 = arith.constant 3968 : index
    %swap3A_476 = arith.constant 0 : index
    %swap3A_477 = vector.load %arg4[%swap3A_475, %swap3A_476] : memref<25600x128xf32, #tpu.memory_space<vmem>>, vector<128x128xf32>
    tpu.vector_store %arg4[%swap3A_475, %swap3A_476], %add3A_474 {strides = array<i32>} : memref<25600x128xf32, #tpu.memory_space<vmem>>, vector<128x128xf32>,
    %slice3A_478 = vector.extract_strided_slice %transpose3A {offsets = [0, 32], sizes = [128, 1], strides = [1, 1]} : vector<128x200xf32> to vector<128x1xf32>
    %get3A_479 = arith.constant 0 : index
    %get3A_480 = arith.constant 0 : index
    %get3A_481 = vector.load %arg2[%get3A_479, %get3A_480] : memref<1x128xf32, #tpu.memory_space<vmem>>, vector<1x128xf32>
    %mul3A_482 = vector.broadcast %slice3A_478 : vector<128x1xf32> to vector<128x128xf32>
    %mul3A_483 = vector.broadcast %get3A_481 : vector<1x128xf32> to vector<128x128xf32>
    %mul3A_484 = arith.mulf %mul3A_482, %mul3A_483 : vector<128x128xf32>
    %get3A_485 = arith.constant 0 : index
    %get3A_486 = arith.constant 0 : index
    %get3A_487 = vector.load %arg3[%get3A_485, %get3A_486] : memref<1x128xf32, #tpu.memory_space<vmem>>, vector<1x128xf32>
    %add3A_488 = vector.broadcast %get3A_487 : vector<1x128xf32> to vector<128x128xf32>
    %add3A_489 = arith.addf %mul3A_484, %add3A_488 : vector<128x128xf32>
    %swap3A_490 = arith.constant 4096 : index
    %swap3A_491 = arith.constant 0 : index
    %swap3A_492 = vector.load %arg4[%swap3A_490, %swap3A_491] : memref<25600x128xf32, #tpu.memory_space<vmem>>, vector<128x128xf32>
    tpu.vector_store %arg4[%swap3A_490, %swap3A_491], %add3A_489 {strides = array<i32>} : memref<25600x128xf32, #tpu.memory_space<vmem>>, vector<128x128xf32>,
    %slice3A_493 = vector.extract_strided_slice %transpose3A {offsets = [0, 33], sizes = [128, 1], strides = [1, 1]} : vector<128x200xf32> to vector<128x1xf32>
    %get3A_494 = arith.constant 0 : index
    %get3A_495 = arith.constant 0 : index
    %get3A_496 = vector.load %arg2[%get3A_494, %get3A_495] : memref<1x128xf32, #tpu.memory_space<vmem>>, vector<1x128xf32>
    %mul3A_497 = vector.broadcast %slice3A_493 : vector<128x1xf32> to vector<128x128xf32>
    %mul3A_498 = vector.broadcast %get3A_496 : vector<1x128xf32> to vector<128x128xf32>
    %mul3A_499 = arith.mulf %mul3A_497, %mul3A_498 : vector<128x128xf32>
    %get3A_500 = arith.constant 0 : index
    %get3A_501 = arith.constant 0 : index
    %get3A_502 = vector.load %arg3[%get3A_500, %get3A_501] : memref<1x128xf32, #tpu.memory_space<vmem>>, vector<1x128xf32>
    %add3A_503 = vector.broadcast %get3A_502 : vector<1x128xf32> to vector<128x128xf32>
    %add3A_504 = arith.addf %mul3A_499, %add3A_503 : vector<128x128xf32>
    %swap3A_505 = arith.constant 4224 : index
    %swap3A_506 = arith.constant 0 : index
    %swap3A_507 = vector.load %arg4[%swap3A_505, %swap3A_506] : memref<25600x128xf32, #tpu.memory_space<vmem>>, vector<128x128xf32>
    tpu.vector_store %arg4[%swap3A_505, %swap3A_506], %add3A_504 {strides = array<i32>} : memref<25600x128xf32, #tpu.memory_space<vmem>>, vector<128x128xf32>,
    %slice3A_508 = vector.extract_strided_slice %transpose3A {offsets = [0, 34], sizes = [128, 1], strides = [1, 1]} : vector<128x200xf32> to vector<128x1xf32>
    %get3A_509 = arith.constant 0 : index
    %get3A_510 = arith.constant 0 : index
    %get3A_511 = vector.load %arg2[%get3A_509, %get3A_510] : memref<1x128xf32, #tpu.memory_space<vmem>>, vector<1x128xf32>
    %mul3A_512 = vector.broadcast %slice3A_508 : vector<128x1xf32> to vector<128x128xf32>
    %mul3A_513 = vector.broadcast %get3A_511 : vector<1x128xf32> to vector<128x128xf32>
    %mul3A_514 = arith.mulf %mul3A_512, %mul3A_513 : vector<128x128xf32>
    %get3A_515 = arith.constant 0 : index
    %get3A_516 = arith.constant 0 : index
    %get3A_517 = vector.load %arg3[%get3A_515, %get3A_516] : memref<1x128xf32, #tpu.memory_space<vmem>>, vector<1x128xf32>
    %add3A_518 = vector.broadcast %get3A_517 : vector<1x128xf32> to vector<128x128xf32>
    %add3A_519 = arith.addf %mul3A_514, %add3A_518 : vector<128x128xf32>
    %swap3A_520 = arith.constant 4352 : index
    %swap3A_521 = arith.constant 0 : index
    %swap3A_522 = vector.load %arg4[%swap3A_520, %swap3A_521] : memref<25600x128xf32, #tpu.memory_space<vmem>>, vector<128x128xf32>
    tpu.vector_store %arg4[%swap3A_520, %swap3A_521], %add3A_519 {strides = array<i32>} : memref<25600x128xf32, #tpu.memory_space<vmem>>, vector<128x128xf32>,
    %slice3A_523 = vector.extract_strided_slice %transpose3A {offsets = [0, 35], sizes = [128, 1], strides = [1, 1]} : vector<128x200xf32> to vector<128x1xf32>
    %get3A_524 = arith.constant 0 : index
    %get3A_525 = arith.constant 0 : index
    %get3A_526 = vector.load %arg2[%get3A_524, %get3A_525] : memref<1x128xf32, #tpu.memory_space<vmem>>, vector<1x128xf32>
    %mul3A_527 = vector.broadcast %slice3A_523 : vector<128x1xf32> to vector<128x128xf32>
    %mul3A_528 = vector.broadcast %get3A_526 : vector<1x128xf32> to vector<128x128xf32>
    %mul3A_529 = arith.mulf %mul3A_527, %mul3A_528 : vector<128x128xf32>
    %get3A_530 = arith.constant 0 : index
    %get3A_531 = arith.constant 0 : index
    %get3A_532 = vector.load %arg3[%get3A_530, %get3A_531] : memref<1x128xf32, #tpu.memory_space<vmem>>, vector<1x128xf32>
    %add3A_533 = vector.broadcast %get3A_532 : vector<1x128xf32> to vector<128x128xf32>
    %add3A_534 = arith.addf %mul3A_529, %add3A_533 : vector<128x128xf32>
    %swap3A_535 = arith.constant 4480 : index
    %swap3A_536 = arith.constant 0 : index
    %swap3A_537 = vector.load %arg4[%swap3A_535, %swap3A_536] : memref<25600x128xf32, #tpu.memory_space<vmem>>, vector<128x128xf32>
    tpu.vector_store %arg4[%swap3A_535, %swap3A_536], %add3A_534 {strides = array<i32>} : memref<25600x128xf32, #tpu.memory_space<vmem>>, vector<128x128xf32>,
    %slice3A_538 = vector.extract_strided_slice %transpose3A {offsets = [0, 36], sizes = [128, 1], strides = [1, 1]} : vector<128x200xf32> to vector<128x1xf32>
    %get3A_539 = arith.constant 0 : index
    %get3A_540 = arith.constant 0 : index
    %get3A_541 = vector.load %arg2[%get3A_539, %get3A_540] : memref<1x128xf32, #tpu.memory_space<vmem>>, vector<1x128xf32>
    %mul3A_542 = vector.broadcast %slice3A_538 : vector<128x1xf32> to vector<128x128xf32>
    %mul3A_543 = vector.broadcast %get3A_541 : vector<1x128xf32> to vector<128x128xf32>
    %mul3A_544 = arith.mulf %mul3A_542, %mul3A_543 : vector<128x128xf32>
    %get3A_545 = arith.constant 0 : index
    %get3A_546 = arith.constant 0 : index
    %get3A_547 = vector.load %arg3[%get3A_545, %get3A_546] : memref<1x128xf32, #tpu.memory_space<vmem>>, vector<1x128xf32>
    %add3A_548 = vector.broadcast %get3A_547 : vector<1x128xf32> to vector<128x128xf32>
    %add3A_549 = arith.addf %mul3A_544, %add3A_548 : vector<128x128xf32>
    %swap3A_550 = arith.constant 4608 : index
    %swap3A_551 = arith.constant 0 : index
    %swap3A_552 = vector.load %arg4[%swap3A_550, %swap3A_551] : memref<25600x128xf32, #tpu.memory_space<vmem>>, vector<128x128xf32>
    tpu.vector_store %arg4[%swap3A_550, %swap3A_551], %add3A_549 {strides = array<i32>} : memref<25600x128xf32, #tpu.memory_space<vmem>>, vector<128x128xf32>,
    %slice3A_553 = vector.extract_strided_slice %transpose3A {offsets = [0, 37], sizes = [128, 1], strides = [1, 1]} : vector<128x200xf32> to vector<128x1xf32>
    %get3A_554 = arith.constant 0 : index
    %get3A_555 = arith.constant 0 : index
    %get3A_556 = vector.load %arg2[%get3A_554, %get3A_555] : memref<1x128xf32, #tpu.memory_space<vmem>>, vector<1x128xf32>
    %mul3A_557 = vector.broadcast %slice3A_553 : vector<128x1xf32> to vector<128x128xf32>
    %mul3A_558 = vector.broadcast %get3A_556 : vector<1x128xf32> to vector<128x128xf32>
    %mul3A_559 = arith.mulf %mul3A_557, %mul3A_558 : vector<128x128xf32>
    %get3A_560 = arith.constant 0 : index
    %get3A_561 = arith.constant 0 : index
    %get3A_562 = vector.load %arg3[%get3A_560, %get3A_561] : memref<1x128xf32, #tpu.memory_space<vmem>>, vector<1x128xf32>
    %add3A_563 = vector.broadcast %get3A_562 : vector<1x128xf32> to vector<128x128xf32>
    %add3A_564 = arith.addf %mul3A_559, %add3A_563 : vector<128x128xf32>
    %swap3A_565 = arith.constant 4736 : index
    %swap3A_566 = arith.constant 0 : index
    %swap3A_567 = vector.load %arg4[%swap3A_565, %swap3A_566] : memref<25600x128xf32, #tpu.memory_space<vmem>>, vector<128x128xf32>
    tpu.vector_store %arg4[%swap3A_565, %swap3A_566], %add3A_564 {strides = array<i32>} : memref<25600x128xf32, #tpu.memory_space<vmem>>, vector<128x128xf32>,
    %slice3A_568 = vector.extract_strided_slice %transpose3A {offsets = [0, 38], sizes = [128, 1], strides = [1, 1]} : vector<128x200xf32> to vector<128x1xf32>
    %get3A_569 = arith.constant 0 : index
    %get3A_570 = arith.constant 0 : index
    %get3A_571 = vector.load %arg2[%get3A_569, %get3A_570] : memref<1x128xf32, #tpu.memory_space<vmem>>, vector<1x128xf32>
    %mul3A_572 = vector.broadcast %slice3A_568 : vector<128x1xf32> to vector<128x128xf32>
    %mul3A_573 = vector.broadcast %get3A_571 : vector<1x128xf32> to vector<128x128xf32>
    %mul3A_574 = arith.mulf %mul3A_572, %mul3A_573 : vector<128x128xf32>
    %get3A_575 = arith.constant 0 : index
    %get3A_576 = arith.constant 0 : index
    %get3A_577 = vector.load %arg3[%get3A_575, %get3A_576] : memref<1x128xf32, #tpu.memory_space<vmem>>, vector<1x128xf32>
    %add3A_578 = vector.broadcast %get3A_577 : vector<1x128xf32> to vector<128x128xf32>
    %add3A_579 = arith.addf %mul3A_574, %add3A_578 : vector<128x128xf32>
    %swap3A_580 = arith.constant 4864 : index
    %swap3A_581 = arith.constant 0 : index
    %swap3A_582 = vector.load %arg4[%swap3A_580, %swap3A_581] : memref<25600x128xf32, #tpu.memory_space<vmem>>, vector<128x128xf32>
    tpu.vector_store %arg4[%swap3A_580, %swap3A_581], %add3A_579 {strides = array<i32>} : memref<25600x128xf32, #tpu.memory_space<vmem>>, vector<128x128xf32>,
    %slice3A_583 = vector.extract_strided_slice %transpose3A {offsets = [0, 39], sizes = [128, 1], strides = [1, 1]} : vector<128x200xf32> to vector<128x1xf32>
    %get3A_584 = arith.constant 0 : index
    %get3A_585 = arith.constant 0 : index
    %get3A_586 = vector.load %arg2[%get3A_584, %get3A_585] : memref<1x128xf32, #tpu.memory_space<vmem>>, vector<1x128xf32>
    %mul3A_587 = vector.broadcast %slice3A_583 : vector<128x1xf32> to vector<128x128xf32>
    %mul3A_588 = vector.broadcast %get3A_586 : vector<1x128xf32> to vector<128x128xf32>
    %mul3A_589 = arith.mulf %mul3A_587, %mul3A_588 : vector<128x128xf32>
    %get3A_590 = arith.constant 0 : index
    %get3A_591 = arith.constant 0 : index
    %get3A_592 = vector.load %arg3[%get3A_590, %get3A_591] : memref<1x128xf32, #tpu.memory_space<vmem>>, vector<1x128xf32>
    %add3A_593 = vector.broadcast %get3A_592 : vector<1x128xf32> to vector<128x128xf32>
    %add3A_594 = arith.addf %mul3A_589, %add3A_593 : vector<128x128xf32>
    %swap3A_595 = arith.constant 4992 : index
    %swap3A_596 = arith.constant 0 : index
    %swap3A_597 = vector.load %arg4[%swap3A_595, %swap3A_596] : memref<25600x128xf32, #tpu.memory_space<vmem>>, vector<128x128xf32>
    tpu.vector_store %arg4[%swap3A_595, %swap3A_596], %add3A_594 {strides = array<i32>} : memref<25600x128xf32, #tpu.memory_space<vmem>>, vector<128x128xf32>,
    %slice3A_598 = vector.extract_strided_slice %transpose3A {offsets = [0, 40], sizes = [128, 1], strides = [1, 1]} : vector<128x200xf32> to vector<128x1xf32>
    %get3A_599 = arith.constant 0 : index
    %get3A_600 = arith.constant 0 : index
    %get3A_601 = vector.load %arg2[%get3A_599, %get3A_600] : memref<1x128xf32, #tpu.memory_space<vmem>>, vector<1x128xf32>
    %mul3A_602 = vector.broadcast %slice3A_598 : vector<128x1xf32> to vector<128x128xf32>
    %mul3A_603 = vector.broadcast %get3A_601 : vector<1x128xf32> to vector<128x128xf32>
    %mul3A_604 = arith.mulf %mul3A_602, %mul3A_603 : vector<128x128xf32>
    %get3A_605 = arith.constant 0 : index
    %get3A_606 = arith.constant 0 : index
    %get3A_607 = vector.load %arg3[%get3A_605, %get3A_606] : memref<1x128xf32, #tpu.memory_space<vmem>>, vector<1x128xf32>
    %add3A_608 = vector.broadcast %get3A_607 : vector<1x128xf32> to vector<128x128xf32>
    %add3A_609 = arith.addf %mul3A_604, %add3A_608 : vector<128x128xf32>
    %swap3A_610 = arith.constant 5120 : index
    %swap3A_611 = arith.constant 0 : index
    %swap3A_612 = vector.load %arg4[%swap3A_610, %swap3A_611] : memref<25600x128xf32, #tpu.memory_space<vmem>>, vector<128x128xf32>
    tpu.vector_store %arg4[%swap3A_610, %swap3A_611], %add3A_609 {strides = array<i32>} : memref<25600x128xf32, #tpu.memory_space<vmem>>, vector<128x128xf32>,
    %slice3A_613 = vector.extract_strided_slice %transpose3A {offsets = [0, 41], sizes = [128, 1], strides = [1, 1]} : vector<128x200xf32> to vector<128x1xf32>
    %get3A_614 = arith.constant 0 : index
    %get3A_615 = arith.constant 0 : index
    %get3A_616 = vector.load %arg2[%get3A_614, %get3A_615] : memref<1x128xf32, #tpu.memory_space<vmem>>, vector<1x128xf32>
    %mul3A_617 = vector.broadcast %slice3A_613 : vector<128x1xf32> to vector<128x128xf32>
    %mul3A_618 = vector.broadcast %get3A_616 : vector<1x128xf32> to vector<128x128xf32>
    %mul3A_619 = arith.mulf %mul3A_617, %mul3A_618 : vector<128x128xf32>
    %get3A_620 = arith.constant 0 : index
    %get3A_621 = arith.constant 0 : index
    %get3A_622 = vector.load %arg3[%get3A_620, %get3A_621] : memref<1x128xf32, #tpu.memory_space<vmem>>, vector<1x128xf32>
    %add3A_623 = vector.broadcast %get3A_622 : vector<1x128xf32> to vector<128x128xf32>
    %add3A_624 = arith.addf %mul3A_619, %add3A_623 : vector<128x128xf32>
    %swap3A_625 = arith.constant 5248 : index
    %swap3A_626 = arith.constant 0 : index
    %swap3A_627 = vector.load %arg4[%swap3A_625, %swap3A_626] : memref<25600x128xf32, #tpu.memory_space<vmem>>, vector<128x128xf32>
    tpu.vector_store %arg4[%swap3A_625, %swap3A_626], %add3A_624 {strides = array<i32>} : memref<25600x128xf32, #tpu.memory_space<vmem>>, vector<128x128xf32>,
    %slice3A_628 = vector.extract_strided_slice %transpose3A {offsets = [0, 42], sizes = [128, 1], strides = [1, 1]} : vector<128x200xf32> to vector<128x1xf32>
    %get3A_629 = arith.constant 0 : index
    %get3A_630 = arith.constant 0 : index
    %get3A_631 = vector.load %arg2[%get3A_629, %get3A_630] : memref<1x128xf32, #tpu.memory_space<vmem>>, vector<1x128xf32>
    %mul3A_632 = vector.broadcast %slice3A_628 : vector<128x1xf32> to vector<128x128xf32>
    %mul3A_633 = vector.broadcast %get3A_631 : vector<1x128xf32> to vector<128x128xf32>
    %mul3A_634 = arith.mulf %mul3A_632, %mul3A_633 : vector<128x128xf32>
    %get3A_635 = arith.constant 0 : index
    %get3A_636 = arith.constant 0 : index
    %get3A_637 = vector.load %arg3[%get3A_635, %get3A_636] : memref<1x128xf32, #tpu.memory_space<vmem>>, vector<1x128xf32>
    %add3A_638 = vector.broadcast %get3A_637 : vector<1x128xf32> to vector<128x128xf32>
    %add3A_639 = arith.addf %mul3A_634, %add3A_638 : vector<128x128xf32>
    %swap3A_640 = arith.constant 5376 : index
    %swap3A_641 = arith.constant 0 : index
    %swap3A_642 = vector.load %arg4[%swap3A_640, %swap3A_641] : memref<25600x128xf32, #tpu.memory_space<vmem>>, vector<128x128xf32>
    tpu.vector_store %arg4[%swap3A_640, %swap3A_641], %add3A_639 {strides = array<i32>} : memref<25600x128xf32, #tpu.memory_space<vmem>>, vector<128x128xf32>,
    %slice3A_643 = vector.extract_strided_slice %transpose3A {offsets = [0, 43], sizes = [128, 1], strides = [1, 1]} : vector<128x200xf32> to vector<128x1xf32>
    %get3A_644 = arith.constant 0 : index
    %get3A_645 = arith.constant 0 : index
    %get3A_646 = vector.load %arg2[%get3A_644, %get3A_645] : memref<1x128xf32, #tpu.memory_space<vmem>>, vector<1x128xf32>
    %mul3A_647 = vector.broadcast %slice3A_643 : vector<128x1xf32> to vector<128x128xf32>
    %mul3A_648 = vector.broadcast %get3A_646 : vector<1x128xf32> to vector<128x128xf32>
    %mul3A_649 = arith.mulf %mul3A_647, %mul3A_648 : vector<128x128xf32>
    %get3A_650 = arith.constant 0 : index
    %get3A_651 = arith.constant 0 : index
    %get3A_652 = vector.load %arg3[%get3A_650, %get3A_651] : memref<1x128xf32, #tpu.memory_space<vmem>>, vector<1x128xf32>
    %add3A_653 = vector.broadcast %get3A_652 : vector<1x128xf32> to vector<128x128xf32>
    %add3A_654 = arith.addf %mul3A_649, %add3A_653 : vector<128x128xf32>
    %swap3A_655 = arith.constant 5504 : index
    %swap3A_656 = arith.constant 0 : index
    %swap3A_657 = vector.load %arg4[%swap3A_655, %swap3A_656] : memref<25600x128xf32, #tpu.memory_space<vmem>>, vector<128x128xf32>
    tpu.vector_store %arg4[%swap3A_655, %swap3A_656], %add3A_654 {strides = array<i32>} : memref<25600x128xf32, #tpu.memory_space<vmem>>, vector<128x128xf32>,
    %slice3A_658 = vector.extract_strided_slice %transpose3A {offsets = [0, 44], sizes = [128, 1], strides = [1, 1]} : vector<128x200xf32> to vector<128x1xf32>
    %get3A_659 = arith.constant 0 : index
    %get3A_660 = arith.constant 0 : index
    %get3A_661 = vector.load %arg2[%get3A_659, %get3A_660] : memref<1x128xf32, #tpu.memory_space<vmem>>, vector<1x128xf32>
    %mul3A_662 = vector.broadcast %slice3A_658 : vector<128x1xf32> to vector<128x128xf32>
    %mul3A_663 = vector.broadcast %get3A_661 : vector<1x128xf32> to vector<128x128xf32>
    %mul3A_664 = arith.mulf %mul3A_662, %mul3A_663 : vector<128x128xf32>
    %get3A_665 = arith.constant 0 : index
    %get3A_666 = arith.constant 0 : index
    %get3A_667 = vector.load %arg3[%get3A_665, %get3A_666] : memref<1x128xf32, #tpu.memory_space<vmem>>, vector<1x128xf32>
    %add3A_668 = vector.broadcast %get3A_667 : vector<1x128xf32> to vector<128x128xf32>
    %add3A_669 = arith.addf %mul3A_664, %add3A_668 : vector<128x128xf32>
    %swap3A_670 = arith.constant 5632 : index
    %swap3A_671 = arith.constant 0 : index
    %swap3A_672 = vector.load %arg4[%swap3A_670, %swap3A_671] : memref<25600x128xf32, #tpu.memory_space<vmem>>, vector<128x128xf32>
    tpu.vector_store %arg4[%swap3A_670, %swap3A_671], %add3A_669 {strides = array<i32>} : memref<25600x128xf32, #tpu.memory_space<vmem>>, vector<128x128xf32>,
    %slice3A_673 = vector.extract_strided_slice %transpose3A {offsets = [0, 45], sizes = [128, 1], strides = [1, 1]} : vector<128x200xf32> to vector<128x1xf32>
    %get3A_674 = arith.constant 0 : index
    %get3A_675 = arith.constant 0 : index
    %get3A_676 = vector.load %arg2[%get3A_674, %get3A_675] : memref<1x128xf32, #tpu.memory_space<vmem>>, vector<1x128xf32>
    %mul3A_677 = vector.broadcast %slice3A_673 : vector<128x1xf32> to vector<128x128xf32>
    %mul3A_678 = vector.broadcast %get3A_676 : vector<1x128xf32> to vector<128x128xf32>
    %mul3A_679 = arith.mulf %mul3A_677, %mul3A_678 : vector<128x128xf32>
    %get3A_680 = arith.constant 0 : index
    %get3A_681 = arith.constant 0 : index
    %get3A_682 = vector.load %arg3[%get3A_680, %get3A_681] : memref<1x128xf32, #tpu.memory_space<vmem>>, vector<1x128xf32>
    %add3A_683 = vector.broadcast %get3A_682 : vector<1x128xf32> to vector<128x128xf32>
    %add3A_684 = arith.addf %mul3A_679, %add3A_683 : vector<128x128xf32>
    %swap3A_685 = arith.constant 5760 : index
    %swap3A_686 = arith.constant 0 : index
    %swap3A_687 = vector.load %arg4[%swap3A_685, %swap3A_686] : memref<25600x128xf32, #tpu.memory_space<vmem>>, vector<128x128xf32>
    tpu.vector_store %arg4[%swap3A_685, %swap3A_686], %add3A_684 {strides = array<i32>} : memref<25600x128xf32, #tpu.memory_space<vmem>>, vector<128x128xf32>,
    %slice3A_688 = vector.extract_strided_slice %transpose3A {offsets = [0, 46], sizes = [128, 1], strides = [1, 1]} : vector<128x200xf32> to vector<128x1xf32>
    %get3A_689 = arith.constant 0 : index
    %get3A_690 = arith.constant 0 : index
    %get3A_691 = vector.load %arg2[%get3A_689, %get3A_690] : memref<1x128xf32, #tpu.memory_space<vmem>>, vector<1x128xf32>
    %mul3A_692 = vector.broadcast %slice3A_688 : vector<128x1xf32> to vector<128x128xf32>
    %mul3A_693 = vector.broadcast %get3A_691 : vector<1x128xf32> to vector<128x128xf32>
    %mul3A_694 = arith.mulf %mul3A_692, %mul3A_693 : vector<128x128xf32>
    %get3A_695 = arith.constant 0 : index
    %get3A_696 = arith.constant 0 : index
    %get3A_697 = vector.load %arg3[%get3A_695, %get3A_696] : memref<1x128xf32, #tpu.memory_space<vmem>>, vector<1x128xf32>
    %add3A_698 = vector.broadcast %get3A_697 : vector<1x128xf32> to vector<128x128xf32>
    %add3A_699 = arith.addf %mul3A_694, %add3A_698 : vector<128x128xf32>
    %swap3A_700 = arith.constant 5888 : index
    %swap3A_701 = arith.constant 0 : index
    %swap3A_702 = vector.load %arg4[%swap3A_700, %swap3A_701] : memref<25600x128xf32, #tpu.memory_space<vmem>>, vector<128x128xf32>
    tpu.vector_store %arg4[%swap3A_700, %swap3A_701], %add3A_699 {strides = array<i32>} : memref<25600x128xf32, #tpu.memory_space<vmem>>, vector<128x128xf32>,
    %slice3A_703 = vector.extract_strided_slice %transpose3A {offsets = [0, 47], sizes = [128, 1], strides = [1, 1]} : vector<128x200xf32> to vector<128x1xf32>
    %get3A_704 = arith.constant 0 : index
    %get3A_705 = arith.constant 0 : index
    %get3A_706 = vector.load %arg2[%get3A_704, %get3A_705] : memref<1x128xf32, #tpu.memory_space<vmem>>, vector<1x128xf32>
    %mul3A_707 = vector.broadcast %slice3A_703 : vector<128x1xf32> to vector<128x128xf32>
    %mul3A_708 = vector.broadcast %get3A_706 : vector<1x128xf32> to vector<128x128xf32>
    %mul3A_709 = arith.mulf %mul3A_707, %mul3A_708 : vector<128x128xf32>
    %get3A_710 = arith.constant 0 : index
    %get3A_711 = arith.constant 0 : index
    %get3A_712 = vector.load %arg3[%get3A_710, %get3A_711] : memref<1x128xf32, #tpu.memory_space<vmem>>, vector<1x128xf32>
    %add3A_713 = vector.broadcast %get3A_712 : vector<1x128xf32> to vector<128x128xf32>
    %add3A_714 = arith.addf %mul3A_709, %add3A_713 : vector<128x128xf32>
    %swap3A_715 = arith.constant 6016 : index
    %swap3A_716 = arith.constant 0 : index
    %swap3A_717 = vector.load %arg4[%swap3A_715, %swap3A_716] : memref<25600x128xf32, #tpu.memory_space<vmem>>, vector<128x128xf32>
    tpu.vector_store %arg4[%swap3A_715, %swap3A_716], %add3A_714 {strides = array<i32>} : memref<25600x128xf32, #tpu.memory_space<vmem>>, vector<128x128xf32>,
    %slice3A_718 = vector.extract_strided_slice %transpose3A {offsets = [0, 48], sizes = [128, 1], strides = [1, 1]} : vector<128x200xf32> to vector<128x1xf32>
    %get3A_719 = arith.constant 0 : index
    %get3A_720 = arith.constant 0 : index
    %get3A_721 = vector.load %arg2[%get3A_719, %get3A_720] : memref<1x128xf32, #tpu.memory_space<vmem>>, vector<1x128xf32>
    %mul3A_722 = vector.broadcast %slice3A_718 : vector<128x1xf32> to vector<128x128xf32>
    %mul3A_723 = vector.broadcast %get3A_721 : vector<1x128xf32> to vector<128x128xf32>
    %mul3A_724 = arith.mulf %mul3A_722, %mul3A_723 : vector<128x128xf32>
    %get3A_725 = arith.constant 0 : index
    %get3A_726 = arith.constant 0 : index
    %get3A_727 = vector.load %arg3[%get3A_725, %get3A_726] : memref<1x128xf32, #tpu.memory_space<vmem>>, vector<1x128xf32>
    %add3A_728 = vector.broadcast %get3A_727 : vector<1x128xf32> to vector<128x128xf32>
    %add3A_729 = arith.addf %mul3A_724, %add3A_728 : vector<128x128xf32>
    %swap3A_730 = arith.constant 6144 : index
    %swap3A_731 = arith.constant 0 : index
    %swap3A_732 = vector.load %arg4[%swap3A_730, %swap3A_731] : memref<25600x128xf32, #tpu.memory_space<vmem>>, vector<128x128xf32>
    tpu.vector_store %arg4[%swap3A_730, %swap3A_731], %add3A_729 {strides = array<i32>} : memref<25600x128xf32, #tpu.memory_space<vmem>>, vector<128x128xf32>,
    %slice3A_733 = vector.extract_strided_slice %transpose3A {offsets = [0, 49], sizes = [128, 1], strides = [1, 1]} : vector<128x200xf32> to vector<128x1xf32>
    %get3A_734 = arith.constant 0 : index
    %get3A_735 = arith.constant 0 : index
    %get3A_736 = vector.load %arg2[%get3A_734, %get3A_735] : memref<1x128xf32, #tpu.memory_space<vmem>>, vector<1x128xf32>
    %mul3A_737 = vector.broadcast %slice3A_733 : vector<128x1xf32> to vector<128x128xf32>
    %mul3A_738 = vector.broadcast %get3A_736 : vector<1x128xf32> to vector<128x128xf32>
    %mul3A_739 = arith.mulf %mul3A_737, %mul3A_738 : vector<128x128xf32>
    %get3A_740 = arith.constant 0 : index
    %get3A_741 = arith.constant 0 : index
    %get3A_742 = vector.load %arg3[%get3A_740, %get3A_741] : memref<1x128xf32, #tpu.memory_space<vmem>>, vector<1x128xf32>
    %add3A_743 = vector.broadcast %get3A_742 : vector<1x128xf32> to vector<128x128xf32>
    %add3A_744 = arith.addf %mul3A_739, %add3A_743 : vector<128x128xf32>
    %swap3A_745 = arith.constant 6272 : index
    %swap3A_746 = arith.constant 0 : index
    %swap3A_747 = vector.load %arg4[%swap3A_745, %swap3A_746] : memref<25600x128xf32, #tpu.memory_space<vmem>>, vector<128x128xf32>
    tpu.vector_store %arg4[%swap3A_745, %swap3A_746], %add3A_744 {strides = array<i32>} : memref<25600x128xf32, #tpu.memory_space<vmem>>, vector<128x128xf32>,
    %slice3A_748 = vector.extract_strided_slice %transpose3A {offsets = [0, 50], sizes = [128, 1], strides = [1, 1]} : vector<128x200xf32> to vector<128x1xf32>
    %get3A_749 = arith.constant 0 : index
    %get3A_750 = arith.constant 0 : index
    %get3A_751 = vector.load %arg2[%get3A_749, %get3A_750] : memref<1x128xf32, #tpu.memory_space<vmem>>, vector<1x128xf32>
    %mul3A_752 = vector.broadcast %slice3A_748 : vector<128x1xf32> to vector<128x128xf32>
    %mul3A_753 = vector.broadcast %get3A_751 : vector<1x128xf32> to vector<128x128xf32>
    %mul3A_754 = arith.mulf %mul3A_752, %mul3A_753 : vector<128x128xf32>
    %get3A_755 = arith.constant 0 : index
    %get3A_756 = arith.constant 0 : index
    %get3A_757 = vector.load %arg3[%get3A_755, %get3A_756] : memref<1x128xf32, #tpu.memory_space<vmem>>, vector<1x128xf32>
    %add3A_758 = vector.broadcast %get3A_757 : vector<1x128xf32> to vector<128x128xf32>
    %add3A_759 = arith.addf %mul3A_754, %add3A_758 : vector<128x128xf32>
    %swap3A_760 = arith.constant 6400 : index
    %swap3A_761 = arith.constant 0 : index
    %swap3A_762 = vector.load %arg4[%swap3A_760, %swap3A_761] : memref<25600x128xf32, #tpu.memory_space<vmem>>, vector<128x128xf32>
    tpu.vector_store %arg4[%swap3A_760, %swap3A_761], %add3A_759 {strides = array<i32>} : memref<25600x128xf32, #tpu.memory_space<vmem>>, vector<128x128xf32>,
    %slice3A_763 = vector.extract_strided_slice %transpose3A {offsets = [0, 51], sizes = [128, 1], strides = [1, 1]} : vector<128x200xf32> to vector<128x1xf32>
    %get3A_764 = arith.constant 0 : index
    %get3A_765 = arith.constant 0 : index
    %get3A_766 = vector.load %arg2[%get3A_764, %get3A_765] : memref<1x128xf32, #tpu.memory_space<vmem>>, vector<1x128xf32>
    %mul3A_767 = vector.broadcast %slice3A_763 : vector<128x1xf32> to vector<128x128xf32>
    %mul3A_768 = vector.broadcast %get3A_766 : vector<1x128xf32> to vector<128x128xf32>
    %mul3A_769 = arith.mulf %mul3A_767, %mul3A_768 : vector<128x128xf32>
    %get3A_770 = arith.constant 0 : index
    %get3A_771 = arith.constant 0 : index
    %get3A_772 = vector.load %arg3[%get3A_770, %get3A_771] : memref<1x128xf32, #tpu.memory_space<vmem>>, vector<1x128xf32>
    %add3A_773 = vector.broadcast %get3A_772 : vector<1x128xf32> to vector<128x128xf32>
    %add3A_774 = arith.addf %mul3A_769, %add3A_773 : vector<128x128xf32>
    %swap3A_775 = arith.constant 6528 : index
    %swap3A_776 = arith.constant 0 : index
    %swap3A_777 = vector.load %arg4[%swap3A_775, %swap3A_776] : memref<25600x128xf32, #tpu.memory_space<vmem>>, vector<128x128xf32>
    tpu.vector_store %arg4[%swap3A_775, %swap3A_776], %add3A_774 {strides = array<i32>} : memref<25600x128xf32, #tpu.memory_space<vmem>>, vector<128x128xf32>,
    %slice3A_778 = vector.extract_strided_slice %transpose3A {offsets = [0, 52], sizes = [128, 1], strides = [1, 1]} : vector<128x200xf32> to vector<128x1xf32>
    %get3A_779 = arith.constant 0 : index
    %get3A_780 = arith.constant 0 : index
    %get3A_781 = vector.load %arg2[%get3A_779, %get3A_780] : memref<1x128xf32, #tpu.memory_space<vmem>>, vector<1x128xf32>
    %mul3A_782 = vector.broadcast %slice3A_778 : vector<128x1xf32> to vector<128x128xf32>
    %mul3A_783 = vector.broadcast %get3A_781 : vector<1x128xf32> to vector<128x128xf32>
    %mul3A_784 = arith.mulf %mul3A_782, %mul3A_783 : vector<128x128xf32>
    %get3A_785 = arith.constant 0 : index
    %get3A_786 = arith.constant 0 : index
    %get3A_787 = vector.load %arg3[%get3A_785, %get3A_786] : memref<1x128xf32, #tpu.memory_space<vmem>>, vector<1x128xf32>
    %add3A_788 = vector.broadcast %get3A_787 : vector<1x128xf32> to vector<128x128xf32>
    %add3A_789 = arith.addf %mul3A_784, %add3A_788 : vector<128x128xf32>
    %swap3A_790 = arith.constant 6656 : index
    %swap3A_791 = arith.constant 0 : index
    %swap3A_792 = vector.load %arg4[%swap3A_790, %swap3A_791] : memref<25600x128xf32, #tpu.memory_space<vmem>>, vector<128x128xf32>
    tpu.vector_store %arg4[%swap3A_790, %swap3A_791], %add3A_789 {strides = array<i32>} : memref<25600x128xf32, #tpu.memory_space<vmem>>, vector<128x128xf32>,
    %slice3A_793 = vector.extract_strided_slice %transpose3A {offsets = [0, 53], sizes = [128, 1], strides = [1, 1]} : vector<128x200xf32> to vector<128x1xf32>
    %get3A_794 = arith.constant 0 : index
    %get3A_795 = arith.constant 0 : index
    %get3A_796 = vector.load %arg2[%get3A_794, %get3A_795] : memref<1x128xf32, #tpu.memory_space<vmem>>, vector<1x128xf32>
    %mul3A_797 = vector.broadcast %slice3A_793 : vector<128x1xf32> to vector<128x128xf32>
    %mul3A_798 = vector.broadcast %get3A_796 : vector<1x128xf32> to vector<128x128xf32>
    %mul3A_799 = arith.mulf %mul3A_797, %mul3A_798 : vector<128x128xf32>
    %get3A_800 = arith.constant 0 : index
    %get3A_801 = arith.constant 0 : index
    %get3A_802 = vector.load %arg3[%get3A_800, %get3A_801] : memref<1x128xf32, #tpu.memory_space<vmem>>, vector<1x128xf32>
    %add3A_803 = vector.broadcast %get3A_802 : vector<1x128xf32> to vector<128x128xf32>
    %add3A_804 = arith.addf %mul3A_799, %add3A_803 : vector<128x128xf32>
    %swap3A_805 = arith.constant 6784 : index
    %swap3A_806 = arith.constant 0 : index
    %swap3A_807 = vector.load %arg4[%swap3A_805, %swap3A_806] : memref<25600x128xf32, #tpu.memory_space<vmem>>, vector<128x128xf32>
    tpu.vector_store %arg4[%swap3A_805, %swap3A_806], %add3A_804 {strides = array<i32>} : memref<25600x128xf32, #tpu.memory_space<vmem>>, vector<128x128xf32>,
    %slice3A_808 = vector.extract_strided_slice %transpose3A {offsets = [0, 54], sizes = [128, 1], strides = [1, 1]} : vector<128x200xf32> to vector<128x1xf32>
    %get3A_809 = arith.constant 0 : index
    %get3A_810 = arith.constant 0 : index
    %get3A_811 = vector.load %arg2[%get3A_809, %get3A_810] : memref<1x128xf32, #tpu.memory_space<vmem>>, vector<1x128xf32>
    %mul3A_812 = vector.broadcast %slice3A_808 : vector<128x1xf32> to vector<128x128xf32>
    %mul3A_813 = vector.broadcast %get3A_811 : vector<1x128xf32> to vector<128x128xf32>
    %mul3A_814 = arith.mulf %mul3A_812, %mul3A_813 : vector<128x128xf32>
    %get3A_815 = arith.constant 0 : index
    %get3A_816 = arith.constant 0 : index
    %get3A_817 = vector.load %arg3[%get3A_815, %get3A_816] : memref<1x128xf32, #tpu.memory_space<vmem>>, vector<1x128xf32>
    %add3A_818 = vector.broadcast %get3A_817 : vector<1x128xf32> to vector<128x128xf32>
    %add3A_819 = arith.addf %mul3A_814, %add3A_818 : vector<128x128xf32>
    %swap3A_820 = arith.constant 6912 : index
    %swap3A_821 = arith.constant 0 : index
    %swap3A_822 = vector.load %arg4[%swap3A_820, %swap3A_821] : memref<25600x128xf32, #tpu.memory_space<vmem>>, vector<128x128xf32>
    tpu.vector_store %arg4[%swap3A_820, %swap3A_821], %add3A_819 {strides = array<i32>} : memref<25600x128xf32, #tpu.memory_space<vmem>>, vector<128x128xf32>,
    %slice3A_823 = vector.extract_strided_slice %transpose3A {offsets = [0, 55], sizes = [128, 1], strides = [1, 1]} : vector<128x200xf32> to vector<128x1xf32>
    %get3A_824 = arith.constant 0 : index
    %get3A_825 = arith.constant 0 : index
    %get3A_826 = vector.load %arg2[%get3A_824, %get3A_825] : memref<1x128xf32, #tpu.memory_space<vmem>>, vector<1x128xf32>
    %mul3A_827 = vector.broadcast %slice3A_823 : vector<128x1xf32> to vector<128x128xf32>
    %mul3A_828 = vector.broadcast %get3A_826 : vector<1x128xf32> to vector<128x128xf32>
    %mul3A_829 = arith.mulf %mul3A_827, %mul3A_828 : vector<128x128xf32>
    %get3A_830 = arith.constant 0 : index
    %get3A_831 = arith.constant 0 : index
    %get3A_832 = vector.load %arg3[%get3A_830, %get3A_831] : memref<1x128xf32, #tpu.memory_space<vmem>>, vector<1x128xf32>
    %add3A_833 = vector.broadcast %get3A_832 : vector<1x128xf32> to vector<128x128xf32>
    %add3A_834 = arith.addf %mul3A_829, %add3A_833 : vector<128x128xf32>
    %swap3A_835 = arith.constant 7040 : index
    %swap3A_836 = arith.constant 0 : index
    %swap3A_837 = vector.load %arg4[%swap3A_835, %swap3A_836] : memref<25600x128xf32, #tpu.memory_space<vmem>>, vector<128x128xf32>
    tpu.vector_store %arg4[%swap3A_835, %swap3A_836], %add3A_834 {strides = array<i32>} : memref<25600x128xf32, #tpu.memory_space<vmem>>, vector<128x128xf32>,
    %slice3A_838 = vector.extract_strided_slice %transpose3A {offsets = [0, 56], sizes = [128, 1], strides = [1, 1]} : vector<128x200xf32> to vector<128x1xf32>
    %get3A_839 = arith.constant 0 : index
    %get3A_840 = arith.constant 0 : index
    %get3A_841 = vector.load %arg2[%get3A_839, %get3A_840] : memref<1x128xf32, #tpu.memory_space<vmem>>, vector<1x128xf32>
    %mul3A_842 = vector.broadcast %slice3A_838 : vector<128x1xf32> to vector<128x128xf32>
    %mul3A_843 = vector.broadcast %get3A_841 : vector<1x128xf32> to vector<128x128xf32>
    %mul3A_844 = arith.mulf %mul3A_842, %mul3A_843 : vector<128x128xf32>
    %get3A_845 = arith.constant 0 : index
    %get3A_846 = arith.constant 0 : index
    %get3A_847 = vector.load %arg3[%get3A_845, %get3A_846] : memref<1x128xf32, #tpu.memory_space<vmem>>, vector<1x128xf32>
    %add3A_848 = vector.broadcast %get3A_847 : vector<1x128xf32> to vector<128x128xf32>
    %add3A_849 = arith.addf %mul3A_844, %add3A_848 : vector<128x128xf32>
    %swap3A_850 = arith.constant 7168 : index
    %swap3A_851 = arith.constant 0 : index
    %swap3A_852 = vector.load %arg4[%swap3A_850, %swap3A_851] : memref<25600x128xf32, #tpu.memory_space<vmem>>, vector<128x128xf32>
    tpu.vector_store %arg4[%swap3A_850, %swap3A_851], %add3A_849 {strides = array<i32>} : memref<25600x128xf32, #tpu.memory_space<vmem>>, vector<128x128xf32>,
    %slice3A_853 = vector.extract_strided_slice %transpose3A {offsets = [0, 57], sizes = [128, 1], strides = [1, 1]} : vector<128x200xf32> to vector<128x1xf32>
    %get3A_854 = arith.constant 0 : index
    %get3A_855 = arith.constant 0 : index
    %get3A_856 = vector.load %arg2[%get3A_854, %get3A_855] : memref<1x128xf32, #tpu.memory_space<vmem>>, vector<1x128xf32>
    %mul3A_857 = vector.broadcast %slice3A_853 : vector<128x1xf32> to vector<128x128xf32>
    %mul3A_858 = vector.broadcast %get3A_856 : vector<1x128xf32> to vector<128x128xf32>
    %mul3A_859 = arith.mulf %mul3A_857, %mul3A_858 : vector<128x128xf32>
    %get3A_860 = arith.constant 0 : index
    %get3A_861 = arith.constant 0 : index
    %get3A_862 = vector.load %arg3[%get3A_860, %get3A_861] : memref<1x128xf32, #tpu.memory_space<vmem>>, vector<1x128xf32>
    %add3A_863 = vector.broadcast %get3A_862 : vector<1x128xf32> to vector<128x128xf32>
    %add3A_864 = arith.addf %mul3A_859, %add3A_863 : vector<128x128xf32>
    %swap3A_865 = arith.constant 7296 : index
    %swap3A_866 = arith.constant 0 : index
    %swap3A_867 = vector.load %arg4[%swap3A_865, %swap3A_866] : memref<25600x128xf32, #tpu.memory_space<vmem>>, vector<128x128xf32>
    tpu.vector_store %arg4[%swap3A_865, %swap3A_866], %add3A_864 {strides = array<i32>} : memref<25600x128xf32, #tpu.memory_space<vmem>>, vector<128x128xf32>,
    %slice3A_868 = vector.extract_strided_slice %transpose3A {offsets = [0, 58], sizes = [128, 1], strides = [1, 1]} : vector<128x200xf32> to vector<128x1xf32>
    %get3A_869 = arith.constant 0 : index
    %get3A_870 = arith.constant 0 : index
    %get3A_871 = vector.load %arg2[%get3A_869, %get3A_870] : memref<1x128xf32, #tpu.memory_space<vmem>>, vector<1x128xf32>
    %mul3A_872 = vector.broadcast %slice3A_868 : vector<128x1xf32> to vector<128x128xf32>
    %mul3A_873 = vector.broadcast %get3A_871 : vector<1x128xf32> to vector<128x128xf32>
    %mul3A_874 = arith.mulf %mul3A_872, %mul3A_873 : vector<128x128xf32>
    %get3A_875 = arith.constant 0 : index
    %get3A_876 = arith.constant 0 : index
    %get3A_877 = vector.load %arg3[%get3A_875, %get3A_876] : memref<1x128xf32, #tpu.memory_space<vmem>>, vector<1x128xf32>
    %add3A_878 = vector.broadcast %get3A_877 : vector<1x128xf32> to vector<128x128xf32>
    %add3A_879 = arith.addf %mul3A_874, %add3A_878 : vector<128x128xf32>
    %swap3A_880 = arith.constant 7424 : index
    %swap3A_881 = arith.constant 0 : index
    %swap3A_882 = vector.load %arg4[%swap3A_880, %swap3A_881] : memref<25600x128xf32, #tpu.memory_space<vmem>>, vector<128x128xf32>
    tpu.vector_store %arg4[%swap3A_880, %swap3A_881], %add3A_879 {strides = array<i32>} : memref<25600x128xf32, #tpu.memory_space<vmem>>, vector<128x128xf32>,
    %slice3A_883 = vector.extract_strided_slice %transpose3A {offsets = [0, 59], sizes = [128, 1], strides = [1, 1]} : vector<128x200xf32> to vector<128x1xf32>
    %get3A_884 = arith.constant 0 : index
    %get3A_885 = arith.constant 0 : index
    %get3A_886 = vector.load %arg2[%get3A_884, %get3A_885] : memref<1x128xf32, #tpu.memory_space<vmem>>, vector<1x128xf32>
    %mul3A_887 = vector.broadcast %slice3A_883 : vector<128x1xf32> to vector<128x128xf32>
    %mul3A_888 = vector.broadcast %get3A_886 : vector<1x128xf32> to vector<128x128xf32>
    %mul3A_889 = arith.mulf %mul3A_887, %mul3A_888 : vector<128x128xf32>
    %get3A_890 = arith.constant 0 : index
    %get3A_891 = arith.constant 0 : index
    %get3A_892 = vector.load %arg3[%get3A_890, %get3A_891] : memref<1x128xf32, #tpu.memory_space<vmem>>, vector<1x128xf32>
    %add3A_893 = vector.broadcast %get3A_892 : vector<1x128xf32> to vector<128x128xf32>
    %add3A_894 = arith.addf %mul3A_889, %add3A_893 : vector<128x128xf32>
    %swap3A_895 = arith.constant 7552 : index
    %swap3A_896 = arith.constant 0 : index
    %swap3A_897 = vector.load %arg4[%swap3A_895, %swap3A_896] : memref<25600x128xf32, #tpu.memory_space<vmem>>, vector<128x128xf32>
    tpu.vector_store %arg4[%swap3A_895, %swap3A_896], %add3A_894 {strides = array<i32>} : memref<25600x128xf32, #tpu.memory_space<vmem>>, vector<128x128xf32>,
    %slice3A_898 = vector.extract_strided_slice %transpose3A {offsets = [0, 60], sizes = [128, 1], strides = [1, 1]} : vector<128x200xf32> to vector<128x1xf32>
    %get3A_899 = arith.constant 0 : index
    %get3A_900 = arith.constant 0 : index
    %get3A_901 = vector.load %arg2[%get3A_899, %get3A_900] : memref<1x128xf32, #tpu.memory_space<vmem>>, vector<1x128xf32>
    %mul3A_902 = vector.broadcast %slice3A_898 : vector<128x1xf32> to vector<128x128xf32>
    %mul3A_903 = vector.broadcast %get3A_901 : vector<1x128xf32> to vector<128x128xf32>
    %mul3A_904 = arith.mulf %mul3A_902, %mul3A_903 : vector<128x128xf32>
    %get3A_905 = arith.constant 0 : index
    %get3A_906 = arith.constant 0 : index
    %get3A_907 = vector.load %arg3[%get3A_905, %get3A_906] : memref<1x128xf32, #tpu.memory_space<vmem>>, vector<1x128xf32>
    %add3A_908 = vector.broadcast %get3A_907 : vector<1x128xf32> to vector<128x128xf32>
    %add3A_909 = arith.addf %mul3A_904, %add3A_908 : vector<128x128xf32>
    %swap3A_910 = arith.constant 7680 : index
    %swap3A_911 = arith.constant 0 : index
    %swap3A_912 = vector.load %arg4[%swap3A_910, %swap3A_911] : memref<25600x128xf32, #tpu.memory_space<vmem>>, vector<128x128xf32>
    tpu.vector_store %arg4[%swap3A_910, %swap3A_911], %add3A_909 {strides = array<i32>} : memref<25600x128xf32, #tpu.memory_space<vmem>>, vector<128x128xf32>,
    %slice3A_913 = vector.extract_strided_slice %transpose3A {offsets = [0, 61], sizes = [128, 1], strides = [1, 1]} : vector<128x200xf32> to vector<128x1xf32>
    %get3A_914 = arith.constant 0 : index
    %get3A_915 = arith.constant 0 : index
    %get3A_916 = vector.load %arg2[%get3A_914, %get3A_915] : memref<1x128xf32, #tpu.memory_space<vmem>>, vector<1x128xf32>
    %mul3A_917 = vector.broadcast %slice3A_913 : vector<128x1xf32> to vector<128x128xf32>
    %mul3A_918 = vector.broadcast %get3A_916 : vector<1x128xf32> to vector<128x128xf32>
    %mul3A_919 = arith.mulf %mul3A_917, %mul3A_918 : vector<128x128xf32>
    %get3A_920 = arith.constant 0 : index
    %get3A_921 = arith.constant 0 : index
    %get3A_922 = vector.load %arg3[%get3A_920, %get3A_921] : memref<1x128xf32, #tpu.memory_space<vmem>>, vector<1x128xf32>
    %add3A_923 = vector.broadcast %get3A_922 : vector<1x128xf32> to vector<128x128xf32>
    %add3A_924 = arith.addf %mul3A_919, %add3A_923 : vector<128x128xf32>
    %swap3A_925 = arith.constant 7808 : index
    %swap3A_926 = arith.constant 0 : index
    %swap3A_927 = vector.load %arg4[%swap3A_925, %swap3A_926] : memref<25600x128xf32, #tpu.memory_space<vmem>>, vector<128x128xf32>
    tpu.vector_store %arg4[%swap3A_925, %swap3A_926], %add3A_924 {strides = array<i32>} : memref<25600x128xf32, #tpu.memory_space<vmem>>, vector<128x128xf32>,
    %slice3A_928 = vector.extract_strided_slice %transpose3A {offsets = [0, 62], sizes = [128, 1], strides = [1, 1]} : vector<128x200xf32> to vector<128x1xf32>
    %get3A_929 = arith.constant 0 : index
    %get3A_930 = arith.constant 0 : index
    %get3A_931 = vector.load %arg2[%get3A_929, %get3A_930] : memref<1x128xf32, #tpu.memory_space<vmem>>, vector<1x128xf32>
    %mul3A_932 = vector.broadcast %slice3A_928 : vector<128x1xf32> to vector<128x128xf32>
    %mul3A_933 = vector.broadcast %get3A_931 : vector<1x128xf32> to vector<128x128xf32>
    %mul3A_934 = arith.mulf %mul3A_932, %mul3A_933 : vector<128x128xf32>
    %get3A_935 = arith.constant 0 : index
    %get3A_936 = arith.constant 0 : index
    %get3A_937 = vector.load %arg3[%get3A_935, %get3A_936] : memref<1x128xf32, #tpu.memory_space<vmem>>, vector<1x128xf32>
    %add3A_938 = vector.broadcast %get3A_937 : vector<1x128xf32> to vector<128x128xf32>
    %add3A_939 = arith.addf %mul3A_934, %add3A_938 : vector<128x128xf32>
    %swap3A_940 = arith.constant 7936 : index
    %swap3A_941 = arith.constant 0 : index
    %swap3A_942 = vector.load %arg4[%swap3A_940, %swap3A_941] : memref<25600x128xf32, #tpu.memory_space<vmem>>, vector<128x128xf32>
    tpu.vector_store %arg4[%swap3A_940, %swap3A_941], %add3A_939 {strides = array<i32>} : memref<25600x128xf32, #tpu.memory_space<vmem>>, vector<128x128xf32>,
    %slice3A_943 = vector.extract_strided_slice %transpose3A {offsets = [0, 63], sizes = [128, 1], strides = [1, 1]} : vector<128x200xf32> to vector<128x1xf32>
    %get3A_944 = arith.constant 0 : index
    %get3A_945 = arith.constant 0 : index
    %get3A_946 = vector.load %arg2[%get3A_944, %get3A_945] : memref<1x128xf32, #tpu.memory_space<vmem>>, vector<1x128xf32>
    %mul3A_947 = vector.broadcast %slice3A_943 : vector<128x1xf32> to vector<128x128xf32>
    %mul3A_948 = vector.broadcast %get3A_946 : vector<1x128xf32> to vector<128x128xf32>
    %mul3A_949 = arith.mulf %mul3A_947, %mul3A_948 : vector<128x128xf32>
    %get3A_950 = arith.constant 0 : index
    %get3A_951 = arith.constant 0 : index
    %get3A_952 = vector.load %arg3[%get3A_950, %get3A_951] : memref<1x128xf32, #tpu.memory_space<vmem>>, vector<1x128xf32>
    %add3A_953 = vector.broadcast %get3A_952 : vector<1x128xf32> to vector<128x128xf32>
    %add3A_954 = arith.addf %mul3A_949, %add3A_953 : vector<128x128xf32>
    %swap3A_955 = arith.constant 8064 : index
    %swap3A_956 = arith.constant 0 : index
    %swap3A_957 = vector.load %arg4[%swap3A_955, %swap3A_956] : memref<25600x128xf32, #tpu.memory_space<vmem>>, vector<128x128xf32>
    tpu.vector_store %arg4[%swap3A_955, %swap3A_956], %add3A_954 {strides = array<i32>} : memref<25600x128xf32, #tpu.memory_space<vmem>>, vector<128x128xf32>,
    %slice3A_958 = vector.extract_strided_slice %transpose3A {offsets = [0, 64], sizes = [128, 1], strides = [1, 1]} : vector<128x200xf32> to vector<128x1xf32>
    %get3A_959 = arith.constant 0 : index
    %get3A_960 = arith.constant 0 : index
    %get3A_961 = vector.load %arg2[%get3A_959, %get3A_960] : memref<1x128xf32, #tpu.memory_space<vmem>>, vector<1x128xf32>
    %mul3A_962 = vector.broadcast %slice3A_958 : vector<128x1xf32> to vector<128x128xf32>
    %mul3A_963 = vector.broadcast %get3A_961 : vector<1x128xf32> to vector<128x128xf32>
    %mul3A_964 = arith.mulf %mul3A_962, %mul3A_963 : vector<128x128xf32>
    %get3A_965 = arith.constant 0 : index
    %get3A_966 = arith.constant 0 : index
    %get3A_967 = vector.load %arg3[%get3A_965, %get3A_966] : memref<1x128xf32, #tpu.memory_space<vmem>>, vector<1x128xf32>
    %add3A_968 = vector.broadcast %get3A_967 : vector<1x128xf32> to vector<128x128xf32>
    %add3A_969 = arith.addf %mul3A_964, %add3A_968 : vector<128x128xf32>
    %swap3A_970 = arith.constant 8192 : index
    %swap3A_971 = arith.constant 0 : index
    %swap3A_972 = vector.load %arg4[%swap3A_970, %swap3A_971] : memref<25600x128xf32, #tpu.memory_space<vmem>>, vector<128x128xf32>
    tpu.vector_store %arg4[%swap3A_970, %swap3A_971], %add3A_969 {strides = array<i32>} : memref<25600x128xf32, #tpu.memory_space<vmem>>, vector<128x128xf32>,
    %slice3A_973 = vector.extract_strided_slice %transpose3A {offsets = [0, 65], sizes = [128, 1], strides = [1, 1]} : vector<128x200xf32> to vector<128x1xf32>
    %get3A_974 = arith.constant 0 : index
    %get3A_975 = arith.constant 0 : index
    %get3A_976 = vector.load %arg2[%get3A_974, %get3A_975] : memref<1x128xf32, #tpu.memory_space<vmem>>, vector<1x128xf32>
    %mul3A_977 = vector.broadcast %slice3A_973 : vector<128x1xf32> to vector<128x128xf32>
    %mul3A_978 = vector.broadcast %get3A_976 : vector<1x128xf32> to vector<128x128xf32>
    %mul3A_979 = arith.mulf %mul3A_977, %mul3A_978 : vector<128x128xf32>
    %get3A_980 = arith.constant 0 : index
    %get3A_981 = arith.constant 0 : index
    %get3A_982 = vector.load %arg3[%get3A_980, %get3A_981] : memref<1x128xf32, #tpu.memory_space<vmem>>, vector<1x128xf32>
    %add3A_983 = vector.broadcast %get3A_982 : vector<1x128xf32> to vector<128x128xf32>
    %add3A_984 = arith.addf %mul3A_979, %add3A_983 : vector<128x128xf32>
    %swap3A_985 = arith.constant 8320 : index
    %swap3A_986 = arith.constant 0 : index
    %swap3A_987 = vector.load %arg4[%swap3A_985, %swap3A_986] : memref<25600x128xf32, #tpu.memory_space<vmem>>, vector<128x128xf32>
    tpu.vector_store %arg4[%swap3A_985, %swap3A_986], %add3A_984 {strides = array<i32>} : memref<25600x128xf32, #tpu.memory_space<vmem>>, vector<128x128xf32>,
    %slice3A_988 = vector.extract_strided_slice %transpose3A {offsets = [0, 66], sizes = [128, 1], strides = [1, 1]} : vector<128x200xf32> to vector<128x1xf32>
    %get3A_989 = arith.constant 0 : index
    %get3A_990 = arith.constant 0 : index
    %get3A_991 = vector.load %arg2[%get3A_989, %get3A_990] : memref<1x128xf32, #tpu.memory_space<vmem>>, vector<1x128xf32>
    %mul3A_992 = vector.broadcast %slice3A_988 : vector<128x1xf32> to vector<128x128xf32>
    %mul3A_993 = vector.broadcast %get3A_991 : vector<1x128xf32> to vector<128x128xf32>
    %mul3A_994 = arith.mulf %mul3A_992, %mul3A_993 : vector<128x128xf32>
    %get3A_995 = arith.constant 0 : index
    %get3A_996 = arith.constant 0 : index
    %get3A_997 = vector.load %arg3[%get3A_995, %get3A_996] : memref<1x128xf32, #tpu.memory_space<vmem>>, vector<1x128xf32>
    %add3A_998 = vector.broadcast %get3A_997 : vector<1x128xf32> to vector<128x128xf32>
    %add3A_999 = arith.addf %mul3A_994, %add3A_998 : vector<128x128xf32>
    %swap3A_1000 = arith.constant 8448 : index
    %swap3A_1001 = arith.constant 0 : index
    %swap3A_1002 = vector.load %arg4[%swap3A_1000, %swap3A_1001] : memref<25600x128xf32, #tpu.memory_space<vmem>>, vector<128x128xf32>
    tpu.vector_store %arg4[%swap3A_1000, %swap3A_1001], %add3A_999 {strides = array<i32>} : memref<25600x128xf32, #tpu.memory_space<vmem>>, vector<128x128xf32>,
    %slice3A_1003 = vector.extract_strided_slice %transpose3A {offsets = [0, 67], sizes = [128, 1], strides = [1, 1]} : vector<128x200xf32> to vector<128x1xf32>
    %get3A_1004 = arith.constant 0 : index
    %get3A_1005 = arith.constant 0 : index
    %get3A_1006 = vector.load %arg2[%get3A_1004, %get3A_1005] : memref<1x128xf32, #tpu.memory_space<vmem>>, vector<1x128xf32>
    %mul3A_1007 = vector.broadcast %slice3A_1003 : vector<128x1xf32> to vector<128x128xf32>
    %mul3A_1008 = vector.broadcast %get3A_1006 : vector<1x128xf32> to vector<128x128xf32>
    %mul3A_1009 = arith.mulf %mul3A_1007, %mul3A_1008 : vector<128x128xf32>
    %get3A_1010 = arith.constant 0 : index
    %get3A_1011 = arith.constant 0 : index
    %get3A_1012 = vector.load %arg3[%get3A_1010, %get3A_1011] : memref<1x128xf32, #tpu.memory_space<vmem>>, vector<1x128xf32>
    %add3A_1013 = vector.broadcast %get3A_1012 : vector<1x128xf32> to vector<128x128xf32>
    %add3A_1014 = arith.addf %mul3A_1009, %add3A_1013 : vector<128x128xf32>
    %swap3A_1015 = arith.constant 8576 : index
    %swap3A_1016 = arith.constant 0 : index
    %swap3A_1017 = vector.load %arg4[%swap3A_1015, %swap3A_1016] : memref<25600x128xf32, #tpu.memory_space<vmem>>, vector<128x128xf32>
    tpu.vector_store %arg4[%swap3A_1015, %swap3A_1016], %add3A_1014 {strides = array<i32>} : memref<25600x128xf32, #tpu.memory_space<vmem>>, vector<128x128xf32>,
    %slice3A_1018 = vector.extract_strided_slice %transpose3A {offsets = [0, 68], sizes = [128, 1], strides = [1, 1]} : vector<128x200xf32> to vector<128x1xf32>
    %get3A_1019 = arith.constant 0 : index
    %get3A_1020 = arith.constant 0 : index
    %get3A_1021 = vector.load %arg2[%get3A_1019, %get3A_1020] : memref<1x128xf32, #tpu.memory_space<vmem>>, vector<1x128xf32>
    %mul3A_1022 = vector.broadcast %slice3A_1018 : vector<128x1xf32> to vector<128x128xf32>
    %mul3A_1023 = vector.broadcast %get3A_1021 : vector<1x128xf32> to vector<128x128xf32>
    %mul3A_1024 = arith.mulf %mul3A_1022, %mul3A_1023 : vector<128x128xf32>
    %get3A_1025 = arith.constant 0 : index
    %get3A_1026 = arith.constant 0 : index
    %get3A_1027 = vector.load %arg3[%get3A_1025, %get3A_1026] : memref<1x128xf32, #tpu.memory_space<vmem>>, vector<1x128xf32>
    %add3A_1028 = vector.broadcast %get3A_1027 : vector<1x128xf32> to vector<128x128xf32>
    %add3A_1029 = arith.addf %mul3A_1024, %add3A_1028 : vector<128x128xf32>
    %swap3A_1030 = arith.constant 8704 : index
    %swap3A_1031 = arith.constant 0 : index
    %swap3A_1032 = vector.load %arg4[%swap3A_1030, %swap3A_1031] : memref<25600x128xf32, #tpu.memory_space<vmem>>, vector<128x128xf32>
    tpu.vector_store %arg4[%swap3A_1030, %swap3A_1031], %add3A_1029 {strides = array<i32>} : memref<25600x128xf32, #tpu.memory_space<vmem>>, vector<128x128xf32>,
    %slice3A_1033 = vector.extract_strided_slice %transpose3A {offsets = [0, 69], sizes = [128, 1], strides = [1, 1]} : vector<128x200xf32> to vector<128x1xf32>
    %get3A_1034 = arith.constant 0 : index
    %get3A_1035 = arith.constant 0 : index
    %get3A_1036 = vector.load %arg2[%get3A_1034, %get3A_1035] : memref<1x128xf32, #tpu.memory_space<vmem>>, vector<1x128xf32>
    %mul3A_1037 = vector.broadcast %slice3A_1033 : vector<128x1xf32> to vector<128x128xf32>
    %mul3A_1038 = vector.broadcast %get3A_1036 : vector<1x128xf32> to vector<128x128xf32>
    %mul3A_1039 = arith.mulf %mul3A_1037, %mul3A_1038 : vector<128x128xf32>
    %get3A_1040 = arith.constant 0 : index
    %get3A_1041 = arith.constant 0 : index
    %get3A_1042 = vector.load %arg3[%get3A_1040, %get3A_1041] : memref<1x128xf32, #tpu.memory_space<vmem>>, vector<1x128xf32>
    %add3A_1043 = vector.broadcast %get3A_1042 : vector<1x128xf32> to vector<128x128xf32>
    %add3A_1044 = arith.addf %mul3A_1039, %add3A_1043 : vector<128x128xf32>
    %swap3A_1045 = arith.constant 8832 : index
    %swap3A_1046 = arith.constant 0 : index
    %swap3A_1047 = vector.load %arg4[%swap3A_1045, %swap3A_1046] : memref<25600x128xf32, #tpu.memory_space<vmem>>, vector<128x128xf32>
    tpu.vector_store %arg4[%swap3A_1045, %swap3A_1046], %add3A_1044 {strides = array<i32>} : memref<25600x128xf32, #tpu.memory_space<vmem>>, vector<128x128xf32>,
    %slice3A_1048 = vector.extract_strided_slice %transpose3A {offsets = [0, 70], sizes = [128, 1], strides = [1, 1]} : vector<128x200xf32> to vector<128x1xf32>
    %get3A_1049 = arith.constant 0 : index
    %get3A_1050 = arith.constant 0 : index
    %get3A_1051 = vector.load %arg2[%get3A_1049, %get3A_1050] : memref<1x128xf32, #tpu.memory_space<vmem>>, vector<1x128xf32>
    %mul3A_1052 = vector.broadcast %slice3A_1048 : vector<128x1xf32> to vector<128x128xf32>
    %mul3A_1053 = vector.broadcast %get3A_1051 : vector<1x128xf32> to vector<128x128xf32>
    %mul3A_1054 = arith.mulf %mul3A_1052, %mul3A_1053 : vector<128x128xf32>
    %get3A_1055 = arith.constant 0 : index
    %get3A_1056 = arith.constant 0 : index
    %get3A_1057 = vector.load %arg3[%get3A_1055, %get3A_1056] : memref<1x128xf32, #tpu.memory_space<vmem>>, vector<1x128xf32>
    %add3A_1058 = vector.broadcast %get3A_1057 : vector<1x128xf32> to vector<128x128xf32>
    %add3A_1059 = arith.addf %mul3A_1054, %add3A_1058 : vector<128x128xf32>
    %swap3A_1060 = arith.constant 8960 : index
    %swap3A_1061 = arith.constant 0 : index
    %swap3A_1062 = vector.load %arg4[%swap3A_1060, %swap3A_1061] : memref<25600x128xf32, #tpu.memory_space<vmem>>, vector<128x128xf32>
    tpu.vector_store %arg4[%swap3A_1060, %swap3A_1061], %add3A_1059 {strides = array<i32>} : memref<25600x128xf32, #tpu.memory_space<vmem>>, vector<128x128xf32>,
    %slice3A_1063 = vector.extract_strided_slice %transpose3A {offsets = [0, 71], sizes = [128, 1], strides = [1, 1]} : vector<128x200xf32> to vector<128x1xf32>
    %get3A_1064 = arith.constant 0 : index
    %get3A_1065 = arith.constant 0 : index
    %get3A_1066 = vector.load %arg2[%get3A_1064, %get3A_1065] : memref<1x128xf32, #tpu.memory_space<vmem>>, vector<1x128xf32>
    %mul3A_1067 = vector.broadcast %slice3A_1063 : vector<128x1xf32> to vector<128x128xf32>
    %mul3A_1068 = vector.broadcast %get3A_1066 : vector<1x128xf32> to vector<128x128xf32>
    %mul3A_1069 = arith.mulf %mul3A_1067, %mul3A_1068 : vector<128x128xf32>
    %get3A_1070 = arith.constant 0 : index
    %get3A_1071 = arith.constant 0 : index
    %get3A_1072 = vector.load %arg3[%get3A_1070, %get3A_1071] : memref<1x128xf32, #tpu.memory_space<vmem>>, vector<1x128xf32>
    %add3A_1073 = vector.broadcast %get3A_1072 : vector<1x128xf32> to vector<128x128xf32>
    %add3A_1074 = arith.addf %mul3A_1069, %add3A_1073 : vector<128x128xf32>
    %swap3A_1075 = arith.constant 9088 : index
    %swap3A_1076 = arith.constant 0 : index
    %swap3A_1077 = vector.load %arg4[%swap3A_1075, %swap3A_1076] : memref<25600x128xf32, #tpu.memory_space<vmem>>, vector<128x128xf32>
    tpu.vector_store %arg4[%swap3A_1075, %swap3A_1076], %add3A_1074 {strides = array<i32>} : memref<25600x128xf32, #tpu.memory_space<vmem>>, vector<128x128xf32>,
    %slice3A_1078 = vector.extract_strided_slice %transpose3A {offsets = [0, 72], sizes = [128, 1], strides = [1, 1]} : vector<128x200xf32> to vector<128x1xf32>
    %get3A_1079 = arith.constant 0 : index
    %get3A_1080 = arith.constant 0 : index
    %get3A_1081 = vector.load %arg2[%get3A_1079, %get3A_1080] : memref<1x128xf32, #tpu.memory_space<vmem>>, vector<1x128xf32>
    %mul3A_1082 = vector.broadcast %slice3A_1078 : vector<128x1xf32> to vector<128x128xf32>
    %mul3A_1083 = vector.broadcast %get3A_1081 : vector<1x128xf32> to vector<128x128xf32>
    %mul3A_1084 = arith.mulf %mul3A_1082, %mul3A_1083 : vector<128x128xf32>
    %get3A_1085 = arith.constant 0 : index
    %get3A_1086 = arith.constant 0 : index
    %get3A_1087 = vector.load %arg3[%get3A_1085, %get3A_1086] : memref<1x128xf32, #tpu.memory_space<vmem>>, vector<1x128xf32>
    %add3A_1088 = vector.broadcast %get3A_1087 : vector<1x128xf32> to vector<128x128xf32>
    %add3A_1089 = arith.addf %mul3A_1084, %add3A_1088 : vector<128x128xf32>
    %swap3A_1090 = arith.constant 9216 : index
    %swap3A_1091 = arith.constant 0 : index
    %swap3A_1092 = vector.load %arg4[%swap3A_1090, %swap3A_1091] : memref<25600x128xf32, #tpu.memory_space<vmem>>, vector<128x128xf32>
    tpu.vector_store %arg4[%swap3A_1090, %swap3A_1091], %add3A_1089 {strides = array<i32>} : memref<25600x128xf32, #tpu.memory_space<vmem>>, vector<128x128xf32>,
    %slice3A_1093 = vector.extract_strided_slice %transpose3A {offsets = [0, 73], sizes = [128, 1], strides = [1, 1]} : vector<128x200xf32> to vector<128x1xf32>
    %get3A_1094 = arith.constant 0 : index
    %get3A_1095 = arith.constant 0 : index
    %get3A_1096 = vector.load %arg2[%get3A_1094, %get3A_1095] : memref<1x128xf32, #tpu.memory_space<vmem>>, vector<1x128xf32>
    %mul3A_1097 = vector.broadcast %slice3A_1093 : vector<128x1xf32> to vector<128x128xf32>
    %mul3A_1098 = vector.broadcast %get3A_1096 : vector<1x128xf32> to vector<128x128xf32>
    %mul3A_1099 = arith.mulf %mul3A_1097, %mul3A_1098 : vector<128x128xf32>
    %get3A_1100 = arith.constant 0 : index
    %get3A_1101 = arith.constant 0 : index
    %get3A_1102 = vector.load %arg3[%get3A_1100, %get3A_1101] : memref<1x128xf32, #tpu.memory_space<vmem>>, vector<1x128xf32>
    %add3A_1103 = vector.broadcast %get3A_1102 : vector<1x128xf32> to vector<128x128xf32>
    %add3A_1104 = arith.addf %mul3A_1099, %add3A_1103 : vector<128x128xf32>
    %swap3A_1105 = arith.constant 9344 : index
    %swap3A_1106 = arith.constant 0 : index
    %swap3A_1107 = vector.load %arg4[%swap3A_1105, %swap3A_1106] : memref<25600x128xf32, #tpu.memory_space<vmem>>, vector<128x128xf32>
    tpu.vector_store %arg4[%swap3A_1105, %swap3A_1106], %add3A_1104 {strides = array<i32>} : memref<25600x128xf32, #tpu.memory_space<vmem>>, vector<128x128xf32>,
    %slice3A_1108 = vector.extract_strided_slice %transpose3A {offsets = [0, 74], sizes = [128, 1], strides = [1, 1]} : vector<128x200xf32> to vector<128x1xf32>
    %get3A_1109 = arith.constant 0 : index
    %get3A_1110 = arith.constant 0 : index
    %get3A_1111 = vector.load %arg2[%get3A_1109, %get3A_1110] : memref<1x128xf32, #tpu.memory_space<vmem>>, vector<1x128xf32>
    %mul3A_1112 = vector.broadcast %slice3A_1108 : vector<128x1xf32> to vector<128x128xf32>
    %mul3A_1113 = vector.broadcast %get3A_1111 : vector<1x128xf32> to vector<128x128xf32>
    %mul3A_1114 = arith.mulf %mul3A_1112, %mul3A_1113 : vector<128x128xf32>
    %get3A_1115 = arith.constant 0 : index
    %get3A_1116 = arith.constant 0 : index
    %get3A_1117 = vector.load %arg3[%get3A_1115, %get3A_1116] : memref<1x128xf32, #tpu.memory_space<vmem>>, vector<1x128xf32>
    %add3A_1118 = vector.broadcast %get3A_1117 : vector<1x128xf32> to vector<128x128xf32>
    %add3A_1119 = arith.addf %mul3A_1114, %add3A_1118 : vector<128x128xf32>
    %swap3A_1120 = arith.constant 9472 : index
    %swap3A_1121 = arith.constant 0 : index
    %swap3A_1122 = vector.load %arg4[%swap3A_1120, %swap3A_1121] : memref<25600x128xf32, #tpu.memory_space<vmem>>, vector<128x128xf32>
    tpu.vector_store %arg4[%swap3A_1120, %swap3A_1121], %add3A_1119 {strides = array<i32>} : memref<25600x128xf32, #tpu.memory_space<vmem>>, vector<128x128xf32>,
    %slice3A_1123 = vector.extract_strided_slice %transpose3A {offsets = [0, 75], sizes = [128, 1], strides = [1, 1]} : vector<128x200xf32> to vector<128x1xf32>
    %get3A_1124 = arith.constant 0 : index
    %get3A_1125 = arith.constant 0 : index
    %get3A_1126 = vector.load %arg2[%get3A_1124, %get3A_1125] : memref<1x128xf32, #tpu.memory_space<vmem>>, vector<1x128xf32>
    %mul3A_1127 = vector.broadcast %slice3A_1123 : vector<128x1xf32> to vector<128x128xf32>
    %mul3A_1128 = vector.broadcast %get3A_1126 : vector<1x128xf32> to vector<128x128xf32>
    %mul3A_1129 = arith.mulf %mul3A_1127, %mul3A_1128 : vector<128x128xf32>
    %get3A_1130 = arith.constant 0 : index
    %get3A_1131 = arith.constant 0 : index
    %get3A_1132 = vector.load %arg3[%get3A_1130, %get3A_1131] : memref<1x128xf32, #tpu.memory_space<vmem>>, vector<1x128xf32>
    %add3A_1133 = vector.broadcast %get3A_1132 : vector<1x128xf32> to vector<128x128xf32>
    %add3A_1134 = arith.addf %mul3A_1129, %add3A_1133 : vector<128x128xf32>
    %swap3A_1135 = arith.constant 9600 : index
    %swap3A_1136 = arith.constant 0 : index
    %swap3A_1137 = vector.load %arg4[%swap3A_1135, %swap3A_1136] : memref<25600x128xf32, #tpu.memory_space<vmem>>, vector<128x128xf32>
    tpu.vector_store %arg4[%swap3A_1135, %swap3A_1136], %add3A_1134 {strides = array<i32>} : memref<25600x128xf32, #tpu.memory_space<vmem>>, vector<128x128xf32>,
    %slice3A_1138 = vector.extract_strided_slice %transpose3A {offsets = [0, 76], sizes = [128, 1], strides = [1, 1]} : vector<128x200xf32> to vector<128x1xf32>
    %get3A_1139 = arith.constant 0 : index
    %get3A_1140 = arith.constant 0 : index
    %get3A_1141 = vector.load %arg2[%get3A_1139, %get3A_1140] : memref<1x128xf32, #tpu.memory_space<vmem>>, vector<1x128xf32>
    %mul3A_1142 = vector.broadcast %slice3A_1138 : vector<128x1xf32> to vector<128x128xf32>
    %mul3A_1143 = vector.broadcast %get3A_1141 : vector<1x128xf32> to vector<128x128xf32>
    %mul3A_1144 = arith.mulf %mul3A_1142, %mul3A_1143 : vector<128x128xf32>
    %get3A_1145 = arith.constant 0 : index
    %get3A_1146 = arith.constant 0 : index
    %get3A_1147 = vector.load %arg3[%get3A_1145, %get3A_1146] : memref<1x128xf32, #tpu.memory_space<vmem>>, vector<1x128xf32>
    %add3A_1148 = vector.broadcast %get3A_1147 : vector<1x128xf32> to vector<128x128xf32>
    %add3A_1149 = arith.addf %mul3A_1144, %add3A_1148 : vector<128x128xf32>
    %swap3A_1150 = arith.constant 9728 : index
    %swap3A_1151 = arith.constant 0 : index
    %swap3A_1152 = vector.load %arg4[%swap3A_1150, %swap3A_1151] : memref<25600x128xf32, #tpu.memory_space<vmem>>, vector<128x128xf32>
    tpu.vector_store %arg4[%swap3A_1150, %swap3A_1151], %add3A_1149 {strides = array<i32>} : memref<25600x128xf32, #tpu.memory_space<vmem>>, vector<128x128xf32>,
    %slice3A_1153 = vector.extract_strided_slice %transpose3A {offsets = [0, 77], sizes = [128, 1], strides = [1, 1]} : vector<128x200xf32> to vector<128x1xf32>
    %get3A_1154 = arith.constant 0 : index
    %get3A_1155 = arith.constant 0 : index
    %get3A_1156 = vector.load %arg2[%get3A_1154, %get3A_1155] : memref<1x128xf32, #tpu.memory_space<vmem>>, vector<1x128xf32>
    %mul3A_1157 = vector.broadcast %slice3A_1153 : vector<128x1xf32> to vector<128x128xf32>
    %mul3A_1158 = vector.broadcast %get3A_1156 : vector<1x128xf32> to vector<128x128xf32>
    %mul3A_1159 = arith.mulf %mul3A_1157, %mul3A_1158 : vector<128x128xf32>
    %get3A_1160 = arith.constant 0 : index
    %get3A_1161 = arith.constant 0 : index
    %get3A_1162 = vector.load %arg3[%get3A_1160, %get3A_1161] : memref<1x128xf32, #tpu.memory_space<vmem>>, vector<1x128xf32>
    %add3A_1163 = vector.broadcast %get3A_1162 : vector<1x128xf32> to vector<128x128xf32>
    %add3A_1164 = arith.addf %mul3A_1159, %add3A_1163 : vector<128x128xf32>
    %swap3A_1165 = arith.constant 9856 : index
    %swap3A_1166 = arith.constant 0 : index
    %swap3A_1167 = vector.load %arg4[%swap3A_1165, %swap3A_1166] : memref<25600x128xf32, #tpu.memory_space<vmem>>, vector<128x128xf32>
    tpu.vector_store %arg4[%swap3A_1165, %swap3A_1166], %add3A_1164 {strides = array<i32>} : memref<25600x128xf32, #tpu.memory_space<vmem>>, vector<128x128xf32>,
    %slice3A_1168 = vector.extract_strided_slice %transpose3A {offsets = [0, 78], sizes = [128, 1], strides = [1, 1]} : vector<128x200xf32> to vector<128x1xf32>
    %get3A_1169 = arith.constant 0 : index
    %get3A_1170 = arith.constant 0 : index
    %get3A_1171 = vector.load %arg2[%get3A_1169, %get3A_1170] : memref<1x128xf32, #tpu.memory_space<vmem>>, vector<1x128xf32>
    %mul3A_1172 = vector.broadcast %slice3A_1168 : vector<128x1xf32> to vector<128x128xf32>
    %mul3A_1173 = vector.broadcast %get3A_1171 : vector<1x128xf32> to vector<128x128xf32>
    %mul3A_1174 = arith.mulf %mul3A_1172, %mul3A_1173 : vector<128x128xf32>
    %get3A_1175 = arith.constant 0 : index
    %get3A_1176 = arith.constant 0 : index
    %get3A_1177 = vector.load %arg3[%get3A_1175, %get3A_1176] : memref<1x128xf32, #tpu.memory_space<vmem>>, vector<1x128xf32>
    %add3A_1178 = vector.broadcast %get3A_1177 : vector<1x128xf32> to vector<128x128xf32>
    %add3A_1179 = arith.addf %mul3A_1174, %add3A_1178 : vector<128x128xf32>
    %swap3A_1180 = arith.constant 9984 : index
    %swap3A_1181 = arith.constant 0 : index
    %swap3A_1182 = vector.load %arg4[%swap3A_1180, %swap3A_1181] : memref<25600x128xf32, #tpu.memory_space<vmem>>, vector<128x128xf32>
    tpu.vector_store %arg4[%swap3A_1180, %swap3A_1181], %add3A_1179 {strides = array<i32>} : memref<25600x128xf32, #tpu.memory_space<vmem>>, vector<128x128xf32>,
    %slice3A_1183 = vector.extract_strided_slice %transpose3A {offsets = [0, 79], sizes = [128, 1], strides = [1, 1]} : vector<128x200xf32> to vector<128x1xf32>
    %get3A_1184 = arith.constant 0 : index
    %get3A_1185 = arith.constant 0 : index
    %get3A_1186 = vector.load %arg2[%get3A_1184, %get3A_1185] : memref<1x128xf32, #tpu.memory_space<vmem>>, vector<1x128xf32>
    %mul3A_1187 = vector.broadcast %slice3A_1183 : vector<128x1xf32> to vector<128x128xf32>
    %mul3A_1188 = vector.broadcast %get3A_1186 : vector<1x128xf32> to vector<128x128xf32>
    %mul3A_1189 = arith.mulf %mul3A_1187, %mul3A_1188 : vector<128x128xf32>
    %get3A_1190 = arith.constant 0 : index
    %get3A_1191 = arith.constant 0 : index
    %get3A_1192 = vector.load %arg3[%get3A_1190, %get3A_1191] : memref<1x128xf32, #tpu.memory_space<vmem>>, vector<1x128xf32>
    %add3A_1193 = vector.broadcast %get3A_1192 : vector<1x128xf32> to vector<128x128xf32>
    %add3A_1194 = arith.addf %mul3A_1189, %add3A_1193 : vector<128x128xf32>
    %swap3A_1195 = arith.constant 10112 : index
    %swap3A_1196 = arith.constant 0 : index
    %swap3A_1197 = vector.load %arg4[%swap3A_1195, %swap3A_1196] : memref<25600x128xf32, #tpu.memory_space<vmem>>, vector<128x128xf32>
    tpu.vector_store %arg4[%swap3A_1195, %swap3A_1196], %add3A_1194 {strides = array<i32>} : memref<25600x128xf32, #tpu.memory_space<vmem>>, vector<128x128xf32>,
    %slice3A_1198 = vector.extract_strided_slice %transpose3A {offsets = [0, 80], sizes = [128, 1], strides = [1, 1]} : vector<128x200xf32> to vector<128x1xf32>
    %get3A_1199 = arith.constant 0 : index
    %get3A_1200 = arith.constant 0 : index
    %get3A_1201 = vector.load %arg2[%get3A_1199, %get3A_1200] : memref<1x128xf32, #tpu.memory_space<vmem>>, vector<1x128xf32>
    %mul3A_1202 = vector.broadcast %slice3A_1198 : vector<128x1xf32> to vector<128x128xf32>
    %mul3A_1203 = vector.broadcast %get3A_1201 : vector<1x128xf32> to vector<128x128xf32>
    %mul3A_1204 = arith.mulf %mul3A_1202, %mul3A_1203 : vector<128x128xf32>
    %get3A_1205 = arith.constant 0 : index
    %get3A_1206 = arith.constant 0 : index
    %get3A_1207 = vector.load %arg3[%get3A_1205, %get3A_1206] : memref<1x128xf32, #tpu.memory_space<vmem>>, vector<1x128xf32>
    %add3A_1208 = vector.broadcast %get3A_1207 : vector<1x128xf32> to vector<128x128xf32>
    %add3A_1209 = arith.addf %mul3A_1204, %add3A_1208 : vector<128x128xf32>
    %swap3A_1210 = arith.constant 10240 : index
    %swap3A_1211 = arith.constant 0 : index
    %swap3A_1212 = vector.load %arg4[%swap3A_1210, %swap3A_1211] : memref<25600x128xf32, #tpu.memory_space<vmem>>, vector<128x128xf32>
    tpu.vector_store %arg4[%swap3A_1210, %swap3A_1211], %add3A_1209 {strides = array<i32>} : memref<25600x128xf32, #tpu.memory_space<vmem>>, vector<128x128xf32>,
    %slice3A_1213 = vector.extract_strided_slice %transpose3A {offsets = [0, 81], sizes = [128, 1], strides = [1, 1]} : vector<128x200xf32> to vector<128x1xf32>
    %get3A_1214 = arith.constant 0 : index
    %get3A_1215 = arith.constant 0 : index
    %get3A_1216 = vector.load %arg2[%get3A_1214, %get3A_1215] : memref<1x128xf32, #tpu.memory_space<vmem>>, vector<1x128xf32>
    %mul3A_1217 = vector.broadcast %slice3A_1213 : vector<128x1xf32> to vector<128x128xf32>
    %mul3A_1218 = vector.broadcast %get3A_1216 : vector<1x128xf32> to vector<128x128xf32>
    %mul3A_1219 = arith.mulf %mul3A_1217, %mul3A_1218 : vector<128x128xf32>
    %get3A_1220 = arith.constant 0 : index
    %get3A_1221 = arith.constant 0 : index
    %get3A_1222 = vector.load %arg3[%get3A_1220, %get3A_1221] : memref<1x128xf32, #tpu.memory_space<vmem>>, vector<1x128xf32>
    %add3A_1223 = vector.broadcast %get3A_1222 : vector<1x128xf32> to vector<128x128xf32>
    %add3A_1224 = arith.addf %mul3A_1219, %add3A_1223 : vector<128x128xf32>
    %swap3A_1225 = arith.constant 10368 : index
    %swap3A_1226 = arith.constant 0 : index
    %swap3A_1227 = vector.load %arg4[%swap3A_1225, %swap3A_1226] : memref<25600x128xf32, #tpu.memory_space<vmem>>, vector<128x128xf32>
    tpu.vector_store %arg4[%swap3A_1225, %swap3A_1226], %add3A_1224 {strides = array<i32>} : memref<25600x128xf32, #tpu.memory_space<vmem>>, vector<128x128xf32>,
    %slice3A_1228 = vector.extract_strided_slice %transpose3A {offsets = [0, 82], sizes = [128, 1], strides = [1, 1]} : vector<128x200xf32> to vector<128x1xf32>
    %get3A_1229 = arith.constant 0 : index
    %get3A_1230 = arith.constant 0 : index
    %get3A_1231 = vector.load %arg2[%get3A_1229, %get3A_1230] : memref<1x128xf32, #tpu.memory_space<vmem>>, vector<1x128xf32>
    %mul3A_1232 = vector.broadcast %slice3A_1228 : vector<128x1xf32> to vector<128x128xf32>
    %mul3A_1233 = vector.broadcast %get3A_1231 : vector<1x128xf32> to vector<128x128xf32>
    %mul3A_1234 = arith.mulf %mul3A_1232, %mul3A_1233 : vector<128x128xf32>
    %get3A_1235 = arith.constant 0 : index
    %get3A_1236 = arith.constant 0 : index
    %get3A_1237 = vector.load %arg3[%get3A_1235, %get3A_1236] : memref<1x128xf32, #tpu.memory_space<vmem>>, vector<1x128xf32>
    %add3A_1238 = vector.broadcast %get3A_1237 : vector<1x128xf32> to vector<128x128xf32>
    %add3A_1239 = arith.addf %mul3A_1234, %add3A_1238 : vector<128x128xf32>
    %swap3A_1240 = arith.constant 10496 : index
    %swap3A_1241 = arith.constant 0 : index
    %swap3A_1242 = vector.load %arg4[%swap3A_1240, %swap3A_1241] : memref<25600x128xf32, #tpu.memory_space<vmem>>, vector<128x128xf32>
    tpu.vector_store %arg4[%swap3A_1240, %swap3A_1241], %add3A_1239 {strides = array<i32>} : memref<25600x128xf32, #tpu.memory_space<vmem>>, vector<128x128xf32>,
    %slice3A_1243 = vector.extract_strided_slice %transpose3A {offsets = [0, 83], sizes = [128, 1], strides = [1, 1]} : vector<128x200xf32> to vector<128x1xf32>
    %get3A_1244 = arith.constant 0 : index
    %get3A_1245 = arith.constant 0 : index
    %get3A_1246 = vector.load %arg2[%get3A_1244, %get3A_1245] : memref<1x128xf32, #tpu.memory_space<vmem>>, vector<1x128xf32>
    %mul3A_1247 = vector.broadcast %slice3A_1243 : vector<128x1xf32> to vector<128x128xf32>
    %mul3A_1248 = vector.broadcast %get3A_1246 : vector<1x128xf32> to vector<128x128xf32>
    %mul3A_1249 = arith.mulf %mul3A_1247, %mul3A_1248 : vector<128x128xf32>
    %get3A_1250 = arith.constant 0 : index
    %get3A_1251 = arith.constant 0 : index
    %get3A_1252 = vector.load %arg3[%get3A_1250, %get3A_1251] : memref<1x128xf32, #tpu.memory_space<vmem>>, vector<1x128xf32>
    %add3A_1253 = vector.broadcast %get3A_1252 : vector<1x128xf32> to vector<128x128xf32>
    %add3A_1254 = arith.addf %mul3A_1249, %add3A_1253 : vector<128x128xf32>
    %swap3A_1255 = arith.constant 10624 : index
    %swap3A_1256 = arith.constant 0 : index
    %swap3A_1257 = vector.load %arg4[%swap3A_1255, %swap3A_1256] : memref<25600x128xf32, #tpu.memory_space<vmem>>, vector<128x128xf32>
    tpu.vector_store %arg4[%swap3A_1255, %swap3A_1256], %add3A_1254 {strides = array<i32>} : memref<25600x128xf32, #tpu.memory_space<vmem>>, vector<128x128xf32>,
    %slice3A_1258 = vector.extract_strided_slice %transpose3A {offsets = [0, 84], sizes = [128, 1], strides = [1, 1]} : vector<128x200xf32> to vector<128x1xf32>
    %get3A_1259 = arith.constant 0 : index
    %get3A_1260 = arith.constant 0 : index
    %get3A_1261 = vector.load %arg2[%get3A_1259, %get3A_1260] : memref<1x128xf32, #tpu.memory_space<vmem>>, vector<1x128xf32>
    %mul3A_1262 = vector.broadcast %slice3A_1258 : vector<128x1xf32> to vector<128x128xf32>
    %mul3A_1263 = vector.broadcast %get3A_1261 : vector<1x128xf32> to vector<128x128xf32>
    %mul3A_1264 = arith.mulf %mul3A_1262, %mul3A_1263 : vector<128x128xf32>
    %get3A_1265 = arith.constant 0 : index
    %get3A_1266 = arith.constant 0 : index
    %get3A_1267 = vector.load %arg3[%get3A_1265, %get3A_1266] : memref<1x128xf32, #tpu.memory_space<vmem>>, vector<1x128xf32>
    %add3A_1268 = vector.broadcast %get3A_1267 : vector<1x128xf32> to vector<128x128xf32>
    %add3A_1269 = arith.addf %mul3A_1264, %add3A_1268 : vector<128x128xf32>
    %swap3A_1270 = arith.constant 10752 : index
    %swap3A_1271 = arith.constant 0 : index
    %swap3A_1272 = vector.load %arg4[%swap3A_1270, %swap3A_1271] : memref<25600x128xf32, #tpu.memory_space<vmem>>, vector<128x128xf32>
    tpu.vector_store %arg4[%swap3A_1270, %swap3A_1271], %add3A_1269 {strides = array<i32>} : memref<25600x128xf32, #tpu.memory_space<vmem>>, vector<128x128xf32>,
    %slice3A_1273 = vector.extract_strided_slice %transpose3A {offsets = [0, 85], sizes = [128, 1], strides = [1, 1]} : vector<128x200xf32> to vector<128x1xf32>
    %get3A_1274 = arith.constant 0 : index
    %get3A_1275 = arith.constant 0 : index
    %get3A_1276 = vector.load %arg2[%get3A_1274, %get3A_1275] : memref<1x128xf32, #tpu.memory_space<vmem>>, vector<1x128xf32>
    %mul3A_1277 = vector.broadcast %slice3A_1273 : vector<128x1xf32> to vector<128x128xf32>
    %mul3A_1278 = vector.broadcast %get3A_1276 : vector<1x128xf32> to vector<128x128xf32>
    %mul3A_1279 = arith.mulf %mul3A_1277, %mul3A_1278 : vector<128x128xf32>
    %get3A_1280 = arith.constant 0 : index
    %get3A_1281 = arith.constant 0 : index
    %get3A_1282 = vector.load %arg3[%get3A_1280, %get3A_1281] : memref<1x128xf32, #tpu.memory_space<vmem>>, vector<1x128xf32>
    %add3A_1283 = vector.broadcast %get3A_1282 : vector<1x128xf32> to vector<128x128xf32>
    %add3A_1284 = arith.addf %mul3A_1279, %add3A_1283 : vector<128x128xf32>
    %swap3A_1285 = arith.constant 10880 : index
    %swap3A_1286 = arith.constant 0 : index
    %swap3A_1287 = vector.load %arg4[%swap3A_1285, %swap3A_1286] : memref<25600x128xf32, #tpu.memory_space<vmem>>, vector<128x128xf32>
    tpu.vector_store %arg4[%swap3A_1285, %swap3A_1286], %add3A_1284 {strides = array<i32>} : memref<25600x128xf32, #tpu.memory_space<vmem>>, vector<128x128xf32>,
    %slice3A_1288 = vector.extract_strided_slice %transpose3A {offsets = [0, 86], sizes = [128, 1], strides = [1, 1]} : vector<128x200xf32> to vector<128x1xf32>
    %get3A_1289 = arith.constant 0 : index
    %get3A_1290 = arith.constant 0 : index
    %get3A_1291 = vector.load %arg2[%get3A_1289, %get3A_1290] : memref<1x128xf32, #tpu.memory_space<vmem>>, vector<1x128xf32>
    %mul3A_1292 = vector.broadcast %slice3A_1288 : vector<128x1xf32> to vector<128x128xf32>
    %mul3A_1293 = vector.broadcast %get3A_1291 : vector<1x128xf32> to vector<128x128xf32>
    %mul3A_1294 = arith.mulf %mul3A_1292, %mul3A_1293 : vector<128x128xf32>
    %get3A_1295 = arith.constant 0 : index
    %get3A_1296 = arith.constant 0 : index
    %get3A_1297 = vector.load %arg3[%get3A_1295, %get3A_1296] : memref<1x128xf32, #tpu.memory_space<vmem>>, vector<1x128xf32>
    %add3A_1298 = vector.broadcast %get3A_1297 : vector<1x128xf32> to vector<128x128xf32>
    %add3A_1299 = arith.addf %mul3A_1294, %add3A_1298 : vector<128x128xf32>
    %swap3A_1300 = arith.constant 11008 : index
    %swap3A_1301 = arith.constant 0 : index
    %swap3A_1302 = vector.load %arg4[%swap3A_1300, %swap3A_1301] : memref<25600x128xf32, #tpu.memory_space<vmem>>, vector<128x128xf32>
    tpu.vector_store %arg4[%swap3A_1300, %swap3A_1301], %add3A_1299 {strides = array<i32>} : memref<25600x128xf32, #tpu.memory_space<vmem>>, vector<128x128xf32>,
    %slice3A_1303 = vector.extract_strided_slice %transpose3A {offsets = [0, 87], sizes = [128, 1], strides = [1, 1]} : vector<128x200xf32> to vector<128x1xf32>
    %get3A_1304 = arith.constant 0 : index
    %get3A_1305 = arith.constant 0 : index
    %get3A_1306 = vector.load %arg2[%get3A_1304, %get3A_1305] : memref<1x128xf32, #tpu.memory_space<vmem>>, vector<1x128xf32>
    %mul3A_1307 = vector.broadcast %slice3A_1303 : vector<128x1xf32> to vector<128x128xf32>
    %mul3A_1308 = vector.broadcast %get3A_1306 : vector<1x128xf32> to vector<128x128xf32>
    %mul3A_1309 = arith.mulf %mul3A_1307, %mul3A_1308 : vector<128x128xf32>
    %get3A_1310 = arith.constant 0 : index
    %get3A_1311 = arith.constant 0 : index
    %get3A_1312 = vector.load %arg3[%get3A_1310, %get3A_1311] : memref<1x128xf32, #tpu.memory_space<vmem>>, vector<1x128xf32>
    %add3A_1313 = vector.broadcast %get3A_1312 : vector<1x128xf32> to vector<128x128xf32>
    %add3A_1314 = arith.addf %mul3A_1309, %add3A_1313 : vector<128x128xf32>
    %swap3A_1315 = arith.constant 11136 : index
    %swap3A_1316 = arith.constant 0 : index
    %swap3A_1317 = vector.load %arg4[%swap3A_1315, %swap3A_1316] : memref<25600x128xf32, #tpu.memory_space<vmem>>, vector<128x128xf32>
    tpu.vector_store %arg4[%swap3A_1315, %swap3A_1316], %add3A_1314 {strides = array<i32>} : memref<25600x128xf32, #tpu.memory_space<vmem>>, vector<128x128xf32>,
    %slice3A_1318 = vector.extract_strided_slice %transpose3A {offsets = [0, 88], sizes = [128, 1], strides = [1, 1]} : vector<128x200xf32> to vector<128x1xf32>
    %get3A_1319 = arith.constant 0 : index
    %get3A_1320 = arith.constant 0 : index
    %get3A_1321 = vector.load %arg2[%get3A_1319, %get3A_1320] : memref<1x128xf32, #tpu.memory_space<vmem>>, vector<1x128xf32>
    %mul3A_1322 = vector.broadcast %slice3A_1318 : vector<128x1xf32> to vector<128x128xf32>
    %mul3A_1323 = vector.broadcast %get3A_1321 : vector<1x128xf32> to vector<128x128xf32>
    %mul3A_1324 = arith.mulf %mul3A_1322, %mul3A_1323 : vector<128x128xf32>
    %get3A_1325 = arith.constant 0 : index
    %get3A_1326 = arith.constant 0 : index
    %get3A_1327 = vector.load %arg3[%get3A_1325, %get3A_1326] : memref<1x128xf32, #tpu.memory_space<vmem>>, vector<1x128xf32>
    %add3A_1328 = vector.broadcast %get3A_1327 : vector<1x128xf32> to vector<128x128xf32>
    %add3A_1329 = arith.addf %mul3A_1324, %add3A_1328 : vector<128x128xf32>
    %swap3A_1330 = arith.constant 11264 : index
    %swap3A_1331 = arith.constant 0 : index
    %swap3A_1332 = vector.load %arg4[%swap3A_1330, %swap3A_1331] : memref<25600x128xf32, #tpu.memory_space<vmem>>, vector<128x128xf32>
    tpu.vector_store %arg4[%swap3A_1330, %swap3A_1331], %add3A_1329 {strides = array<i32>} : memref<25600x128xf32, #tpu.memory_space<vmem>>, vector<128x128xf32>,
    %slice3A_1333 = vector.extract_strided_slice %transpose3A {offsets = [0, 89], sizes = [128, 1], strides = [1, 1]} : vector<128x200xf32> to vector<128x1xf32>
    %get3A_1334 = arith.constant 0 : index
    %get3A_1335 = arith.constant 0 : index
    %get3A_1336 = vector.load %arg2[%get3A_1334, %get3A_1335] : memref<1x128xf32, #tpu.memory_space<vmem>>, vector<1x128xf32>
    %mul3A_1337 = vector.broadcast %slice3A_1333 : vector<128x1xf32> to vector<128x128xf32>
    %mul3A_1338 = vector.broadcast %get3A_1336 : vector<1x128xf32> to vector<128x128xf32>
    %mul3A_1339 = arith.mulf %mul3A_1337, %mul3A_1338 : vector<128x128xf32>
    %get3A_1340 = arith.constant 0 : index
    %get3A_1341 = arith.constant 0 : index
    %get3A_1342 = vector.load %arg3[%get3A_1340, %get3A_1341] : memref<1x128xf32, #tpu.memory_space<vmem>>, vector<1x128xf32>
    %add3A_1343 = vector.broadcast %get3A_1342 : vector<1x128xf32> to vector<128x128xf32>
    %add3A_1344 = arith.addf %mul3A_1339, %add3A_1343 : vector<128x128xf32>
    %swap3A_1345 = arith.constant 11392 : index
    %swap3A_1346 = arith.constant 0 : index
    %swap3A_1347 = vector.load %arg4[%swap3A_1345, %swap3A_1346] : memref<25600x128xf32, #tpu.memory_space<vmem>>, vector<128x128xf32>
    tpu.vector_store %arg4[%swap3A_1345, %swap3A_1346], %add3A_1344 {strides = array<i32>} : memref<25600x128xf32, #tpu.memory_space<vmem>>, vector<128x128xf32>,
    %slice3A_1348 = vector.extract_strided_slice %transpose3A {offsets = [0, 90], sizes = [128, 1], strides = [1, 1]} : vector<128x200xf32> to vector<128x1xf32>
    %get3A_1349 = arith.constant 0 : index
    %get3A_1350 = arith.constant 0 : index
    %get3A_1351 = vector.load %arg2[%get3A_1349, %get3A_1350] : memref<1x128xf32, #tpu.memory_space<vmem>>, vector<1x128xf32>
    %mul3A_1352 = vector.broadcast %slice3A_1348 : vector<128x1xf32> to vector<128x128xf32>
    %mul3A_1353 = vector.broadcast %get3A_1351 : vector<1x128xf32> to vector<128x128xf32>
    %mul3A_1354 = arith.mulf %mul3A_1352, %mul3A_1353 : vector<128x128xf32>
    %get3A_1355 = arith.constant 0 : index
    %get3A_1356 = arith.constant 0 : index
    %get3A_1357 = vector.load %arg3[%get3A_1355, %get3A_1356] : memref<1x128xf32, #tpu.memory_space<vmem>>, vector<1x128xf32>
    %add3A_1358 = vector.broadcast %get3A_1357 : vector<1x128xf32> to vector<128x128xf32>
    %add3A_1359 = arith.addf %mul3A_1354, %add3A_1358 : vector<128x128xf32>
    %swap3A_1360 = arith.constant 11520 : index
    %swap3A_1361 = arith.constant 0 : index
    %swap3A_1362 = vector.load %arg4[%swap3A_1360, %swap3A_1361] : memref<25600x128xf32, #tpu.memory_space<vmem>>, vector<128x128xf32>
    tpu.vector_store %arg4[%swap3A_1360, %swap3A_1361], %add3A_1359 {strides = array<i32>} : memref<25600x128xf32, #tpu.memory_space<vmem>>, vector<128x128xf32>,
    %slice3A_1363 = vector.extract_strided_slice %transpose3A {offsets = [0, 91], sizes = [128, 1], strides = [1, 1]} : vector<128x200xf32> to vector<128x1xf32>
    %get3A_1364 = arith.constant 0 : index
    %get3A_1365 = arith.constant 0 : index
    %get3A_1366 = vector.load %arg2[%get3A_1364, %get3A_1365] : memref<1x128xf32, #tpu.memory_space<vmem>>, vector<1x128xf32>
    %mul3A_1367 = vector.broadcast %slice3A_1363 : vector<128x1xf32> to vector<128x128xf32>
    %mul3A_1368 = vector.broadcast %get3A_1366 : vector<1x128xf32> to vector<128x128xf32>
    %mul3A_1369 = arith.mulf %mul3A_1367, %mul3A_1368 : vector<128x128xf32>
    %get3A_1370 = arith.constant 0 : index
    %get3A_1371 = arith.constant 0 : index
    %get3A_1372 = vector.load %arg3[%get3A_1370, %get3A_1371] : memref<1x128xf32, #tpu.memory_space<vmem>>, vector<1x128xf32>
    %add3A_1373 = vector.broadcast %get3A_1372 : vector<1x128xf32> to vector<128x128xf32>
    %add3A_1374 = arith.addf %mul3A_1369, %add3A_1373 : vector<128x128xf32>
    %swap3A_1375 = arith.constant 11648 : index
    %swap3A_1376 = arith.constant 0 : index
    %swap3A_1377 = vector.load %arg4[%swap3A_1375, %swap3A_1376] : memref<25600x128xf32, #tpu.memory_space<vmem>>, vector<128x128xf32>
    tpu.vector_store %arg4[%swap3A_1375, %swap3A_1376], %add3A_1374 {strides = array<i32>} : memref<25600x128xf32, #tpu.memory_space<vmem>>, vector<128x128xf32>,
    %slice3A_1378 = vector.extract_strided_slice %transpose3A {offsets = [0, 92], sizes = [128, 1], strides = [1, 1]} : vector<128x200xf32> to vector<128x1xf32>
    %get3A_1379 = arith.constant 0 : index
    %get3A_1380 = arith.constant 0 : index
    %get3A_1381 = vector.load %arg2[%get3A_1379, %get3A_1380] : memref<1x128xf32, #tpu.memory_space<vmem>>, vector<1x128xf32>
    %mul3A_1382 = vector.broadcast %slice3A_1378 : vector<128x1xf32> to vector<128x128xf32>
    %mul3A_1383 = vector.broadcast %get3A_1381 : vector<1x128xf32> to vector<128x128xf32>
    %mul3A_1384 = arith.mulf %mul3A_1382, %mul3A_1383 : vector<128x128xf32>
    %get3A_1385 = arith.constant 0 : index
    %get3A_1386 = arith.constant 0 : index
    %get3A_1387 = vector.load %arg3[%get3A_1385, %get3A_1386] : memref<1x128xf32, #tpu.memory_space<vmem>>, vector<1x128xf32>
    %add3A_1388 = vector.broadcast %get3A_1387 : vector<1x128xf32> to vector<128x128xf32>
    %add3A_1389 = arith.addf %mul3A_1384, %add3A_1388 : vector<128x128xf32>
    %swap3A_1390 = arith.constant 11776 : index
    %swap3A_1391 = arith.constant 0 : index
    %swap3A_1392 = vector.load %arg4[%swap3A_1390, %swap3A_1391] : memref<25600x128xf32, #tpu.memory_space<vmem>>, vector<128x128xf32>
    tpu.vector_store %arg4[%swap3A_1390, %swap3A_1391], %add3A_1389 {strides = array<i32>} : memref<25600x128xf32, #tpu.memory_space<vmem>>, vector<128x128xf32>,
    %slice3A_1393 = vector.extract_strided_slice %transpose3A {offsets = [0, 93], sizes = [128, 1], strides = [1, 1]} : vector<128x200xf32> to vector<128x1xf32>
    %get3A_1394 = arith.constant 0 : index
    %get3A_1395 = arith.constant 0 : index
    %get3A_1396 = vector.load %arg2[%get3A_1394, %get3A_1395] : memref<1x128xf32, #tpu.memory_space<vmem>>, vector<1x128xf32>
    %mul3A_1397 = vector.broadcast %slice3A_1393 : vector<128x1xf32> to vector<128x128xf32>
    %mul3A_1398 = vector.broadcast %get3A_1396 : vector<1x128xf32> to vector<128x128xf32>
    %mul3A_1399 = arith.mulf %mul3A_1397, %mul3A_1398 : vector<128x128xf32>
    %get3A_1400 = arith.constant 0 : index
    %get3A_1401 = arith.constant 0 : index
    %get3A_1402 = vector.load %arg3[%get3A_1400, %get3A_1401] : memref<1x128xf32, #tpu.memory_space<vmem>>, vector<1x128xf32>
    %add3A_1403 = vector.broadcast %get3A_1402 : vector<1x128xf32> to vector<128x128xf32>
    %add3A_1404 = arith.addf %mul3A_1399, %add3A_1403 : vector<128x128xf32>
    %swap3A_1405 = arith.constant 11904 : index
    %swap3A_1406 = arith.constant 0 : index
    %swap3A_1407 = vector.load %arg4[%swap3A_1405, %swap3A_1406] : memref<25600x128xf32, #tpu.memory_space<vmem>>, vector<128x128xf32>
    tpu.vector_store %arg4[%swap3A_1405, %swap3A_1406], %add3A_1404 {strides = array<i32>} : memref<25600x128xf32, #tpu.memory_space<vmem>>, vector<128x128xf32>,
    %slice3A_1408 = vector.extract_strided_slice %transpose3A {offsets = [0, 94], sizes = [128, 1], strides = [1, 1]} : vector<128x200xf32> to vector<128x1xf32>
    %get3A_1409 = arith.constant 0 : index
    %get3A_1410 = arith.constant 0 : index
    %get3A_1411 = vector.load %arg2[%get3A_1409, %get3A_1410] : memref<1x128xf32, #tpu.memory_space<vmem>>, vector<1x128xf32>
    %mul3A_1412 = vector.broadcast %slice3A_1408 : vector<128x1xf32> to vector<128x128xf32>
    %mul3A_1413 = vector.broadcast %get3A_1411 : vector<1x128xf32> to vector<128x128xf32>
    %mul3A_1414 = arith.mulf %mul3A_1412, %mul3A_1413 : vector<128x128xf32>
    %get3A_1415 = arith.constant 0 : index
    %get3A_1416 = arith.constant 0 : index
    %get3A_1417 = vector.load %arg3[%get3A_1415, %get3A_1416] : memref<1x128xf32, #tpu.memory_space<vmem>>, vector<1x128xf32>
    %add3A_1418 = vector.broadcast %get3A_1417 : vector<1x128xf32> to vector<128x128xf32>
    %add3A_1419 = arith.addf %mul3A_1414, %add3A_1418 : vector<128x128xf32>
    %swap3A_1420 = arith.constant 12032 : index
    %swap3A_1421 = arith.constant 0 : index
    %swap3A_1422 = vector.load %arg4[%swap3A_1420, %swap3A_1421] : memref<25600x128xf32, #tpu.memory_space<vmem>>, vector<128x128xf32>
    tpu.vector_store %arg4[%swap3A_1420, %swap3A_1421], %add3A_1419 {strides = array<i32>} : memref<25600x128xf32, #tpu.memory_space<vmem>>, vector<128x128xf32>,
    %slice3A_1423 = vector.extract_strided_slice %transpose3A {offsets = [0, 95], sizes = [128, 1], strides = [1, 1]} : vector<128x200xf32> to vector<128x1xf32>
    %get3A_1424 = arith.constant 0 : index
    %get3A_1425 = arith.constant 0 : index
    %get3A_1426 = vector.load %arg2[%get3A_1424, %get3A_1425] : memref<1x128xf32, #tpu.memory_space<vmem>>, vector<1x128xf32>
    %mul3A_1427 = vector.broadcast %slice3A_1423 : vector<128x1xf32> to vector<128x128xf32>
    %mul3A_1428 = vector.broadcast %get3A_1426 : vector<1x128xf32> to vector<128x128xf32>
    %mul3A_1429 = arith.mulf %mul3A_1427, %mul3A_1428 : vector<128x128xf32>
    %get3A_1430 = arith.constant 0 : index
    %get3A_1431 = arith.constant 0 : index
    %get3A_1432 = vector.load %arg3[%get3A_1430, %get3A_1431] : memref<1x128xf32, #tpu.memory_space<vmem>>, vector<1x128xf32>
    %add3A_1433 = vector.broadcast %get3A_1432 : vector<1x128xf32> to vector<128x128xf32>
    %add3A_1434 = arith.addf %mul3A_1429, %add3A_1433 : vector<128x128xf32>
    %swap3A_1435 = arith.constant 12160 : index
    %swap3A_1436 = arith.constant 0 : index
    %swap3A_1437 = vector.load %arg4[%swap3A_1435, %swap3A_1436] : memref<25600x128xf32, #tpu.memory_space<vmem>>, vector<128x128xf32>
    tpu.vector_store %arg4[%swap3A_1435, %swap3A_1436], %add3A_1434 {strides = array<i32>} : memref<25600x128xf32, #tpu.memory_space<vmem>>, vector<128x128xf32>,
    %slice3A_1438 = vector.extract_strided_slice %transpose3A {offsets = [0, 96], sizes = [128, 1], strides = [1, 1]} : vector<128x200xf32> to vector<128x1xf32>
    %get3A_1439 = arith.constant 0 : index
    %get3A_1440 = arith.constant 0 : index
    %get3A_1441 = vector.load %arg2[%get3A_1439, %get3A_1440] : memref<1x128xf32, #tpu.memory_space<vmem>>, vector<1x128xf32>
    %mul3A_1442 = vector.broadcast %slice3A_1438 : vector<128x1xf32> to vector<128x128xf32>
    %mul3A_1443 = vector.broadcast %get3A_1441 : vector<1x128xf32> to vector<128x128xf32>
    %mul3A_1444 = arith.mulf %mul3A_1442, %mul3A_1443 : vector<128x128xf32>
    %get3A_1445 = arith.constant 0 : index
    %get3A_1446 = arith.constant 0 : index
    %get3A_1447 = vector.load %arg3[%get3A_1445, %get3A_1446] : memref<1x128xf32, #tpu.memory_space<vmem>>, vector<1x128xf32>
    %add3A_1448 = vector.broadcast %get3A_1447 : vector<1x128xf32> to vector<128x128xf32>
    %add3A_1449 = arith.addf %mul3A_1444, %add3A_1448 : vector<128x128xf32>
    %swap3A_1450 = arith.constant 12288 : index
    %swap3A_1451 = arith.constant 0 : index
    %swap3A_1452 = vector.load %arg4[%swap3A_1450, %swap3A_1451] : memref<25600x128xf32, #tpu.memory_space<vmem>>, vector<128x128xf32>
    tpu.vector_store %arg4[%swap3A_1450, %swap3A_1451], %add3A_1449 {strides = array<i32>} : memref<25600x128xf32, #tpu.memory_space<vmem>>, vector<128x128xf32>,
    %slice3A_1453 = vector.extract_strided_slice %transpose3A {offsets = [0, 97], sizes = [128, 1], strides = [1, 1]} : vector<128x200xf32> to vector<128x1xf32>
    %get3A_1454 = arith.constant 0 : index
    %get3A_1455 = arith.constant 0 : index
    %get3A_1456 = vector.load %arg2[%get3A_1454, %get3A_1455] : memref<1x128xf32, #tpu.memory_space<vmem>>, vector<1x128xf32>
    %mul3A_1457 = vector.broadcast %slice3A_1453 : vector<128x1xf32> to vector<128x128xf32>
    %mul3A_1458 = vector.broadcast %get3A_1456 : vector<1x128xf32> to vector<128x128xf32>
    %mul3A_1459 = arith.mulf %mul3A_1457, %mul3A_1458 : vector<128x128xf32>
    %get3A_1460 = arith.constant 0 : index
    %get3A_1461 = arith.constant 0 : index
    %get3A_1462 = vector.load %arg3[%get3A_1460, %get3A_1461] : memref<1x128xf32, #tpu.memory_space<vmem>>, vector<1x128xf32>
    %add3A_1463 = vector.broadcast %get3A_1462 : vector<1x128xf32> to vector<128x128xf32>
    %add3A_1464 = arith.addf %mul3A_1459, %add3A_1463 : vector<128x128xf32>
    %swap3A_1465 = arith.constant 12416 : index
    %swap3A_1466 = arith.constant 0 : index
    %swap3A_1467 = vector.load %arg4[%swap3A_1465, %swap3A_1466] : memref<25600x128xf32, #tpu.memory_space<vmem>>, vector<128x128xf32>
    tpu.vector_store %arg4[%swap3A_1465, %swap3A_1466], %add3A_1464 {strides = array<i32>} : memref<25600x128xf32, #tpu.memory_space<vmem>>, vector<128x128xf32>,
    %slice3A_1468 = vector.extract_strided_slice %transpose3A {offsets = [0, 98], sizes = [128, 1], strides = [1, 1]} : vector<128x200xf32> to vector<128x1xf32>
    %get3A_1469 = arith.constant 0 : index
    %get3A_1470 = arith.constant 0 : index
    %get3A_1471 = vector.load %arg2[%get3A_1469, %get3A_1470] : memref<1x128xf32, #tpu.memory_space<vmem>>, vector<1x128xf32>
    %mul3A_1472 = vector.broadcast %slice3A_1468 : vector<128x1xf32> to vector<128x128xf32>
    %mul3A_1473 = vector.broadcast %get3A_1471 : vector<1x128xf32> to vector<128x128xf32>
    %mul3A_1474 = arith.mulf %mul3A_1472, %mul3A_1473 : vector<128x128xf32>
    %get3A_1475 = arith.constant 0 : index
    %get3A_1476 = arith.constant 0 : index
    %get3A_1477 = vector.load %arg3[%get3A_1475, %get3A_1476] : memref<1x128xf32, #tpu.memory_space<vmem>>, vector<1x128xf32>
    %add3A_1478 = vector.broadcast %get3A_1477 : vector<1x128xf32> to vector<128x128xf32>
    %add3A_1479 = arith.addf %mul3A_1474, %add3A_1478 : vector<128x128xf32>
    %swap3A_1480 = arith.constant 12544 : index
    %swap3A_1481 = arith.constant 0 : index
    %swap3A_1482 = vector.load %arg4[%swap3A_1480, %swap3A_1481] : memref<25600x128xf32, #tpu.memory_space<vmem>>, vector<128x128xf32>
    tpu.vector_store %arg4[%swap3A_1480, %swap3A_1481], %add3A_1479 {strides = array<i32>} : memref<25600x128xf32, #tpu.memory_space<vmem>>, vector<128x128xf32>,
    %slice3A_1483 = vector.extract_strided_slice %transpose3A {offsets = [0, 99], sizes = [128, 1], strides = [1, 1]} : vector<128x200xf32> to vector<128x1xf32>
    %get3A_1484 = arith.constant 0 : index
    %get3A_1485 = arith.constant 0 : index
    %get3A_1486 = vector.load %arg2[%get3A_1484, %get3A_1485] : memref<1x128xf32, #tpu.memory_space<vmem>>, vector<1x128xf32>
    %mul3A_1487 = vector.broadcast %slice3A_1483 : vector<128x1xf32> to vector<128x128xf32>
    %mul3A_1488 = vector.broadcast %get3A_1486 : vector<1x128xf32> to vector<128x128xf32>
    %mul3A_1489 = arith.mulf %mul3A_1487, %mul3A_1488 : vector<128x128xf32>
    %get3A_1490 = arith.constant 0 : index
    %get3A_1491 = arith.constant 0 : index
    %get3A_1492 = vector.load %arg3[%get3A_1490, %get3A_1491] : memref<1x128xf32, #tpu.memory_space<vmem>>, vector<1x128xf32>
    %add3A_1493 = vector.broadcast %get3A_1492 : vector<1x128xf32> to vector<128x128xf32>
    %add3A_1494 = arith.addf %mul3A_1489, %add3A_1493 : vector<128x128xf32>
    %swap3A_1495 = arith.constant 12672 : index
    %swap3A_1496 = arith.constant 0 : index
    %swap3A_1497 = vector.load %arg4[%swap3A_1495, %swap3A_1496] : memref<25600x128xf32, #tpu.memory_space<vmem>>, vector<128x128xf32>
    tpu.vector_store %arg4[%swap3A_1495, %swap3A_1496], %add3A_1494 {strides = array<i32>} : memref<25600x128xf32, #tpu.memory_space<vmem>>, vector<128x128xf32>,
    %slice3A_1498 = vector.extract_strided_slice %transpose3A {offsets = [0, 100], sizes = [128, 1], strides = [1, 1]} : vector<128x200xf32> to vector<128x1xf32>
    %get3A_1499 = arith.constant 0 : index
    %get3A_1500 = arith.constant 0 : index
    %get3A_1501 = vector.load %arg2[%get3A_1499, %get3A_1500] : memref<1x128xf32, #tpu.memory_space<vmem>>, vector<1x128xf32>
    %mul3A_1502 = vector.broadcast %slice3A_1498 : vector<128x1xf32> to vector<128x128xf32>
    %mul3A_1503 = vector.broadcast %get3A_1501 : vector<1x128xf32> to vector<128x128xf32>
    %mul3A_1504 = arith.mulf %mul3A_1502, %mul3A_1503 : vector<128x128xf32>
    %get3A_1505 = arith.constant 0 : index
    %get3A_1506 = arith.constant 0 : index
    %get3A_1507 = vector.load %arg3[%get3A_1505, %get3A_1506] : memref<1x128xf32, #tpu.memory_space<vmem>>, vector<1x128xf32>
    %add3A_1508 = vector.broadcast %get3A_1507 : vector<1x128xf32> to vector<128x128xf32>
    %add3A_1509 = arith.addf %mul3A_1504, %add3A_1508 : vector<128x128xf32>
    %swap3A_1510 = arith.constant 12800 : index
    %swap3A_1511 = arith.constant 0 : index
    %swap3A_1512 = vector.load %arg4[%swap3A_1510, %swap3A_1511] : memref<25600x128xf32, #tpu.memory_space<vmem>>, vector<128x128xf32>
    tpu.vector_store %arg4[%swap3A_1510, %swap3A_1511], %add3A_1509 {strides = array<i32>} : memref<25600x128xf32, #tpu.memory_space<vmem>>, vector<128x128xf32>,
    %slice3A_1513 = vector.extract_strided_slice %transpose3A {offsets = [0, 101], sizes = [128, 1], strides = [1, 1]} : vector<128x200xf32> to vector<128x1xf32>
    %get3A_1514 = arith.constant 0 : index
    %get3A_1515 = arith.constant 0 : index
    %get3A_1516 = vector.load %arg2[%get3A_1514, %get3A_1515] : memref<1x128xf32, #tpu.memory_space<vmem>>, vector<1x128xf32>
    %mul3A_1517 = vector.broadcast %slice3A_1513 : vector<128x1xf32> to vector<128x128xf32>
    %mul3A_1518 = vector.broadcast %get3A_1516 : vector<1x128xf32> to vector<128x128xf32>
    %mul3A_1519 = arith.mulf %mul3A_1517, %mul3A_1518 : vector<128x128xf32>
    %get3A_1520 = arith.constant 0 : index
    %get3A_1521 = arith.constant 0 : index
    %get3A_1522 = vector.load %arg3[%get3A_1520, %get3A_1521] : memref<1x128xf32, #tpu.memory_space<vmem>>, vector<1x128xf32>
    %add3A_1523 = vector.broadcast %get3A_1522 : vector<1x128xf32> to vector<128x128xf32>
    %add3A_1524 = arith.addf %mul3A_1519, %add3A_1523 : vector<128x128xf32>
    %swap3A_1525 = arith.constant 12928 : index
    %swap3A_1526 = arith.constant 0 : index
    %swap3A_1527 = vector.load %arg4[%swap3A_1525, %swap3A_1526] : memref<25600x128xf32, #tpu.memory_space<vmem>>, vector<128x128xf32>
    tpu.vector_store %arg4[%swap3A_1525, %swap3A_1526], %add3A_1524 {strides = array<i32>} : memref<25600x128xf32, #tpu.memory_space<vmem>>, vector<128x128xf32>,
    %slice3A_1528 = vector.extract_strided_slice %transpose3A {offsets = [0, 102], sizes = [128, 1], strides = [1, 1]} : vector<128x200xf32> to vector<128x1xf32>
    %get3A_1529 = arith.constant 0 : index
    %get3A_1530 = arith.constant 0 : index
    %get3A_1531 = vector.load %arg2[%get3A_1529, %get3A_1530] : memref<1x128xf32, #tpu.memory_space<vmem>>, vector<1x128xf32>
    %mul3A_1532 = vector.broadcast %slice3A_1528 : vector<128x1xf32> to vector<128x128xf32>
    %mul3A_1533 = vector.broadcast %get3A_1531 : vector<1x128xf32> to vector<128x128xf32>
    %mul3A_1534 = arith.mulf %mul3A_1532, %mul3A_1533 : vector<128x128xf32>
    %get3A_1535 = arith.constant 0 : index
    %get3A_1536 = arith.constant 0 : index
    %get3A_1537 = vector.load %arg3[%get3A_1535, %get3A_1536] : memref<1x128xf32, #tpu.memory_space<vmem>>, vector<1x128xf32>
    %add3A_1538 = vector.broadcast %get3A_1537 : vector<1x128xf32> to vector<128x128xf32>
    %add3A_1539 = arith.addf %mul3A_1534, %add3A_1538 : vector<128x128xf32>
    %swap3A_1540 = arith.constant 13056 : index
    %swap3A_1541 = arith.constant 0 : index
    %swap3A_1542 = vector.load %arg4[%swap3A_1540, %swap3A_1541] : memref<25600x128xf32, #tpu.memory_space<vmem>>, vector<128x128xf32>
    tpu.vector_store %arg4[%swap3A_1540, %swap3A_1541], %add3A_1539 {strides = array<i32>} : memref<25600x128xf32, #tpu.memory_space<vmem>>, vector<128x128xf32>,
    %slice3A_1543 = vector.extract_strided_slice %transpose3A {offsets = [0, 103], sizes = [128, 1], strides = [1, 1]} : vector<128x200xf32> to vector<128x1xf32>
    %get3A_1544 = arith.constant 0 : index
    %get3A_1545 = arith.constant 0 : index
    %get3A_1546 = vector.load %arg2[%get3A_1544, %get3A_1545] : memref<1x128xf32, #tpu.memory_space<vmem>>, vector<1x128xf32>
    %mul3A_1547 = vector.broadcast %slice3A_1543 : vector<128x1xf32> to vector<128x128xf32>
    %mul3A_1548 = vector.broadcast %get3A_1546 : vector<1x128xf32> to vector<128x128xf32>
    %mul3A_1549 = arith.mulf %mul3A_1547, %mul3A_1548 : vector<128x128xf32>
    %get3A_1550 = arith.constant 0 : index
    %get3A_1551 = arith.constant 0 : index
    %get3A_1552 = vector.load %arg3[%get3A_1550, %get3A_1551] : memref<1x128xf32, #tpu.memory_space<vmem>>, vector<1x128xf32>
    %add3A_1553 = vector.broadcast %get3A_1552 : vector<1x128xf32> to vector<128x128xf32>
    %add3A_1554 = arith.addf %mul3A_1549, %add3A_1553 : vector<128x128xf32>
    %swap3A_1555 = arith.constant 13184 : index
    %swap3A_1556 = arith.constant 0 : index
    %swap3A_1557 = vector.load %arg4[%swap3A_1555, %swap3A_1556] : memref<25600x128xf32, #tpu.memory_space<vmem>>, vector<128x128xf32>
    tpu.vector_store %arg4[%swap3A_1555, %swap3A_1556], %add3A_1554 {strides = array<i32>} : memref<25600x128xf32, #tpu.memory_space<vmem>>, vector<128x128xf32>,
    %slice3A_1558 = vector.extract_strided_slice %transpose3A {offsets = [0, 104], sizes = [128, 1], strides = [1, 1]} : vector<128x200xf32> to vector<128x1xf32>
    %get3A_1559 = arith.constant 0 : index
    %get3A_1560 = arith.constant 0 : index
    %get3A_1561 = vector.load %arg2[%get3A_1559, %get3A_1560] : memref<1x128xf32, #tpu.memory_space<vmem>>, vector<1x128xf32>
    %mul3A_1562 = vector.broadcast %slice3A_1558 : vector<128x1xf32> to vector<128x128xf32>
    %mul3A_1563 = vector.broadcast %get3A_1561 : vector<1x128xf32> to vector<128x128xf32>
    %mul3A_1564 = arith.mulf %mul3A_1562, %mul3A_1563 : vector<128x128xf32>
    %get3A_1565 = arith.constant 0 : index
    %get3A_1566 = arith.constant 0 : index
    %get3A_1567 = vector.load %arg3[%get3A_1565, %get3A_1566] : memref<1x128xf32, #tpu.memory_space<vmem>>, vector<1x128xf32>
    %add3A_1568 = vector.broadcast %get3A_1567 : vector<1x128xf32> to vector<128x128xf32>
    %add3A_1569 = arith.addf %mul3A_1564, %add3A_1568 : vector<128x128xf32>
    %swap3A_1570 = arith.constant 13312 : index
    %swap3A_1571 = arith.constant 0 : index
    %swap3A_1572 = vector.load %arg4[%swap3A_1570, %swap3A_1571] : memref<25600x128xf32, #tpu.memory_space<vmem>>, vector<128x128xf32>
    tpu.vector_store %arg4[%swap3A_1570, %swap3A_1571], %add3A_1569 {strides = array<i32>} : memref<25600x128xf32, #tpu.memory_space<vmem>>, vector<128x128xf32>,
    %slice3A_1573 = vector.extract_strided_slice %transpose3A {offsets = [0, 105], sizes = [128, 1], strides = [1, 1]} : vector<128x200xf32> to vector<128x1xf32>
    %get3A_1574 = arith.constant 0 : index
    %get3A_1575 = arith.constant 0 : index
    %get3A_1576 = vector.load %arg2[%get3A_1574, %get3A_1575] : memref<1x128xf32, #tpu.memory_space<vmem>>, vector<1x128xf32>
    %mul3A_1577 = vector.broadcast %slice3A_1573 : vector<128x1xf32> to vector<128x128xf32>
    %mul3A_1578 = vector.broadcast %get3A_1576 : vector<1x128xf32> to vector<128x128xf32>
    %mul3A_1579 = arith.mulf %mul3A_1577, %mul3A_1578 : vector<128x128xf32>
    %get3A_1580 = arith.constant 0 : index
    %get3A_1581 = arith.constant 0 : index
    %get3A_1582 = vector.load %arg3[%get3A_1580, %get3A_1581] : memref<1x128xf32, #tpu.memory_space<vmem>>, vector<1x128xf32>
    %add3A_1583 = vector.broadcast %get3A_1582 : vector<1x128xf32> to vector<128x128xf32>
    %add3A_1584 = arith.addf %mul3A_1579, %add3A_1583 : vector<128x128xf32>
    %swap3A_1585 = arith.constant 13440 : index
    %swap3A_1586 = arith.constant 0 : index
    %swap3A_1587 = vector.load %arg4[%swap3A_1585, %swap3A_1586] : memref<25600x128xf32, #tpu.memory_space<vmem>>, vector<128x128xf32>
    tpu.vector_store %arg4[%swap3A_1585, %swap3A_1586], %add3A_1584 {strides = array<i32>} : memref<25600x128xf32, #tpu.memory_space<vmem>>, vector<128x128xf32>,
    %slice3A_1588 = vector.extract_strided_slice %transpose3A {offsets = [0, 106], sizes = [128, 1], strides = [1, 1]} : vector<128x200xf32> to vector<128x1xf32>
    %get3A_1589 = arith.constant 0 : index
    %get3A_1590 = arith.constant 0 : index
    %get3A_1591 = vector.load %arg2[%get3A_1589, %get3A_1590] : memref<1x128xf32, #tpu.memory_space<vmem>>, vector<1x128xf32>
    %mul3A_1592 = vector.broadcast %slice3A_1588 : vector<128x1xf32> to vector<128x128xf32>
    %mul3A_1593 = vector.broadcast %get3A_1591 : vector<1x128xf32> to vector<128x128xf32>
    %mul3A_1594 = arith.mulf %mul3A_1592, %mul3A_1593 : vector<128x128xf32>
    %get3A_1595 = arith.constant 0 : index
    %get3A_1596 = arith.constant 0 : index
    %get3A_1597 = vector.load %arg3[%get3A_1595, %get3A_1596] : memref<1x128xf32, #tpu.memory_space<vmem>>, vector<1x128xf32>
    %add3A_1598 = vector.broadcast %get3A_1597 : vector<1x128xf32> to vector<128x128xf32>
    %add3A_1599 = arith.addf %mul3A_1594, %add3A_1598 : vector<128x128xf32>
    %swap3A_1600 = arith.constant 13568 : index
    %swap3A_1601 = arith.constant 0 : index
    %swap3A_1602 = vector.load %arg4[%swap3A_1600, %swap3A_1601] : memref<25600x128xf32, #tpu.memory_space<vmem>>, vector<128x128xf32>
    tpu.vector_store %arg4[%swap3A_1600, %swap3A_1601], %add3A_1599 {strides = array<i32>} : memref<25600x128xf32, #tpu.memory_space<vmem>>, vector<128x128xf32>,
    %slice3A_1603 = vector.extract_strided_slice %transpose3A {offsets = [0, 107], sizes = [128, 1], strides = [1, 1]} : vector<128x200xf32> to vector<128x1xf32>
    %get3A_1604 = arith.constant 0 : index
    %get3A_1605 = arith.constant 0 : index
    %get3A_1606 = vector.load %arg2[%get3A_1604, %get3A_1605] : memref<1x128xf32, #tpu.memory_space<vmem>>, vector<1x128xf32>
    %mul3A_1607 = vector.broadcast %slice3A_1603 : vector<128x1xf32> to vector<128x128xf32>
    %mul3A_1608 = vector.broadcast %get3A_1606 : vector<1x128xf32> to vector<128x128xf32>
    %mul3A_1609 = arith.mulf %mul3A_1607, %mul3A_1608 : vector<128x128xf32>
    %get3A_1610 = arith.constant 0 : index
    %get3A_1611 = arith.constant 0 : index
    %get3A_1612 = vector.load %arg3[%get3A_1610, %get3A_1611] : memref<1x128xf32, #tpu.memory_space<vmem>>, vector<1x128xf32>
    %add3A_1613 = vector.broadcast %get3A_1612 : vector<1x128xf32> to vector<128x128xf32>
    %add3A_1614 = arith.addf %mul3A_1609, %add3A_1613 : vector<128x128xf32>
    %swap3A_1615 = arith.constant 13696 : index
    %swap3A_1616 = arith.constant 0 : index
    %swap3A_1617 = vector.load %arg4[%swap3A_1615, %swap3A_1616] : memref<25600x128xf32, #tpu.memory_space<vmem>>, vector<128x128xf32>
    tpu.vector_store %arg4[%swap3A_1615, %swap3A_1616], %add3A_1614 {strides = array<i32>} : memref<25600x128xf32, #tpu.memory_space<vmem>>, vector<128x128xf32>,
    %slice3A_1618 = vector.extract_strided_slice %transpose3A {offsets = [0, 108], sizes = [128, 1], strides = [1, 1]} : vector<128x200xf32> to vector<128x1xf32>
    %get3A_1619 = arith.constant 0 : index
    %get3A_1620 = arith.constant 0 : index
    %get3A_1621 = vector.load %arg2[%get3A_1619, %get3A_1620] : memref<1x128xf32, #tpu.memory_space<vmem>>, vector<1x128xf32>
    %mul3A_1622 = vector.broadcast %slice3A_1618 : vector<128x1xf32> to vector<128x128xf32>
    %mul3A_1623 = vector.broadcast %get3A_1621 : vector<1x128xf32> to vector<128x128xf32>
    %mul3A_1624 = arith.mulf %mul3A_1622, %mul3A_1623 : vector<128x128xf32>
    %get3A_1625 = arith.constant 0 : index
    %get3A_1626 = arith.constant 0 : index
    %get3A_1627 = vector.load %arg3[%get3A_1625, %get3A_1626] : memref<1x128xf32, #tpu.memory_space<vmem>>, vector<1x128xf32>
    %add3A_1628 = vector.broadcast %get3A_1627 : vector<1x128xf32> to vector<128x128xf32>
    %add3A_1629 = arith.addf %mul3A_1624, %add3A_1628 : vector<128x128xf32>
    %swap3A_1630 = arith.constant 13824 : index
    %swap3A_1631 = arith.constant 0 : index
    %swap3A_1632 = vector.load %arg4[%swap3A_1630, %swap3A_1631] : memref<25600x128xf32, #tpu.memory_space<vmem>>, vector<128x128xf32>
    tpu.vector_store %arg4[%swap3A_1630, %swap3A_1631], %add3A_1629 {strides = array<i32>} : memref<25600x128xf32, #tpu.memory_space<vmem>>, vector<128x128xf32>,
    %slice3A_1633 = vector.extract_strided_slice %transpose3A {offsets = [0, 109], sizes = [128, 1], strides = [1, 1]} : vector<128x200xf32> to vector<128x1xf32>
    %get3A_1634 = arith.constant 0 : index
    %get3A_1635 = arith.constant 0 : index
    %get3A_1636 = vector.load %arg2[%get3A_1634, %get3A_1635] : memref<1x128xf32, #tpu.memory_space<vmem>>, vector<1x128xf32>
    %mul3A_1637 = vector.broadcast %slice3A_1633 : vector<128x1xf32> to vector<128x128xf32>
    %mul3A_1638 = vector.broadcast %get3A_1636 : vector<1x128xf32> to vector<128x128xf32>
    %mul3A_1639 = arith.mulf %mul3A_1637, %mul3A_1638 : vector<128x128xf32>
    %get3A_1640 = arith.constant 0 : index
    %get3A_1641 = arith.constant 0 : index
    %get3A_1642 = vector.load %arg3[%get3A_1640, %get3A_1641] : memref<1x128xf32, #tpu.memory_space<vmem>>, vector<1x128xf32>
    %add3A_1643 = vector.broadcast %get3A_1642 : vector<1x128xf32> to vector<128x128xf32>
    %add3A_1644 = arith.addf %mul3A_1639, %add3A_1643 : vector<128x128xf32>
    %swap3A_1645 = arith.constant 13952 : index
    %swap3A_1646 = arith.constant 0 : index
    %swap3A_1647 = vector.load %arg4[%swap3A_1645, %swap3A_1646] : memref<25600x128xf32, #tpu.memory_space<vmem>>, vector<128x128xf32>
    tpu.vector_store %arg4[%swap3A_1645, %swap3A_1646], %add3A_1644 {strides = array<i32>} : memref<25600x128xf32, #tpu.memory_space<vmem>>, vector<128x128xf32>,
    %slice3A_1648 = vector.extract_strided_slice %transpose3A {offsets = [0, 110], sizes = [128, 1], strides = [1, 1]} : vector<128x200xf32> to vector<128x1xf32>
    %get3A_1649 = arith.constant 0 : index
    %get3A_1650 = arith.constant 0 : index
    %get3A_1651 = vector.load %arg2[%get3A_1649, %get3A_1650] : memref<1x128xf32, #tpu.memory_space<vmem>>, vector<1x128xf32>
    %mul3A_1652 = vector.broadcast %slice3A_1648 : vector<128x1xf32> to vector<128x128xf32>
    %mul3A_1653 = vector.broadcast %get3A_1651 : vector<1x128xf32> to vector<128x128xf32>
    %mul3A_1654 = arith.mulf %mul3A_1652, %mul3A_1653 : vector<128x128xf32>
    %get3A_1655 = arith.constant 0 : index
    %get3A_1656 = arith.constant 0 : index
    %get3A_1657 = vector.load %arg3[%get3A_1655, %get3A_1656] : memref<1x128xf32, #tpu.memory_space<vmem>>, vector<1x128xf32>
    %add3A_1658 = vector.broadcast %get3A_1657 : vector<1x128xf32> to vector<128x128xf32>
    %add3A_1659 = arith.addf %mul3A_1654, %add3A_1658 : vector<128x128xf32>
    %swap3A_1660 = arith.constant 14080 : index
    %swap3A_1661 = arith.constant 0 : index
    %swap3A_1662 = vector.load %arg4[%swap3A_1660, %swap3A_1661] : memref<25600x128xf32, #tpu.memory_space<vmem>>, vector<128x128xf32>
    tpu.vector_store %arg4[%swap3A_1660, %swap3A_1661], %add3A_1659 {strides = array<i32>} : memref<25600x128xf32, #tpu.memory_space<vmem>>, vector<128x128xf32>,
    %slice3A_1663 = vector.extract_strided_slice %transpose3A {offsets = [0, 111], sizes = [128, 1], strides = [1, 1]} : vector<128x200xf32> to vector<128x1xf32>
    %get3A_1664 = arith.constant 0 : index
    %get3A_1665 = arith.constant 0 : index
    %get3A_1666 = vector.load %arg2[%get3A_1664, %get3A_1665] : memref<1x128xf32, #tpu.memory_space<vmem>>, vector<1x128xf32>
    %mul3A_1667 = vector.broadcast %slice3A_1663 : vector<128x1xf32> to vector<128x128xf32>
    %mul3A_1668 = vector.broadcast %get3A_1666 : vector<1x128xf32> to vector<128x128xf32>
    %mul3A_1669 = arith.mulf %mul3A_1667, %mul3A_1668 : vector<128x128xf32>
    %get3A_1670 = arith.constant 0 : index
    %get3A_1671 = arith.constant 0 : index
    %get3A_1672 = vector.load %arg3[%get3A_1670, %get3A_1671] : memref<1x128xf32, #tpu.memory_space<vmem>>, vector<1x128xf32>
    %add3A_1673 = vector.broadcast %get3A_1672 : vector<1x128xf32> to vector<128x128xf32>
    %add3A_1674 = arith.addf %mul3A_1669, %add3A_1673 : vector<128x128xf32>
    %swap3A_1675 = arith.constant 14208 : index
    %swap3A_1676 = arith.constant 0 : index
    %swap3A_1677 = vector.load %arg4[%swap3A_1675, %swap3A_1676] : memref<25600x128xf32, #tpu.memory_space<vmem>>, vector<128x128xf32>
    tpu.vector_store %arg4[%swap3A_1675, %swap3A_1676], %add3A_1674 {strides = array<i32>} : memref<25600x128xf32, #tpu.memory_space<vmem>>, vector<128x128xf32>,
    %slice3A_1678 = vector.extract_strided_slice %transpose3A {offsets = [0, 112], sizes = [128, 1], strides = [1, 1]} : vector<128x200xf32> to vector<128x1xf32>
    %get3A_1679 = arith.constant 0 : index
    %get3A_1680 = arith.constant 0 : index
    %get3A_1681 = vector.load %arg2[%get3A_1679, %get3A_1680] : memref<1x128xf32, #tpu.memory_space<vmem>>, vector<1x128xf32>
    %mul3A_1682 = vector.broadcast %slice3A_1678 : vector<128x1xf32> to vector<128x128xf32>
    %mul3A_1683 = vector.broadcast %get3A_1681 : vector<1x128xf32> to vector<128x128xf32>
    %mul3A_1684 = arith.mulf %mul3A_1682, %mul3A_1683 : vector<128x128xf32>
    %get3A_1685 = arith.constant 0 : index
    %get3A_1686 = arith.constant 0 : index
    %get3A_1687 = vector.load %arg3[%get3A_1685, %get3A_1686] : memref<1x128xf32, #tpu.memory_space<vmem>>, vector<1x128xf32>
    %add3A_1688 = vector.broadcast %get3A_1687 : vector<1x128xf32> to vector<128x128xf32>
    %add3A_1689 = arith.addf %mul3A_1684, %add3A_1688 : vector<128x128xf32>
    %swap3A_1690 = arith.constant 14336 : index
    %swap3A_1691 = arith.constant 0 : index
    %swap3A_1692 = vector.load %arg4[%swap3A_1690, %swap3A_1691] : memref<25600x128xf32, #tpu.memory_space<vmem>>, vector<128x128xf32>
    tpu.vector_store %arg4[%swap3A_1690, %swap3A_1691], %add3A_1689 {strides = array<i32>} : memref<25600x128xf32, #tpu.memory_space<vmem>>, vector<128x128xf32>,
    %slice3A_1693 = vector.extract_strided_slice %transpose3A {offsets = [0, 113], sizes = [128, 1], strides = [1, 1]} : vector<128x200xf32> to vector<128x1xf32>
    %get3A_1694 = arith.constant 0 : index
    %get3A_1695 = arith.constant 0 : index
    %get3A_1696 = vector.load %arg2[%get3A_1694, %get3A_1695] : memref<1x128xf32, #tpu.memory_space<vmem>>, vector<1x128xf32>
    %mul3A_1697 = vector.broadcast %slice3A_1693 : vector<128x1xf32> to vector<128x128xf32>
    %mul3A_1698 = vector.broadcast %get3A_1696 : vector<1x128xf32> to vector<128x128xf32>
    %mul3A_1699 = arith.mulf %mul3A_1697, %mul3A_1698 : vector<128x128xf32>
    %get3A_1700 = arith.constant 0 : index
    %get3A_1701 = arith.constant 0 : index
    %get3A_1702 = vector.load %arg3[%get3A_1700, %get3A_1701] : memref<1x128xf32, #tpu.memory_space<vmem>>, vector<1x128xf32>
    %add3A_1703 = vector.broadcast %get3A_1702 : vector<1x128xf32> to vector<128x128xf32>
    %add3A_1704 = arith.addf %mul3A_1699, %add3A_1703 : vector<128x128xf32>
    %swap3A_1705 = arith.constant 14464 : index
    %swap3A_1706 = arith.constant 0 : index
    %swap3A_1707 = vector.load %arg4[%swap3A_1705, %swap3A_1706] : memref<25600x128xf32, #tpu.memory_space<vmem>>, vector<128x128xf32>
    tpu.vector_store %arg4[%swap3A_1705, %swap3A_1706], %add3A_1704 {strides = array<i32>} : memref<25600x128xf32, #tpu.memory_space<vmem>>, vector<128x128xf32>,
    %slice3A_1708 = vector.extract_strided_slice %transpose3A {offsets = [0, 114], sizes = [128, 1], strides = [1, 1]} : vector<128x200xf32> to vector<128x1xf32>
    %get3A_1709 = arith.constant 0 : index
    %get3A_1710 = arith.constant 0 : index
    %get3A_1711 = vector.load %arg2[%get3A_1709, %get3A_1710] : memref<1x128xf32, #tpu.memory_space<vmem>>, vector<1x128xf32>
    %mul3A_1712 = vector.broadcast %slice3A_1708 : vector<128x1xf32> to vector<128x128xf32>
    %mul3A_1713 = vector.broadcast %get3A_1711 : vector<1x128xf32> to vector<128x128xf32>
    %mul3A_1714 = arith.mulf %mul3A_1712, %mul3A_1713 : vector<128x128xf32>
    %get3A_1715 = arith.constant 0 : index
    %get3A_1716 = arith.constant 0 : index
    %get3A_1717 = vector.load %arg3[%get3A_1715, %get3A_1716] : memref<1x128xf32, #tpu.memory_space<vmem>>, vector<1x128xf32>
    %add3A_1718 = vector.broadcast %get3A_1717 : vector<1x128xf32> to vector<128x128xf32>
    %add3A_1719 = arith.addf %mul3A_1714, %add3A_1718 : vector<128x128xf32>
    %swap3A_1720 = arith.constant 14592 : index
    %swap3A_1721 = arith.constant 0 : index
    %swap3A_1722 = vector.load %arg4[%swap3A_1720, %swap3A_1721] : memref<25600x128xf32, #tpu.memory_space<vmem>>, vector<128x128xf32>
    tpu.vector_store %arg4[%swap3A_1720, %swap3A_1721], %add3A_1719 {strides = array<i32>} : memref<25600x128xf32, #tpu.memory_space<vmem>>, vector<128x128xf32>,
    %slice3A_1723 = vector.extract_strided_slice %transpose3A {offsets = [0, 115], sizes = [128, 1], strides = [1, 1]} : vector<128x200xf32> to vector<128x1xf32>
    %get3A_1724 = arith.constant 0 : index
    %get3A_1725 = arith.constant 0 : index
    %get3A_1726 = vector.load %arg2[%get3A_1724, %get3A_1725] : memref<1x128xf32, #tpu.memory_space<vmem>>, vector<1x128xf32>
    %mul3A_1727 = vector.broadcast %slice3A_1723 : vector<128x1xf32> to vector<128x128xf32>
    %mul3A_1728 = vector.broadcast %get3A_1726 : vector<1x128xf32> to vector<128x128xf32>
    %mul3A_1729 = arith.mulf %mul3A_1727, %mul3A_1728 : vector<128x128xf32>
    %get3A_1730 = arith.constant 0 : index
    %get3A_1731 = arith.constant 0 : index
    %get3A_1732 = vector.load %arg3[%get3A_1730, %get3A_1731] : memref<1x128xf32, #tpu.memory_space<vmem>>, vector<1x128xf32>
    %add3A_1733 = vector.broadcast %get3A_1732 : vector<1x128xf32> to vector<128x128xf32>
    %add3A_1734 = arith.addf %mul3A_1729, %add3A_1733 : vector<128x128xf32>
    %swap3A_1735 = arith.constant 14720 : index
    %swap3A_1736 = arith.constant 0 : index
    %swap3A_1737 = vector.load %arg4[%swap3A_1735, %swap3A_1736] : memref<25600x128xf32, #tpu.memory_space<vmem>>, vector<128x128xf32>
    tpu.vector_store %arg4[%swap3A_1735, %swap3A_1736], %add3A_1734 {strides = array<i32>} : memref<25600x128xf32, #tpu.memory_space<vmem>>, vector<128x128xf32>,
    %slice3A_1738 = vector.extract_strided_slice %transpose3A {offsets = [0, 116], sizes = [128, 1], strides = [1, 1]} : vector<128x200xf32> to vector<128x1xf32>
    %get3A_1739 = arith.constant 0 : index
    %get3A_1740 = arith.constant 0 : index
    %get3A_1741 = vector.load %arg2[%get3A_1739, %get3A_1740] : memref<1x128xf32, #tpu.memory_space<vmem>>, vector<1x128xf32>
    %mul3A_1742 = vector.broadcast %slice3A_1738 : vector<128x1xf32> to vector<128x128xf32>
    %mul3A_1743 = vector.broadcast %get3A_1741 : vector<1x128xf32> to vector<128x128xf32>
    %mul3A_1744 = arith.mulf %mul3A_1742, %mul3A_1743 : vector<128x128xf32>
    %get3A_1745 = arith.constant 0 : index
    %get3A_1746 = arith.constant 0 : index
    %get3A_1747 = vector.load %arg3[%get3A_1745, %get3A_1746] : memref<1x128xf32, #tpu.memory_space<vmem>>, vector<1x128xf32>
    %add3A_1748 = vector.broadcast %get3A_1747 : vector<1x128xf32> to vector<128x128xf32>
    %add3A_1749 = arith.addf %mul3A_1744, %add3A_1748 : vector<128x128xf32>
    %swap3A_1750 = arith.constant 14848 : index
    %swap3A_1751 = arith.constant 0 : index
    %swap3A_1752 = vector.load %arg4[%swap3A_1750, %swap3A_1751] : memref<25600x128xf32, #tpu.memory_space<vmem>>, vector<128x128xf32>
    tpu.vector_store %arg4[%swap3A_1750, %swap3A_1751], %add3A_1749 {strides = array<i32>} : memref<25600x128xf32, #tpu.memory_space<vmem>>, vector<128x128xf32>,
    %slice3A_1753 = vector.extract_strided_slice %transpose3A {offsets = [0, 117], sizes = [128, 1], strides = [1, 1]} : vector<128x200xf32> to vector<128x1xf32>
    %get3A_1754 = arith.constant 0 : index
    %get3A_1755 = arith.constant 0 : index
    %get3A_1756 = vector.load %arg2[%get3A_1754, %get3A_1755] : memref<1x128xf32, #tpu.memory_space<vmem>>, vector<1x128xf32>
    %mul3A_1757 = vector.broadcast %slice3A_1753 : vector<128x1xf32> to vector<128x128xf32>
    %mul3A_1758 = vector.broadcast %get3A_1756 : vector<1x128xf32> to vector<128x128xf32>
    %mul3A_1759 = arith.mulf %mul3A_1757, %mul3A_1758 : vector<128x128xf32>
    %get3A_1760 = arith.constant 0 : index
    %get3A_1761 = arith.constant 0 : index
    %get3A_1762 = vector.load %arg3[%get3A_1760, %get3A_1761] : memref<1x128xf32, #tpu.memory_space<vmem>>, vector<1x128xf32>
    %add3A_1763 = vector.broadcast %get3A_1762 : vector<1x128xf32> to vector<128x128xf32>
    %add3A_1764 = arith.addf %mul3A_1759, %add3A_1763 : vector<128x128xf32>
    %swap3A_1765 = arith.constant 14976 : index
    %swap3A_1766 = arith.constant 0 : index
    %swap3A_1767 = vector.load %arg4[%swap3A_1765, %swap3A_1766] : memref<25600x128xf32, #tpu.memory_space<vmem>>, vector<128x128xf32>
    tpu.vector_store %arg4[%swap3A_1765, %swap3A_1766], %add3A_1764 {strides = array<i32>} : memref<25600x128xf32, #tpu.memory_space<vmem>>, vector<128x128xf32>,
    %slice3A_1768 = vector.extract_strided_slice %transpose3A {offsets = [0, 118], sizes = [128, 1], strides = [1, 1]} : vector<128x200xf32> to vector<128x1xf32>
    %get3A_1769 = arith.constant 0 : index
    %get3A_1770 = arith.constant 0 : index
    %get3A_1771 = vector.load %arg2[%get3A_1769, %get3A_1770] : memref<1x128xf32, #tpu.memory_space<vmem>>, vector<1x128xf32>
    %mul3A_1772 = vector.broadcast %slice3A_1768 : vector<128x1xf32> to vector<128x128xf32>
    %mul3A_1773 = vector.broadcast %get3A_1771 : vector<1x128xf32> to vector<128x128xf32>
    %mul3A_1774 = arith.mulf %mul3A_1772, %mul3A_1773 : vector<128x128xf32>
    %get3A_1775 = arith.constant 0 : index
    %get3A_1776 = arith.constant 0 : index
    %get3A_1777 = vector.load %arg3[%get3A_1775, %get3A_1776] : memref<1x128xf32, #tpu.memory_space<vmem>>, vector<1x128xf32>
    %add3A_1778 = vector.broadcast %get3A_1777 : vector<1x128xf32> to vector<128x128xf32>
    %add3A_1779 = arith.addf %mul3A_1774, %add3A_1778 : vector<128x128xf32>
    %swap3A_1780 = arith.constant 15104 : index
    %swap3A_1781 = arith.constant 0 : index
    %swap3A_1782 = vector.load %arg4[%swap3A_1780, %swap3A_1781] : memref<25600x128xf32, #tpu.memory_space<vmem>>, vector<128x128xf32>
    tpu.vector_store %arg4[%swap3A_1780, %swap3A_1781], %add3A_1779 {strides = array<i32>} : memref<25600x128xf32, #tpu.memory_space<vmem>>, vector<128x128xf32>,
    %slice3A_1783 = vector.extract_strided_slice %transpose3A {offsets = [0, 119], sizes = [128, 1], strides = [1, 1]} : vector<128x200xf32> to vector<128x1xf32>
    %get3A_1784 = arith.constant 0 : index
    %get3A_1785 = arith.constant 0 : index
    %get3A_1786 = vector.load %arg2[%get3A_1784, %get3A_1785] : memref<1x128xf32, #tpu.memory_space<vmem>>, vector<1x128xf32>
    %mul3A_1787 = vector.broadcast %slice3A_1783 : vector<128x1xf32> to vector<128x128xf32>
    %mul3A_1788 = vector.broadcast %get3A_1786 : vector<1x128xf32> to vector<128x128xf32>
    %mul3A_1789 = arith.mulf %mul3A_1787, %mul3A_1788 : vector<128x128xf32>
    %get3A_1790 = arith.constant 0 : index
    %get3A_1791 = arith.constant 0 : index
    %get3A_1792 = vector.load %arg3[%get3A_1790, %get3A_1791] : memref<1x128xf32, #tpu.memory_space<vmem>>, vector<1x128xf32>
    %add3A_1793 = vector.broadcast %get3A_1792 : vector<1x128xf32> to vector<128x128xf32>
    %add3A_1794 = arith.addf %mul3A_1789, %add3A_1793 : vector<128x128xf32>
    %swap3A_1795 = arith.constant 15232 : index
    %swap3A_1796 = arith.constant 0 : index
    %swap3A_1797 = vector.load %arg4[%swap3A_1795, %swap3A_1796] : memref<25600x128xf32, #tpu.memory_space<vmem>>, vector<128x128xf32>
    tpu.vector_store %arg4[%swap3A_1795, %swap3A_1796], %add3A_1794 {strides = array<i32>} : memref<25600x128xf32, #tpu.memory_space<vmem>>, vector<128x128xf32>,
    %slice3A_1798 = vector.extract_strided_slice %transpose3A {offsets = [0, 120], sizes = [128, 1], strides = [1, 1]} : vector<128x200xf32> to vector<128x1xf32>
    %get3A_1799 = arith.constant 0 : index
    %get3A_1800 = arith.constant 0 : index
    %get3A_1801 = vector.load %arg2[%get3A_1799, %get3A_1800] : memref<1x128xf32, #tpu.memory_space<vmem>>, vector<1x128xf32>
    %mul3A_1802 = vector.broadcast %slice3A_1798 : vector<128x1xf32> to vector<128x128xf32>
    %mul3A_1803 = vector.broadcast %get3A_1801 : vector<1x128xf32> to vector<128x128xf32>
    %mul3A_1804 = arith.mulf %mul3A_1802, %mul3A_1803 : vector<128x128xf32>
    %get3A_1805 = arith.constant 0 : index
    %get3A_1806 = arith.constant 0 : index
    %get3A_1807 = vector.load %arg3[%get3A_1805, %get3A_1806] : memref<1x128xf32, #tpu.memory_space<vmem>>, vector<1x128xf32>
    %add3A_1808 = vector.broadcast %get3A_1807 : vector<1x128xf32> to vector<128x128xf32>
    %add3A_1809 = arith.addf %mul3A_1804, %add3A_1808 : vector<128x128xf32>
    %swap3A_1810 = arith.constant 15360 : index
    %swap3A_1811 = arith.constant 0 : index
    %swap3A_1812 = vector.load %arg4[%swap3A_1810, %swap3A_1811] : memref<25600x128xf32, #tpu.memory_space<vmem>>, vector<128x128xf32>
    tpu.vector_store %arg4[%swap3A_1810, %swap3A_1811], %add3A_1809 {strides = array<i32>} : memref<25600x128xf32, #tpu.memory_space<vmem>>, vector<128x128xf32>,
    %slice3A_1813 = vector.extract_strided_slice %transpose3A {offsets = [0, 121], sizes = [128, 1], strides = [1, 1]} : vector<128x200xf32> to vector<128x1xf32>
    %get3A_1814 = arith.constant 0 : index
    %get3A_1815 = arith.constant 0 : index
    %get3A_1816 = vector.load %arg2[%get3A_1814, %get3A_1815] : memref<1x128xf32, #tpu.memory_space<vmem>>, vector<1x128xf32>
    %mul3A_1817 = vector.broadcast %slice3A_1813 : vector<128x1xf32> to vector<128x128xf32>
    %mul3A_1818 = vector.broadcast %get3A_1816 : vector<1x128xf32> to vector<128x128xf32>
    %mul3A_1819 = arith.mulf %mul3A_1817, %mul3A_1818 : vector<128x128xf32>
    %get3A_1820 = arith.constant 0 : index
    %get3A_1821 = arith.constant 0 : index
    %get3A_1822 = vector.load %arg3[%get3A_1820, %get3A_1821] : memref<1x128xf32, #tpu.memory_space<vmem>>, vector<1x128xf32>
    %add3A_1823 = vector.broadcast %get3A_1822 : vector<1x128xf32> to vector<128x128xf32>
    %add3A_1824 = arith.addf %mul3A_1819, %add3A_1823 : vector<128x128xf32>
    %swap3A_1825 = arith.constant 15488 : index
    %swap3A_1826 = arith.constant 0 : index
    %swap3A_1827 = vector.load %arg4[%swap3A_1825, %swap3A_1826] : memref<25600x128xf32, #tpu.memory_space<vmem>>, vector<128x128xf32>
    tpu.vector_store %arg4[%swap3A_1825, %swap3A_1826], %add3A_1824 {strides = array<i32>} : memref<25600x128xf32, #tpu.memory_space<vmem>>, vector<128x128xf32>,
    %slice3A_1828 = vector.extract_strided_slice %transpose3A {offsets = [0, 122], sizes = [128, 1], strides = [1, 1]} : vector<128x200xf32> to vector<128x1xf32>
    %get3A_1829 = arith.constant 0 : index
    %get3A_1830 = arith.constant 0 : index
    %get3A_1831 = vector.load %arg2[%get3A_1829, %get3A_1830] : memref<1x128xf32, #tpu.memory_space<vmem>>, vector<1x128xf32>
    %mul3A_1832 = vector.broadcast %slice3A_1828 : vector<128x1xf32> to vector<128x128xf32>
    %mul3A_1833 = vector.broadcast %get3A_1831 : vector<1x128xf32> to vector<128x128xf32>
    %mul3A_1834 = arith.mulf %mul3A_1832, %mul3A_1833 : vector<128x128xf32>
    %get3A_1835 = arith.constant 0 : index
    %get3A_1836 = arith.constant 0 : index
    %get3A_1837 = vector.load %arg3[%get3A_1835, %get3A_1836] : memref<1x128xf32, #tpu.memory_space<vmem>>, vector<1x128xf32>
    %add3A_1838 = vector.broadcast %get3A_1837 : vector<1x128xf32> to vector<128x128xf32>
    %add3A_1839 = arith.addf %mul3A_1834, %add3A_1838 : vector<128x128xf32>
    %swap3A_1840 = arith.constant 15616 : index
    %swap3A_1841 = arith.constant 0 : index
    %swap3A_1842 = vector.load %arg4[%swap3A_1840, %swap3A_1841] : memref<25600x128xf32, #tpu.memory_space<vmem>>, vector<128x128xf32>
    tpu.vector_store %arg4[%swap3A_1840, %swap3A_1841], %add3A_1839 {strides = array<i32>} : memref<25600x128xf32, #tpu.memory_space<vmem>>, vector<128x128xf32>,
    %slice3A_1843 = vector.extract_strided_slice %transpose3A {offsets = [0, 123], sizes = [128, 1], strides = [1, 1]} : vector<128x200xf32> to vector<128x1xf32>
    %get3A_1844 = arith.constant 0 : index
    %get3A_1845 = arith.constant 0 : index
    %get3A_1846 = vector.load %arg2[%get3A_1844, %get3A_1845] : memref<1x128xf32, #tpu.memory_space<vmem>>, vector<1x128xf32>
    %mul3A_1847 = vector.broadcast %slice3A_1843 : vector<128x1xf32> to vector<128x128xf32>
    %mul3A_1848 = vector.broadcast %get3A_1846 : vector<1x128xf32> to vector<128x128xf32>
    %mul3A_1849 = arith.mulf %mul3A_1847, %mul3A_1848 : vector<128x128xf32>
    %get3A_1850 = arith.constant 0 : index
    %get3A_1851 = arith.constant 0 : index
    %get3A_1852 = vector.load %arg3[%get3A_1850, %get3A_1851] : memref<1x128xf32, #tpu.memory_space<vmem>>, vector<1x128xf32>
    %add3A_1853 = vector.broadcast %get3A_1852 : vector<1x128xf32> to vector<128x128xf32>
    %add3A_1854 = arith.addf %mul3A_1849, %add3A_1853 : vector<128x128xf32>
    %swap3A_1855 = arith.constant 15744 : index
    %swap3A_1856 = arith.constant 0 : index
    %swap3A_1857 = vector.load %arg4[%swap3A_1855, %swap3A_1856] : memref<25600x128xf32, #tpu.memory_space<vmem>>, vector<128x128xf32>
    tpu.vector_store %arg4[%swap3A_1855, %swap3A_1856], %add3A_1854 {strides = array<i32>} : memref<25600x128xf32, #tpu.memory_space<vmem>>, vector<128x128xf32>,
    %slice3A_1858 = vector.extract_strided_slice %transpose3A {offsets = [0, 124], sizes = [128, 1], strides = [1, 1]} : vector<128x200xf32> to vector<128x1xf32>
    %get3A_1859 = arith.constant 0 : index
    %get3A_1860 = arith.constant 0 : index
    %get3A_1861 = vector.load %arg2[%get3A_1859, %get3A_1860] : memref<1x128xf32, #tpu.memory_space<vmem>>, vector<1x128xf32>
    %mul3A_1862 = vector.broadcast %slice3A_1858 : vector<128x1xf32> to vector<128x128xf32>
    %mul3A_1863 = vector.broadcast %get3A_1861 : vector<1x128xf32> to vector<128x128xf32>
    %mul3A_1864 = arith.mulf %mul3A_1862, %mul3A_1863 : vector<128x128xf32>
    %get3A_1865 = arith.constant 0 : index
    %get3A_1866 = arith.constant 0 : index
    %get3A_1867 = vector.load %arg3[%get3A_1865, %get3A_1866] : memref<1x128xf32, #tpu.memory_space<vmem>>, vector<1x128xf32>
    %add3A_1868 = vector.broadcast %get3A_1867 : vector<1x128xf32> to vector<128x128xf32>
    %add3A_1869 = arith.addf %mul3A_1864, %add3A_1868 : vector<128x128xf32>
    %swap3A_1870 = arith.constant 15872 : index
    %swap3A_1871 = arith.constant 0 : index
    %swap3A_1872 = vector.load %arg4[%swap3A_1870, %swap3A_1871] : memref<25600x128xf32, #tpu.memory_space<vmem>>, vector<128x128xf32>
    tpu.vector_store %arg4[%swap3A_1870, %swap3A_1871], %add3A_1869 {strides = array<i32>} : memref<25600x128xf32, #tpu.memory_space<vmem>>, vector<128x128xf32>,
    %slice3A_1873 = vector.extract_strided_slice %transpose3A {offsets = [0, 125], sizes = [128, 1], strides = [1, 1]} : vector<128x200xf32> to vector<128x1xf32>
    %get3A_1874 = arith.constant 0 : index
    %get3A_1875 = arith.constant 0 : index
    %get3A_1876 = vector.load %arg2[%get3A_1874, %get3A_1875] : memref<1x128xf32, #tpu.memory_space<vmem>>, vector<1x128xf32>
    %mul3A_1877 = vector.broadcast %slice3A_1873 : vector<128x1xf32> to vector<128x128xf32>
    %mul3A_1878 = vector.broadcast %get3A_1876 : vector<1x128xf32> to vector<128x128xf32>
    %mul3A_1879 = arith.mulf %mul3A_1877, %mul3A_1878 : vector<128x128xf32>
    %get3A_1880 = arith.constant 0 : index
    %get3A_1881 = arith.constant 0 : index
    %get3A_1882 = vector.load %arg3[%get3A_1880, %get3A_1881] : memref<1x128xf32, #tpu.memory_space<vmem>>, vector<1x128xf32>
    %add3A_1883 = vector.broadcast %get3A_1882 : vector<1x128xf32> to vector<128x128xf32>
    %add3A_1884 = arith.addf %mul3A_1879, %add3A_1883 : vector<128x128xf32>
    %swap3A_1885 = arith.constant 16000 : index
    %swap3A_1886 = arith.constant 0 : index
    %swap3A_1887 = vector.load %arg4[%swap3A_1885, %swap3A_1886] : memref<25600x128xf32, #tpu.memory_space<vmem>>, vector<128x128xf32>
    tpu.vector_store %arg4[%swap3A_1885, %swap3A_1886], %add3A_1884 {strides = array<i32>} : memref<25600x128xf32, #tpu.memory_space<vmem>>, vector<128x128xf32>,
    %slice3A_1888 = vector.extract_strided_slice %transpose3A {offsets = [0, 126], sizes = [128, 1], strides = [1, 1]} : vector<128x200xf32> to vector<128x1xf32>
    %get3A_1889 = arith.constant 0 : index
    %get3A_1890 = arith.constant 0 : index
    %get3A_1891 = vector.load %arg2[%get3A_1889, %get3A_1890] : memref<1x128xf32, #tpu.memory_space<vmem>>, vector<1x128xf32>
    %mul3A_1892 = vector.broadcast %slice3A_1888 : vector<128x1xf32> to vector<128x128xf32>
    %mul3A_1893 = vector.broadcast %get3A_1891 : vector<1x128xf32> to vector<128x128xf32>
    %mul3A_1894 = arith.mulf %mul3A_1892, %mul3A_1893 : vector<128x128xf32>
    %get3A_1895 = arith.constant 0 : index
    %get3A_1896 = arith.constant 0 : index
    %get3A_1897 = vector.load %arg3[%get3A_1895, %get3A_1896] : memref<1x128xf32, #tpu.memory_space<vmem>>, vector<1x128xf32>
    %add3A_1898 = vector.broadcast %get3A_1897 : vector<1x128xf32> to vector<128x128xf32>
    %add3A_1899 = arith.addf %mul3A_1894, %add3A_1898 : vector<128x128xf32>
    %swap3A_1900 = arith.constant 16128 : index
    %swap3A_1901 = arith.constant 0 : index
    %swap3A_1902 = vector.load %arg4[%swap3A_1900, %swap3A_1901] : memref<25600x128xf32, #tpu.memory_space<vmem>>, vector<128x128xf32>
    tpu.vector_store %arg4[%swap3A_1900, %swap3A_1901], %add3A_1899 {strides = array<i32>} : memref<25600x128xf32, #tpu.memory_space<vmem>>, vector<128x128xf32>,
    %slice3A_1903 = vector.extract_strided_slice %transpose3A {offsets = [0, 127], sizes = [128, 1], strides = [1, 1]} : vector<128x200xf32> to vector<128x1xf32>
    %get3A_1904 = arith.constant 0 : index
    %get3A_1905 = arith.constant 0 : index
    %get3A_1906 = vector.load %arg2[%get3A_1904, %get3A_1905] : memref<1x128xf32, #tpu.memory_space<vmem>>, vector<1x128xf32>
    %mul3A_1907 = vector.broadcast %slice3A_1903 : vector<128x1xf32> to vector<128x128xf32>
    %mul3A_1908 = vector.broadcast %get3A_1906 : vector<1x128xf32> to vector<128x128xf32>
    %mul3A_1909 = arith.mulf %mul3A_1907, %mul3A_1908 : vector<128x128xf32>
    %get3A_1910 = arith.constant 0 : index
    %get3A_1911 = arith.constant 0 : index
    %get3A_1912 = vector.load %arg3[%get3A_1910, %get3A_1911] : memref<1x128xf32, #tpu.memory_space<vmem>>, vector<1x128xf32>
    %add3A_1913 = vector.broadcast %get3A_1912 : vector<1x128xf32> to vector<128x128xf32>
    %add3A_1914 = arith.addf %mul3A_1909, %add3A_1913 : vector<128x128xf32>
    %swap3A_1915 = arith.constant 16256 : index
    %swap3A_1916 = arith.constant 0 : index
    %swap3A_1917 = vector.load %arg4[%swap3A_1915, %swap3A_1916] : memref<25600x128xf32, #tpu.memory_space<vmem>>, vector<128x128xf32>
    tpu.vector_store %arg4[%swap3A_1915, %swap3A_1916], %add3A_1914 {strides = array<i32>} : memref<25600x128xf32, #tpu.memory_space<vmem>>, vector<128x128xf32>,
    %slice3A_1918 = vector.extract_strided_slice %transpose3A {offsets = [0, 128], sizes = [128, 1], strides = [1, 1]} : vector<128x200xf32> to vector<128x1xf32>
    %get3A_1919 = arith.constant 0 : index
    %get3A_1920 = arith.constant 0 : index
    %get3A_1921 = vector.load %arg2[%get3A_1919, %get3A_1920] : memref<1x128xf32, #tpu.memory_space<vmem>>, vector<1x128xf32>
    %mul3A_1922 = vector.broadcast %slice3A_1918 : vector<128x1xf32> to vector<128x128xf32>
    %mul3A_1923 = vector.broadcast %get3A_1921 : vector<1x128xf32> to vector<128x128xf32>
    %mul3A_1924 = arith.mulf %mul3A_1922, %mul3A_1923 : vector<128x128xf32>
    %get3A_1925 = arith.constant 0 : index
    %get3A_1926 = arith.constant 0 : index
    %get3A_1927 = vector.load %arg3[%get3A_1925, %get3A_1926] : memref<1x128xf32, #tpu.memory_space<vmem>>, vector<1x128xf32>
    %add3A_1928 = vector.broadcast %get3A_1927 : vector<1x128xf32> to vector<128x128xf32>
    %add3A_1929 = arith.addf %mul3A_1924, %add3A_1928 : vector<128x128xf32>
    %swap3A_1930 = arith.constant 16384 : index
    %swap3A_1931 = arith.constant 0 : index
    %swap3A_1932 = vector.load %arg4[%swap3A_1930, %swap3A_1931] : memref<25600x128xf32, #tpu.memory_space<vmem>>, vector<128x128xf32>
    tpu.vector_store %arg4[%swap3A_1930, %swap3A_1931], %add3A_1929 {strides = array<i32>} : memref<25600x128xf32, #tpu.memory_space<vmem>>, vector<128x128xf32>,
    %slice3A_1933 = vector.extract_strided_slice %transpose3A {offsets = [0, 129], sizes = [128, 1], strides = [1, 1]} : vector<128x200xf32> to vector<128x1xf32>
    %get3A_1934 = arith.constant 0 : index
    %get3A_1935 = arith.constant 0 : index
    %get3A_1936 = vector.load %arg2[%get3A_1934, %get3A_1935] : memref<1x128xf32, #tpu.memory_space<vmem>>, vector<1x128xf32>
    %mul3A_1937 = vector.broadcast %slice3A_1933 : vector<128x1xf32> to vector<128x128xf32>
    %mul3A_1938 = vector.broadcast %get3A_1936 : vector<1x128xf32> to vector<128x128xf32>
    %mul3A_1939 = arith.mulf %mul3A_1937, %mul3A_1938 : vector<128x128xf32>
    %get3A_1940 = arith.constant 0 : index
    %get3A_1941 = arith.constant 0 : index
    %get3A_1942 = vector.load %arg3[%get3A_1940, %get3A_1941] : memref<1x128xf32, #tpu.memory_space<vmem>>, vector<1x128xf32>
    %add3A_1943 = vector.broadcast %get3A_1942 : vector<1x128xf32> to vector<128x128xf32>
    %add3A_1944 = arith.addf %mul3A_1939, %add3A_1943 : vector<128x128xf32>
    %swap3A_1945 = arith.constant 16512 : index
    %swap3A_1946 = arith.constant 0 : index
    %swap3A_1947 = vector.load %arg4[%swap3A_1945, %swap3A_1946] : memref<25600x128xf32, #tpu.memory_space<vmem>>, vector<128x128xf32>
    tpu.vector_store %arg4[%swap3A_1945, %swap3A_1946], %add3A_1944 {strides = array<i32>} : memref<25600x128xf32, #tpu.memory_space<vmem>>, vector<128x128xf32>,
    %slice3A_1948 = vector.extract_strided_slice %transpose3A {offsets = [0, 130], sizes = [128, 1], strides = [1, 1]} : vector<128x200xf32> to vector<128x1xf32>
    %get3A_1949 = arith.constant 0 : index
    %get3A_1950 = arith.constant 0 : index
    %get3A_1951 = vector.load %arg2[%get3A_1949, %get3A_1950] : memref<1x128xf32, #tpu.memory_space<vmem>>, vector<1x128xf32>
    %mul3A_1952 = vector.broadcast %slice3A_1948 : vector<128x1xf32> to vector<128x128xf32>
    %mul3A_1953 = vector.broadcast %get3A_1951 : vector<1x128xf32> to vector<128x128xf32>
    %mul3A_1954 = arith.mulf %mul3A_1952, %mul3A_1953 : vector<128x128xf32>
    %get3A_1955 = arith.constant 0 : index
    %get3A_1956 = arith.constant 0 : index
    %get3A_1957 = vector.load %arg3[%get3A_1955, %get3A_1956] : memref<1x128xf32, #tpu.memory_space<vmem>>, vector<1x128xf32>
    %add3A_1958 = vector.broadcast %get3A_1957 : vector<1x128xf32> to vector<128x128xf32>
    %add3A_1959 = arith.addf %mul3A_1954, %add3A_1958 : vector<128x128xf32>
    %swap3A_1960 = arith.constant 16640 : index
    %swap3A_1961 = arith.constant 0 : index
    %swap3A_1962 = vector.load %arg4[%swap3A_1960, %swap3A_1961] : memref<25600x128xf32, #tpu.memory_space<vmem>>, vector<128x128xf32>
    tpu.vector_store %arg4[%swap3A_1960, %swap3A_1961], %add3A_1959 {strides = array<i32>} : memref<25600x128xf32, #tpu.memory_space<vmem>>, vector<128x128xf32>,
    %slice3A_1963 = vector.extract_strided_slice %transpose3A {offsets = [0, 131], sizes = [128, 1], strides = [1, 1]} : vector<128x200xf32> to vector<128x1xf32>
    %get3A_1964 = arith.constant 0 : index
    %get3A_1965 = arith.constant 0 : index
    %get3A_1966 = vector.load %arg2[%get3A_1964, %get3A_1965] : memref<1x128xf32, #tpu.memory_space<vmem>>, vector<1x128xf32>
    %mul3A_1967 = vector.broadcast %slice3A_1963 : vector<128x1xf32> to vector<128x128xf32>
    %mul3A_1968 = vector.broadcast %get3A_1966 : vector<1x128xf32> to vector<128x128xf32>
    %mul3A_1969 = arith.mulf %mul3A_1967, %mul3A_1968 : vector<128x128xf32>
    %get3A_1970 = arith.constant 0 : index
    %get3A_1971 = arith.constant 0 : index
    %get3A_1972 = vector.load %arg3[%get3A_1970, %get3A_1971] : memref<1x128xf32, #tpu.memory_space<vmem>>, vector<1x128xf32>
    %add3A_1973 = vector.broadcast %get3A_1972 : vector<1x128xf32> to vector<128x128xf32>
    %add3A_1974 = arith.addf %mul3A_1969, %add3A_1973 : vector<128x128xf32>
    %swap3A_1975 = arith.constant 16768 : index
    %swap3A_1976 = arith.constant 0 : index
    %swap3A_1977 = vector.load %arg4[%swap3A_1975, %swap3A_1976] : memref<25600x128xf32, #tpu.memory_space<vmem>>, vector<128x128xf32>
    tpu.vector_store %arg4[%swap3A_1975, %swap3A_1976], %add3A_1974 {strides = array<i32>} : memref<25600x128xf32, #tpu.memory_space<vmem>>, vector<128x128xf32>,
    %slice3A_1978 = vector.extract_strided_slice %transpose3A {offsets = [0, 132], sizes = [128, 1], strides = [1, 1]} : vector<128x200xf32> to vector<128x1xf32>
    %get3A_1979 = arith.constant 0 : index
    %get3A_1980 = arith.constant 0 : index
    %get3A_1981 = vector.load %arg2[%get3A_1979, %get3A_1980] : memref<1x128xf32, #tpu.memory_space<vmem>>, vector<1x128xf32>
    %mul3A_1982 = vector.broadcast %slice3A_1978 : vector<128x1xf32> to vector<128x128xf32>
    %mul3A_1983 = vector.broadcast %get3A_1981 : vector<1x128xf32> to vector<128x128xf32>
    %mul3A_1984 = arith.mulf %mul3A_1982, %mul3A_1983 : vector<128x128xf32>
    %get3A_1985 = arith.constant 0 : index
    %get3A_1986 = arith.constant 0 : index
    %get3A_1987 = vector.load %arg3[%get3A_1985, %get3A_1986] : memref<1x128xf32, #tpu.memory_space<vmem>>, vector<1x128xf32>
    %add3A_1988 = vector.broadcast %get3A_1987 : vector<1x128xf32> to vector<128x128xf32>
    %add3A_1989 = arith.addf %mul3A_1984, %add3A_1988 : vector<128x128xf32>
    %swap3A_1990 = arith.constant 16896 : index
    %swap3A_1991 = arith.constant 0 : index
    %swap3A_1992 = vector.load %arg4[%swap3A_1990, %swap3A_1991] : memref<25600x128xf32, #tpu.memory_space<vmem>>, vector<128x128xf32>
    tpu.vector_store %arg4[%swap3A_1990, %swap3A_1991], %add3A_1989 {strides = array<i32>} : memref<25600x128xf32, #tpu.memory_space<vmem>>, vector<128x128xf32>,
    %slice3A_1993 = vector.extract_strided_slice %transpose3A {offsets = [0, 133], sizes = [128, 1], strides = [1, 1]} : vector<128x200xf32> to vector<128x1xf32>
    %get3A_1994 = arith.constant 0 : index
    %get3A_1995 = arith.constant 0 : index
    %get3A_1996 = vector.load %arg2[%get3A_1994, %get3A_1995] : memref<1x128xf32, #tpu.memory_space<vmem>>, vector<1x128xf32>
    %mul3A_1997 = vector.broadcast %slice3A_1993 : vector<128x1xf32> to vector<128x128xf32>
    %mul3A_1998 = vector.broadcast %get3A_1996 : vector<1x128xf32> to vector<128x128xf32>
    %mul3A_1999 = arith.mulf %mul3A_1997, %mul3A_1998 : vector<128x128xf32>
    %get3A_2000 = arith.constant 0 : index
    %get3A_2001 = arith.constant 0 : index
    %get3A_2002 = vector.load %arg3[%get3A_2000, %get3A_2001] : memref<1x128xf32, #tpu.memory_space<vmem>>, vector<1x128xf32>
    %add3A_2003 = vector.broadcast %get3A_2002 : vector<1x128xf32> to vector<128x128xf32>
    %add3A_2004 = arith.addf %mul3A_1999, %add3A_2003 : vector<128x128xf32>
    %swap3A_2005 = arith.constant 17024 : index
    %swap3A_2006 = arith.constant 0 : index
    %swap3A_2007 = vector.load %arg4[%swap3A_2005, %swap3A_2006] : memref<25600x128xf32, #tpu.memory_space<vmem>>, vector<128x128xf32>
    tpu.vector_store %arg4[%swap3A_2005, %swap3A_2006], %add3A_2004 {strides = array<i32>} : memref<25600x128xf32, #tpu.memory_space<vmem>>, vector<128x128xf32>,
    %slice3A_2008 = vector.extract_strided_slice %transpose3A {offsets = [0, 134], sizes = [128, 1], strides = [1, 1]} : vector<128x200xf32> to vector<128x1xf32>
    %get3A_2009 = arith.constant 0 : index
    %get3A_2010 = arith.constant 0 : index
    %get3A_2011 = vector.load %arg2[%get3A_2009, %get3A_2010] : memref<1x128xf32, #tpu.memory_space<vmem>>, vector<1x128xf32>
    %mul3A_2012 = vector.broadcast %slice3A_2008 : vector<128x1xf32> to vector<128x128xf32>
    %mul3A_2013 = vector.broadcast %get3A_2011 : vector<1x128xf32> to vector<128x128xf32>
    %mul3A_2014 = arith.mulf %mul3A_2012, %mul3A_2013 : vector<128x128xf32>
    %get3A_2015 = arith.constant 0 : index
    %get3A_2016 = arith.constant 0 : index
    %get3A_2017 = vector.load %arg3[%get3A_2015, %get3A_2016] : memref<1x128xf32, #tpu.memory_space<vmem>>, vector<1x128xf32>
    %add3A_2018 = vector.broadcast %get3A_2017 : vector<1x128xf32> to vector<128x128xf32>
    %add3A_2019 = arith.addf %mul3A_2014, %add3A_2018 : vector<128x128xf32>
    %swap3A_2020 = arith.constant 17152 : index
    %swap3A_2021 = arith.constant 0 : index
    %swap3A_2022 = vector.load %arg4[%swap3A_2020, %swap3A_2021] : memref<25600x128xf32, #tpu.memory_space<vmem>>, vector<128x128xf32>
    tpu.vector_store %arg4[%swap3A_2020, %swap3A_2021], %add3A_2019 {strides = array<i32>} : memref<25600x128xf32, #tpu.memory_space<vmem>>, vector<128x128xf32>,
    %slice3A_2023 = vector.extract_strided_slice %transpose3A {offsets = [0, 135], sizes = [128, 1], strides = [1, 1]} : vector<128x200xf32> to vector<128x1xf32>
    %get3A_2024 = arith.constant 0 : index
    %get3A_2025 = arith.constant 0 : index
    %get3A_2026 = vector.load %arg2[%get3A_2024, %get3A_2025] : memref<1x128xf32, #tpu.memory_space<vmem>>, vector<1x128xf32>
    %mul3A_2027 = vector.broadcast %slice3A_2023 : vector<128x1xf32> to vector<128x128xf32>
    %mul3A_2028 = vector.broadcast %get3A_2026 : vector<1x128xf32> to vector<128x128xf32>
    %mul3A_2029 = arith.mulf %mul3A_2027, %mul3A_2028 : vector<128x128xf32>
    %get3A_2030 = arith.constant 0 : index
    %get3A_2031 = arith.constant 0 : index
    %get3A_2032 = vector.load %arg3[%get3A_2030, %get3A_2031] : memref<1x128xf32, #tpu.memory_space<vmem>>, vector<1x128xf32>
    %add3A_2033 = vector.broadcast %get3A_2032 : vector<1x128xf32> to vector<128x128xf32>
    %add3A_2034 = arith.addf %mul3A_2029, %add3A_2033 : vector<128x128xf32>
    %swap3A_2035 = arith.constant 17280 : index
    %swap3A_2036 = arith.constant 0 : index
    %swap3A_2037 = vector.load %arg4[%swap3A_2035, %swap3A_2036] : memref<25600x128xf32, #tpu.memory_space<vmem>>, vector<128x128xf32>
    tpu.vector_store %arg4[%swap3A_2035, %swap3A_2036], %add3A_2034 {strides = array<i32>} : memref<25600x128xf32, #tpu.memory_space<vmem>>, vector<128x128xf32>,
    %slice3A_2038 = vector.extract_strided_slice %transpose3A {offsets = [0, 136], sizes = [128, 1], strides = [1, 1]} : vector<128x200xf32> to vector<128x1xf32>
    %get3A_2039 = arith.constant 0 : index
    %get3A_2040 = arith.constant 0 : index
    %get3A_2041 = vector.load %arg2[%get3A_2039, %get3A_2040] : memref<1x128xf32, #tpu.memory_space<vmem>>, vector<1x128xf32>
    %mul3A_2042 = vector.broadcast %slice3A_2038 : vector<128x1xf32> to vector<128x128xf32>
    %mul3A_2043 = vector.broadcast %get3A_2041 : vector<1x128xf32> to vector<128x128xf32>
    %mul3A_2044 = arith.mulf %mul3A_2042, %mul3A_2043 : vector<128x128xf32>
    %get3A_2045 = arith.constant 0 : index
    %get3A_2046 = arith.constant 0 : index
    %get3A_2047 = vector.load %arg3[%get3A_2045, %get3A_2046] : memref<1x128xf32, #tpu.memory_space<vmem>>, vector<1x128xf32>
    %add3A_2048 = vector.broadcast %get3A_2047 : vector<1x128xf32> to vector<128x128xf32>
    %add3A_2049 = arith.addf %mul3A_2044, %add3A_2048 : vector<128x128xf32>
    %swap3A_2050 = arith.constant 17408 : index
    %swap3A_2051 = arith.constant 0 : index
    %swap3A_2052 = vector.load %arg4[%swap3A_2050, %swap3A_2051] : memref<25600x128xf32, #tpu.memory_space<vmem>>, vector<128x128xf32>
    tpu.vector_store %arg4[%swap3A_2050, %swap3A_2051], %add3A_2049 {strides = array<i32>} : memref<25600x128xf32, #tpu.memory_space<vmem>>, vector<128x128xf32>,
    %slice3A_2053 = vector.extract_strided_slice %transpose3A {offsets = [0, 137], sizes = [128, 1], strides = [1, 1]} : vector<128x200xf32> to vector<128x1xf32>
    %get3A_2054 = arith.constant 0 : index
    %get3A_2055 = arith.constant 0 : index
    %get3A_2056 = vector.load %arg2[%get3A_2054, %get3A_2055] : memref<1x128xf32, #tpu.memory_space<vmem>>, vector<1x128xf32>
    %mul3A_2057 = vector.broadcast %slice3A_2053 : vector<128x1xf32> to vector<128x128xf32>
    %mul3A_2058 = vector.broadcast %get3A_2056 : vector<1x128xf32> to vector<128x128xf32>
    %mul3A_2059 = arith.mulf %mul3A_2057, %mul3A_2058 : vector<128x128xf32>
    %get3A_2060 = arith.constant 0 : index
    %get3A_2061 = arith.constant 0 : index
    %get3A_2062 = vector.load %arg3[%get3A_2060, %get3A_2061] : memref<1x128xf32, #tpu.memory_space<vmem>>, vector<1x128xf32>
    %add3A_2063 = vector.broadcast %get3A_2062 : vector<1x128xf32> to vector<128x128xf32>
    %add3A_2064 = arith.addf %mul3A_2059, %add3A_2063 : vector<128x128xf32>
    %swap3A_2065 = arith.constant 17536 : index
    %swap3A_2066 = arith.constant 0 : index
    %swap3A_2067 = vector.load %arg4[%swap3A_2065, %swap3A_2066] : memref<25600x128xf32, #tpu.memory_space<vmem>>, vector<128x128xf32>
    tpu.vector_store %arg4[%swap3A_2065, %swap3A_2066], %add3A_2064 {strides = array<i32>} : memref<25600x128xf32, #tpu.memory_space<vmem>>, vector<128x128xf32>,
    %slice3A_2068 = vector.extract_strided_slice %transpose3A {offsets = [0, 138], sizes = [128, 1], strides = [1, 1]} : vector<128x200xf32> to vector<128x1xf32>
    %get3A_2069 = arith.constant 0 : index
    %get3A_2070 = arith.constant 0 : index
    %get3A_2071 = vector.load %arg2[%get3A_2069, %get3A_2070] : memref<1x128xf32, #tpu.memory_space<vmem>>, vector<1x128xf32>
    %mul3A_2072 = vector.broadcast %slice3A_2068 : vector<128x1xf32> to vector<128x128xf32>
    %mul3A_2073 = vector.broadcast %get3A_2071 : vector<1x128xf32> to vector<128x128xf32>
    %mul3A_2074 = arith.mulf %mul3A_2072, %mul3A_2073 : vector<128x128xf32>
    %get3A_2075 = arith.constant 0 : index
    %get3A_2076 = arith.constant 0 : index
    %get3A_2077 = vector.load %arg3[%get3A_2075, %get3A_2076] : memref<1x128xf32, #tpu.memory_space<vmem>>, vector<1x128xf32>
    %add3A_2078 = vector.broadcast %get3A_2077 : vector<1x128xf32> to vector<128x128xf32>
    %add3A_2079 = arith.addf %mul3A_2074, %add3A_2078 : vector<128x128xf32>
    %swap3A_2080 = arith.constant 17664 : index
    %swap3A_2081 = arith.constant 0 : index
    %swap3A_2082 = vector.load %arg4[%swap3A_2080, %swap3A_2081] : memref<25600x128xf32, #tpu.memory_space<vmem>>, vector<128x128xf32>
    tpu.vector_store %arg4[%swap3A_2080, %swap3A_2081], %add3A_2079 {strides = array<i32>} : memref<25600x128xf32, #tpu.memory_space<vmem>>, vector<128x128xf32>,
    %slice3A_2083 = vector.extract_strided_slice %transpose3A {offsets = [0, 139], sizes = [128, 1], strides = [1, 1]} : vector<128x200xf32> to vector<128x1xf32>
    %get3A_2084 = arith.constant 0 : index
    %get3A_2085 = arith.constant 0 : index
    %get3A_2086 = vector.load %arg2[%get3A_2084, %get3A_2085] : memref<1x128xf32, #tpu.memory_space<vmem>>, vector<1x128xf32>
    %mul3A_2087 = vector.broadcast %slice3A_2083 : vector<128x1xf32> to vector<128x128xf32>
    %mul3A_2088 = vector.broadcast %get3A_2086 : vector<1x128xf32> to vector<128x128xf32>
    %mul3A_2089 = arith.mulf %mul3A_2087, %mul3A_2088 : vector<128x128xf32>
    %get3A_2090 = arith.constant 0 : index
    %get3A_2091 = arith.constant 0 : index
    %get3A_2092 = vector.load %arg3[%get3A_2090, %get3A_2091] : memref<1x128xf32, #tpu.memory_space<vmem>>, vector<1x128xf32>
    %add3A_2093 = vector.broadcast %get3A_2092 : vector<1x128xf32> to vector<128x128xf32>
    %add3A_2094 = arith.addf %mul3A_2089, %add3A_2093 : vector<128x128xf32>
    %swap3A_2095 = arith.constant 17792 : index
    %swap3A_2096 = arith.constant 0 : index
    %swap3A_2097 = vector.load %arg4[%swap3A_2095, %swap3A_2096] : memref<25600x128xf32, #tpu.memory_space<vmem>>, vector<128x128xf32>
    tpu.vector_store %arg4[%swap3A_2095, %swap3A_2096], %add3A_2094 {strides = array<i32>} : memref<25600x128xf32, #tpu.memory_space<vmem>>, vector<128x128xf32>,
    %slice3A_2098 = vector.extract_strided_slice %transpose3A {offsets = [0, 140], sizes = [128, 1], strides = [1, 1]} : vector<128x200xf32> to vector<128x1xf32>
    %get3A_2099 = arith.constant 0 : index
    %get3A_2100 = arith.constant 0 : index
    %get3A_2101 = vector.load %arg2[%get3A_2099, %get3A_2100] : memref<1x128xf32, #tpu.memory_space<vmem>>, vector<1x128xf32>
    %mul3A_2102 = vector.broadcast %slice3A_2098 : vector<128x1xf32> to vector<128x128xf32>
    %mul3A_2103 = vector.broadcast %get3A_2101 : vector<1x128xf32> to vector<128x128xf32>
    %mul3A_2104 = arith.mulf %mul3A_2102, %mul3A_2103 : vector<128x128xf32>
    %get3A_2105 = arith.constant 0 : index
    %get3A_2106 = arith.constant 0 : index
    %get3A_2107 = vector.load %arg3[%get3A_2105, %get3A_2106] : memref<1x128xf32, #tpu.memory_space<vmem>>, vector<1x128xf32>
    %add3A_2108 = vector.broadcast %get3A_2107 : vector<1x128xf32> to vector<128x128xf32>
    %add3A_2109 = arith.addf %mul3A_2104, %add3A_2108 : vector<128x128xf32>
    %swap3A_2110 = arith.constant 17920 : index
    %swap3A_2111 = arith.constant 0 : index
    %swap3A_2112 = vector.load %arg4[%swap3A_2110, %swap3A_2111] : memref<25600x128xf32, #tpu.memory_space<vmem>>, vector<128x128xf32>
    tpu.vector_store %arg4[%swap3A_2110, %swap3A_2111], %add3A_2109 {strides = array<i32>} : memref<25600x128xf32, #tpu.memory_space<vmem>>, vector<128x128xf32>,
    %slice3A_2113 = vector.extract_strided_slice %transpose3A {offsets = [0, 141], sizes = [128, 1], strides = [1, 1]} : vector<128x200xf32> to vector<128x1xf32>
    %get3A_2114 = arith.constant 0 : index
    %get3A_2115 = arith.constant 0 : index
    %get3A_2116 = vector.load %arg2[%get3A_2114, %get3A_2115] : memref<1x128xf32, #tpu.memory_space<vmem>>, vector<1x128xf32>
    %mul3A_2117 = vector.broadcast %slice3A_2113 : vector<128x1xf32> to vector<128x128xf32>
    %mul3A_2118 = vector.broadcast %get3A_2116 : vector<1x128xf32> to vector<128x128xf32>
    %mul3A_2119 = arith.mulf %mul3A_2117, %mul3A_2118 : vector<128x128xf32>
    %get3A_2120 = arith.constant 0 : index
    %get3A_2121 = arith.constant 0 : index
    %get3A_2122 = vector.load %arg3[%get3A_2120, %get3A_2121] : memref<1x128xf32, #tpu.memory_space<vmem>>, vector<1x128xf32>
    %add3A_2123 = vector.broadcast %get3A_2122 : vector<1x128xf32> to vector<128x128xf32>
    %add3A_2124 = arith.addf %mul3A_2119, %add3A_2123 : vector<128x128xf32>
    %swap3A_2125 = arith.constant 18048 : index
    %swap3A_2126 = arith.constant 0 : index
    %swap3A_2127 = vector.load %arg4[%swap3A_2125, %swap3A_2126] : memref<25600x128xf32, #tpu.memory_space<vmem>>, vector<128x128xf32>
    tpu.vector_store %arg4[%swap3A_2125, %swap3A_2126], %add3A_2124 {strides = array<i32>} : memref<25600x128xf32, #tpu.memory_space<vmem>>, vector<128x128xf32>,
    %slice3A_2128 = vector.extract_strided_slice %transpose3A {offsets = [0, 142], sizes = [128, 1], strides = [1, 1]} : vector<128x200xf32> to vector<128x1xf32>
    %get3A_2129 = arith.constant 0 : index
    %get3A_2130 = arith.constant 0 : index
    %get3A_2131 = vector.load %arg2[%get3A_2129, %get3A_2130] : memref<1x128xf32, #tpu.memory_space<vmem>>, vector<1x128xf32>
    %mul3A_2132 = vector.broadcast %slice3A_2128 : vector<128x1xf32> to vector<128x128xf32>
    %mul3A_2133 = vector.broadcast %get3A_2131 : vector<1x128xf32> to vector<128x128xf32>
    %mul3A_2134 = arith.mulf %mul3A_2132, %mul3A_2133 : vector<128x128xf32>
    %get3A_2135 = arith.constant 0 : index
    %get3A_2136 = arith.constant 0 : index
    %get3A_2137 = vector.load %arg3[%get3A_2135, %get3A_2136] : memref<1x128xf32, #tpu.memory_space<vmem>>, vector<1x128xf32>
    %add3A_2138 = vector.broadcast %get3A_2137 : vector<1x128xf32> to vector<128x128xf32>
    %add3A_2139 = arith.addf %mul3A_2134, %add3A_2138 : vector<128x128xf32>
    %swap3A_2140 = arith.constant 18176 : index
    %swap3A_2141 = arith.constant 0 : index
    %swap3A_2142 = vector.load %arg4[%swap3A_2140, %swap3A_2141] : memref<25600x128xf32, #tpu.memory_space<vmem>>, vector<128x128xf32>
    tpu.vector_store %arg4[%swap3A_2140, %swap3A_2141], %add3A_2139 {strides = array<i32>} : memref<25600x128xf32, #tpu.memory_space<vmem>>, vector<128x128xf32>,
    %slice3A_2143 = vector.extract_strided_slice %transpose3A {offsets = [0, 143], sizes = [128, 1], strides = [1, 1]} : vector<128x200xf32> to vector<128x1xf32>
    %get3A_2144 = arith.constant 0 : index
    %get3A_2145 = arith.constant 0 : index
    %get3A_2146 = vector.load %arg2[%get3A_2144, %get3A_2145] : memref<1x128xf32, #tpu.memory_space<vmem>>, vector<1x128xf32>
    %mul3A_2147 = vector.broadcast %slice3A_2143 : vector<128x1xf32> to vector<128x128xf32>
    %mul3A_2148 = vector.broadcast %get3A_2146 : vector<1x128xf32> to vector<128x128xf32>
    %mul3A_2149 = arith.mulf %mul3A_2147, %mul3A_2148 : vector<128x128xf32>
    %get3A_2150 = arith.constant 0 : index
    %get3A_2151 = arith.constant 0 : index
    %get3A_2152 = vector.load %arg3[%get3A_2150, %get3A_2151] : memref<1x128xf32, #tpu.memory_space<vmem>>, vector<1x128xf32>
    %add3A_2153 = vector.broadcast %get3A_2152 : vector<1x128xf32> to vector<128x128xf32>
    %add3A_2154 = arith.addf %mul3A_2149, %add3A_2153 : vector<128x128xf32>
    %swap3A_2155 = arith.constant 18304 : index
    %swap3A_2156 = arith.constant 0 : index
    %swap3A_2157 = vector.load %arg4[%swap3A_2155, %swap3A_2156] : memref<25600x128xf32, #tpu.memory_space<vmem>>, vector<128x128xf32>
    tpu.vector_store %arg4[%swap3A_2155, %swap3A_2156], %add3A_2154 {strides = array<i32>} : memref<25600x128xf32, #tpu.memory_space<vmem>>, vector<128x128xf32>,
    %slice3A_2158 = vector.extract_strided_slice %transpose3A {offsets = [0, 144], sizes = [128, 1], strides = [1, 1]} : vector<128x200xf32> to vector<128x1xf32>
    %get3A_2159 = arith.constant 0 : index
    %get3A_2160 = arith.constant 0 : index
    %get3A_2161 = vector.load %arg2[%get3A_2159, %get3A_2160] : memref<1x128xf32, #tpu.memory_space<vmem>>, vector<1x128xf32>
    %mul3A_2162 = vector.broadcast %slice3A_2158 : vector<128x1xf32> to vector<128x128xf32>
    %mul3A_2163 = vector.broadcast %get3A_2161 : vector<1x128xf32> to vector<128x128xf32>
    %mul3A_2164 = arith.mulf %mul3A_2162, %mul3A_2163 : vector<128x128xf32>
    %get3A_2165 = arith.constant 0 : index
    %get3A_2166 = arith.constant 0 : index
    %get3A_2167 = vector.load %arg3[%get3A_2165, %get3A_2166] : memref<1x128xf32, #tpu.memory_space<vmem>>, vector<1x128xf32>
    %add3A_2168 = vector.broadcast %get3A_2167 : vector<1x128xf32> to vector<128x128xf32>
    %add3A_2169 = arith.addf %mul3A_2164, %add3A_2168 : vector<128x128xf32>
    %swap3A_2170 = arith.constant 18432 : index
    %swap3A_2171 = arith.constant 0 : index
    %swap3A_2172 = vector.load %arg4[%swap3A_2170, %swap3A_2171] : memref<25600x128xf32, #tpu.memory_space<vmem>>, vector<128x128xf32>
    tpu.vector_store %arg4[%swap3A_2170, %swap3A_2171], %add3A_2169 {strides = array<i32>} : memref<25600x128xf32, #tpu.memory_space<vmem>>, vector<128x128xf32>,
    %slice3A_2173 = vector.extract_strided_slice %transpose3A {offsets = [0, 145], sizes = [128, 1], strides = [1, 1]} : vector<128x200xf32> to vector<128x1xf32>
    %get3A_2174 = arith.constant 0 : index
    %get3A_2175 = arith.constant 0 : index
    %get3A_2176 = vector.load %arg2[%get3A_2174, %get3A_2175] : memref<1x128xf32, #tpu.memory_space<vmem>>, vector<1x128xf32>
    %mul3A_2177 = vector.broadcast %slice3A_2173 : vector<128x1xf32> to vector<128x128xf32>
    %mul3A_2178 = vector.broadcast %get3A_2176 : vector<1x128xf32> to vector<128x128xf32>
    %mul3A_2179 = arith.mulf %mul3A_2177, %mul3A_2178 : vector<128x128xf32>
    %get3A_2180 = arith.constant 0 : index
    %get3A_2181 = arith.constant 0 : index
    %get3A_2182 = vector.load %arg3[%get3A_2180, %get3A_2181] : memref<1x128xf32, #tpu.memory_space<vmem>>, vector<1x128xf32>
    %add3A_2183 = vector.broadcast %get3A_2182 : vector<1x128xf32> to vector<128x128xf32>
    %add3A_2184 = arith.addf %mul3A_2179, %add3A_2183 : vector<128x128xf32>
    %swap3A_2185 = arith.constant 18560 : index
    %swap3A_2186 = arith.constant 0 : index
    %swap3A_2187 = vector.load %arg4[%swap3A_2185, %swap3A_2186] : memref<25600x128xf32, #tpu.memory_space<vmem>>, vector<128x128xf32>
    tpu.vector_store %arg4[%swap3A_2185, %swap3A_2186], %add3A_2184 {strides = array<i32>} : memref<25600x128xf32, #tpu.memory_space<vmem>>, vector<128x128xf32>,
    %slice3A_2188 = vector.extract_strided_slice %transpose3A {offsets = [0, 146], sizes = [128, 1], strides = [1, 1]} : vector<128x200xf32> to vector<128x1xf32>
    %get3A_2189 = arith.constant 0 : index
    %get3A_2190 = arith.constant 0 : index
    %get3A_2191 = vector.load %arg2[%get3A_2189, %get3A_2190] : memref<1x128xf32, #tpu.memory_space<vmem>>, vector<1x128xf32>
    %mul3A_2192 = vector.broadcast %slice3A_2188 : vector<128x1xf32> to vector<128x128xf32>
    %mul3A_2193 = vector.broadcast %get3A_2191 : vector<1x128xf32> to vector<128x128xf32>
    %mul3A_2194 = arith.mulf %mul3A_2192, %mul3A_2193 : vector<128x128xf32>
    %get3A_2195 = arith.constant 0 : index
    %get3A_2196 = arith.constant 0 : index
    %get3A_2197 = vector.load %arg3[%get3A_2195, %get3A_2196] : memref<1x128xf32, #tpu.memory_space<vmem>>, vector<1x128xf32>
    %add3A_2198 = vector.broadcast %get3A_2197 : vector<1x128xf32> to vector<128x128xf32>
    %add3A_2199 = arith.addf %mul3A_2194, %add3A_2198 : vector<128x128xf32>
    %swap3A_2200 = arith.constant 18688 : index
    %swap3A_2201 = arith.constant 0 : index
    %swap3A_2202 = vector.load %arg4[%swap3A_2200, %swap3A_2201] : memref<25600x128xf32, #tpu.memory_space<vmem>>, vector<128x128xf32>
    tpu.vector_store %arg4[%swap3A_2200, %swap3A_2201], %add3A_2199 {strides = array<i32>} : memref<25600x128xf32, #tpu.memory_space<vmem>>, vector<128x128xf32>,
    %slice3A_2203 = vector.extract_strided_slice %transpose3A {offsets = [0, 147], sizes = [128, 1], strides = [1, 1]} : vector<128x200xf32> to vector<128x1xf32>
    %get3A_2204 = arith.constant 0 : index
    %get3A_2205 = arith.constant 0 : index
    %get3A_2206 = vector.load %arg2[%get3A_2204, %get3A_2205] : memref<1x128xf32, #tpu.memory_space<vmem>>, vector<1x128xf32>
    %mul3A_2207 = vector.broadcast %slice3A_2203 : vector<128x1xf32> to vector<128x128xf32>
    %mul3A_2208 = vector.broadcast %get3A_2206 : vector<1x128xf32> to vector<128x128xf32>
    %mul3A_2209 = arith.mulf %mul3A_2207, %mul3A_2208 : vector<128x128xf32>
    %get3A_2210 = arith.constant 0 : index
    %get3A_2211 = arith.constant 0 : index
    %get3A_2212 = vector.load %arg3[%get3A_2210, %get3A_2211] : memref<1x128xf32, #tpu.memory_space<vmem>>, vector<1x128xf32>
    %add3A_2213 = vector.broadcast %get3A_2212 : vector<1x128xf32> to vector<128x128xf32>
    %add3A_2214 = arith.addf %mul3A_2209, %add3A_2213 : vector<128x128xf32>
    %swap3A_2215 = arith.constant 18816 : index
    %swap3A_2216 = arith.constant 0 : index
    %swap3A_2217 = vector.load %arg4[%swap3A_2215, %swap3A_2216] : memref<25600x128xf32, #tpu.memory_space<vmem>>, vector<128x128xf32>
    tpu.vector_store %arg4[%swap3A_2215, %swap3A_2216], %add3A_2214 {strides = array<i32>} : memref<25600x128xf32, #tpu.memory_space<vmem>>, vector<128x128xf32>,
    %slice3A_2218 = vector.extract_strided_slice %transpose3A {offsets = [0, 148], sizes = [128, 1], strides = [1, 1]} : vector<128x200xf32> to vector<128x1xf32>
    %get3A_2219 = arith.constant 0 : index
    %get3A_2220 = arith.constant 0 : index
    %get3A_2221 = vector.load %arg2[%get3A_2219, %get3A_2220] : memref<1x128xf32, #tpu.memory_space<vmem>>, vector<1x128xf32>
    %mul3A_2222 = vector.broadcast %slice3A_2218 : vector<128x1xf32> to vector<128x128xf32>
    %mul3A_2223 = vector.broadcast %get3A_2221 : vector<1x128xf32> to vector<128x128xf32>
    %mul3A_2224 = arith.mulf %mul3A_2222, %mul3A_2223 : vector<128x128xf32>
    %get3A_2225 = arith.constant 0 : index
    %get3A_2226 = arith.constant 0 : index
    %get3A_2227 = vector.load %arg3[%get3A_2225, %get3A_2226] : memref<1x128xf32, #tpu.memory_space<vmem>>, vector<1x128xf32>
    %add3A_2228 = vector.broadcast %get3A_2227 : vector<1x128xf32> to vector<128x128xf32>
    %add3A_2229 = arith.addf %mul3A_2224, %add3A_2228 : vector<128x128xf32>
    %swap3A_2230 = arith.constant 18944 : index
    %swap3A_2231 = arith.constant 0 : index
    %swap3A_2232 = vector.load %arg4[%swap3A_2230, %swap3A_2231] : memref<25600x128xf32, #tpu.memory_space<vmem>>, vector<128x128xf32>
    tpu.vector_store %arg4[%swap3A_2230, %swap3A_2231], %add3A_2229 {strides = array<i32>} : memref<25600x128xf32, #tpu.memory_space<vmem>>, vector<128x128xf32>,
    %slice3A_2233 = vector.extract_strided_slice %transpose3A {offsets = [0, 149], sizes = [128, 1], strides = [1, 1]} : vector<128x200xf32> to vector<128x1xf32>
    %get3A_2234 = arith.constant 0 : index
    %get3A_2235 = arith.constant 0 : index
    %get3A_2236 = vector.load %arg2[%get3A_2234, %get3A_2235] : memref<1x128xf32, #tpu.memory_space<vmem>>, vector<1x128xf32>
    %mul3A_2237 = vector.broadcast %slice3A_2233 : vector<128x1xf32> to vector<128x128xf32>
    %mul3A_2238 = vector.broadcast %get3A_2236 : vector<1x128xf32> to vector<128x128xf32>
    %mul3A_2239 = arith.mulf %mul3A_2237, %mul3A_2238 : vector<128x128xf32>
    %get3A_2240 = arith.constant 0 : index
    %get3A_2241 = arith.constant 0 : index
    %get3A_2242 = vector.load %arg3[%get3A_2240, %get3A_2241] : memref<1x128xf32, #tpu.memory_space<vmem>>, vector<1x128xf32>
    %add3A_2243 = vector.broadcast %get3A_2242 : vector<1x128xf32> to vector<128x128xf32>
    %add3A_2244 = arith.addf %mul3A_2239, %add3A_2243 : vector<128x128xf32>
    %swap3A_2245 = arith.constant 19072 : index
    %swap3A_2246 = arith.constant 0 : index
    %swap3A_2247 = vector.load %arg4[%swap3A_2245, %swap3A_2246] : memref<25600x128xf32, #tpu.memory_space<vmem>>, vector<128x128xf32>
    tpu.vector_store %arg4[%swap3A_2245, %swap3A_2246], %add3A_2244 {strides = array<i32>} : memref<25600x128xf32, #tpu.memory_space<vmem>>, vector<128x128xf32>,
    %slice3A_2248 = vector.extract_strided_slice %transpose3A {offsets = [0, 150], sizes = [128, 1], strides = [1, 1]} : vector<128x200xf32> to vector<128x1xf32>
    %get3A_2249 = arith.constant 0 : index
    %get3A_2250 = arith.constant 0 : index
    %get3A_2251 = vector.load %arg2[%get3A_2249, %get3A_2250] : memref<1x128xf32, #tpu.memory_space<vmem>>, vector<1x128xf32>
    %mul3A_2252 = vector.broadcast %slice3A_2248 : vector<128x1xf32> to vector<128x128xf32>
    %mul3A_2253 = vector.broadcast %get3A_2251 : vector<1x128xf32> to vector<128x128xf32>
    %mul3A_2254 = arith.mulf %mul3A_2252, %mul3A_2253 : vector<128x128xf32>
    %get3A_2255 = arith.constant 0 : index
    %get3A_2256 = arith.constant 0 : index
    %get3A_2257 = vector.load %arg3[%get3A_2255, %get3A_2256] : memref<1x128xf32, #tpu.memory_space<vmem>>, vector<1x128xf32>
    %add3A_2258 = vector.broadcast %get3A_2257 : vector<1x128xf32> to vector<128x128xf32>
    %add3A_2259 = arith.addf %mul3A_2254, %add3A_2258 : vector<128x128xf32>
    %swap3A_2260 = arith.constant 19200 : index
    %swap3A_2261 = arith.constant 0 : index
    %swap3A_2262 = vector.load %arg4[%swap3A_2260, %swap3A_2261] : memref<25600x128xf32, #tpu.memory_space<vmem>>, vector<128x128xf32>
    tpu.vector_store %arg4[%swap3A_2260, %swap3A_2261], %add3A_2259 {strides = array<i32>} : memref<25600x128xf32, #tpu.memory_space<vmem>>, vector<128x128xf32>,
    %slice3A_2263 = vector.extract_strided_slice %transpose3A {offsets = [0, 151], sizes = [128, 1], strides = [1, 1]} : vector<128x200xf32> to vector<128x1xf32>
    %get3A_2264 = arith.constant 0 : index
    %get3A_2265 = arith.constant 0 : index
    %get3A_2266 = vector.load %arg2[%get3A_2264, %get3A_2265] : memref<1x128xf32, #tpu.memory_space<vmem>>, vector<1x128xf32>
    %mul3A_2267 = vector.broadcast %slice3A_2263 : vector<128x1xf32> to vector<128x128xf32>
    %mul3A_2268 = vector.broadcast %get3A_2266 : vector<1x128xf32> to vector<128x128xf32>
    %mul3A_2269 = arith.mulf %mul3A_2267, %mul3A_2268 : vector<128x128xf32>
    %get3A_2270 = arith.constant 0 : index
    %get3A_2271 = arith.constant 0 : index
    %get3A_2272 = vector.load %arg3[%get3A_2270, %get3A_2271] : memref<1x128xf32, #tpu.memory_space<vmem>>, vector<1x128xf32>
    %add3A_2273 = vector.broadcast %get3A_2272 : vector<1x128xf32> to vector<128x128xf32>
    %add3A_2274 = arith.addf %mul3A_2269, %add3A_2273 : vector<128x128xf32>
    %swap3A_2275 = arith.constant 19328 : index
    %swap3A_2276 = arith.constant 0 : index
    %swap3A_2277 = vector.load %arg4[%swap3A_2275, %swap3A_2276] : memref<25600x128xf32, #tpu.memory_space<vmem>>, vector<128x128xf32>
    tpu.vector_store %arg4[%swap3A_2275, %swap3A_2276], %add3A_2274 {strides = array<i32>} : memref<25600x128xf32, #tpu.memory_space<vmem>>, vector<128x128xf32>,
    %slice3A_2278 = vector.extract_strided_slice %transpose3A {offsets = [0, 152], sizes = [128, 1], strides = [1, 1]} : vector<128x200xf32> to vector<128x1xf32>
    %get3A_2279 = arith.constant 0 : index
    %get3A_2280 = arith.constant 0 : index
    %get3A_2281 = vector.load %arg2[%get3A_2279, %get3A_2280] : memref<1x128xf32, #tpu.memory_space<vmem>>, vector<1x128xf32>
    %mul3A_2282 = vector.broadcast %slice3A_2278 : vector<128x1xf32> to vector<128x128xf32>
    %mul3A_2283 = vector.broadcast %get3A_2281 : vector<1x128xf32> to vector<128x128xf32>
    %mul3A_2284 = arith.mulf %mul3A_2282, %mul3A_2283 : vector<128x128xf32>
    %get3A_2285 = arith.constant 0 : index
    %get3A_2286 = arith.constant 0 : index
    %get3A_2287 = vector.load %arg3[%get3A_2285, %get3A_2286] : memref<1x128xf32, #tpu.memory_space<vmem>>, vector<1x128xf32>
    %add3A_2288 = vector.broadcast %get3A_2287 : vector<1x128xf32> to vector<128x128xf32>
    %add3A_2289 = arith.addf %mul3A_2284, %add3A_2288 : vector<128x128xf32>
    %swap3A_2290 = arith.constant 19456 : index
    %swap3A_2291 = arith.constant 0 : index
    %swap3A_2292 = vector.load %arg4[%swap3A_2290, %swap3A_2291] : memref<25600x128xf32, #tpu.memory_space<vmem>>, vector<128x128xf32>
    tpu.vector_store %arg4[%swap3A_2290, %swap3A_2291], %add3A_2289 {strides = array<i32>} : memref<25600x128xf32, #tpu.memory_space<vmem>>, vector<128x128xf32>,
    %slice3A_2293 = vector.extract_strided_slice %transpose3A {offsets = [0, 153], sizes = [128, 1], strides = [1, 1]} : vector<128x200xf32> to vector<128x1xf32>
    %get3A_2294 = arith.constant 0 : index
    %get3A_2295 = arith.constant 0 : index
    %get3A_2296 = vector.load %arg2[%get3A_2294, %get3A_2295] : memref<1x128xf32, #tpu.memory_space<vmem>>, vector<1x128xf32>
    %mul3A_2297 = vector.broadcast %slice3A_2293 : vector<128x1xf32> to vector<128x128xf32>
    %mul3A_2298 = vector.broadcast %get3A_2296 : vector<1x128xf32> to vector<128x128xf32>
    %mul3A_2299 = arith.mulf %mul3A_2297, %mul3A_2298 : vector<128x128xf32>
    %get3A_2300 = arith.constant 0 : index
    %get3A_2301 = arith.constant 0 : index
    %get3A_2302 = vector.load %arg3[%get3A_2300, %get3A_2301] : memref<1x128xf32, #tpu.memory_space<vmem>>, vector<1x128xf32>
    %add3A_2303 = vector.broadcast %get3A_2302 : vector<1x128xf32> to vector<128x128xf32>
    %add3A_2304 = arith.addf %mul3A_2299, %add3A_2303 : vector<128x128xf32>
    %swap3A_2305 = arith.constant 19584 : index
    %swap3A_2306 = arith.constant 0 : index
    %swap3A_2307 = vector.load %arg4[%swap3A_2305, %swap3A_2306] : memref<25600x128xf32, #tpu.memory_space<vmem>>, vector<128x128xf32>
    tpu.vector_store %arg4[%swap3A_2305, %swap3A_2306], %add3A_2304 {strides = array<i32>} : memref<25600x128xf32, #tpu.memory_space<vmem>>, vector<128x128xf32>,
    %slice3A_2308 = vector.extract_strided_slice %transpose3A {offsets = [0, 154], sizes = [128, 1], strides = [1, 1]} : vector<128x200xf32> to vector<128x1xf32>
    %get3A_2309 = arith.constant 0 : index
    %get3A_2310 = arith.constant 0 : index
    %get3A_2311 = vector.load %arg2[%get3A_2309, %get3A_2310] : memref<1x128xf32, #tpu.memory_space<vmem>>, vector<1x128xf32>
    %mul3A_2312 = vector.broadcast %slice3A_2308 : vector<128x1xf32> to vector<128x128xf32>
    %mul3A_2313 = vector.broadcast %get3A_2311 : vector<1x128xf32> to vector<128x128xf32>
    %mul3A_2314 = arith.mulf %mul3A_2312, %mul3A_2313 : vector<128x128xf32>
    %get3A_2315 = arith.constant 0 : index
    %get3A_2316 = arith.constant 0 : index
    %get3A_2317 = vector.load %arg3[%get3A_2315, %get3A_2316] : memref<1x128xf32, #tpu.memory_space<vmem>>, vector<1x128xf32>
    %add3A_2318 = vector.broadcast %get3A_2317 : vector<1x128xf32> to vector<128x128xf32>
    %add3A_2319 = arith.addf %mul3A_2314, %add3A_2318 : vector<128x128xf32>
    %swap3A_2320 = arith.constant 19712 : index
    %swap3A_2321 = arith.constant 0 : index
    %swap3A_2322 = vector.load %arg4[%swap3A_2320, %swap3A_2321] : memref<25600x128xf32, #tpu.memory_space<vmem>>, vector<128x128xf32>
    tpu.vector_store %arg4[%swap3A_2320, %swap3A_2321], %add3A_2319 {strides = array<i32>} : memref<25600x128xf32, #tpu.memory_space<vmem>>, vector<128x128xf32>,
    %slice3A_2323 = vector.extract_strided_slice %transpose3A {offsets = [0, 155], sizes = [128, 1], strides = [1, 1]} : vector<128x200xf32> to vector<128x1xf32>
    %get3A_2324 = arith.constant 0 : index
    %get3A_2325 = arith.constant 0 : index
    %get3A_2326 = vector.load %arg2[%get3A_2324, %get3A_2325] : memref<1x128xf32, #tpu.memory_space<vmem>>, vector<1x128xf32>
    %mul3A_2327 = vector.broadcast %slice3A_2323 : vector<128x1xf32> to vector<128x128xf32>
    %mul3A_2328 = vector.broadcast %get3A_2326 : vector<1x128xf32> to vector<128x128xf32>
    %mul3A_2329 = arith.mulf %mul3A_2327, %mul3A_2328 : vector<128x128xf32>
    %get3A_2330 = arith.constant 0 : index
    %get3A_2331 = arith.constant 0 : index
    %get3A_2332 = vector.load %arg3[%get3A_2330, %get3A_2331] : memref<1x128xf32, #tpu.memory_space<vmem>>, vector<1x128xf32>
    %add3A_2333 = vector.broadcast %get3A_2332 : vector<1x128xf32> to vector<128x128xf32>
    %add3A_2334 = arith.addf %mul3A_2329, %add3A_2333 : vector<128x128xf32>
    %swap3A_2335 = arith.constant 19840 : index
    %swap3A_2336 = arith.constant 0 : index
    %swap3A_2337 = vector.load %arg4[%swap3A_2335, %swap3A_2336] : memref<25600x128xf32, #tpu.memory_space<vmem>>, vector<128x128xf32>
    tpu.vector_store %arg4[%swap3A_2335, %swap3A_2336], %add3A_2334 {strides = array<i32>} : memref<25600x128xf32, #tpu.memory_space<vmem>>, vector<128x128xf32>,
    %slice3A_2338 = vector.extract_strided_slice %transpose3A {offsets = [0, 156], sizes = [128, 1], strides = [1, 1]} : vector<128x200xf32> to vector<128x1xf32>
    %get3A_2339 = arith.constant 0 : index
    %get3A_2340 = arith.constant 0 : index
    %get3A_2341 = vector.load %arg2[%get3A_2339, %get3A_2340] : memref<1x128xf32, #tpu.memory_space<vmem>>, vector<1x128xf32>
    %mul3A_2342 = vector.broadcast %slice3A_2338 : vector<128x1xf32> to vector<128x128xf32>
    %mul3A_2343 = vector.broadcast %get3A_2341 : vector<1x128xf32> to vector<128x128xf32>
    %mul3A_2344 = arith.mulf %mul3A_2342, %mul3A_2343 : vector<128x128xf32>
    %get3A_2345 = arith.constant 0 : index
    %get3A_2346 = arith.constant 0 : index
    %get3A_2347 = vector.load %arg3[%get3A_2345, %get3A_2346] : memref<1x128xf32, #tpu.memory_space<vmem>>, vector<1x128xf32>
    %add3A_2348 = vector.broadcast %get3A_2347 : vector<1x128xf32> to vector<128x128xf32>
    %add3A_2349 = arith.addf %mul3A_2344, %add3A_2348 : vector<128x128xf32>
    %swap3A_2350 = arith.constant 19968 : index
    %swap3A_2351 = arith.constant 0 : index
    %swap3A_2352 = vector.load %arg4[%swap3A_2350, %swap3A_2351] : memref<25600x128xf32, #tpu.memory_space<vmem>>, vector<128x128xf32>
    tpu.vector_store %arg4[%swap3A_2350, %swap3A_2351], %add3A_2349 {strides = array<i32>} : memref<25600x128xf32, #tpu.memory_space<vmem>>, vector<128x128xf32>,
    %slice3A_2353 = vector.extract_strided_slice %transpose3A {offsets = [0, 157], sizes = [128, 1], strides = [1, 1]} : vector<128x200xf32> to vector<128x1xf32>
    %get3A_2354 = arith.constant 0 : index
    %get3A_2355 = arith.constant 0 : index
    %get3A_2356 = vector.load %arg2[%get3A_2354, %get3A_2355] : memref<1x128xf32, #tpu.memory_space<vmem>>, vector<1x128xf32>
    %mul3A_2357 = vector.broadcast %slice3A_2353 : vector<128x1xf32> to vector<128x128xf32>
    %mul3A_2358 = vector.broadcast %get3A_2356 : vector<1x128xf32> to vector<128x128xf32>
    %mul3A_2359 = arith.mulf %mul3A_2357, %mul3A_2358 : vector<128x128xf32>
    %get3A_2360 = arith.constant 0 : index
    %get3A_2361 = arith.constant 0 : index
    %get3A_2362 = vector.load %arg3[%get3A_2360, %get3A_2361] : memref<1x128xf32, #tpu.memory_space<vmem>>, vector<1x128xf32>
    %add3A_2363 = vector.broadcast %get3A_2362 : vector<1x128xf32> to vector<128x128xf32>
    %add3A_2364 = arith.addf %mul3A_2359, %add3A_2363 : vector<128x128xf32>
    %swap3A_2365 = arith.constant 20096 : index
    %swap3A_2366 = arith.constant 0 : index
    %swap3A_2367 = vector.load %arg4[%swap3A_2365, %swap3A_2366] : memref<25600x128xf32, #tpu.memory_space<vmem>>, vector<128x128xf32>
    tpu.vector_store %arg4[%swap3A_2365, %swap3A_2366], %add3A_2364 {strides = array<i32>} : memref<25600x128xf32, #tpu.memory_space<vmem>>, vector<128x128xf32>,
    %slice3A_2368 = vector.extract_strided_slice %transpose3A {offsets = [0, 158], sizes = [128, 1], strides = [1, 1]} : vector<128x200xf32> to vector<128x1xf32>
    %get3A_2369 = arith.constant 0 : index
    %get3A_2370 = arith.constant 0 : index
    %get3A_2371 = vector.load %arg2[%get3A_2369, %get3A_2370] : memref<1x128xf32, #tpu.memory_space<vmem>>, vector<1x128xf32>
    %mul3A_2372 = vector.broadcast %slice3A_2368 : vector<128x1xf32> to vector<128x128xf32>
    %mul3A_2373 = vector.broadcast %get3A_2371 : vector<1x128xf32> to vector<128x128xf32>
    %mul3A_2374 = arith.mulf %mul3A_2372, %mul3A_2373 : vector<128x128xf32>
    %get3A_2375 = arith.constant 0 : index
    %get3A_2376 = arith.constant 0 : index
    %get3A_2377 = vector.load %arg3[%get3A_2375, %get3A_2376] : memref<1x128xf32, #tpu.memory_space<vmem>>, vector<1x128xf32>
    %add3A_2378 = vector.broadcast %get3A_2377 : vector<1x128xf32> to vector<128x128xf32>
    %add3A_2379 = arith.addf %mul3A_2374, %add3A_2378 : vector<128x128xf32>
    %swap3A_2380 = arith.constant 20224 : index
    %swap3A_2381 = arith.constant 0 : index
    %swap3A_2382 = vector.load %arg4[%swap3A_2380, %swap3A_2381] : memref<25600x128xf32, #tpu.memory_space<vmem>>, vector<128x128xf32>
    tpu.vector_store %arg4[%swap3A_2380, %swap3A_2381], %add3A_2379 {strides = array<i32>} : memref<25600x128xf32, #tpu.memory_space<vmem>>, vector<128x128xf32>,
    %slice3A_2383 = vector.extract_strided_slice %transpose3A {offsets = [0, 159], sizes = [128, 1], strides = [1, 1]} : vector<128x200xf32> to vector<128x1xf32>
    %get3A_2384 = arith.constant 0 : index
    %get3A_2385 = arith.constant 0 : index
    %get3A_2386 = vector.load %arg2[%get3A_2384, %get3A_2385] : memref<1x128xf32, #tpu.memory_space<vmem>>, vector<1x128xf32>
    %mul3A_2387 = vector.broadcast %slice3A_2383 : vector<128x1xf32> to vector<128x128xf32>
    %mul3A_2388 = vector.broadcast %get3A_2386 : vector<1x128xf32> to vector<128x128xf32>
    %mul3A_2389 = arith.mulf %mul3A_2387, %mul3A_2388 : vector<128x128xf32>
    %get3A_2390 = arith.constant 0 : index
    %get3A_2391 = arith.constant 0 : index
    %get3A_2392 = vector.load %arg3[%get3A_2390, %get3A_2391] : memref<1x128xf32, #tpu.memory_space<vmem>>, vector<1x128xf32>
    %add3A_2393 = vector.broadcast %get3A_2392 : vector<1x128xf32> to vector<128x128xf32>
    %add3A_2394 = arith.addf %mul3A_2389, %add3A_2393 : vector<128x128xf32>
    %swap3A_2395 = arith.constant 20352 : index
    %swap3A_2396 = arith.constant 0 : index
    %swap3A_2397 = vector.load %arg4[%swap3A_2395, %swap3A_2396] : memref<25600x128xf32, #tpu.memory_space<vmem>>, vector<128x128xf32>
    tpu.vector_store %arg4[%swap3A_2395, %swap3A_2396], %add3A_2394 {strides = array<i32>} : memref<25600x128xf32, #tpu.memory_space<vmem>>, vector<128x128xf32>,
    %slice3A_2398 = vector.extract_strided_slice %transpose3A {offsets = [0, 160], sizes = [128, 1], strides = [1, 1]} : vector<128x200xf32> to vector<128x1xf32>
    %get3A_2399 = arith.constant 0 : index
    %get3A_2400 = arith.constant 0 : index
    %get3A_2401 = vector.load %arg2[%get3A_2399, %get3A_2400] : memref<1x128xf32, #tpu.memory_space<vmem>>, vector<1x128xf32>
    %mul3A_2402 = vector.broadcast %slice3A_2398 : vector<128x1xf32> to vector<128x128xf32>
    %mul3A_2403 = vector.broadcast %get3A_2401 : vector<1x128xf32> to vector<128x128xf32>
    %mul3A_2404 = arith.mulf %mul3A_2402, %mul3A_2403 : vector<128x128xf32>
    %get3A_2405 = arith.constant 0 : index
    %get3A_2406 = arith.constant 0 : index
    %get3A_2407 = vector.load %arg3[%get3A_2405, %get3A_2406] : memref<1x128xf32, #tpu.memory_space<vmem>>, vector<1x128xf32>
    %add3A_2408 = vector.broadcast %get3A_2407 : vector<1x128xf32> to vector<128x128xf32>
    %add3A_2409 = arith.addf %mul3A_2404, %add3A_2408 : vector<128x128xf32>
    %swap3A_2410 = arith.constant 20480 : index
    %swap3A_2411 = arith.constant 0 : index
    %swap3A_2412 = vector.load %arg4[%swap3A_2410, %swap3A_2411] : memref<25600x128xf32, #tpu.memory_space<vmem>>, vector<128x128xf32>
    tpu.vector_store %arg4[%swap3A_2410, %swap3A_2411], %add3A_2409 {strides = array<i32>} : memref<25600x128xf32, #tpu.memory_space<vmem>>, vector<128x128xf32>,
    %slice3A_2413 = vector.extract_strided_slice %transpose3A {offsets = [0, 161], sizes = [128, 1], strides = [1, 1]} : vector<128x200xf32> to vector<128x1xf32>
    %get3A_2414 = arith.constant 0 : index
    %get3A_2415 = arith.constant 0 : index
    %get3A_2416 = vector.load %arg2[%get3A_2414, %get3A_2415] : memref<1x128xf32, #tpu.memory_space<vmem>>, vector<1x128xf32>
    %mul3A_2417 = vector.broadcast %slice3A_2413 : vector<128x1xf32> to vector<128x128xf32>
    %mul3A_2418 = vector.broadcast %get3A_2416 : vector<1x128xf32> to vector<128x128xf32>
    %mul3A_2419 = arith.mulf %mul3A_2417, %mul3A_2418 : vector<128x128xf32>
    %get3A_2420 = arith.constant 0 : index
    %get3A_2421 = arith.constant 0 : index
    %get3A_2422 = vector.load %arg3[%get3A_2420, %get3A_2421] : memref<1x128xf32, #tpu.memory_space<vmem>>, vector<1x128xf32>
    %add3A_2423 = vector.broadcast %get3A_2422 : vector<1x128xf32> to vector<128x128xf32>
    %add3A_2424 = arith.addf %mul3A_2419, %add3A_2423 : vector<128x128xf32>
    %swap3A_2425 = arith.constant 20608 : index
    %swap3A_2426 = arith.constant 0 : index
    %swap3A_2427 = vector.load %arg4[%swap3A_2425, %swap3A_2426] : memref<25600x128xf32, #tpu.memory_space<vmem>>, vector<128x128xf32>
    tpu.vector_store %arg4[%swap3A_2425, %swap3A_2426], %add3A_2424 {strides = array<i32>} : memref<25600x128xf32, #tpu.memory_space<vmem>>, vector<128x128xf32>,
    %slice3A_2428 = vector.extract_strided_slice %transpose3A {offsets = [0, 162], sizes = [128, 1], strides = [1, 1]} : vector<128x200xf32> to vector<128x1xf32>
    %get3A_2429 = arith.constant 0 : index
    %get3A_2430 = arith.constant 0 : index
    %get3A_2431 = vector.load %arg2[%get3A_2429, %get3A_2430] : memref<1x128xf32, #tpu.memory_space<vmem>>, vector<1x128xf32>
    %mul3A_2432 = vector.broadcast %slice3A_2428 : vector<128x1xf32> to vector<128x128xf32>
    %mul3A_2433 = vector.broadcast %get3A_2431 : vector<1x128xf32> to vector<128x128xf32>
    %mul3A_2434 = arith.mulf %mul3A_2432, %mul3A_2433 : vector<128x128xf32>
    %get3A_2435 = arith.constant 0 : index
    %get3A_2436 = arith.constant 0 : index
    %get3A_2437 = vector.load %arg3[%get3A_2435, %get3A_2436] : memref<1x128xf32, #tpu.memory_space<vmem>>, vector<1x128xf32>
    %add3A_2438 = vector.broadcast %get3A_2437 : vector<1x128xf32> to vector<128x128xf32>
    %add3A_2439 = arith.addf %mul3A_2434, %add3A_2438 : vector<128x128xf32>
    %swap3A_2440 = arith.constant 20736 : index
    %swap3A_2441 = arith.constant 0 : index
    %swap3A_2442 = vector.load %arg4[%swap3A_2440, %swap3A_2441] : memref<25600x128xf32, #tpu.memory_space<vmem>>, vector<128x128xf32>
    tpu.vector_store %arg4[%swap3A_2440, %swap3A_2441], %add3A_2439 {strides = array<i32>} : memref<25600x128xf32, #tpu.memory_space<vmem>>, vector<128x128xf32>,
    %slice3A_2443 = vector.extract_strided_slice %transpose3A {offsets = [0, 163], sizes = [128, 1], strides = [1, 1]} : vector<128x200xf32> to vector<128x1xf32>
    %get3A_2444 = arith.constant 0 : index
    %get3A_2445 = arith.constant 0 : index
    %get3A_2446 = vector.load %arg2[%get3A_2444, %get3A_2445] : memref<1x128xf32, #tpu.memory_space<vmem>>, vector<1x128xf32>
    %mul3A_2447 = vector.broadcast %slice3A_2443 : vector<128x1xf32> to vector<128x128xf32>
    %mul3A_2448 = vector.broadcast %get3A_2446 : vector<1x128xf32> to vector<128x128xf32>
    %mul3A_2449 = arith.mulf %mul3A_2447, %mul3A_2448 : vector<128x128xf32>
    %get3A_2450 = arith.constant 0 : index
    %get3A_2451 = arith.constant 0 : index
    %get3A_2452 = vector.load %arg3[%get3A_2450, %get3A_2451] : memref<1x128xf32, #tpu.memory_space<vmem>>, vector<1x128xf32>
    %add3A_2453 = vector.broadcast %get3A_2452 : vector<1x128xf32> to vector<128x128xf32>
    %add3A_2454 = arith.addf %mul3A_2449, %add3A_2453 : vector<128x128xf32>
    %swap3A_2455 = arith.constant 20864 : index
    %swap3A_2456 = arith.constant 0 : index
    %swap3A_2457 = vector.load %arg4[%swap3A_2455, %swap3A_2456] : memref<25600x128xf32, #tpu.memory_space<vmem>>, vector<128x128xf32>
    tpu.vector_store %arg4[%swap3A_2455, %swap3A_2456], %add3A_2454 {strides = array<i32>} : memref<25600x128xf32, #tpu.memory_space<vmem>>, vector<128x128xf32>,
    %slice3A_2458 = vector.extract_strided_slice %transpose3A {offsets = [0, 164], sizes = [128, 1], strides = [1, 1]} : vector<128x200xf32> to vector<128x1xf32>
    %get3A_2459 = arith.constant 0 : index
    %get3A_2460 = arith.constant 0 : index
    %get3A_2461 = vector.load %arg2[%get3A_2459, %get3A_2460] : memref<1x128xf32, #tpu.memory_space<vmem>>, vector<1x128xf32>
    %mul3A_2462 = vector.broadcast %slice3A_2458 : vector<128x1xf32> to vector<128x128xf32>
    %mul3A_2463 = vector.broadcast %get3A_2461 : vector<1x128xf32> to vector<128x128xf32>
    %mul3A_2464 = arith.mulf %mul3A_2462, %mul3A_2463 : vector<128x128xf32>
    %get3A_2465 = arith.constant 0 : index
    %get3A_2466 = arith.constant 0 : index
    %get3A_2467 = vector.load %arg3[%get3A_2465, %get3A_2466] : memref<1x128xf32, #tpu.memory_space<vmem>>, vector<1x128xf32>
    %add3A_2468 = vector.broadcast %get3A_2467 : vector<1x128xf32> to vector<128x128xf32>
    %add3A_2469 = arith.addf %mul3A_2464, %add3A_2468 : vector<128x128xf32>
    %swap3A_2470 = arith.constant 20992 : index
    %swap3A_2471 = arith.constant 0 : index
    %swap3A_2472 = vector.load %arg4[%swap3A_2470, %swap3A_2471] : memref<25600x128xf32, #tpu.memory_space<vmem>>, vector<128x128xf32>
    tpu.vector_store %arg4[%swap3A_2470, %swap3A_2471], %add3A_2469 {strides = array<i32>} : memref<25600x128xf32, #tpu.memory_space<vmem>>, vector<128x128xf32>,
    %slice3A_2473 = vector.extract_strided_slice %transpose3A {offsets = [0, 165], sizes = [128, 1], strides = [1, 1]} : vector<128x200xf32> to vector<128x1xf32>
    %get3A_2474 = arith.constant 0 : index
    %get3A_2475 = arith.constant 0 : index
    %get3A_2476 = vector.load %arg2[%get3A_2474, %get3A_2475] : memref<1x128xf32, #tpu.memory_space<vmem>>, vector<1x128xf32>
    %mul3A_2477 = vector.broadcast %slice3A_2473 : vector<128x1xf32> to vector<128x128xf32>
    %mul3A_2478 = vector.broadcast %get3A_2476 : vector<1x128xf32> to vector<128x128xf32>
    %mul3A_2479 = arith.mulf %mul3A_2477, %mul3A_2478 : vector<128x128xf32>
    %get3A_2480 = arith.constant 0 : index
    %get3A_2481 = arith.constant 0 : index
    %get3A_2482 = vector.load %arg3[%get3A_2480, %get3A_2481] : memref<1x128xf32, #tpu.memory_space<vmem>>, vector<1x128xf32>
    %add3A_2483 = vector.broadcast %get3A_2482 : vector<1x128xf32> to vector<128x128xf32>
    %add3A_2484 = arith.addf %mul3A_2479, %add3A_2483 : vector<128x128xf32>
    %swap3A_2485 = arith.constant 21120 : index
    %swap3A_2486 = arith.constant 0 : index
    %swap3A_2487 = vector.load %arg4[%swap3A_2485, %swap3A_2486] : memref<25600x128xf32, #tpu.memory_space<vmem>>, vector<128x128xf32>
    tpu.vector_store %arg4[%swap3A_2485, %swap3A_2486], %add3A_2484 {strides = array<i32>} : memref<25600x128xf32, #tpu.memory_space<vmem>>, vector<128x128xf32>,
    %slice3A_2488 = vector.extract_strided_slice %transpose3A {offsets = [0, 166], sizes = [128, 1], strides = [1, 1]} : vector<128x200xf32> to vector<128x1xf32>
    %get3A_2489 = arith.constant 0 : index
    %get3A_2490 = arith.constant 0 : index
    %get3A_2491 = vector.load %arg2[%get3A_2489, %get3A_2490] : memref<1x128xf32, #tpu.memory_space<vmem>>, vector<1x128xf32>
    %mul3A_2492 = vector.broadcast %slice3A_2488 : vector<128x1xf32> to vector<128x128xf32>
    %mul3A_2493 = vector.broadcast %get3A_2491 : vector<1x128xf32> to vector<128x128xf32>
    %mul3A_2494 = arith.mulf %mul3A_2492, %mul3A_2493 : vector<128x128xf32>
    %get3A_2495 = arith.constant 0 : index
    %get3A_2496 = arith.constant 0 : index
    %get3A_2497 = vector.load %arg3[%get3A_2495, %get3A_2496] : memref<1x128xf32, #tpu.memory_space<vmem>>, vector<1x128xf32>
    %add3A_2498 = vector.broadcast %get3A_2497 : vector<1x128xf32> to vector<128x128xf32>
    %add3A_2499 = arith.addf %mul3A_2494, %add3A_2498 : vector<128x128xf32>
    %swap3A_2500 = arith.constant 21248 : index
    %swap3A_2501 = arith.constant 0 : index
    %swap3A_2502 = vector.load %arg4[%swap3A_2500, %swap3A_2501] : memref<25600x128xf32, #tpu.memory_space<vmem>>, vector<128x128xf32>
    tpu.vector_store %arg4[%swap3A_2500, %swap3A_2501], %add3A_2499 {strides = array<i32>} : memref<25600x128xf32, #tpu.memory_space<vmem>>, vector<128x128xf32>,
    %slice3A_2503 = vector.extract_strided_slice %transpose3A {offsets = [0, 167], sizes = [128, 1], strides = [1, 1]} : vector<128x200xf32> to vector<128x1xf32>
    %get3A_2504 = arith.constant 0 : index
    %get3A_2505 = arith.constant 0 : index
    %get3A_2506 = vector.load %arg2[%get3A_2504, %get3A_2505] : memref<1x128xf32, #tpu.memory_space<vmem>>, vector<1x128xf32>
    %mul3A_2507 = vector.broadcast %slice3A_2503 : vector<128x1xf32> to vector<128x128xf32>
    %mul3A_2508 = vector.broadcast %get3A_2506 : vector<1x128xf32> to vector<128x128xf32>
    %mul3A_2509 = arith.mulf %mul3A_2507, %mul3A_2508 : vector<128x128xf32>
    %get3A_2510 = arith.constant 0 : index
    %get3A_2511 = arith.constant 0 : index
    %get3A_2512 = vector.load %arg3[%get3A_2510, %get3A_2511] : memref<1x128xf32, #tpu.memory_space<vmem>>, vector<1x128xf32>
    %add3A_2513 = vector.broadcast %get3A_2512 : vector<1x128xf32> to vector<128x128xf32>
    %add3A_2514 = arith.addf %mul3A_2509, %add3A_2513 : vector<128x128xf32>
    %swap3A_2515 = arith.constant 21376 : index
    %swap3A_2516 = arith.constant 0 : index
    %swap3A_2517 = vector.load %arg4[%swap3A_2515, %swap3A_2516] : memref<25600x128xf32, #tpu.memory_space<vmem>>, vector<128x128xf32>
    tpu.vector_store %arg4[%swap3A_2515, %swap3A_2516], %add3A_2514 {strides = array<i32>} : memref<25600x128xf32, #tpu.memory_space<vmem>>, vector<128x128xf32>,
    %slice3A_2518 = vector.extract_strided_slice %transpose3A {offsets = [0, 168], sizes = [128, 1], strides = [1, 1]} : vector<128x200xf32> to vector<128x1xf32>
    %get3A_2519 = arith.constant 0 : index
    %get3A_2520 = arith.constant 0 : index
    %get3A_2521 = vector.load %arg2[%get3A_2519, %get3A_2520] : memref<1x128xf32, #tpu.memory_space<vmem>>, vector<1x128xf32>
    %mul3A_2522 = vector.broadcast %slice3A_2518 : vector<128x1xf32> to vector<128x128xf32>
    %mul3A_2523 = vector.broadcast %get3A_2521 : vector<1x128xf32> to vector<128x128xf32>
    %mul3A_2524 = arith.mulf %mul3A_2522, %mul3A_2523 : vector<128x128xf32>
    %get3A_2525 = arith.constant 0 : index
    %get3A_2526 = arith.constant 0 : index
    %get3A_2527 = vector.load %arg3[%get3A_2525, %get3A_2526] : memref<1x128xf32, #tpu.memory_space<vmem>>, vector<1x128xf32>
    %add3A_2528 = vector.broadcast %get3A_2527 : vector<1x128xf32> to vector<128x128xf32>
    %add3A_2529 = arith.addf %mul3A_2524, %add3A_2528 : vector<128x128xf32>
    %swap3A_2530 = arith.constant 21504 : index
    %swap3A_2531 = arith.constant 0 : index
    %swap3A_2532 = vector.load %arg4[%swap3A_2530, %swap3A_2531] : memref<25600x128xf32, #tpu.memory_space<vmem>>, vector<128x128xf32>
    tpu.vector_store %arg4[%swap3A_2530, %swap3A_2531], %add3A_2529 {strides = array<i32>} : memref<25600x128xf32, #tpu.memory_space<vmem>>, vector<128x128xf32>,
    %slice3A_2533 = vector.extract_strided_slice %transpose3A {offsets = [0, 169], sizes = [128, 1], strides = [1, 1]} : vector<128x200xf32> to vector<128x1xf32>
    %get3A_2534 = arith.constant 0 : index
    %get3A_2535 = arith.constant 0 : index
    %get3A_2536 = vector.load %arg2[%get3A_2534, %get3A_2535] : memref<1x128xf32, #tpu.memory_space<vmem>>, vector<1x128xf32>
    %mul3A_2537 = vector.broadcast %slice3A_2533 : vector<128x1xf32> to vector<128x128xf32>
    %mul3A_2538 = vector.broadcast %get3A_2536 : vector<1x128xf32> to vector<128x128xf32>
    %mul3A_2539 = arith.mulf %mul3A_2537, %mul3A_2538 : vector<128x128xf32>
    %get3A_2540 = arith.constant 0 : index
    %get3A_2541 = arith.constant 0 : index
    %get3A_2542 = vector.load %arg3[%get3A_2540, %get3A_2541] : memref<1x128xf32, #tpu.memory_space<vmem>>, vector<1x128xf32>
    %add3A_2543 = vector.broadcast %get3A_2542 : vector<1x128xf32> to vector<128x128xf32>
    %add3A_2544 = arith.addf %mul3A_2539, %add3A_2543 : vector<128x128xf32>
    %swap3A_2545 = arith.constant 21632 : index
    %swap3A_2546 = arith.constant 0 : index
    %swap3A_2547 = vector.load %arg4[%swap3A_2545, %swap3A_2546] : memref<25600x128xf32, #tpu.memory_space<vmem>>, vector<128x128xf32>
    tpu.vector_store %arg4[%swap3A_2545, %swap3A_2546], %add3A_2544 {strides = array<i32>} : memref<25600x128xf32, #tpu.memory_space<vmem>>, vector<128x128xf32>,
    %slice3A_2548 = vector.extract_strided_slice %transpose3A {offsets = [0, 170], sizes = [128, 1], strides = [1, 1]} : vector<128x200xf32> to vector<128x1xf32>
    %get3A_2549 = arith.constant 0 : index
    %get3A_2550 = arith.constant 0 : index
    %get3A_2551 = vector.load %arg2[%get3A_2549, %get3A_2550] : memref<1x128xf32, #tpu.memory_space<vmem>>, vector<1x128xf32>
    %mul3A_2552 = vector.broadcast %slice3A_2548 : vector<128x1xf32> to vector<128x128xf32>
    %mul3A_2553 = vector.broadcast %get3A_2551 : vector<1x128xf32> to vector<128x128xf32>
    %mul3A_2554 = arith.mulf %mul3A_2552, %mul3A_2553 : vector<128x128xf32>
    %get3A_2555 = arith.constant 0 : index
    %get3A_2556 = arith.constant 0 : index
    %get3A_2557 = vector.load %arg3[%get3A_2555, %get3A_2556] : memref<1x128xf32, #tpu.memory_space<vmem>>, vector<1x128xf32>
    %add3A_2558 = vector.broadcast %get3A_2557 : vector<1x128xf32> to vector<128x128xf32>
    %add3A_2559 = arith.addf %mul3A_2554, %add3A_2558 : vector<128x128xf32>
    %swap3A_2560 = arith.constant 21760 : index
    %swap3A_2561 = arith.constant 0 : index
    %swap3A_2562 = vector.load %arg4[%swap3A_2560, %swap3A_2561] : memref<25600x128xf32, #tpu.memory_space<vmem>>, vector<128x128xf32>
    tpu.vector_store %arg4[%swap3A_2560, %swap3A_2561], %add3A_2559 {strides = array<i32>} : memref<25600x128xf32, #tpu.memory_space<vmem>>, vector<128x128xf32>,
    %slice3A_2563 = vector.extract_strided_slice %transpose3A {offsets = [0, 171], sizes = [128, 1], strides = [1, 1]} : vector<128x200xf32> to vector<128x1xf32>
    %get3A_2564 = arith.constant 0 : index
    %get3A_2565 = arith.constant 0 : index
    %get3A_2566 = vector.load %arg2[%get3A_2564, %get3A_2565] : memref<1x128xf32, #tpu.memory_space<vmem>>, vector<1x128xf32>
    %mul3A_2567 = vector.broadcast %slice3A_2563 : vector<128x1xf32> to vector<128x128xf32>
    %mul3A_2568 = vector.broadcast %get3A_2566 : vector<1x128xf32> to vector<128x128xf32>
    %mul3A_2569 = arith.mulf %mul3A_2567, %mul3A_2568 : vector<128x128xf32>
    %get3A_2570 = arith.constant 0 : index
    %get3A_2571 = arith.constant 0 : index
    %get3A_2572 = vector.load %arg3[%get3A_2570, %get3A_2571] : memref<1x128xf32, #tpu.memory_space<vmem>>, vector<1x128xf32>
    %add3A_2573 = vector.broadcast %get3A_2572 : vector<1x128xf32> to vector<128x128xf32>
    %add3A_2574 = arith.addf %mul3A_2569, %add3A_2573 : vector<128x128xf32>
    %swap3A_2575 = arith.constant 21888 : index
    %swap3A_2576 = arith.constant 0 : index
    %swap3A_2577 = vector.load %arg4[%swap3A_2575, %swap3A_2576] : memref<25600x128xf32, #tpu.memory_space<vmem>>, vector<128x128xf32>
    tpu.vector_store %arg4[%swap3A_2575, %swap3A_2576], %add3A_2574 {strides = array<i32>} : memref<25600x128xf32, #tpu.memory_space<vmem>>, vector<128x128xf32>,
    %slice3A_2578 = vector.extract_strided_slice %transpose3A {offsets = [0, 172], sizes = [128, 1], strides = [1, 1]} : vector<128x200xf32> to vector<128x1xf32>
    %get3A_2579 = arith.constant 0 : index
    %get3A_2580 = arith.constant 0 : index
    %get3A_2581 = vector.load %arg2[%get3A_2579, %get3A_2580] : memref<1x128xf32, #tpu.memory_space<vmem>>, vector<1x128xf32>
    %mul3A_2582 = vector.broadcast %slice3A_2578 : vector<128x1xf32> to vector<128x128xf32>
    %mul3A_2583 = vector.broadcast %get3A_2581 : vector<1x128xf32> to vector<128x128xf32>
    %mul3A_2584 = arith.mulf %mul3A_2582, %mul3A_2583 : vector<128x128xf32>
    %get3A_2585 = arith.constant 0 : index
    %get3A_2586 = arith.constant 0 : index
    %get3A_2587 = vector.load %arg3[%get3A_2585, %get3A_2586] : memref<1x128xf32, #tpu.memory_space<vmem>>, vector<1x128xf32>
    %add3A_2588 = vector.broadcast %get3A_2587 : vector<1x128xf32> to vector<128x128xf32>
    %add3A_2589 = arith.addf %mul3A_2584, %add3A_2588 : vector<128x128xf32>
    %swap3A_2590 = arith.constant 22016 : index
    %swap3A_2591 = arith.constant 0 : index
    %swap3A_2592 = vector.load %arg4[%swap3A_2590, %swap3A_2591] : memref<25600x128xf32, #tpu.memory_space<vmem>>, vector<128x128xf32>
    tpu.vector_store %arg4[%swap3A_2590, %swap3A_2591], %add3A_2589 {strides = array<i32>} : memref<25600x128xf32, #tpu.memory_space<vmem>>, vector<128x128xf32>,
    %slice3A_2593 = vector.extract_strided_slice %transpose3A {offsets = [0, 173], sizes = [128, 1], strides = [1, 1]} : vector<128x200xf32> to vector<128x1xf32>
    %get3A_2594 = arith.constant 0 : index
    %get3A_2595 = arith.constant 0 : index
    %get3A_2596 = vector.load %arg2[%get3A_2594, %get3A_2595] : memref<1x128xf32, #tpu.memory_space<vmem>>, vector<1x128xf32>
    %mul3A_2597 = vector.broadcast %slice3A_2593 : vector<128x1xf32> to vector<128x128xf32>
    %mul3A_2598 = vector.broadcast %get3A_2596 : vector<1x128xf32> to vector<128x128xf32>
    %mul3A_2599 = arith.mulf %mul3A_2597, %mul3A_2598 : vector<128x128xf32>
    %get3A_2600 = arith.constant 0 : index
    %get3A_2601 = arith.constant 0 : index
    %get3A_2602 = vector.load %arg3[%get3A_2600, %get3A_2601] : memref<1x128xf32, #tpu.memory_space<vmem>>, vector<1x128xf32>
    %add3A_2603 = vector.broadcast %get3A_2602 : vector<1x128xf32> to vector<128x128xf32>
    %add3A_2604 = arith.addf %mul3A_2599, %add3A_2603 : vector<128x128xf32>
    %swap3A_2605 = arith.constant 22144 : index
    %swap3A_2606 = arith.constant 0 : index
    %swap3A_2607 = vector.load %arg4[%swap3A_2605, %swap3A_2606] : memref<25600x128xf32, #tpu.memory_space<vmem>>, vector<128x128xf32>
    tpu.vector_store %arg4[%swap3A_2605, %swap3A_2606], %add3A_2604 {strides = array<i32>} : memref<25600x128xf32, #tpu.memory_space<vmem>>, vector<128x128xf32>,
    %slice3A_2608 = vector.extract_strided_slice %transpose3A {offsets = [0, 174], sizes = [128, 1], strides = [1, 1]} : vector<128x200xf32> to vector<128x1xf32>
    %get3A_2609 = arith.constant 0 : index
    %get3A_2610 = arith.constant 0 : index
    %get3A_2611 = vector.load %arg2[%get3A_2609, %get3A_2610] : memref<1x128xf32, #tpu.memory_space<vmem>>, vector<1x128xf32>
    %mul3A_2612 = vector.broadcast %slice3A_2608 : vector<128x1xf32> to vector<128x128xf32>
    %mul3A_2613 = vector.broadcast %get3A_2611 : vector<1x128xf32> to vector<128x128xf32>
    %mul3A_2614 = arith.mulf %mul3A_2612, %mul3A_2613 : vector<128x128xf32>
    %get3A_2615 = arith.constant 0 : index
    %get3A_2616 = arith.constant 0 : index
    %get3A_2617 = vector.load %arg3[%get3A_2615, %get3A_2616] : memref<1x128xf32, #tpu.memory_space<vmem>>, vector<1x128xf32>
    %add3A_2618 = vector.broadcast %get3A_2617 : vector<1x128xf32> to vector<128x128xf32>
    %add3A_2619 = arith.addf %mul3A_2614, %add3A_2618 : vector<128x128xf32>
    %swap3A_2620 = arith.constant 22272 : index
    %swap3A_2621 = arith.constant 0 : index
    %swap3A_2622 = vector.load %arg4[%swap3A_2620, %swap3A_2621] : memref<25600x128xf32, #tpu.memory_space<vmem>>, vector<128x128xf32>
    tpu.vector_store %arg4[%swap3A_2620, %swap3A_2621], %add3A_2619 {strides = array<i32>} : memref<25600x128xf32, #tpu.memory_space<vmem>>, vector<128x128xf32>,
    %slice3A_2623 = vector.extract_strided_slice %transpose3A {offsets = [0, 175], sizes = [128, 1], strides = [1, 1]} : vector<128x200xf32> to vector<128x1xf32>
    %get3A_2624 = arith.constant 0 : index
    %get3A_2625 = arith.constant 0 : index
    %get3A_2626 = vector.load %arg2[%get3A_2624, %get3A_2625] : memref<1x128xf32, #tpu.memory_space<vmem>>, vector<1x128xf32>
    %mul3A_2627 = vector.broadcast %slice3A_2623 : vector<128x1xf32> to vector<128x128xf32>
    %mul3A_2628 = vector.broadcast %get3A_2626 : vector<1x128xf32> to vector<128x128xf32>
    %mul3A_2629 = arith.mulf %mul3A_2627, %mul3A_2628 : vector<128x128xf32>
    %get3A_2630 = arith.constant 0 : index
    %get3A_2631 = arith.constant 0 : index
    %get3A_2632 = vector.load %arg3[%get3A_2630, %get3A_2631] : memref<1x128xf32, #tpu.memory_space<vmem>>, vector<1x128xf32>
    %add3A_2633 = vector.broadcast %get3A_2632 : vector<1x128xf32> to vector<128x128xf32>
    %add3A_2634 = arith.addf %mul3A_2629, %add3A_2633 : vector<128x128xf32>
    %swap3A_2635 = arith.constant 22400 : index
    %swap3A_2636 = arith.constant 0 : index
    %swap3A_2637 = vector.load %arg4[%swap3A_2635, %swap3A_2636] : memref<25600x128xf32, #tpu.memory_space<vmem>>, vector<128x128xf32>
    tpu.vector_store %arg4[%swap3A_2635, %swap3A_2636], %add3A_2634 {strides = array<i32>} : memref<25600x128xf32, #tpu.memory_space<vmem>>, vector<128x128xf32>,
    %slice3A_2638 = vector.extract_strided_slice %transpose3A {offsets = [0, 176], sizes = [128, 1], strides = [1, 1]} : vector<128x200xf32> to vector<128x1xf32>
    %get3A_2639 = arith.constant 0 : index
    %get3A_2640 = arith.constant 0 : index
    %get3A_2641 = vector.load %arg2[%get3A_2639, %get3A_2640] : memref<1x128xf32, #tpu.memory_space<vmem>>, vector<1x128xf32>
    %mul3A_2642 = vector.broadcast %slice3A_2638 : vector<128x1xf32> to vector<128x128xf32>
    %mul3A_2643 = vector.broadcast %get3A_2641 : vector<1x128xf32> to vector<128x128xf32>
    %mul3A_2644 = arith.mulf %mul3A_2642, %mul3A_2643 : vector<128x128xf32>
    %get3A_2645 = arith.constant 0 : index
    %get3A_2646 = arith.constant 0 : index
    %get3A_2647 = vector.load %arg3[%get3A_2645, %get3A_2646] : memref<1x128xf32, #tpu.memory_space<vmem>>, vector<1x128xf32>
    %add3A_2648 = vector.broadcast %get3A_2647 : vector<1x128xf32> to vector<128x128xf32>
    %add3A_2649 = arith.addf %mul3A_2644, %add3A_2648 : vector<128x128xf32>
    %swap3A_2650 = arith.constant 22528 : index
    %swap3A_2651 = arith.constant 0 : index
    %swap3A_2652 = vector.load %arg4[%swap3A_2650, %swap3A_2651] : memref<25600x128xf32, #tpu.memory_space<vmem>>, vector<128x128xf32>
    tpu.vector_store %arg4[%swap3A_2650, %swap3A_2651], %add3A_2649 {strides = array<i32>} : memref<25600x128xf32, #tpu.memory_space<vmem>>, vector<128x128xf32>,
    %slice3A_2653 = vector.extract_strided_slice %transpose3A {offsets = [0, 177], sizes = [128, 1], strides = [1, 1]} : vector<128x200xf32> to vector<128x1xf32>
    %get3A_2654 = arith.constant 0 : index
    %get3A_2655 = arith.constant 0 : index
    %get3A_2656 = vector.load %arg2[%get3A_2654, %get3A_2655] : memref<1x128xf32, #tpu.memory_space<vmem>>, vector<1x128xf32>
    %mul3A_2657 = vector.broadcast %slice3A_2653 : vector<128x1xf32> to vector<128x128xf32>
    %mul3A_2658 = vector.broadcast %get3A_2656 : vector<1x128xf32> to vector<128x128xf32>
    %mul3A_2659 = arith.mulf %mul3A_2657, %mul3A_2658 : vector<128x128xf32>
    %get3A_2660 = arith.constant 0 : index
    %get3A_2661 = arith.constant 0 : index
    %get3A_2662 = vector.load %arg3[%get3A_2660, %get3A_2661] : memref<1x128xf32, #tpu.memory_space<vmem>>, vector<1x128xf32>
    %add3A_2663 = vector.broadcast %get3A_2662 : vector<1x128xf32> to vector<128x128xf32>
    %add3A_2664 = arith.addf %mul3A_2659, %add3A_2663 : vector<128x128xf32>
    %swap3A_2665 = arith.constant 22656 : index
    %swap3A_2666 = arith.constant 0 : index
    %swap3A_2667 = vector.load %arg4[%swap3A_2665, %swap3A_2666] : memref<25600x128xf32, #tpu.memory_space<vmem>>, vector<128x128xf32>
    tpu.vector_store %arg4[%swap3A_2665, %swap3A_2666], %add3A_2664 {strides = array<i32>} : memref<25600x128xf32, #tpu.memory_space<vmem>>, vector<128x128xf32>,
    %slice3A_2668 = vector.extract_strided_slice %transpose3A {offsets = [0, 178], sizes = [128, 1], strides = [1, 1]} : vector<128x200xf32> to vector<128x1xf32>
    %get3A_2669 = arith.constant 0 : index
    %get3A_2670 = arith.constant 0 : index
    %get3A_2671 = vector.load %arg2[%get3A_2669, %get3A_2670] : memref<1x128xf32, #tpu.memory_space<vmem>>, vector<1x128xf32>
    %mul3A_2672 = vector.broadcast %slice3A_2668 : vector<128x1xf32> to vector<128x128xf32>
    %mul3A_2673 = vector.broadcast %get3A_2671 : vector<1x128xf32> to vector<128x128xf32>
    %mul3A_2674 = arith.mulf %mul3A_2672, %mul3A_2673 : vector<128x128xf32>
    %get3A_2675 = arith.constant 0 : index
    %get3A_2676 = arith.constant 0 : index
    %get3A_2677 = vector.load %arg3[%get3A_2675, %get3A_2676] : memref<1x128xf32, #tpu.memory_space<vmem>>, vector<1x128xf32>
    %add3A_2678 = vector.broadcast %get3A_2677 : vector<1x128xf32> to vector<128x128xf32>
    %add3A_2679 = arith.addf %mul3A_2674, %add3A_2678 : vector<128x128xf32>
    %swap3A_2680 = arith.constant 22784 : index
    %swap3A_2681 = arith.constant 0 : index
    %swap3A_2682 = vector.load %arg4[%swap3A_2680, %swap3A_2681] : memref<25600x128xf32, #tpu.memory_space<vmem>>, vector<128x128xf32>
    tpu.vector_store %arg4[%swap3A_2680, %swap3A_2681], %add3A_2679 {strides = array<i32>} : memref<25600x128xf32, #tpu.memory_space<vmem>>, vector<128x128xf32>,
    %slice3A_2683 = vector.extract_strided_slice %transpose3A {offsets = [0, 179], sizes = [128, 1], strides = [1, 1]} : vector<128x200xf32> to vector<128x1xf32>
    %get3A_2684 = arith.constant 0 : index
    %get3A_2685 = arith.constant 0 : index
    %get3A_2686 = vector.load %arg2[%get3A_2684, %get3A_2685] : memref<1x128xf32, #tpu.memory_space<vmem>>, vector<1x128xf32>
    %mul3A_2687 = vector.broadcast %slice3A_2683 : vector<128x1xf32> to vector<128x128xf32>
    %mul3A_2688 = vector.broadcast %get3A_2686 : vector<1x128xf32> to vector<128x128xf32>
    %mul3A_2689 = arith.mulf %mul3A_2687, %mul3A_2688 : vector<128x128xf32>
    %get3A_2690 = arith.constant 0 : index
    %get3A_2691 = arith.constant 0 : index
    %get3A_2692 = vector.load %arg3[%get3A_2690, %get3A_2691] : memref<1x128xf32, #tpu.memory_space<vmem>>, vector<1x128xf32>
    %add3A_2693 = vector.broadcast %get3A_2692 : vector<1x128xf32> to vector<128x128xf32>
    %add3A_2694 = arith.addf %mul3A_2689, %add3A_2693 : vector<128x128xf32>
    %swap3A_2695 = arith.constant 22912 : index
    %swap3A_2696 = arith.constant 0 : index
    %swap3A_2697 = vector.load %arg4[%swap3A_2695, %swap3A_2696] : memref<25600x128xf32, #tpu.memory_space<vmem>>, vector<128x128xf32>
    tpu.vector_store %arg4[%swap3A_2695, %swap3A_2696], %add3A_2694 {strides = array<i32>} : memref<25600x128xf32, #tpu.memory_space<vmem>>, vector<128x128xf32>,
    %slice3A_2698 = vector.extract_strided_slice %transpose3A {offsets = [0, 180], sizes = [128, 1], strides = [1, 1]} : vector<128x200xf32> to vector<128x1xf32>
    %get3A_2699 = arith.constant 0 : index
    %get3A_2700 = arith.constant 0 : index
    %get3A_2701 = vector.load %arg2[%get3A_2699, %get3A_2700] : memref<1x128xf32, #tpu.memory_space<vmem>>, vector<1x128xf32>
    %mul3A_2702 = vector.broadcast %slice3A_2698 : vector<128x1xf32> to vector<128x128xf32>
    %mul3A_2703 = vector.broadcast %get3A_2701 : vector<1x128xf32> to vector<128x128xf32>
    %mul3A_2704 = arith.mulf %mul3A_2702, %mul3A_2703 : vector<128x128xf32>
    %get3A_2705 = arith.constant 0 : index
    %get3A_2706 = arith.constant 0 : index
    %get3A_2707 = vector.load %arg3[%get3A_2705, %get3A_2706] : memref<1x128xf32, #tpu.memory_space<vmem>>, vector<1x128xf32>
    %add3A_2708 = vector.broadcast %get3A_2707 : vector<1x128xf32> to vector<128x128xf32>
    %add3A_2709 = arith.addf %mul3A_2704, %add3A_2708 : vector<128x128xf32>
    %swap3A_2710 = arith.constant 23040 : index
    %swap3A_2711 = arith.constant 0 : index
    %swap3A_2712 = vector.load %arg4[%swap3A_2710, %swap3A_2711] : memref<25600x128xf32, #tpu.memory_space<vmem>>, vector<128x128xf32>
    tpu.vector_store %arg4[%swap3A_2710, %swap3A_2711], %add3A_2709 {strides = array<i32>} : memref<25600x128xf32, #tpu.memory_space<vmem>>, vector<128x128xf32>,
    %slice3A_2713 = vector.extract_strided_slice %transpose3A {offsets = [0, 181], sizes = [128, 1], strides = [1, 1]} : vector<128x200xf32> to vector<128x1xf32>
    %get3A_2714 = arith.constant 0 : index
    %get3A_2715 = arith.constant 0 : index
    %get3A_2716 = vector.load %arg2[%get3A_2714, %get3A_2715] : memref<1x128xf32, #tpu.memory_space<vmem>>, vector<1x128xf32>
    %mul3A_2717 = vector.broadcast %slice3A_2713 : vector<128x1xf32> to vector<128x128xf32>
    %mul3A_2718 = vector.broadcast %get3A_2716 : vector<1x128xf32> to vector<128x128xf32>
    %mul3A_2719 = arith.mulf %mul3A_2717, %mul3A_2718 : vector<128x128xf32>
    %get3A_2720 = arith.constant 0 : index
    %get3A_2721 = arith.constant 0 : index
    %get3A_2722 = vector.load %arg3[%get3A_2720, %get3A_2721] : memref<1x128xf32, #tpu.memory_space<vmem>>, vector<1x128xf32>
    %add3A_2723 = vector.broadcast %get3A_2722 : vector<1x128xf32> to vector<128x128xf32>
    %add3A_2724 = arith.addf %mul3A_2719, %add3A_2723 : vector<128x128xf32>
    %swap3A_2725 = arith.constant 23168 : index
    %swap3A_2726 = arith.constant 0 : index
    %swap3A_2727 = vector.load %arg4[%swap3A_2725, %swap3A_2726] : memref<25600x128xf32, #tpu.memory_space<vmem>>, vector<128x128xf32>
    tpu.vector_store %arg4[%swap3A_2725, %swap3A_2726], %add3A_2724 {strides = array<i32>} : memref<25600x128xf32, #tpu.memory_space<vmem>>, vector<128x128xf32>,
    %slice3A_2728 = vector.extract_strided_slice %transpose3A {offsets = [0, 182], sizes = [128, 1], strides = [1, 1]} : vector<128x200xf32> to vector<128x1xf32>
    %get3A_2729 = arith.constant 0 : index
    %get3A_2730 = arith.constant 0 : index
    %get3A_2731 = vector.load %arg2[%get3A_2729, %get3A_2730] : memref<1x128xf32, #tpu.memory_space<vmem>>, vector<1x128xf32>
    %mul3A_2732 = vector.broadcast %slice3A_2728 : vector<128x1xf32> to vector<128x128xf32>
    %mul3A_2733 = vector.broadcast %get3A_2731 : vector<1x128xf32> to vector<128x128xf32>
    %mul3A_2734 = arith.mulf %mul3A_2732, %mul3A_2733 : vector<128x128xf32>
    %get3A_2735 = arith.constant 0 : index
    %get3A_2736 = arith.constant 0 : index
    %get3A_2737 = vector.load %arg3[%get3A_2735, %get3A_2736] : memref<1x128xf32, #tpu.memory_space<vmem>>, vector<1x128xf32>
    %add3A_2738 = vector.broadcast %get3A_2737 : vector<1x128xf32> to vector<128x128xf32>
    %add3A_2739 = arith.addf %mul3A_2734, %add3A_2738 : vector<128x128xf32>
    %swap3A_2740 = arith.constant 23296 : index
    %swap3A_2741 = arith.constant 0 : index
    %swap3A_2742 = vector.load %arg4[%swap3A_2740, %swap3A_2741] : memref<25600x128xf32, #tpu.memory_space<vmem>>, vector<128x128xf32>
    tpu.vector_store %arg4[%swap3A_2740, %swap3A_2741], %add3A_2739 {strides = array<i32>} : memref<25600x128xf32, #tpu.memory_space<vmem>>, vector<128x128xf32>,
    %slice3A_2743 = vector.extract_strided_slice %transpose3A {offsets = [0, 183], sizes = [128, 1], strides = [1, 1]} : vector<128x200xf32> to vector<128x1xf32>
    %get3A_2744 = arith.constant 0 : index
    %get3A_2745 = arith.constant 0 : index
    %get3A_2746 = vector.load %arg2[%get3A_2744, %get3A_2745] : memref<1x128xf32, #tpu.memory_space<vmem>>, vector<1x128xf32>
    %mul3A_2747 = vector.broadcast %slice3A_2743 : vector<128x1xf32> to vector<128x128xf32>
    %mul3A_2748 = vector.broadcast %get3A_2746 : vector<1x128xf32> to vector<128x128xf32>
    %mul3A_2749 = arith.mulf %mul3A_2747, %mul3A_2748 : vector<128x128xf32>
    %get3A_2750 = arith.constant 0 : index
    %get3A_2751 = arith.constant 0 : index
    %get3A_2752 = vector.load %arg3[%get3A_2750, %get3A_2751] : memref<1x128xf32, #tpu.memory_space<vmem>>, vector<1x128xf32>
    %add3A_2753 = vector.broadcast %get3A_2752 : vector<1x128xf32> to vector<128x128xf32>
    %add3A_2754 = arith.addf %mul3A_2749, %add3A_2753 : vector<128x128xf32>
    %swap3A_2755 = arith.constant 23424 : index
    %swap3A_2756 = arith.constant 0 : index
    %swap3A_2757 = vector.load %arg4[%swap3A_2755, %swap3A_2756] : memref<25600x128xf32, #tpu.memory_space<vmem>>, vector<128x128xf32>
    tpu.vector_store %arg4[%swap3A_2755, %swap3A_2756], %add3A_2754 {strides = array<i32>} : memref<25600x128xf32, #tpu.memory_space<vmem>>, vector<128x128xf32>,
    %slice3A_2758 = vector.extract_strided_slice %transpose3A {offsets = [0, 184], sizes = [128, 1], strides = [1, 1]} : vector<128x200xf32> to vector<128x1xf32>
    %get3A_2759 = arith.constant 0 : index
    %get3A_2760 = arith.constant 0 : index
    %get3A_2761 = vector.load %arg2[%get3A_2759, %get3A_2760] : memref<1x128xf32, #tpu.memory_space<vmem>>, vector<1x128xf32>
    %mul3A_2762 = vector.broadcast %slice3A_2758 : vector<128x1xf32> to vector<128x128xf32>
    %mul3A_2763 = vector.broadcast %get3A_2761 : vector<1x128xf32> to vector<128x128xf32>
    %mul3A_2764 = arith.mulf %mul3A_2762, %mul3A_2763 : vector<128x128xf32>
    %get3A_2765 = arith.constant 0 : index
    %get3A_2766 = arith.constant 0 : index
    %get3A_2767 = vector.load %arg3[%get3A_2765, %get3A_2766] : memref<1x128xf32, #tpu.memory_space<vmem>>, vector<1x128xf32>
    %add3A_2768 = vector.broadcast %get3A_2767 : vector<1x128xf32> to vector<128x128xf32>
    %add3A_2769 = arith.addf %mul3A_2764, %add3A_2768 : vector<128x128xf32>
    %swap3A_2770 = arith.constant 23552 : index
    %swap3A_2771 = arith.constant 0 : index
    %swap3A_2772 = vector.load %arg4[%swap3A_2770, %swap3A_2771] : memref<25600x128xf32, #tpu.memory_space<vmem>>, vector<128x128xf32>
    tpu.vector_store %arg4[%swap3A_2770, %swap3A_2771], %add3A_2769 {strides = array<i32>} : memref<25600x128xf32, #tpu.memory_space<vmem>>, vector<128x128xf32>,
    %slice3A_2773 = vector.extract_strided_slice %transpose3A {offsets = [0, 185], sizes = [128, 1], strides = [1, 1]} : vector<128x200xf32> to vector<128x1xf32>
    %get3A_2774 = arith.constant 0 : index
    %get3A_2775 = arith.constant 0 : index
    %get3A_2776 = vector.load %arg2[%get3A_2774, %get3A_2775] : memref<1x128xf32, #tpu.memory_space<vmem>>, vector<1x128xf32>
    %mul3A_2777 = vector.broadcast %slice3A_2773 : vector<128x1xf32> to vector<128x128xf32>
    %mul3A_2778 = vector.broadcast %get3A_2776 : vector<1x128xf32> to vector<128x128xf32>
    %mul3A_2779 = arith.mulf %mul3A_2777, %mul3A_2778 : vector<128x128xf32>
    %get3A_2780 = arith.constant 0 : index
    %get3A_2781 = arith.constant 0 : index
    %get3A_2782 = vector.load %arg3[%get3A_2780, %get3A_2781] : memref<1x128xf32, #tpu.memory_space<vmem>>, vector<1x128xf32>
    %add3A_2783 = vector.broadcast %get3A_2782 : vector<1x128xf32> to vector<128x128xf32>
    %add3A_2784 = arith.addf %mul3A_2779, %add3A_2783 : vector<128x128xf32>
    %swap3A_2785 = arith.constant 23680 : index
    %swap3A_2786 = arith.constant 0 : index
    %swap3A_2787 = vector.load %arg4[%swap3A_2785, %swap3A_2786] : memref<25600x128xf32, #tpu.memory_space<vmem>>, vector<128x128xf32>
    tpu.vector_store %arg4[%swap3A_2785, %swap3A_2786], %add3A_2784 {strides = array<i32>} : memref<25600x128xf32, #tpu.memory_space<vmem>>, vector<128x128xf32>,
    %slice3A_2788 = vector.extract_strided_slice %transpose3A {offsets = [0, 186], sizes = [128, 1], strides = [1, 1]} : vector<128x200xf32> to vector<128x1xf32>
    %get3A_2789 = arith.constant 0 : index
    %get3A_2790 = arith.constant 0 : index
    %get3A_2791 = vector.load %arg2[%get3A_2789, %get3A_2790] : memref<1x128xf32, #tpu.memory_space<vmem>>, vector<1x128xf32>
    %mul3A_2792 = vector.broadcast %slice3A_2788 : vector<128x1xf32> to vector<128x128xf32>
    %mul3A_2793 = vector.broadcast %get3A_2791 : vector<1x128xf32> to vector<128x128xf32>
    %mul3A_2794 = arith.mulf %mul3A_2792, %mul3A_2793 : vector<128x128xf32>
    %get3A_2795 = arith.constant 0 : index
    %get3A_2796 = arith.constant 0 : index
    %get3A_2797 = vector.load %arg3[%get3A_2795, %get3A_2796] : memref<1x128xf32, #tpu.memory_space<vmem>>, vector<1x128xf32>
    %add3A_2798 = vector.broadcast %get3A_2797 : vector<1x128xf32> to vector<128x128xf32>
    %add3A_2799 = arith.addf %mul3A_2794, %add3A_2798 : vector<128x128xf32>
    %swap3A_2800 = arith.constant 23808 : index
    %swap3A_2801 = arith.constant 0 : index
    %swap3A_2802 = vector.load %arg4[%swap3A_2800, %swap3A_2801] : memref<25600x128xf32, #tpu.memory_space<vmem>>, vector<128x128xf32>
    tpu.vector_store %arg4[%swap3A_2800, %swap3A_2801], %add3A_2799 {strides = array<i32>} : memref<25600x128xf32, #tpu.memory_space<vmem>>, vector<128x128xf32>,
    %slice3A_2803 = vector.extract_strided_slice %transpose3A {offsets = [0, 187], sizes = [128, 1], strides = [1, 1]} : vector<128x200xf32> to vector<128x1xf32>
    %get3A_2804 = arith.constant 0 : index
    %get3A_2805 = arith.constant 0 : index
    %get3A_2806 = vector.load %arg2[%get3A_2804, %get3A_2805] : memref<1x128xf32, #tpu.memory_space<vmem>>, vector<1x128xf32>
    %mul3A_2807 = vector.broadcast %slice3A_2803 : vector<128x1xf32> to vector<128x128xf32>
    %mul3A_2808 = vector.broadcast %get3A_2806 : vector<1x128xf32> to vector<128x128xf32>
    %mul3A_2809 = arith.mulf %mul3A_2807, %mul3A_2808 : vector<128x128xf32>
    %get3A_2810 = arith.constant 0 : index
    %get3A_2811 = arith.constant 0 : index
    %get3A_2812 = vector.load %arg3[%get3A_2810, %get3A_2811] : memref<1x128xf32, #tpu.memory_space<vmem>>, vector<1x128xf32>
    %add3A_2813 = vector.broadcast %get3A_2812 : vector<1x128xf32> to vector<128x128xf32>
    %add3A_2814 = arith.addf %mul3A_2809, %add3A_2813 : vector<128x128xf32>
    %swap3A_2815 = arith.constant 23936 : index
    %swap3A_2816 = arith.constant 0 : index
    %swap3A_2817 = vector.load %arg4[%swap3A_2815, %swap3A_2816] : memref<25600x128xf32, #tpu.memory_space<vmem>>, vector<128x128xf32>
    tpu.vector_store %arg4[%swap3A_2815, %swap3A_2816], %add3A_2814 {strides = array<i32>} : memref<25600x128xf32, #tpu.memory_space<vmem>>, vector<128x128xf32>,
    %slice3A_2818 = vector.extract_strided_slice %transpose3A {offsets = [0, 188], sizes = [128, 1], strides = [1, 1]} : vector<128x200xf32> to vector<128x1xf32>
    %get3A_2819 = arith.constant 0 : index
    %get3A_2820 = arith.constant 0 : index
    %get3A_2821 = vector.load %arg2[%get3A_2819, %get3A_2820] : memref<1x128xf32, #tpu.memory_space<vmem>>, vector<1x128xf32>
    %mul3A_2822 = vector.broadcast %slice3A_2818 : vector<128x1xf32> to vector<128x128xf32>
    %mul3A_2823 = vector.broadcast %get3A_2821 : vector<1x128xf32> to vector<128x128xf32>
    %mul3A_2824 = arith.mulf %mul3A_2822, %mul3A_2823 : vector<128x128xf32>
    %get3A_2825 = arith.constant 0 : index
    %get3A_2826 = arith.constant 0 : index
    %get3A_2827 = vector.load %arg3[%get3A_2825, %get3A_2826] : memref<1x128xf32, #tpu.memory_space<vmem>>, vector<1x128xf32>
    %add3A_2828 = vector.broadcast %get3A_2827 : vector<1x128xf32> to vector<128x128xf32>
    %add3A_2829 = arith.addf %mul3A_2824, %add3A_2828 : vector<128x128xf32>
    %swap3A_2830 = arith.constant 24064 : index
    %swap3A_2831 = arith.constant 0 : index
    %swap3A_2832 = vector.load %arg4[%swap3A_2830, %swap3A_2831] : memref<25600x128xf32, #tpu.memory_space<vmem>>, vector<128x128xf32>
    tpu.vector_store %arg4[%swap3A_2830, %swap3A_2831], %add3A_2829 {strides = array<i32>} : memref<25600x128xf32, #tpu.memory_space<vmem>>, vector<128x128xf32>,
    %slice3A_2833 = vector.extract_strided_slice %transpose3A {offsets = [0, 189], sizes = [128, 1], strides = [1, 1]} : vector<128x200xf32> to vector<128x1xf32>
    %get3A_2834 = arith.constant 0 : index
    %get3A_2835 = arith.constant 0 : index
    %get3A_2836 = vector.load %arg2[%get3A_2834, %get3A_2835] : memref<1x128xf32, #tpu.memory_space<vmem>>, vector<1x128xf32>
    %mul3A_2837 = vector.broadcast %slice3A_2833 : vector<128x1xf32> to vector<128x128xf32>
    %mul3A_2838 = vector.broadcast %get3A_2836 : vector<1x128xf32> to vector<128x128xf32>
    %mul3A_2839 = arith.mulf %mul3A_2837, %mul3A_2838 : vector<128x128xf32>
    %get3A_2840 = arith.constant 0 : index
    %get3A_2841 = arith.constant 0 : index
    %get3A_2842 = vector.load %arg3[%get3A_2840, %get3A_2841] : memref<1x128xf32, #tpu.memory_space<vmem>>, vector<1x128xf32>
    %add3A_2843 = vector.broadcast %get3A_2842 : vector<1x128xf32> to vector<128x128xf32>
    %add3A_2844 = arith.addf %mul3A_2839, %add3A_2843 : vector<128x128xf32>
    %swap3A_2845 = arith.constant 24192 : index
    %swap3A_2846 = arith.constant 0 : index
    %swap3A_2847 = vector.load %arg4[%swap3A_2845, %swap3A_2846] : memref<25600x128xf32, #tpu.memory_space<vmem>>, vector<128x128xf32>
    tpu.vector_store %arg4[%swap3A_2845, %swap3A_2846], %add3A_2844 {strides = array<i32>} : memref<25600x128xf32, #tpu.memory_space<vmem>>, vector<128x128xf32>,
    %slice3A_2848 = vector.extract_strided_slice %transpose3A {offsets = [0, 190], sizes = [128, 1], strides = [1, 1]} : vector<128x200xf32> to vector<128x1xf32>
    %get3A_2849 = arith.constant 0 : index
    %get3A_2850 = arith.constant 0 : index
    %get3A_2851 = vector.load %arg2[%get3A_2849, %get3A_2850] : memref<1x128xf32, #tpu.memory_space<vmem>>, vector<1x128xf32>
    %mul3A_2852 = vector.broadcast %slice3A_2848 : vector<128x1xf32> to vector<128x128xf32>
    %mul3A_2853 = vector.broadcast %get3A_2851 : vector<1x128xf32> to vector<128x128xf32>
    %mul3A_2854 = arith.mulf %mul3A_2852, %mul3A_2853 : vector<128x128xf32>
    %get3A_2855 = arith.constant 0 : index
    %get3A_2856 = arith.constant 0 : index
    %get3A_2857 = vector.load %arg3[%get3A_2855, %get3A_2856] : memref<1x128xf32, #tpu.memory_space<vmem>>, vector<1x128xf32>
    %add3A_2858 = vector.broadcast %get3A_2857 : vector<1x128xf32> to vector<128x128xf32>
    %add3A_2859 = arith.addf %mul3A_2854, %add3A_2858 : vector<128x128xf32>
    %swap3A_2860 = arith.constant 24320 : index
    %swap3A_2861 = arith.constant 0 : index
    %swap3A_2862 = vector.load %arg4[%swap3A_2860, %swap3A_2861] : memref<25600x128xf32, #tpu.memory_space<vmem>>, vector<128x128xf32>
    tpu.vector_store %arg4[%swap3A_2860, %swap3A_2861], %add3A_2859 {strides = array<i32>} : memref<25600x128xf32, #tpu.memory_space<vmem>>, vector<128x128xf32>,
    %slice3A_2863 = vector.extract_strided_slice %transpose3A {offsets = [0, 191], sizes = [128, 1], strides = [1, 1]} : vector<128x200xf32> to vector<128x1xf32>
    %get3A_2864 = arith.constant 0 : index
    %get3A_2865 = arith.constant 0 : index
    %get3A_2866 = vector.load %arg2[%get3A_2864, %get3A_2865] : memref<1x128xf32, #tpu.memory_space<vmem>>, vector<1x128xf32>
    %mul3A_2867 = vector.broadcast %slice3A_2863 : vector<128x1xf32> to vector<128x128xf32>
    %mul3A_2868 = vector.broadcast %get3A_2866 : vector<1x128xf32> to vector<128x128xf32>
    %mul3A_2869 = arith.mulf %mul3A_2867, %mul3A_2868 : vector<128x128xf32>
    %get3A_2870 = arith.constant 0 : index
    %get3A_2871 = arith.constant 0 : index
    %get3A_2872 = vector.load %arg3[%get3A_2870, %get3A_2871] : memref<1x128xf32, #tpu.memory_space<vmem>>, vector<1x128xf32>
    %add3A_2873 = vector.broadcast %get3A_2872 : vector<1x128xf32> to vector<128x128xf32>
    %add3A_2874 = arith.addf %mul3A_2869, %add3A_2873 : vector<128x128xf32>
    %swap3A_2875 = arith.constant 24448 : index
    %swap3A_2876 = arith.constant 0 : index
    %swap3A_2877 = vector.load %arg4[%swap3A_2875, %swap3A_2876] : memref<25600x128xf32, #tpu.memory_space<vmem>>, vector<128x128xf32>
    tpu.vector_store %arg4[%swap3A_2875, %swap3A_2876], %add3A_2874 {strides = array<i32>} : memref<25600x128xf32, #tpu.memory_space<vmem>>, vector<128x128xf32>,
    %slice3A_2878 = vector.extract_strided_slice %transpose3A {offsets = [0, 192], sizes = [128, 1], strides = [1, 1]} : vector<128x200xf32> to vector<128x1xf32>
    %get3A_2879 = arith.constant 0 : index
    %get3A_2880 = arith.constant 0 : index
    %get3A_2881 = vector.load %arg2[%get3A_2879, %get3A_2880] : memref<1x128xf32, #tpu.memory_space<vmem>>, vector<1x128xf32>
    %mul3A_2882 = vector.broadcast %slice3A_2878 : vector<128x1xf32> to vector<128x128xf32>
    %mul3A_2883 = vector.broadcast %get3A_2881 : vector<1x128xf32> to vector<128x128xf32>
    %mul3A_2884 = arith.mulf %mul3A_2882, %mul3A_2883 : vector<128x128xf32>
    %get3A_2885 = arith.constant 0 : index
    %get3A_2886 = arith.constant 0 : index
    %get3A_2887 = vector.load %arg3[%get3A_2885, %get3A_2886] : memref<1x128xf32, #tpu.memory_space<vmem>>, vector<1x128xf32>
    %add3A_2888 = vector.broadcast %get3A_2887 : vector<1x128xf32> to vector<128x128xf32>
    %add3A_2889 = arith.addf %mul3A_2884, %add3A_2888 : vector<128x128xf32>
    %swap3A_2890 = arith.constant 24576 : index
    %swap3A_2891 = arith.constant 0 : index
    %swap3A_2892 = vector.load %arg4[%swap3A_2890, %swap3A_2891] : memref<25600x128xf32, #tpu.memory_space<vmem>>, vector<128x128xf32>
    tpu.vector_store %arg4[%swap3A_2890, %swap3A_2891], %add3A_2889 {strides = array<i32>} : memref<25600x128xf32, #tpu.memory_space<vmem>>, vector<128x128xf32>,
    %slice3A_2893 = vector.extract_strided_slice %transpose3A {offsets = [0, 193], sizes = [128, 1], strides = [1, 1]} : vector<128x200xf32> to vector<128x1xf32>
    %get3A_2894 = arith.constant 0 : index
    %get3A_2895 = arith.constant 0 : index
    %get3A_2896 = vector.load %arg2[%get3A_2894, %get3A_2895] : memref<1x128xf32, #tpu.memory_space<vmem>>, vector<1x128xf32>
    %mul3A_2897 = vector.broadcast %slice3A_2893 : vector<128x1xf32> to vector<128x128xf32>
    %mul3A_2898 = vector.broadcast %get3A_2896 : vector<1x128xf32> to vector<128x128xf32>
    %mul3A_2899 = arith.mulf %mul3A_2897, %mul3A_2898 : vector<128x128xf32>
    %get3A_2900 = arith.constant 0 : index
    %get3A_2901 = arith.constant 0 : index
    %get3A_2902 = vector.load %arg3[%get3A_2900, %get3A_2901] : memref<1x128xf32, #tpu.memory_space<vmem>>, vector<1x128xf32>
    %add3A_2903 = vector.broadcast %get3A_2902 : vector<1x128xf32> to vector<128x128xf32>
    %add3A_2904 = arith.addf %mul3A_2899, %add3A_2903 : vector<128x128xf32>
    %swap3A_2905 = arith.constant 24704 : index
    %swap3A_2906 = arith.constant 0 : index
    %swap3A_2907 = vector.load %arg4[%swap3A_2905, %swap3A_2906] : memref<25600x128xf32, #tpu.memory_space<vmem>>, vector<128x128xf32>
    tpu.vector_store %arg4[%swap3A_2905, %swap3A_2906], %add3A_2904 {strides = array<i32>} : memref<25600x128xf32, #tpu.memory_space<vmem>>, vector<128x128xf32>,
    %slice3A_2908 = vector.extract_strided_slice %transpose3A {offsets = [0, 194], sizes = [128, 1], strides = [1, 1]} : vector<128x200xf32> to vector<128x1xf32>
    %get3A_2909 = arith.constant 0 : index
    %get3A_2910 = arith.constant 0 : index
    %get3A_2911 = vector.load %arg2[%get3A_2909, %get3A_2910] : memref<1x128xf32, #tpu.memory_space<vmem>>, vector<1x128xf32>
    %mul3A_2912 = vector.broadcast %slice3A_2908 : vector<128x1xf32> to vector<128x128xf32>
    %mul3A_2913 = vector.broadcast %get3A_2911 : vector<1x128xf32> to vector<128x128xf32>
    %mul3A_2914 = arith.mulf %mul3A_2912, %mul3A_2913 : vector<128x128xf32>
    %get3A_2915 = arith.constant 0 : index
    %get3A_2916 = arith.constant 0 : index
    %get3A_2917 = vector.load %arg3[%get3A_2915, %get3A_2916] : memref<1x128xf32, #tpu.memory_space<vmem>>, vector<1x128xf32>
    %add3A_2918 = vector.broadcast %get3A_2917 : vector<1x128xf32> to vector<128x128xf32>
    %add3A_2919 = arith.addf %mul3A_2914, %add3A_2918 : vector<128x128xf32>
    %swap3A_2920 = arith.constant 24832 : index
    %swap3A_2921 = arith.constant 0 : index
    %swap3A_2922 = vector.load %arg4[%swap3A_2920, %swap3A_2921] : memref<25600x128xf32, #tpu.memory_space<vmem>>, vector<128x128xf32>
    tpu.vector_store %arg4[%swap3A_2920, %swap3A_2921], %add3A_2919 {strides = array<i32>} : memref<25600x128xf32, #tpu.memory_space<vmem>>, vector<128x128xf32>,
    %slice3A_2923 = vector.extract_strided_slice %transpose3A {offsets = [0, 195], sizes = [128, 1], strides = [1, 1]} : vector<128x200xf32> to vector<128x1xf32>
    %get3A_2924 = arith.constant 0 : index
    %get3A_2925 = arith.constant 0 : index
    %get3A_2926 = vector.load %arg2[%get3A_2924, %get3A_2925] : memref<1x128xf32, #tpu.memory_space<vmem>>, vector<1x128xf32>
    %mul3A_2927 = vector.broadcast %slice3A_2923 : vector<128x1xf32> to vector<128x128xf32>
    %mul3A_2928 = vector.broadcast %get3A_2926 : vector<1x128xf32> to vector<128x128xf32>
    %mul3A_2929 = arith.mulf %mul3A_2927, %mul3A_2928 : vector<128x128xf32>
    %get3A_2930 = arith.constant 0 : index
    %get3A_2931 = arith.constant 0 : index
    %get3A_2932 = vector.load %arg3[%get3A_2930, %get3A_2931] : memref<1x128xf32, #tpu.memory_space<vmem>>, vector<1x128xf32>
    %add3A_2933 = vector.broadcast %get3A_2932 : vector<1x128xf32> to vector<128x128xf32>
    %add3A_2934 = arith.addf %mul3A_2929, %add3A_2933 : vector<128x128xf32>
    %swap3A_2935 = arith.constant 24960 : index
    %swap3A_2936 = arith.constant 0 : index
    %swap3A_2937 = vector.load %arg4[%swap3A_2935, %swap3A_2936] : memref<25600x128xf32, #tpu.memory_space<vmem>>, vector<128x128xf32>
    tpu.vector_store %arg4[%swap3A_2935, %swap3A_2936], %add3A_2934 {strides = array<i32>} : memref<25600x128xf32, #tpu.memory_space<vmem>>, vector<128x128xf32>,
    %slice3A_2938 = vector.extract_strided_slice %transpose3A {offsets = [0, 196], sizes = [128, 1], strides = [1, 1]} : vector<128x200xf32> to vector<128x1xf32>
    %get3A_2939 = arith.constant 0 : index
    %get3A_2940 = arith.constant 0 : index
    %get3A_2941 = vector.load %arg2[%get3A_2939, %get3A_2940] : memref<1x128xf32, #tpu.memory_space<vmem>>, vector<1x128xf32>
    %mul3A_2942 = vector.broadcast %slice3A_2938 : vector<128x1xf32> to vector<128x128xf32>
    %mul3A_2943 = vector.broadcast %get3A_2941 : vector<1x128xf32> to vector<128x128xf32>
    %mul3A_2944 = arith.mulf %mul3A_2942, %mul3A_2943 : vector<128x128xf32>
    %get3A_2945 = arith.constant 0 : index
    %get3A_2946 = arith.constant 0 : index
    %get3A_2947 = vector.load %arg3[%get3A_2945, %get3A_2946] : memref<1x128xf32, #tpu.memory_space<vmem>>, vector<1x128xf32>
    %add3A_2948 = vector.broadcast %get3A_2947 : vector<1x128xf32> to vector<128x128xf32>
    %add3A_2949 = arith.addf %mul3A_2944, %add3A_2948 : vector<128x128xf32>
    %swap3A_2950 = arith.constant 25088 : index
    %swap3A_2951 = arith.constant 0 : index
    %swap3A_2952 = vector.load %arg4[%swap3A_2950, %swap3A_2951] : memref<25600x128xf32, #tpu.memory_space<vmem>>, vector<128x128xf32>
    tpu.vector_store %arg4[%swap3A_2950, %swap3A_2951], %add3A_2949 {strides = array<i32>} : memref<25600x128xf32, #tpu.memory_space<vmem>>, vector<128x128xf32>,
    %slice3A_2953 = vector.extract_strided_slice %transpose3A {offsets = [0, 197], sizes = [128, 1], strides = [1, 1]} : vector<128x200xf32> to vector<128x1xf32>
    %get3A_2954 = arith.constant 0 : index
    %get3A_2955 = arith.constant 0 : index
    %get3A_2956 = vector.load %arg2[%get3A_2954, %get3A_2955] : memref<1x128xf32, #tpu.memory_space<vmem>>, vector<1x128xf32>
    %mul3A_2957 = vector.broadcast %slice3A_2953 : vector<128x1xf32> to vector<128x128xf32>
    %mul3A_2958 = vector.broadcast %get3A_2956 : vector<1x128xf32> to vector<128x128xf32>
    %mul3A_2959 = arith.mulf %mul3A_2957, %mul3A_2958 : vector<128x128xf32>
    %get3A_2960 = arith.constant 0 : index
    %get3A_2961 = arith.constant 0 : index
    %get3A_2962 = vector.load %arg3[%get3A_2960, %get3A_2961] : memref<1x128xf32, #tpu.memory_space<vmem>>, vector<1x128xf32>
    %add3A_2963 = vector.broadcast %get3A_2962 : vector<1x128xf32> to vector<128x128xf32>
    %add3A_2964 = arith.addf %mul3A_2959, %add3A_2963 : vector<128x128xf32>
    %swap3A_2965 = arith.constant 25216 : index
    %swap3A_2966 = arith.constant 0 : index
    %swap3A_2967 = vector.load %arg4[%swap3A_2965, %swap3A_2966] : memref<25600x128xf32, #tpu.memory_space<vmem>>, vector<128x128xf32>
    tpu.vector_store %arg4[%swap3A_2965, %swap3A_2966], %add3A_2964 {strides = array<i32>} : memref<25600x128xf32, #tpu.memory_space<vmem>>, vector<128x128xf32>,
    %slice3A_2968 = vector.extract_strided_slice %transpose3A {offsets = [0, 198], sizes = [128, 1], strides = [1, 1]} : vector<128x200xf32> to vector<128x1xf32>
    %get3A_2969 = arith.constant 0 : index
    %get3A_2970 = arith.constant 0 : index
    %get3A_2971 = vector.load %arg2[%get3A_2969, %get3A_2970] : memref<1x128xf32, #tpu.memory_space<vmem>>, vector<1x128xf32>
    %mul3A_2972 = vector.broadcast %slice3A_2968 : vector<128x1xf32> to vector<128x128xf32>
    %mul3A_2973 = vector.broadcast %get3A_2971 : vector<1x128xf32> to vector<128x128xf32>
    %mul3A_2974 = arith.mulf %mul3A_2972, %mul3A_2973 : vector<128x128xf32>
    %get3A_2975 = arith.constant 0 : index
    %get3A_2976 = arith.constant 0 : index
    %get3A_2977 = vector.load %arg3[%get3A_2975, %get3A_2976] : memref<1x128xf32, #tpu.memory_space<vmem>>, vector<1x128xf32>
    %add3A_2978 = vector.broadcast %get3A_2977 : vector<1x128xf32> to vector<128x128xf32>
    %add3A_2979 = arith.addf %mul3A_2974, %add3A_2978 : vector<128x128xf32>
    %swap3A_2980 = arith.constant 25344 : index
    %swap3A_2981 = arith.constant 0 : index
    %swap3A_2982 = vector.load %arg4[%swap3A_2980, %swap3A_2981] : memref<25600x128xf32, #tpu.memory_space<vmem>>, vector<128x128xf32>
    tpu.vector_store %arg4[%swap3A_2980, %swap3A_2981], %add3A_2979 {strides = array<i32>} : memref<25600x128xf32, #tpu.memory_space<vmem>>, vector<128x128xf32>,
    %slice3A_2983 = vector.extract_strided_slice %transpose3A {offsets = [0, 199], sizes = [128, 1], strides = [1, 1]} : vector<128x200xf32> to vector<128x1xf32>
    %get3A_2984 = arith.constant 0 : index
    %get3A_2985 = arith.constant 0 : index
    %get3A_2986 = vector.load %arg2[%get3A_2984, %get3A_2985] : memref<1x128xf32, #tpu.memory_space<vmem>>, vector<1x128xf32>
    %mul3A_2987 = vector.broadcast %slice3A_2983 : vector<128x1xf32> to vector<128x128xf32>
    %mul3A_2988 = vector.broadcast %get3A_2986 : vector<1x128xf32> to vector<128x128xf32>
    %mul3A_2989 = arith.mulf %mul3A_2987, %mul3A_2988 : vector<128x128xf32>
    %get3A_2990 = arith.constant 0 : index
    %get3A_2991 = arith.constant 0 : index
    %get3A_2992 = vector.load %arg3[%get3A_2990, %get3A_2991] : memref<1x128xf32, #tpu.memory_space<vmem>>, vector<1x128xf32>
    %add3A_2993 = vector.broadcast %get3A_2992 : vector<1x128xf32> to vector<128x128xf32>
    %add3A_2994 = arith.addf %mul3A_2989, %add3A_2993 : vector<128x128xf32>
    %swap3A_2995 = arith.constant 25472 : index
    %swap3A_2996 = arith.constant 0 : index
    %swap3A_2997 = vector.load %arg4[%swap3A_2995, %swap3A_2996] : memref<25600x128xf32, #tpu.memory_space<vmem>>, vector<128x128xf32>
    tpu.vector_store %arg4[%swap3A_2995, %swap3A_2996], %add3A_2994 {strides = array<i32>} : memref<25600x128xf32, #tpu.memory_space<vmem>>, vector<128x128xf32>,
    %mul3A_2998 = arith.constant 200 : i32
    %mul3A_2999 = arith.muli %arg0, %mul3A_2998 : i32
    %iota3A = tpu.iota {dimensions = array<i32: 0>} : vector<200x128xi32>
    %add3A_3000 = vector.broadcast %mul3A_2999 : i32 to vector<200x128xi32>
    %add3A_3001 = arith.addi %add3A_3000, %iota3A : vector<200x128xi32>
    %iota3A_3002 = tpu.iota {dimensions = array<i32: 1>} : vector<200x128xi32>
    %mul3A_3003 = arith.constant 128 : i32
    %mul3A_3004 = vector.broadcast %mul3A_3003 : i32 to vector<200x128xi32>
    %mul3A_3005 = arith.muli %add3A_3001, %mul3A_3004 : vector<200x128xi32>
    %add3A_3006 = arith.addi %mul3A_3005, %iota3A_3002 : vector<200x128xi32>
    %shift_right_logical3A = arith.constant 5 : i32
    %shift_right_logical3A_3007 = vector.broadcast %shift_right_logical3A : i32 to vector<200x128xi32>
    %shift_right_logical3A_3008 = arith.shrui %add3A_3006, %shift_right_logical3A_3007 : vector<200x128xi32>
    %swap3A_3009 = arith.constant 0 : index
    %swap3A_3010 = arith.constant 0 : index
    %swap3A_3011 = vector.load %arg5[%swap3A_3009, %swap3A_3010] : memref<200x128xi32, #tpu.memory_space<vmem>>, vector<200x128xi32>
    tpu.vector_store %arg5[%swap3A_3009, %swap3A_3010], %shift_right_logical3A_3008 {strides = array<i32>} : memref<200x128xi32, #tpu.memory_space<vmem>>, vector<200x128xi32>,
    return
  }
  func.func @transform_0(%arg0: i32) -> (i32, i32) {
    %mul3A = arith.constant 0 : i32
    %mul3A_0 = arith.muli %arg0, %mul3A : i32
    %c0_i32 = arith.constant 0 : i32
    return %arg0, %mul3A_0 : i32, i32
  }
  func.func @transform_1(%arg0: i32) -> (i32, i32) {
    %mul3A = arith.constant 0 : i32
    %mul3A_0 = arith.muli %arg0, %mul3A : i32
    %mul3A_1 = arith.constant 0 : i32
    %mul3A_2 = arith.muli %arg0, %mul3A_1 : i32
    %c0_i32 = arith.constant 0 : i32
    return %mul3A_0, %mul3A_2 : i32, i32
  }
  func.func @transform_2(%arg0: i32) -> (i32, i32) {
    %mul3A = arith.constant 0 : i32
    %mul3A_0 = arith.muli %arg0, %mul3A : i32
    %mul3A_1 = arith.constant 0 : i32
    %mul3A_2 = arith.muli %arg0, %mul3A_1 : i32
    %c0_i32 = arith.constant 0 : i32
    return %mul3A_0, %mul3A_2 : i32, i32
  }
  func.func @transform_3(%arg0: i32) -> (i32, i32) {
    %mul3A = arith.constant 0 : i32
    %mul3A_0 = arith.muli %arg0, %mul3A : i32
    %c0_i32 = arith.constant 0 : i32
    return %arg0, %mul3A_0 : i32, i32
  }
  func.func @transform_4(%arg0: i32) -> (i32, i32) {
    %mul3A = arith.constant 0 : i32
    %mul3A_0 = arith.muli %arg0, %mul3A : i32
    %c0_i32 = arith.constant 0 : i32
    return %arg0, %mul3A_0 : i32, i32
  }
}

</mosaic_0001>

<sc_bundles>
// kernel: kernel.4.cloned.1.call-start
scs
__scs_entry_jumppad:
0x0: {  	(pc) =	sbr.rel $0x88, $3  }
0x1: {  	(tag) =	ssettag $0x0;
	lr =	simm.s32 $0x1  }
0x2: {  	[smem:$0x3F9D] =	sst lr;
	_ =	strace $0xD0000000  }
0x3: {  	_ = 	snop  }
0x4: {  	_ = 	snop  }
0x5: {  	_ = 	snop  }
0x6: {  	_ = 	snop  }
0x7: {  	_ = 	snop  }
__scs_overlays_trampoline_lowered:
0x8: {  	[smem:$0x3FAC] =	sst s0  }
0x9: {  	[smem:$0x3FAD] =	sst s1  }
0xa: {  	[smem:$0x3FAE] =	sst s2  }
0xb: {  	[smem:$0x3FAF] =	sst s3  }
0xc: {  	[smem:$0x3FB0] =	sst s4  }
0xd: {  	[smem:$0x3FB1] =	sst s5  }
0xe: {  	[smem:$0x3FB2] =	sst s6  }
0xf: {  	[smem:$0x3FB3] =	sst s7  }
0x10: {  	[smem:$0x3FB4] =	sst s8  }
0x11: {  	[smem:$0x3FB5] =	sst s9;
	s0 =	simm.s32 @!p0 $0x0  }
0x12: {  	s1 =	sld [smem:$0x3F9B];
	s0 =	simm.s32 @p0 $0x1  }
0x13: {  	[smem:$0x3FB6] =	sst s0;
	s0 =	simm.s32 @!p1 $0x0  }
0x14: {  	s2 =	sld [smem:$0x3F9A];
	s0 =	simm.s32 @p1 $0x1  }
0x15: {  	[smem:$0x3FB7] =	sst s0;
	s0 =	simm.s32 @!p2 $0x0  }
0x16: {  	s3 =	sld [smem:$0x3FDB];
	s0 =	simm.s32 @p2 $0x1  }
0x17: {  	s4 =	simm.s32 $0x1BF5;
	[smem:$0x3FB9] =	sst s0  }
0x18: {  	s0 =	sld [smem:$0x3F9C];
	_ =	swait.ge [sflag:s4], $0x0  }
0x19: {  	s7 =	sld [smem:$0x3F9D]  }
0x1a: {  	s8 =	sadd.s32 $0xFFFFE003, lr  }
0x1b: {  	s9 =	sadd.s32 $0xFFFFFEF7, lr;
	s5 =	simm.s32 $0xFFFFFFFF;
	p2 =	slt.u32 s8, $0xFFFFF086  }
0x1c: {  	p1 =	slt.u32 s9, $0xF7A;
	s5 =	simm.s32 @!p2 $0x0  }
0x1d: {  	s5 =	simm.s32 @p1 $0x1;
	p0 =	seq.s32 s7, s2  }
0x1e: {  	s7 =	smul.u32 @!p0 $0xF7A, s2;
	p2 =	seq.s32 @!p0 s5, $0x0  }
0x1f: {  	s9 =	smul.u32 $0xF7A, s1;
	s8 =	simm.s32 @!p0 $0x1BF5;
	p2 =	por !p2, p0  }
0x20: {  	[sflag:s8] =	ssyncset.s32 @!p0 $0xFFFFF086;
	s6 =	sadd.s32 @!p0 s3, s7;
	s7 =	simm.s32 @!p0 $0x108  }
0x21: {  	s3 =	sadd.s32 s3, s9;
	s6 =	sadd.s32 @!p0 $0x88, s6;
	s7 =	simm.s32 @p2 $0x1082  }
0x22: {  	[simem:s7], [sflag:s8] =	dma.local @!p0 [hbm:s6], $0xF7A  }
0x23: {  	s9 =	sor.u32 $0xD0000000, s2;
	s6 =	simm.s32 $0x108;
	_ =	swait.ge @!p0 [sflag:s8], $0x0  }
0x24: {  	s3 =	sadd.s32 $0x88, s3;
	s6 =	simm.s32 @!p1 $0x1082;
	[sflag:s4] =	ssyncset.s32 $0xFFFFF086  }
0x25: {  	[simem:s6], [sflag:s4] =	dma.local [hbm:s3], $0xF7A  }
0x26: {  	[smem:$0x3F9D] =	sst s1;
	(tag) =	ssettag s2;
	_ =	strace s9  }
0x27: {  	s1 =	sld [smem:$0x3FAD]  }
0x28: {  	s2 =	sld [smem:$0x3FAE]  }
0x29: {  	s4 =	sld [smem:$0x3FB0]  }
0x2a: {  	p0 =	seq.s32 s5, $0x0;
	s5 =	sld [smem:$0x3FB1]  }
0x2b: {  	s6 =	sld [smem:$0x3FB2]  }
0x2c: {  	s7 =	sld [smem:$0x3FB3]  }
0x2d: {  	s3 =	simm.s32 $0x108;
	s8 =	sld [smem:$0x3FB4]  }
0x2e: {  	s3 =	simm.s32 @!p0 $0x1082;
	s9 =	sld [smem:$0x3FB5]  }
0x2f: {  	lr =	sadd.s32 s0, s3;
	s0 =	sld [smem:$0x3FAC]  }
0x30: {  	s3 =	sld [smem:$0x3FAF]  }
0x31: {  	[smem:$0x3FB8] =	sst s10  }
0x32: {  	s10 =	sld [smem:$0x3FB6];
	_ =	sdelay $0x3  }
0x33: {  	p0 =	seq.s32 s10, $0x1;
	s10 =	sld [smem:$0x3FB8];
	_ =	sdelay $0x3  }
0x34: {  	[smem:$0x3FB8] =	sst s10  }
0x35: {  	s10 =	sld [smem:$0x3FB7];
	_ =	sdelay $0x3  }
0x36: {  	p1 =	seq.s32 s10, $0x1;
	s10 =	sld [smem:$0x3FB8];
	_ =	sdelay $0x3  }
0x37: {  	[smem:$0x3FB8] =	sst s10  }
0x38: {  	s10 =	sld [smem:$0x3FB9]  }
0x39: {  	_ = 	snop;
	(pc) =	sbr.ind lr, $3  }
0x3a: {  	_ = 	snop  }
0x3b: {  	_ = 	snop  }
0x3c: {  	p2 =	seq.s32 s10, $0x1;
	s10 =	sld [smem:$0x3FB8]  }
0x3d: {  	_ =	shalt  }
0x3e: {  	_ =	shalt  }
0x3f: {  	_ =	shalt  }
0x40: {  	_ =	shalt  }
0x41: {  	_ =	shalt  }
0x42: {  	_ =	shalt  }
0x43: {  	_ =	shalt  }
0x44: {  	_ =	shalt  }
0x45: {  	_ =	shalt  }
0x46: {  	_ =	shalt  }
0x47: {  	_ =	shalt  }
0x48: {  	_ =	shalt  }
0x49: {  	_ =	shalt  }
0x4a: {  	_ =	shalt  }
0x4b: {  	_ =	shalt  }
0x4c: {  	_ =	shalt  }
0x4d: {  	_ =	shalt  }
0x4e: {  	_ =	shalt  }
0x4f: {  	_ =	shalt  }
0x50: {  	_ =	shalt  }
0x51: {  	_ =	shalt  }
0x52: {  	_ =	shalt  }
0x53: {  	_ =	shalt  }
0x54: {  	_ =	shalt  }
0x55: {  	_ =	shalt  }
0x56: {  	_ =	shalt  }
0x57: {  	_ =	shalt  }
0x58: {  	_ =	shalt  }
0x59: {  	_ =	shalt  }
0x5a: {  	_ =	shalt  }
0x5b: {  	_ =	shalt  }
0x5c: {  	_ =	shalt  }
0x5d: {  	_ =	shalt  }
0x5e: {  	_ =	shalt  }
0x5f: {  	_ =	shalt  }
0x60: {  	_ =	shalt  }
0x61: {  	_ =	shalt  }
0x62: {  	_ =	shalt  }
0x63: {  	_ =	shalt  }
0x64: {  	_ =	shalt  }
0x65: {  	_ =	shalt  }
0x66: {  	_ =	shalt  }
0x67: {  	_ =	shalt  }
0x68: {  	_ =	shalt  }
0x69: {  	_ =	shalt  }
0x6a: {  	_ =	shalt  }
0x6b: {  	_ =	shalt  }
0x6c: {  	_ =	shalt  }
0x6d: {  	_ =	shalt  }
0x6e: {  	_ =	shalt  }
0x6f: {  	_ =	shalt  }
0x70: {  	_ =	shalt  }
0x71: {  	_ =	shalt  }
0x72: {  	_ =	shalt  }
0x73: {  	_ =	shalt  }
0x74: {  	_ =	shalt  }
0x75: {  	_ =	shalt  }
0x76: {  	_ =	shalt  }
0x77: {  	_ =	shalt  }
0x78: {  	_ =	shalt  }
0x79: {  	_ =	shalt  }
0x7a: {  	_ =	shalt  }
0x7b: {  	_ =	shalt  }
0x7c: {  	_ =	shalt  }
0x7d: {  	_ =	shalt  }
0x7e: {  	_ =	shalt  }
0x7f: {  	_ =	shalt  }
0x80: {  	_ =	shalt  }
0x81: {  	_ =	shalt  }
0x82: {  	_ =	shalt  }
0x83: {  	_ =	shalt  }
0x84: {  	_ =	shalt  }
0x85: {  	_ =	shalt  }
0x86: {  	_ =	shalt  }
0x87: {  	_ =	shalt  }
.Lfunc_end0:
.L_simem_size_0:
called_computation_lowered:
.L_overlay_start_0:
0x88: {  	s2 =	sld [smem:$0x3FD9]  }
0x89: {  	s3 =	sld [smem:$0x3FFE];
	_ =	sdelay $0x1  }
0x8a: {  	s1 =	srdreg.scid  }
0x8b: {  	s0 =	sand.u32 $0x1, s1  }
0x8c: {  	s14 =	sshll.u32 s0, $0xA;
	s2 =	sadd.s32 s3, s2  }
0x8d: {  	s2 =	sadd.s32 s2, s14  }
0x8e: {  	[smem:$0x3FC4] =	sst s2  }
0x8f: {  	_ = 	snop  }
0x90: {  	s2 =	sld [smem:$0x3FD0];
	_ =	sdelay $0x2  }
0x91: {  	s15 =	simm.s32 $0xA;
	s4 =	simm.s32 $0x10  }
0x92: {  	[smem:s4], [sflag:s15] =	dma.local [hbm:s2], $0x1  }
0x93: {  	_ =	swait.eq [sflag:s15], $0x1  }
0x94: {  	s16 =	sld [smem:$0x10];
	[sflag:s15] =	ssyncset.done $0x0  }
0x95: {  	s17 =	sld [smem:$0x11];
	[sflag:s15] =	ssyncadd.s32 $0xFFFFFFFF  }
0x96: {  	s18 =	sld [smem:$0x12];
	(tm) =	ssettm $0x1  }
0x97: {  	s5 =	sld [smem:$0x3FFB];
	_ =	sdelay $0x3  }
0x98: {  	_ =	strace s5  }
0x99: {  	s5 =	sld [smem:$0x3FFC];
	_ =	sdelay $0x3  }
0x9a: {  	_ =	strace s5  }
0x9b: {  	s5 =	sld [smem:$0x3FFD];
	_ =	sdelay $0x3  }
0x9c: {  	_ =	strace s5  }
0x9d: {  	_ =	strace $0x8FFFFFFF  }
0x9e: {  	s19 =	sld [smem:$0x3FDB];
	_ =	sdelay $0x1  }
0x9f: {  	s6 =	simm.s32 $_scs_section_size  }
0xa0: {  	s7 =	simm.s32 $_size__tile_overlayer_lowered;
	s8 =	simm.s32 $_tile_overlayer_lowered  }
0xa1: {  	s22 =	simm.s32 $0x1BFF;
	s21 =	sshll.u32 s8, $0x1;
	s5 =	sadd.s32 s6, s19  }
0xa2: {  	s9 =	simm.s32 $0x0;
	s20 =	sshll.u32 s7, $0x1;
	s7 =	sadd.s32 s21, s5  }
0xa3: {  	[timem:s9], [sflag:s22] =	dma.local [hbm:s7], s20  }
0xa4: {  	_ =	swait.ge [sflag:s22], s20  }
0xa5: {  	s6 =	ssub.s32 $0x0, s20;
	[sflag:s22] =	ssyncset.done $0x0  }
0xa6: {  	[sflag:s22] =	ssyncadd.s32 s6;
	_ =	sdelay $0x1  }
0xa7: {  	s23 =	simm.s32 $0x1B8B  }
0xa8: {  	_ =	swait.ge [sflag:s23], $0x1  }
0xa9: {  	[sflag:s23] =	ssyncset.done $0x0  }
0xaa: {  	s25 =	simm.s32 $0x1B8E;
	s24 =	sld [smem:$0x3FFE];
	[sflag:s23] =	ssyncadd.s32 $0xFFFFFFFF  }
0xab: {  	s26 =	simm.s32 $execute0_lowered;
	[smem:$0x3FD2] =	sst s25  }
0xac: {  	s7 =	sshll.u32 s26, $0x1;
	_ =	strace $0x80000046;
	[dreg:$0x1] =	wrdreg $0xFFFFFFFF  }
0xad: {  	s28 =	simm.s32 $_size_execute0_lowered;
	s5 =	sadd.s32 s5, s7;
	[dreg:$0x0] =	wrdreg $0x0  }
0xae: {  	s7 =	sshll.u32 s28, $0x1;
	[dreg:$0x2] =	wrdreg s5  }
0xaf: {  	[dreg:$0x3] =	wrdreg s7  }
0xb0: {  	[dreg:$0x4] =	wrdreg $0xC0  }
0xb1: {  	_ =	task [dreg:s9], $0x5FFFF  }
0xb2: {  	[dreg:$0x1] =	wrdreg $0xFFFFFFFF  }
0xb3: {  	[dreg:$0x0] =	wrdreg $0x60  }
0xb4: {  	[dreg:$0x2] =	wrdreg s24  }
0xb5: {  	[dreg:$0x3] =	wrdreg s18  }
0xb6: {  	[dreg:$0x4] =	wrdreg s17  }
0xb7: {  	[dreg:$0x5] =	wrdreg s16  }
0xb8: {  	[dreg:$0x6] =	wrdreg $0x9  }
0xb9: {  	_ =	task.clear_ibuf [dreg:s9], $0x7FFFF;
	_ =	strace $0x90000046  }
0xba: {  	s29 =	simm.s32 $0x9;
	_ =	strace $0x80000048  }
0xbb: {  	_ =	swait.ge [sflag:s29], $0x1  }
0xbc: {  	[sflag:s29] =	ssyncadd.s32 $0xFFFFFFFF  }
0xbd: {  	_ =	strace $0x90000048  }
0xbe: {  	_ =	sfence  }
0xbf: {  	s30 =	sld [smem:$0x0];
	_ =	sdelay $0x2  }
0xc0: {  	s31 =	sshll.u32 s1, $0xD;
	s1 =	sshrl.u32 s1, $0x2  }
0xc1: {  	s3 =	sand.u32 $0x4000, s31;
	s1 =	sadd.s32 s1, s30  }
0xc2: {  	s0 =	sor.u32 s3, s0;
	s1 =	sshll.u32 s1, $0x11  }
0xc3: {  	s0 =	sor.u32 s1, s0  }
0xc4: {  	s0 =	sadd.s32 $0x8F2B, s0  }
0xc5: {  	[sflag:s0] =	ssyncadd.remote.s32 $0x1  }
0xc6: {  	_ =	sfence.sel $0xFFFF  }
0xc7: {  	[dreg:$0x0] =	wrdreg $0xFFFFFFFF;
	(pc) =	sbr.abs _section_cstart, $3  }
0xc8: {  	[dreg:$0x1] =	wrdreg $0xFFFFFFFF  }
0xc9: {  	_ =	task.clear_ibuf [dreg:s9], $0x2FFFF;
	_ =	strace $0x9FFFFFFF  }
0xca: {  	(tm) =	ssettm $0x7FFFFFFF  }
0xcb: {  	_ =	shalt  }
tec
execute0_lowered:
.L_overlay_start_1:
0x0: {  	(tag) =	ssettag $0x1  }
0x1: {  	s0 =	srdreg.scid  }
0x2: {  	s6 =	rddreg [dreg:$0x0];
	s1 =	sand.u32 $0x1, s0  }
0x3: {  	s31 =	stileid.u32;
	s7 =	rddreg [dreg:$0x1];
	s2 =	sshll.u32 s1, $0x4  }
0x4: {  	s8 =	rddreg [dreg:$0x2];
	s5 =	sand.u32 $0x3, s31;
	s4 =	sor.u32 s31, s2  }
0x5: {  	s9 =	rddreg [dreg:$0x3];
	p1 =	sne.s32 s5, $0x0;
	p0 =	seq.s32 s4, $0x0  }
0x6: {  	s14 =	simm.s32 $0x2880;
	s15 =	simm.s32 $0x3100;
	p0 =	por !p1, !p0  }
0x7: {  	s16 =	simm.s32 $0x3980;
	s2 =	simm.s32 $0x1;
	p0 =	por !p0, !p0  }
0x8: {  	s1 =	ssub.s32 $0x2, s1;
	s3 =	sshrl.u32 s4, $0x2;
	s2 =	simm.s32 @!p0 $0x0  }
0x9: {  	s19 =	simm.s32 $0x0;
	s12 =	sshrl.u32 s1, $0x1;
	s10 =	ssub.s32 s3, s2  }
0xa: {  	s13 =	smul.u32 $0x7D0, s4;
	s3 =	sshll.u32 s10, $0xB;
	s11 =	sshll.u32 s10, $0x7  }
0xb: {  	s1 =	ssub.s32 s1, s12;
	s3 =	sand.u32 $0xFFFFC000, s3;
	s11 =	sand.u32 $0x380, s11  }
0xc: {  	s4 =	smul.u32 $0x1F4, s5;
	s12 =	simm.s32 $0x800;
	s11 =	sor.u32 s11, s3  }
.Ltmp0:
0xd: {  	s2 =	simm.s32 $0x0;
	s11 =	sshrl.u32 s11, $0x3;
	(pc) =	sbr.rel .LBB2_1-.Ltmp0, $4  }
0xe: {  	[smem:$0x7FF] =	sst s2;
	s17 =	smul.u32 $0x7D0, s10;
	s6 =	sadd.s32 s11, s6  }
0xf: {  	_ =	strace $0x80000047;
	s3 =	simm.s32 $0x1;
	s5 =	sadd.s32 $0x1800, s6  }
0x10: {  	s6 =	sadd.s32 s7, s11;
	s7 =	sadd.s32 s8, s13;
	s8 =	sadd.s32 s9, s13  }
0x11: {  	v1 =	vlaneseq.u32;
	v2 =	vimm.s32 $0x0;
	v0 =	vmov s17;
	s9 =	smax.u32 s1, $0x1;
	s11 =	simm.s32 $0x400;
	s13 =	simm.s32 $0x2000  }
.LBB2_22:
0x12: {  	s0 =	simm.s32 $0x4200  }
0x13: {  	[hbm4b:s7+s2] =	stream.linear.scatter [tilespmem:s0], [sflag:$0x1], $0x3E80, $0x38;
	[tilespmem:$0xBF00] =	vst v63  }
0x14: {  	s19 =	sadd.s32 $0x1, s19;
	_ =	swait.ge [sflag:s3], $0x3E80  }
0x15: {  	p0 =	sne.s32 s19, s9;
	[sflag:s3] =	ssyncset.done $0x0  }
.Ltmp1:
0x16: {  	s31 =	simm.s32 $0x8080;
	[sflag:s3] =	ssyncadd.s32 $0xFFFFC180;
	(pc) =	sbr.rel @!p0 .LBB2_23-.Ltmp1, $4  }
0x17: {  	[hbm4b:s8+s2] =	stream.linear.scatter [tilespmem:s31], [sflag:$0x1], $0x3E80, $0x38;
	[tilespmem:$0xBF00] =	vst v63  }
0x18: {  	_ =	swait.ge [sflag:s3], $0x3E80  }
0x19: {  	[sflag:s3] =	ssyncset.done $0x0  }
0x1a: {  	[sflag:s3] =	ssyncadd.s32 $0xFFFFC180  }
.LBB2_1:
0x1b: {  	s0 =	simm.s32 $0x80  }
0x1c: {  	[tilespmem:s2], [sflag:$0x1] =	stream.strided.gather [hbm4b:s5+s0], $0x800, s11, s0, $0x38;
	[tilespmem:$0xBF00] =	vst v63  }
0x1d: {  	_ =	swait.ge [sflag:s3], $0x800  }
0x1e: {  	[sflag:s3] =	ssyncset.done $0x0  }
.Ltmp2:
0x1f: {  	[sflag:s3] =	ssyncadd.s32 $0xFFFFF800;
	(pc) =	sbr.rel .LBB2_2-.Ltmp2, $4  }
0x20: {  	[tilespmem:s12], [sflag:$0x1] =	stream.strided.gather [hbm4b:s6+s0], $0x800, s11, s0, $0x38;
	[tilespmem:$0xBF00] =	vst v63  }
0x21: {  	_ =	swait.ge [sflag:s3], $0x800  }
0x22: {  	[sflag:s3] =	ssyncset.done $0x0  }
0x23: {  	s20 =	simm.s32 $0x0;
	[sflag:s3] =	ssyncadd.s32 $0xFFFFF800  }
.LBB2_9:
0x24: {  	v10 =	vimm.f32 $3.000000010e+38;
	v9 =	vimm.s32 $0x0;
	v7 =	vimm.f32 $3.000000010e+38  }
0x25: {  	v6 =	vimm.s32 $0x0;
	v8 =	vimm.f32 $3.000000010e+38;
	v5 =	vimm.s32 $0x0  }
.LBB2_21:
0x26: {  	s0 =	sshll.u32 s20, $0x6  }
0x27: {  	[tilespmem:s0+$0x4200] =	vst v3  }
0x28: {  	s20 =	sadd.s32 $0x1, s20;
	[tilespmem:s0+$0x4210] =	vst v10  }
0x29: {  	[tilespmem:s0+$0x4220] =	vst v7;
	p0 =	sne.s32 s20, $0xFA  }
.Ltmp3:
0x2a: {  	v3 =	vadd.s32 v0, v4;
	[tilespmem:s0+$0x4230] =	vst v8;
	(pc) =	sbr.rel @!p0 .LBB2_22-.Ltmp3, $4  }
0x2b: {  	[tilespmem:s0+$0x8080] =	vst v3;
	v3 =	vadd.s32 v0, v9  }
0x2c: {  	[tilespmem:s0+$0x8090] =	vst v3;
	v3 =	vadd.s32 v0, v6  }
0x2d: {  	[tilespmem:s0+$0x80A0] =	vst v3;
	v3 =	vadd.s32 v0, v5  }
0x2e: {  	[tilespmem:s0+$0x80B0] =	vst v3  }
.LBB2_2:
0x2f: {  	s1 =	sshll.u32 s20, $0x1  }
0x30: {  	s18 =	simm.s32 $0x40;
	s1 =	sadd.s32 s4, s1  }
0x31: {  	s21 =	simm.s32 $0x840;
	v9 =	vld [tilespmem:s18+$0x20];
	v4 =	vmov s1  }
0x32: {  	v10 =	vld [tilespmem:s21+$0x20]  }
0x33: {  	v11 =	vld [tilespmem:s18+$0x0]  }
0x34: {  	v14 =	vld [tilespmem:s21+$0x0];
	v3 =	vor.u32 $0x1, v4  }
0x35: {  	v19 =	vld [tilespmem:s21+$0xFFFFFFE0]  }
0x36: {  	s22 =	simm.s32 $0x70;
	v7 =	vld.idx.msk [tilespmem:v4+s2+$0x0], $0xffff  }
0x37: {  	v12 =	vimm.f32 $3.000000010e+38;
	s23 =	simm.s32 $0x50;
	v13 =	vor.u32 s22, v1;
	v8 =	vld.idx.msk [tilespmem:v4+s12+$0x0], $0xffff  }
0x38: {  	s24 =	simm.s32 $0x30;
	s25 =	simm.s32 $0x40;
	s28 =	simm.s32 $0x60;
	v15 =	vor.u32 s23, v1;
	vm0 =	veq.s32 v13, v4;
	vm1 =	veq.s32 v13, v3;
	v13 =	vld [tilespmem:s18+$0xFFFFFFE0]  }
0x39: {  	s26 =	simm.s32 $0x20;
	s29 =	simm.s32 $0x0;
	v16 =	vor.u32 s24, v1;
	v17 =	vor.u32 s25, v1;
	v18 =	vor.u32 s28, v1;
	v5 =	vld.idx.msk [tilespmem:v3+s2+$0x0], $0xffff  }
0x3a: {  	v20 =	vor.u32 s26, v1;
	v57 =	vor.u32 s29, v1;
	vm7 =	veq.s32 v18, v4;
	v6 =	vld.idx.msk [tilespmem:v3+s12+$0x0], $0xffff  }
0x3b: {  	vm5 =	veq.s32 v17, v4;
	vm3 =	veq.s32 v20, v4;
	v21 =	vsub.f32 v9, v7  }
0x3c: {  	vm4 =	veq.s32 v18, v3;
	v22 =	vsub.f32 v10, v8;
	v23 =	vsub.f32 v11, v7  }
0x3d: {  	v18 =	vld [tilespmem:s18+$0xFFFFFFC0];
	vm6 =	veq.s32 v17, v3;
	v25 =	vsub.f32 v14, v8;
	v17 =	vsub.f32 v13, v7  }
0x3e: {  	vm8 =	veq.s32 v57, v4;
	v26 =	vsub.f32 v19, v8;
	v9 =	vsub.f32 v9, v5  }
0x3f: {  	vm2 =	veq.s32 v20, v3;
	v10 =	vsub.f32 v10, v6;
	v11 =	vsub.f32 v11, v5  }
0x40: {  	v14 =	vsub.f32 v14, v6;
	v13 =	vsub.f32 v13, v5;
	v20 =	vmul.f32 v21, v21  }
0x41: {  	v19 =	vsub.f32 v19, v6;
	v21 =	vmul.f32 v22, v22;
	v23 =	vmul.f32 v23, v23  }
0x42: {  	v22 =	vsub.f32 v18, v7;
	v9 =	vmul.f32 v9, v9;
	v10 =	vmul.f32 v10, v10  }
0x43: {  	v24 =	vld [tilespmem:s21+$0xFFFFFFC0];
	v25 =	vmul.f32 v25, v25;
	v17 =	vmul.f32 v17, v17;
	v20 =	vadd.f32 v21, v20  }
0x44: {  	v11 =	vmul.f32 v11, v11;
	v14 =	vmul.f32 v14, v14;
	v9 =	vadd.f32 v10, v9  }
0x45: {  	s24 =	simm.s32 $0x1040;
	v21 =	vmul.f32 v26, v26;
	v23 =	vadd.f32 v25, v23;
	v56 =	vsel vm7, $0x7F61B1E6, v20  }
0x46: {  	s23 =	simm.s32 $0x1840;
	v13 =	vmul.f32 v13, v13;
	v11 =	vadd.f32 v14, v11;
	[tilespmem:s24+$0x20] =	vst v56;
	v10 =	vsel vm4, $0x7F61B1E6, v9  }
0x47: {  	v19 =	vmul.f32 v19, v19;
	v14 =	vadd.f32 v21, v17;
	v21 =	vsel vm5, $0x7F61B1E6, v23;
	[tilespmem:s23+$0x20] =	vst v10  }
0x48: {  	v17 =	vsub.f32 v24, v6;
	v9 =	vsub.f32 v18, v5;
	[tilespmem:s24+$0x0] =	vst v21;
	v11 =	vsel vm6, $0x7F61B1E6, v11;
	v18 =	vld [tilespmem:s18+$0x30]  }
0x49: {  	v27 =	vsub.f32 v24, v8;
	v13 =	vadd.f32 v19, v13;
	v19 =	vmul.f32 v22, v22;
	[tilespmem:s23+$0x0] =	vst v11;
	v22 =	vld [tilespmem:s21+$0x30]  }
0x4a: {  	v14 =	vsel vm3, $0x7F61B1E6, v14;
	v17 =	vmul.f32 v17, v17;
	v9 =	vmul.f32 v9, v9;
	v23 =	vld [tilespmem:s18+$0x10]  }
0x4b: {  	vm9 =	veq.s32 v15, v4;
	v20 =	vmul.f32 v27, v27;
	v13 =	vsel vm2, $0x7F61B1E6, v13;
	[tilespmem:s24+$0xFFFFFFE0] =	vst v14;
	v58 =	vld [tilespmem:s21+$0x10]  }
0x4c: {  	vm12 =	veq.s32 v16, v4;
	vm10 =	veq.s32 v57, v3;
	[tilespmem:s23+$0xFFFFFFE0] =	vst v13;
	v9 =	vadd.f32 v17, v9  }
0x4d: {  	vm11 =	veq.s32 v15, v3;
	vm13 =	veq.s32 v16, v3;
	v19 =	vadd.f32 v20, v19;
	v17 =	vld [tilespmem:s18+$0xFFFFFFF0]  }
0x4e: {  	v59 =	vld [tilespmem:s21+$0xFFFFFFF0];
	v28 =	vsel vm10, $0x7F61B1E6, v9;
	v60 =	vsub.f32 v18, v7;
	v9 =	vsub.f32 v22, v8  }
0x4f: {  	s30 =	simm.s32 $0x10;
	v19 =	vsel vm8, $0x7F61B1E6, v19;
	v18 =	vsub.f32 v18, v5;
	v29 =	vsub.f32 v23, v7  }
0x50: {  	v20 =	vor.u32 s30, v1;
	[tilespmem:s24+$0xFFFFFFC0] =	vst v19;
	v15 =	vsub.f32 v22, v6;
	v30 =	vsub.f32 v58, v8  }
0x51: {  	[tilespmem:s23+$0xFFFFFFC0] =	vst v28;
	v23 =	vsub.f32 v23, v5;
	v16 =	vsub.f32 v58, v6;
	v27 =	vmul.f32 v60, v60  }
0x52: {  	v22 =	vld [tilespmem:s18+$0xFFFFFFD0];
	v32 =	vsub.f32 v17, v7;
	v9 =	vmul.f32 v9, v9;
	v18 =	vmul.f32 v18, v18  }
0x53: {  	v31 =	vld [tilespmem:s21+$0xFFFFFFD0];
	v61 =	vsub.f32 v59, v8;
	v15 =	vmul.f32 v15, v15;
	v29 =	vmul.f32 v29, v29  }
0x54: {  	v17 =	vsub.f32 v17, v5;
	v30 =	vmul.f32 v30, v30;
	v23 =	vmul.f32 v23, v23  }
0x55: {  	v24 =	vsub.f32 v59, v6;
	v16 =	vmul.f32 v16, v16;
	v32 =	vmul.f32 v32, v32  }
0x56: {  	v26 =	vmul.f32 v61, v61;
	v9 =	vadd.f32 v9, v27;
	v15 =	vadd.f32 v15, v18  }
0x57: {  	v17 =	vmul.f32 v17, v17;
	v62 =	vadd.f32 v30, v29;
	v23 =	vadd.f32 v16, v23  }
0x58: {  	v24 =	vmul.f32 v24, v24;
	v33 =	vsub.f32 v22, v7;
	v34 =	vsub.f32 v31, v8  }
0x59: {  	vm14 =	veq.s32 v20, v4;
	v22 =	vsub.f32 v22, v5;
	v31 =	vsub.f32 v31, v6  }
0x5a: {  	vm15 =	veq.s32 v20, v3;
	v26 =	vadd.f32 v26, v32;
	v24 =	vadd.f32 v24, v17  }
0x5b: {  	v17 =	vsel vm0, $0x7F61B1E6, v9;
	v22 =	vmul.f32 v22, v22;
	v18 =	vmul.f32 v31, v31  }
0x5c: {  	v16 =	vsel vm1, $0x7F61B1E6, v15;
	v33 =	vmul.f32 v33, v33;
	v34 =	vmul.f32 v34, v34  }
0x5d: {  	v20 =	vsel vm13, $0x7F61B1E6, v24;
	v22 =	vadd.f32 v18, v22;
	v18 =	vmin.f32 v12, v19  }
0x5e: {  	[tilespmem:s24+$0x30] =	vst v17;
	v63 =	vadd.f32 v34, v33;
	v19 =	vsel vm9, $0x7F61B1E6, v62;
	v9 =	vmin.f32 v18, v14  }
0x5f: {  	v18 =	vsel vm11, $0x7F61B1E6, v23;
	v14 =	vsel vm12, $0x7F61B1E6, v26;
	[tilespmem:s24+$0x10] =	vst v19;
	v9 =	vmin.f32 v9, v21  }
0x60: {  	v15 =	vsel vm14, $0x7F61B1E6, v63;
	v21 =	vsel vm15, $0x7F61B1E6, v22;
	[tilespmem:s24+$0xFFFFFFF0] =	vst v14;
	v22 =	vmin.f32 v12, v28  }
0x61: {  	v9 =	vmin.f32 v9, v56;
	[tilespmem:s24+$0xFFFFFFD0] =	vst v15;
	v15 =	vmin.f32 v12, v15;
	v23 =	vmin.f32 v12, v21  }
0x62: {  	s31 =	simm.s32 $0x0;
	s25 =	simm.s32 $0x790;
	s1 =	simm.s32 $0xC0;
	v13 =	vmin.f32 v22, v13;
	[tilespmem:s23+$0xFFFFFFD0] =	vst v21;
	v12 =	vmin.f32 v15, v14;
	v14 =	vmin.f32 v23, v20  }
.LBB2_3:
0x63: {  	v15 =	vld [tilespmem:s1+$0x20];
	[tilespmem:s23+$0xFFFFFFF0] =	vst v20;
	v12 =	vmin.f32 v12, v19;
	v11 =	vmin.f32 v13, v11;
	v14 =	vmin.f32 v14, v18;
	s21 =	sadd.s32 $0x80, s21;
	s26 =	simm.s32 $0x1790;
	s28 =	simm.s32 $0x1F90  }
0x64: {  	s22 =	sadd.s32 $0x80, s22;
	s29 =	simm.s32 $0x780;
	s30 =	simm.s32 $0xF90;
	v19 =	vld [tilespmem:s21+$0x20];
	[tilespmem:s23+$0x10] =	vst v18;
	v12 =	vmin.f32 v12, v17;
	v13 =	vmin.f32 v11, v10;
	v14 =	vmin.f32 v14, v16  }
0x65: {  	s0 =	sadd.s32 $0xFFFFFFE0, s22;
	v11 =	vor.u32 s22, v1;
	v10 =	vld [tilespmem:s1+$0x0];
	[tilespmem:s23+$0x30] =	vst v16  }
0x66: {  	s17 =	sadd.s32 $0xFFFFFFC0, s22;
	s18 =	sadd.s32 $0xFFFFFFD0, s22;
	v17 =	vor.u32 s0, v1;
	s0 =	sadd.s32 $0xFFFFFFF0, s22;
	vm0 =	veq.s32 v11, v4;
	vm1 =	veq.s32 v11, v3;
	v16 =	vld [tilespmem:s21+$0x0]  }
0x67: {  	s10 =	sadd.s32 $0xFFFFFFB0, s22;
	v18 =	vor.u32 s17, v1;
	v20 =	vor.u32 s18, v1;
	v21 =	vor.u32 s0, v1;
	v11 =	vld [tilespmem:s1+$0xFFFFFFE0]  }
0x68: {  	v23 =	vor.u32 s10, v1;
	vm7 =	veq.s32 v21, v4;
	v22 =	vld [tilespmem:s21+$0xFFFFFFE0];
	v24 =	vsub.f32 v15, v7  }
0x69: {  	vm6 =	veq.s32 v21, v3;
	v15 =	vsub.f32 v15, v5;
	v25 =	vsub.f32 v19, v8  }
0x6a: {  	vm4 =	veq.s32 v20, v4;
	v19 =	vsub.f32 v19, v6;
	v21 =	vld [tilespmem:s1+$0xFFFFFFC0];
	v26 =	vsub.f32 v10, v7  }
0x6b: {  	vm5 =	veq.s32 v20, v3;
	v10 =	vsub.f32 v10, v5;
	v27 =	vld [tilespmem:s21+$0xFFFFFFC0];
	v28 =	vsub.f32 v16, v8  }
0x6c: {  	vm3 =	veq.s32 v23, v4;
	v16 =	vsub.f32 v16, v6;
	v20 =	vsub.f32 v11, v7  }
0x6d: {  	vm2 =	veq.s32 v23, v3;
	v11 =	vsub.f32 v11, v5;
	v29 =	vsub.f32 v22, v8  }
0x6e: {  	v23 =	vmul.f32 v24, v24;
	v24 =	vmul.f32 v25, v25;
	v22 =	vsub.f32 v22, v6  }
0x6f: {  	v15 =	vmul.f32 v15, v15;
	v19 =	vmul.f32 v19, v19;
	v25 =	vsub.f32 v21, v7  }
0x70: {  	v26 =	vmul.f32 v26, v26;
	v28 =	vmul.f32 v28, v28;
	v30 =	vsub.f32 v27, v8  }
0x71: {  	v10 =	vmul.f32 v10, v10;
	v16 =	vmul.f32 v16, v16;
	v23 =	vadd.f32 v24, v23  }
0x72: {  	v19 =	vadd.f32 v19, v15;
	v20 =	vmul.f32 v20, v20;
	v24 =	vmul.f32 v29, v29  }
0x73: {  	s24 =	sadd.s32 $0x80, s24;
	v11 =	vmul.f32 v11, v11;
	v26 =	vadd.f32 v28, v26;
	v15 =	vsel vm7, $0x7F61B1E6, v23  }
0x74: {  	s23 =	sadd.s32 $0x80, s23;
	v22 =	vmul.f32 v22, v22;
	v16 =	vadd.f32 v16, v10;
	v10 =	vsel vm6, $0x7F61B1E6, v19;
	[tilespmem:s24+$0x20] =	vst v15  }
0x75: {  	v19 =	vsub.f32 v21, v5;
	v20 =	vadd.f32 v24, v20;
	v21 =	vsel vm4, $0x7F61B1E6, v26;
	[tilespmem:s23+$0x20] =	vst v10  }
0x76: {  	s31 =	sadd.s32 $0x4, s31;
	v23 =	vsub.f32 v27, v6;
	v22 =	vadd.f32 v22, v11;
	v11 =	vsel vm5, $0x7F61B1E6, v16;
	[tilespmem:s24+$0x0] =	vst v21;
	v16 =	vld [tilespmem:s1+$0x30]  }
0x77: {  	p0 =	slt.u32 s31, $0x38;
	v24 =	vmul.f32 v25, v25;
	v25 =	vmul.f32 v30, v30;
	v20 =	vsel vm3, $0x7F61B1E6, v20;
	[tilespmem:s23+$0x0] =	vst v11;
	v26 =	vld [tilespmem:s21+$0x30]  }
0x78: {  	s10 =	sadd.s32 $0xFFFFFFA0, s22;
	s0 =	sadd.s32 $0xFFFFFF90, s22;
	v19 =	vmul.f32 v19, v19;
	v23 =	vmul.f32 v23, v23;
	v22 =	vsel vm2, $0x7F61B1E6, v22;
	[tilespmem:s24+$0xFFFFFFE0] =	vst v20;
	v27 =	vld [tilespmem:s1+$0x10]  }
0x79: {  	v28 =	vor.u32 s0, v1;
	v24 =	vadd.f32 v25, v24;
	v25 =	vor.u32 s10, v1;
	[tilespmem:s23+$0xFFFFFFE0] =	vst v22;
	v29 =	vld [tilespmem:s21+$0x10]  }
0x7a: {  	vm3 =	veq.s32 v28, v4;
	vm2 =	veq.s32 v17, v4;
	v19 =	vadd.f32 v23, v19;
	v23 =	vld [tilespmem:s1+$0xFFFFFFF0]  }
0x7b: {  	v24 =	vsel vm3, $0x7F61B1E6, v24;
	vm3 =	veq.s32 v28, v3;
	v28 =	vld [tilespmem:s21+$0xFFFFFFF0];
	v30 =	vsub.f32 v16, v7  }
0x7c: {  	v31 =	vsel vm3, $0x7F61B1E6, v19;
	v16 =	vsub.f32 v16, v5;
	[tilespmem:s24+$0xFFFFFFC0] =	vst v24;
	v19 =	vsub.f32 v26, v8  }
0x7d: {  	vm3 =	veq.s32 v17, v3;
	v17 =	vsub.f32 v26, v6;
	[tilespmem:s23+$0xFFFFFFC0] =	vst v31;
	v32 =	vsub.f32 v27, v7  }
0x7e: {  	vm4 =	veq.s32 v18, v4;
	v27 =	vsub.f32 v27, v5;
	v26 =	vld [tilespmem:s1+$0xFFFFFFD0];
	v33 =	vsub.f32 v29, v8  }
0x7f: {  	vm5 =	veq.s32 v18, v3;
	v18 =	vsub.f32 v29, v6;
	v34 =	vld [tilespmem:s21+$0xFFFFFFD0];
	v35 =	vsub.f32 v23, v7  }
0x80: {  	v30 =	vmul.f32 v30, v30;
	v19 =	vmul.f32 v19, v19;
	v29 =	vsub.f32 v28, v8  }
0x81: {  	v16 =	vmul.f32 v16, v16;
	v17 =	vmul.f32 v17, v17;
	v23 =	vsub.f32 v23, v5  }
0x82: {  	v32 =	vmul.f32 v32, v32;
	v28 =	vsub.f32 v28, v6;
	v33 =	vmul.f32 v33, v33  }
0x83: {  	v27 =	vmul.f32 v27, v27;
	v18 =	vmul.f32 v18, v18;
	v36 =	vsub.f32 v26, v7  }
0x84: {  	v35 =	vmul.f32 v35, v35;
	v29 =	vmul.f32 v29, v29;
	v37 =	vsub.f32 v34, v8  }
0x85: {  	v23 =	vmul.f32 v23, v23;
	v28 =	vmul.f32 v28, v28;
	v26 =	vsub.f32 v26, v5  }
0x86: {  	v34 =	vsub.f32 v34, v6;
	v36 =	vmul.f32 v36, v36;
	v37 =	vmul.f32 v37, v37  }
0x87: {  	v19 =	vadd.f32 v19, v30;
	v16 =	vadd.f32 v17, v16;
	v26 =	vmul.f32 v26, v26  }
0x88: {  	v30 =	vadd.f32 v33, v32;
	v18 =	vadd.f32 v18, v27;
	v17 =	vmul.f32 v34, v34  }
0x89: {  	vm6 =	veq.s32 v25, v4;
	v27 =	vadd.f32 v29, v35;
	v23 =	vadd.f32 v28, v23  }
0x8a: {  	vm7 =	veq.s32 v25, v3;
	v28 =	vadd.f32 v37, v36;
	v26 =	vadd.f32 v17, v26  }
0x8b: {  	v9 =	vmin.f32 v9, v24;
	v16 =	vsel vm1, $0x7F61B1E6, v16;
	v17 =	vsel vm0, $0x7F61B1E6, v19  }
.Ltmp4:
0x8c: {  	v9 =	vmin.f32 v9, v20;
	v18 =	vsel vm3, $0x7F61B1E6, v18;
	v19 =	vsel vm2, $0x7F61B1E6, v30;
	[tilespmem:s24+$0x30] =	vst v17;
	(pc) =	sbr.rel @p0 .LBB2_3-.Ltmp4, $4  }
0x8d: {  	v9 =	vmin.f32 v9, v21;
	v24 =	vsel vm4, $0x7F61B1E6, v27;
	v20 =	vsel vm5, $0x7F61B1E6, v23;
	[tilespmem:s24+$0x10] =	vst v19  }
0x8e: {  	v9 =	vmin.f32 v9, v15;
	v21 =	vsel vm6, $0x7F61B1E6, v28;
	v23 =	vsel vm7, $0x7F61B1E6, v26;
	[tilespmem:s24+$0xFFFFFFF0] =	vst v24  }
0x8f: {  	v13 =	vmin.f32 v13, v31;
	v12 =	vmin.f32 v12, v21;
	v14 =	vmin.f32 v14, v23;
	[tilespmem:s24+$0xFFFFFFD0] =	vst v21  }
0x90: {  	v13 =	vmin.f32 v13, v22;
	s1 =	sadd.s32 $0x80, s1;
	v12 =	vmin.f32 v12, v24;
	v14 =	vmin.f32 v14, v20;
	[tilespmem:s23+$0xFFFFFFD0] =	vst v23  }
0x91: {  	[tilespmem:s23+$0xFFFFFFF0] =	vst v20  }
0x92: {  	v12 =	vmin.f32 v12, v19;
	v11 =	vmin.f32 v13, v11;
	v13 =	vmin.f32 v14, v18;
	[tilespmem:s23+$0x10] =	vst v18  }
0x93: {  	[tilespmem:s23+$0x30] =	vst v16;
	v12 =	vmin.f32 v12, v17;
	v11 =	vmin.f32 v11, v10;
	v10 =	vmin.f32 v13, v16  }
.LBB2_5:
0x94: {  	v13 =	vld [tilespmem:s25+$0xFFFFFFF0]  }
0x95: {  	v14 =	vld [tilespmem:s30+$0xFFFFFFF0];
	_ =	sdelay $0x4  }
0x96: {  	v15 =	vsub.f32 v13, v7;
	v16 =	vsub.f32 v14, v8  }
0x97: {  	v13 =	vsub.f32 v13, v5;
	v14 =	vsub.f32 v14, v6  }
0x98: {  	v15 =	vmul.f32 v15, v15;
	v16 =	vmul.f32 v16, v16  }
0x99: {  	v13 =	vmul.f32 v13, v13;
	v14 =	vmul.f32 v14, v14  }
0x9a: {  	v17 =	vor.u32 s29, v1;
	v15 =	vadd.f32 v16, v15  }
0x9b: {  	vm0 =	veq.s32 v17, v4;
	v13 =	vadd.f32 v14, v13  }
0x9c: {  	vm13 =	veq.s32 v17, v3;
	v14 =	vsel vm0, $0x7F61B1E6, v15  }
0x9d: {  	v13 =	vsel vm13, $0x7F61B1E6, v13;
	[tilespmem:s26+$0xFFFFFFF0] =	vst v14  }
0x9e: {  	[tilespmem:s28+$0xFFFFFFF0] =	vst v13  }
0x9f: {  	v15 =	vld [tilespmem:s25+$0x0]  }
0xa0: {  	v61 =	vld [tilespmem:s30+$0x0];
	_ =	sdelay $0x4  }
0xa1: {  	v62 =	vsub.f32 v15, v7;
	v18 =	vsub.f32 v61, v8  }
0xa2: {  	v15 =	vsub.f32 v15, v5;
	v16 =	vsub.f32 v61, v6  }
0xa3: {  	v17 =	vmul.f32 v62, v62;
	v18 =	vmul.f32 v18, v18  }
0xa4: {  	s0 =	sadd.s32 $0x10, s29;
	p0 =	sne.s32 s29, $0x7A0;
	v15 =	vmul.f32 v15, v15;
	v16 =	vmul.f32 v16, v16  }
.Ltmp5:
0xa5: {  	v19 =	vor.u32 s0, v1;
	v17 =	vadd.f32 v18, v17;
	(pc) =	sbr.rel @p0 .LBB2_5-.Ltmp5, $4  }
0xa6: {  	vm14 =	veq.s32 v19, v4;
	v15 =	vadd.f32 v16, v15  }
0xa7: {  	vm15 =	veq.s32 v19, v3;
	v63 =	vsel vm14, $0x7F61B1E6, v17  }
0xa8: {  	s29 =	sadd.s32 $0x20, s29;
	v9 =	vmin.f32 v9, v14;
	s30 =	sadd.s32 $0x20, s30;
	v15 =	vsel vm15, $0x7F61B1E6, v15;
	[tilespmem:s26+$0x0] =	vst v63  }
0xa9: {  	v11 =	vmin.f32 v11, v13;
	s25 =	sadd.s32 $0x20, s25;
	s26 =	sadd.s32 $0x20, s26;
	v12 =	vmin.f32 v12, v63;
	v10 =	vmin.f32 v10, v15;
	[tilespmem:s28+$0x0] =	vst v15;
	s28 =	sadd.s32 $0x20, s28  }
0xaa: {  	v13 =	vld [tilespmem:$0x7C0]  }
0xab: {  	v14 =	vld [tilespmem:$0xFC0];
	_ =	sdelay $0x4  }
0xac: {  	v7 =	vsub.f32 v13, v7;
	v8 =	vsub.f32 v14, v8;
	_ =	sdelay $0x1  }
0xad: {  	v7 =	vmul.f32 v7, v7;
	v8 =	vmul.f32 v8, v8;
	_ =	sdelay $0x1  }
0xae: {  	v8 =	vadd.f32 v8, v7;
	v7 =	vor.u32 $0x7C0, v1  }
0xaf: {  	vm0 =	veq.s32 v4, v7;
	v4 =	vsub.f32 v13, v5;
	v5 =	vsub.f32 v14, v6  }
0xb0: {  	v6 =	vsel vm0, $0x7F61B1E6, v8  }
0xb1: {  	v4 =	vmul.f32 v4, v4;
	v5 =	vmul.f32 v5, v5;
	v8 =	vmin.f32 v9, v6  }
0xb2: {  	v8 =	vmax.f32 v8, v12  }
0xb3: {  	v4 =	vadd.f32 v5, v4;
	(xrf0) =	vmax.scan.msk.f32 $0xffff, v8  }
0xb4: {  	vm0 =	veq.s32 v3, v7  }
0xb5: {  	[tilespmem:$0x17C0] =	vst v6;
	v4 =	vsel vm0, $0x7F61B1E6, v4  }
0xb6: {  	s0 =	simm.s32 $0x1020;
	[tilespmem:$0x1FC0] =	vst v4  }
0xb7: {  	v5 =	vld [tilespmem:s0+$0xFFFFFFE0]  }
0xb8: {  	v8 =	vld [tilespmem:s0+$0x10]  }
0xb9: {  	v9 =	vld [tilespmem:s0+$0xFFFFFFF0];
	v3, _, _ =	vpop (xrf0)  }
0xba: {  	v3 =	vbroadcast v3, $0xF  }
0xbb: {  	v4 =	vmin.f32 v11, v4  }
0xbc: {  	v4 =	vmax.f32 v4, v10;
	v13 =	vld [tilespmem:s0+$0x0];
	vm2 =	vle.f32 v5, v3  }
0xbd: {  	(xrf0) =	vmax.scan.msk.f32 $0xffff, v4;
	vm0 =	vle.f32 v8, v3;
	v4 =	vsel vm2, $0x1, v2  }
0xbe: {  	vm1 =	vle.f32 v9, v3;
	v6 =	vsel vm0, $0x1, v2;
	(xrf0) =	vadd.scan.msk.s32 $0xffff, v4  }
0xbf: {  	v4 =	vsel vm1, $0x1, v2;
	(xrf0) =	vadd.scan.msk.s32 $0xffff, v6  }
0xc0: {  	(xrf0) =	vadd.scan.msk.s32 $0xffff, v4  }
0xc1: {  	vm3 =	vle.f32 v13, v3  }
0xc2: {  	v6 =	vsel vm3, $0x1, v2  }
0xc3: {  	v4, _, _ =	vpop (xrf0)  }
0xc4: {  	v10 =	vmpcnt.ones.xlane vm2;
	v11, _, _ =	vpop (xrf0)  }
0xc5: {  	v14 =	vimm.s32 $0x0;
	v12 =	vmpcnt.ones.xlane vm3;
	v15 =	vmpcnt.ones.xlane vm1;
	(xrf0) =	vadd.scan.msk.s32 $0xffff, v6;
	v6, _, _ =	vpop (xrf0)  }
0xc6: {  	vm2 =	vmmov vm2;
	v10 =	vadd.s32 v14, v10;
	v11 =	vadd.s32 v11, v14;
	v16, _, _ =	vpop (xrf0)  }
0xc7: {  	v11 =	vadd.s32 $0xFFFFFFFF, v11;
	v16 =	vadd.s32 v16, v10;
	v10 =	vadd.s32 v10, v15  }
0xc8: {  	s28 =	simm.s32 $0x1060;
	v15 =	vadd.s32 $0xFFFFFFFF, v16;
	v20 =	vadd.s32 v10, v12  }
0xc9: {  	v17 =	vld [tilespmem:s28+$0xFFFFFFE0];
	v6 =	vadd.s32 v6, v20  }
0xca: {  	v18 =	vld [tilespmem:s28+$0x10];
	v21 =	vadd.s32 $0xFFFFFFFF, v6  }
0xcb: {  	v19 =	vld [tilespmem:s28+$0xFFFFFFF0]  }
0xcc: {  	s1 =	simm.s32 $0x10;
	[tilespmem:v11+s13+$0x0] =	vst.idx.msk vm2, v5;
	v6, _, _ =	vpop (xrf0)  }
0xcd: {  	vm4 =	vmmov vm3;
	v5 =	vadd.s32 v6, v10;
	v6 =	vor.u32 s1, v1;
	[tilespmem:v15+s13+$0x0] =	vst.idx.msk vm1, v9  }
0xce: {  	s29 =	simm.s32 $0x0;
	s10 =	simm.s32 $0x1820;
	vm6 =	vle.f32 v17, v3;
	v16 =	vld [tilespmem:s28+$0x0];
	v22 =	vadd.s32 $0xFFFFFFFF, v5;
	[tilespmem:v15+s14+$0x0] =	vst.idx.msk vm1, v6  }
0xcf: {  	v5 =	vor.u32 s29, v1;
	v12 =	vld [tilespmem:s10+$0xFFFFFFF0];
	[tilespmem:v21+s13+$0x0] =	vst.idx.msk vm0, v8;
	v8 =	vsel vm6, $0x1, v2  }
0xd0: {  	s30 =	simm.s32 $0x30;
	vm5 =	vle.f32 v19, v3;
	vm3 =	vle.f32 v18, v3;
	[tilespmem:v11+s14+$0x0] =	vst.idx.msk vm2, v5;
	(xrf0) =	vadd.scan.msk.s32 $0xffff, v8  }
0xd1: {  	v4 =	vbroadcast v4, $0xF;
	v10 =	vor.u32 s30, v1;
	v9 =	vsel vm3, $0x1, v2;
	v11 =	vld [tilespmem:s10+$0xFFFFFFE0]  }
0xd2: {  	s31 =	simm.s32 $0x20;
	v15 =	vmpcnt.ones.xlane vm0;
	[tilespmem:v21+s14+$0x0] =	vst.idx.msk vm0, v10;
	v21 =	vsel vm5, $0x1, v2;
	(xrf0) =	vadd.scan.msk.s32 $0xffff, v9  }
0xd3: {  	v8 =	vor.u32 s31, v1;
	vm0 =	vle.f32 v16, v3;
	v9 =	vld [tilespmem:s10+$0x10];
	(xrf0) =	vadd.scan.msk.s32 $0xffff, v21;
	[tilespmem:v22+s13+$0x0] =	vst.idx.msk vm4, v13  }
0xd4: {  	v15 =	vadd.s32 v20, v15;
	v20 =	vsel vm0, $0x1, v2;
	[tilespmem:v22+s14+$0x0] =	vst.idx.msk vm4, v8;
	vm1 =	vle.f32 v12, v4  }
0xd5: {  	v23 =	vmpcnt.ones.xlane vm6;
	v24 =	vmpcnt.ones.xlane vm5;
	(xrf0) =	vadd.scan.msk.s32 $0xffff, v20;
	v13 =	vld [tilespmem:s10+$0x0];
	v20 =	vsel vm1, $0x1, v2  }
0xd6: {  	v28 =	vmpcnt.ones.xlane vm3;
	vm6 =	vmmov vm6;
	vm7 =	vle.f32 v11, v4;
	v21, _, _ =	vpop (xrf0);
	(xrf0) =	vadd.scan.msk.s32 $0xffff, v20  }
0xd7: {  	v22 =	vmpcnt.ones.xlane vm0;
	vm4 =	vmmov vm0;
	v25 =	vsel vm7, $0x1, v2  }
0xd8: {  	vm0 =	vle.f32 v9, v4;
	v20 =	vadd.s32 v21, v15;
	v26, _, _ =	vpop (xrf0);
	v21 =	vmpcnt.ones.xlane vm7;
	(xrf0) =	vadd.scan.msk.s32 $0xffff, v25  }
0xd9: {  	v15 =	vadd.s32 v15, v23;
	v29 =	vsel vm0, $0x1, v2;
	v20 =	vadd.s32 $0xFFFFFFFF, v20;
	v27, _, _ =	vpop (xrf0)  }
0xda: {  	v25 =	vadd.s32 v15, v24;
	v27 =	vadd.s32 v27, v15;
	vm2 =	vle.f32 v13, v4  }
0xdb: {  	s22 =	simm.s32 $0x4;
	(xrf0) =	vadd.scan.msk.s32 $0xffff, v29;
	v23, _, _ =	vpop (xrf0);
	v29 =	vadd.s32 v25, v22;
	v24 =	vadd.s32 $0xFFFFFFFF, v27;
	v15 =	vsel vm2, $0x1, v2  }
0xdc: {  	s23 =	simm.s32 $0x10A0;
	s21 =	simm.s32 $0x1860;
	s1 =	simm.s32 $0x40;
	v27 =	vadd.s32 v26, v29;
	v26 =	vmpcnt.ones.xlane vm1;
	v22, _, _ =	vpop (xrf0);
	(xrf0) =	vadd.scan.msk.s32 $0xffff, v15;
	v15 =	vadd.s32 v29, v28  }
.LBB2_7:
0xdd: {  	v27 =	vadd.s32 $0xFFFFFFFF, v27  }
0xde: {  	s22 =	sadd.s32 $0x4, s22;
	[tilespmem:v20+s13+$0x0] =	vst.idx.msk vm6, v17;
	v17 =	vld [tilespmem:s23+$0xFFFFFFE0];
	s0 =	sadd.s32 $0x10, s1;
	v28 =	vmpcnt.ones.xlane vm2;
	v29 =	vmpcnt.ones.xlane vm0;
	v30, _, _ =	vpop (xrf0);
	vm8 =	vmmov vm7  }
0xdf: {  	v31 =	vld [tilespmem:s23+$0xFFFFFFF0];
	p0 =	slt.u32 s22, $0x78;
	v32 =	vor.u32 s0, v1;
	v30 =	vadd.s32 v30, v14;
	v14 =	vadd.s32 v14, v21  }
0xe0: {  	v33 =	vor.u32 s1, v1;
	v23 =	vadd.s32 v23, v25;
	v21 =	vld [tilespmem:s23+$0x10];
	v25 =	vadd.s32 v14, v26  }
0xe1: {  	v23 =	vadd.s32 $0xFFFFFFFF, v23;
	v14 =	vadd.s32 v22, v14;
	[tilespmem:v24+s13+$0x0] =	vst.idx.msk vm5, v19;
	v22 =	vadd.s32 v25, v28;
	v19, _, _ =	vpop (xrf0)  }
0xe2: {  	s0 =	sadd.s32 $0x30, s1;
	v28 =	vadd.s32 $0xFFFFFFFF, v14;
	v26 =	vld [tilespmem:s23+$0x0];
	[tilespmem:v24+s14+$0x0] =	vst.idx.msk vm5, v32;
	v24 =	vadd.s32 $0xFFFFFFFF, v30;
	v14 =	vadd.s32 v19, v22;
	v19, _, _ =	vpop (xrf0)  }
0xe3: {  	s10 =	sadd.s32 $0x20, s1;
	v34 =	vor.u32 s0, v1;
	v30 =	vld [tilespmem:s21+$0xFFFFFFF0];
	[tilespmem:v27+s13+$0x0] =	vst.idx.msk vm3, v18;
	v37 =	vadd.s32 v19, v25;
	v25 =	vadd.s32 $0xFFFFFFFF, v14  }
0xe4: {  	vm7 =	vle.f32 v17, v3;
	vm5 =	vle.f32 v31, v3;
	[tilespmem:v27+s14+$0x0] =	vst.idx.msk vm3, v34;
	v27 =	vadd.s32 $0xFFFFFFFF, v37  }
0xe5: {  	v35 =	vor.u32 s10, v1;
	v14 =	vsel vm7, $0x1, v2;
	v19 =	vmovc v31;
	vm3 =	vle.f32 v21, v3;
	v36 =	vld [tilespmem:s21+$0x10];
	v18 =	vmovc v21  }
0xe6: {  	v21 =	vsel vm5, $0x1, v2;
	v31 =	vsel vm3, $0x1, v2;
	(xrf0) =	vadd.scan.msk.s32 $0xffff, v14;
	[tilespmem:v20+s14+$0x0] =	vst.idx.msk vm6, v33  }
0xe7: {  	v14 =	vadd.s32 v22, v29;
	vm9 =	vle.f32 v26, v3;
	(xrf0) =	vadd.scan.msk.s32 $0xffff, v31;
	v20 =	vld [tilespmem:s21+$0xFFFFFFE0];
	[tilespmem:v28+s15+$0x0] =	vst.idx.msk vm1, v12  }
0xe8: {  	v31 =	vsel vm9, $0x1, v2;
	v22 =	vmpcnt.ones.xlane vm9;
	(xrf0) =	vadd.scan.msk.s32 $0xffff, v21;
	[tilespmem:v23+s13+$0x0] =	vst.idx.msk vm4, v16;
	v16 =	vmovc v26  }
0xe9: {  	v29 =	vmpcnt.ones.xlane vm5;
	v26 =	vmpcnt.ones.xlane vm7;
	(xrf0) =	vadd.scan.msk.s32 $0xffff, v31;
	[tilespmem:v28+s16+$0x0] =	vst.idx.msk vm1, v6;
	v6 =	vmovc v32  }
0xea: {  	vm6 =	vmmov vm7;
	v12 =	vmovc v30;
	vm1 =	vle.f32 v30, v4;
	[tilespmem:v23+s14+$0x0] =	vst.idx.msk vm4, v35;
	vm4 =	vmmov vm9  }
0xeb: {  	v21 =	vsel vm1, $0x1, v2;
	[tilespmem:v27+s15+$0x0] =	vst.idx.msk vm2, v13;
	v13 =	vld [tilespmem:s21+$0x0]  }
0xec: {  	v23, _, _ =	vpop (xrf0);
	vm7 =	vle.f32 v20, v4;
	(xrf0) =	vadd.scan.msk.s32 $0xffff, v21;
	[tilespmem:v24+s15+$0x0] =	vst.idx.msk vm8, v11;
	v11 =	vmov v20  }
0xed: {  	v28, _, _ =	vpop (xrf0);
	v20 =	vsel vm7, $0x1, v2;
	v21 =	vmpcnt.ones.xlane vm7;
	[tilespmem:v27+s16+$0x0] =	vst.idx.msk vm2, v8;
	v8 =	vmov v35  }
0xee: {  	v31 =	vadd.s32 v23, v15;
	v27, _, _ =	vpop (xrf0);
	(xrf0) =	vadd.scan.msk.s32 $0xffff, v20;
	[tilespmem:v25+s15+$0x0] =	vst.idx.msk vm0, v9;
	v9 =	vmov v36  }
.Ltmp6:
0xef: {  	v30 =	vmpcnt.ones.xlane vm3;
	v20 =	vadd.s32 $0xFFFFFFFF, v31;
	v23, _, _ =	vpop (xrf0);
	[tilespmem:v25+s16+$0x0] =	vst.idx.msk vm0, v10;
	vm0 =	vle.f32 v9, v4;
	(pc) =	sbr.rel @p0 .LBB2_7-.Ltmp6, $4  }
0xf0: {  	s1 =	sadd.s32 $0x40, s1;
	v31 =	vadd.s32 v15, v26;
	vm2 =	vle.f32 v13, v4;
	v15 =	vsel vm0, $0x1, v2;
	[tilespmem:v24+s16+$0x0] =	vst.idx.msk vm8, v5  }
0xf1: {  	v25 =	vadd.s32 v31, v29;
	v24 =	vadd.s32 v27, v31;
	v5 =	vmovc v33;
	v26 =	vsel vm2, $0x1, v2;
	(xrf0) =	vadd.scan.msk.s32 $0xffff, v15  }
0xf2: {  	v10 =	vmov v34;
	v24 =	vadd.s32 $0xFFFFFFFF, v24;
	v15 =	vadd.s32 v25, v22;
	v22, _, _ =	vpop (xrf0);
	(xrf0) =	vadd.scan.msk.s32 $0xffff, v26  }
0xf3: {  	s23 =	sadd.s32 $0x40, s23;
	s21 =	sadd.s32 $0x40, s21;
	v27 =	vadd.s32 v28, v15;
	v15 =	vadd.s32 v15, v30;
	v26 =	vmpcnt.ones.xlane vm1  }
0xf4: {  	_ =	sdelay $0x3  }
0xf5: {  	v27 =	vadd.s32 $0xFFFFFFFF, v27  }
0xf6: {  	[tilespmem:v20+s13+$0x0] =	vst.idx.msk vm6, v17;
	v32 =	vadd.s32 v23, v25  }
0xf7: {  	s0 =	sadd.s32 $0x10, s1;
	[tilespmem:v24+s13+$0x0] =	vst.idx.msk vm5, v19;
	v35 =	vor.u32 s1, v1;
	v17 =	vadd.s32 $0xFFFFFFFF, v32  }
0xf8: {  	v33 =	vor.u32 s0, v1;
	[tilespmem:v20+s14+$0x0] =	vst.idx.msk vm6, v35  }
0xf9: {  	s24 =	sadd.s32 $0x30, s1;
	[tilespmem:v24+s14+$0x0] =	vst.idx.msk vm5, v33  }
0xfa: {  	v34 =	vor.u32 s24, v1;
	v24 =	vld [tilespmem:s21+$0xFFFFFFF0];
	[tilespmem:v27+s13+$0x0] =	vst.idx.msk vm3, v18  }
0xfb: {  	s25 =	sadd.s32 $0x20, s1;
	[tilespmem:v27+s14+$0x0] =	vst.idx.msk vm3, v34  }
0xfc: {  	v36 =	vor.u32 s25, v1;
	v37 =	vld [tilespmem:s21+$0xFFFFFFE0];
	[tilespmem:v17+s13+$0x0] =	vst.idx.msk vm4, v16  }
0xfd: {  	v38 =	vld [tilespmem:s21+$0x10];
	[tilespmem:v17+s14+$0x0] =	vst.idx.msk vm4, v36  }
0xfe: {  	v17 =	vld [tilespmem:s21+$0x0]  }
0xff: {  	v21 =	vadd.s32 v14, v21;
	vm7 =	vmmov vm7;
	vm9 =	vle.f32 v24, v4  }
0x100: {  	v39, _, _ =	vpop (xrf0);
	v26 =	vadd.s32 v21, v26;
	v21 =	vadd.s32 v22, v21;
	v28 =	vsel vm9, $0x1, v2  }
0x101: {  	v44 =	vadd.s32 v39, v14;
	v21 =	vadd.s32 $0xFFFFFFFF, v21;
	vm10 =	vle.f32 v37, v4;
	(xrf0) =	vadd.scan.msk.s32 $0xffff, v28  }
0x102: {  	v14 =	vadd.s32 $0xFFFFFFFF, v44;
	v40, _, _ =	vpop (xrf0);
	v41 =	vsel vm10, $0x1, v2;
	vm11 =	vle.f32 v38, v4  }
0x103: {  	v30 =	vmpcnt.ones.xlane vm2;
	v29, _, _ =	vpop (xrf0);
	(xrf0) =	vadd.scan.msk.s32 $0xffff, v41;
	vm12 =	vle.f32 v17, v4;
	v42 =	vsel vm11, $0x1, v2  }
0x104: {  	v46 =	vmpcnt.ones.xlane vm0;
	v29 =	vadd.s32 v29, v26;
	(xrf0) =	vadd.scan.msk.s32 $0xffff, v42;
	v43 =	vsel vm12, $0x1, v2  }
0x105: {  	v26 =	vadd.s32 v26, v30;
	v45 =	vadd.s32 $0xFFFFFFFF, v29;
	v47 =	vmpcnt.ones.xlane vm10;
	(xrf0) =	vadd.scan.msk.s32 $0xffff, v43  }
0x106: {  	v22 =	vadd.s32 v40, v26;
	v49 =	vadd.s32 v26, v46;
	[tilespmem:v21+s15+$0x0] =	vst.idx.msk vm1, v12  }
0x107: {  	v22 =	vadd.s32 $0xFFFFFFFF, v22;
	[tilespmem:v14+s15+$0x0] =	vst.idx.msk vm7, v11;
	v26 =	vadd.s32 v49, v47;
	v48, _, _ =	vpop (xrf0)  }
0x108: {  	[tilespmem:v21+s16+$0x0] =	vst.idx.msk vm1, v6;
	v51 =	vadd.s32 v48, v26  }
0x109: {  	[tilespmem:v14+s16+$0x0] =	vst.idx.msk vm7, v5;
	v6 =	vmpcnt.ones.xlane vm9;
	v50, _, _ =	vpop (xrf0);
	v53 =	vadd.s32 $0xFFFFFFFF, v51  }
0x10a: {  	[tilespmem:v45+s15+$0x0] =	vst.idx.msk vm2, v13;
	v56 =	vadd.s32 v50, v49;
	v52, _, _ =	vpop (xrf0)  }
0x10b: {  	v6 =	vadd.s32 v26, v6;
	[tilespmem:v45+s16+$0x0] =	vst.idx.msk vm2, v8;
	v55 =	vmpcnt.ones.xlane vm12;
	v58 =	vadd.s32 $0xFFFFFFFF, v56;
	v54, _, _ =	vpop (xrf0)  }
0x10c: {  	[tilespmem:v22+s15+$0x0] =	vst.idx.msk vm0, v9;
	v13 =	vadd.s32 v54, v6  }
0x10d: {  	[tilespmem:v22+s16+$0x0] =	vst.idx.msk vm0, v10;
	v6 =	vadd.s32 v6, v55;
	v57 =	vadd.s32 $0xFFFFFFFF, v13  }
0x10e: {  	v5 =	vadd.s32 v52, v6;
	[tilespmem:v53+s15+$0x0] =	vst.idx.msk vm9, v24  }
0x10f: {  	v5 =	vadd.s32 $0xFFFFFFFF, v5;
	[tilespmem:v53+s16+$0x0] =	vst.idx.msk vm9, v33  }
0x110: {  	[tilespmem:v58+s15+$0x0] =	vst.idx.msk vm10, v37  }
0x111: {  	[tilespmem:v58+s16+$0x0] =	vst.idx.msk vm10, v35  }
0x112: {  	[tilespmem:v57+s15+$0x0] =	vst.idx.msk vm12, v17  }
0x113: {  	[tilespmem:v57+s16+$0x0] =	vst.idx.msk vm12, v36  }
0x114: {  	[tilespmem:v5+s15+$0x0] =	vst.idx.msk vm11, v38  }
0x115: {  	[tilespmem:v5+s16+$0x0] =	vst.idx.msk vm11, v34  }
0x116: {  	v5 =	vld [tilespmem:$0x17C0];
	_ =	sdelay $0x4  }
0x117: {  	vm14 =	vle.f32 v5, v3  }
0x118: {  	v3 =	vsel vm14, $0x1, v2  }
0x119: {  	(xrf0) =	vadd.scan.msk.s32 $0xffff, v3;
	_ =	sdelay $0x5  }
0x11a: {  	v3, _, _ =	vpop (xrf0)  }
0x11b: {  	v3 =	vadd.s32 v3, v15  }
0x11c: {  	v3 =	vadd.s32 $0xFFFFFFFF, v3;
	_ =	sdelay $0x3  }
0x11d: {  	s23 =	simm.s32 $0x2000  }
0x11e: {  	s24 =	simm.s32 $0x2880;
	[tilespmem:v3+s23+$0x0] =	vst.idx.msk vm14, v5  }
0x11f: {  	[tilespmem:v3+s24+$0x0] =	vst.idx.msk vm14, v7  }
0x120: {  	v3 =	vld [tilespmem:$0x1FC0];
	_ =	sdelay $0x3  }
0x121: {  	v5 =	vmpcnt.ones.xlane vm14  }
0x122: {  	vm15 =	vle.f32 v3, v4;
	v4 =	vmpcnt.ones.xlane vm11  }
0x123: {  	v5 =	vadd.s32 v15, v5;
	v59 =	vsel vm15, $0x1, v2;
	v60 =	vmpcnt.ones.xlane vm15  }
0x124: {  	v61 =	vxor.u32 $0x80000000, v5;
	(xrf0) =	vadd.scan.msk.s32 $0xffff, v59;
	v4 =	vadd.s32 v6, v4  }
0x125: {  	(xrf0) =	vmax.scan.msk.u32 $0xffff, v61;
	v6 =	vadd.s32 v4, v60  }
0x126: {  	v8 =	vxor.u32 $0x80000000, v6  }
0x127: {  	(xrf0) =	vmax.scan.msk.u32 $0xffff, v8;
	_ =	sdelay $0x2  }
0x128: {  	v62, _, _ =	vpop (xrf0)  }
0x129: {  	v9, _, _ =	vpop (xrf0)  }
0x12a: {  	(v2sf) =	vpush v9, $0xF  }
0x12b: {  	v63, _, _ =	vpop (xrf0)  }
0x12c: {  	(v2sf) =	vpush v63, $0xF;
	_ =	sdelay $0xc  }
0x12d: {  	s26 =	spop (v2sf)  }
0x12e: {  	s0 =	sadd.s32 $0x8000000F, s26  }
0x12f: {  	s28 =	sshra.s32 s0, $0x1F;
	s10 =	spop (v2sf);
	s17 =	sand.u32 $0xF, s0  }
0x130: {  	p0 =	slt.s32 s0, $0x1;
	s1 =	sshrl.u32 s28, $0x1C;
	s10 =	sadd.s32 $0x8000000F, s10  }
0x131: {  	p1 =	sne.s32 s17, $0x0;
	s17 =	simm.s32 $0x1;
	s1 =	sadd.s32 s1, s0  }
0x132: {  	s29 =	sand.u32 $0xF, s10;
	p0 =	por !p0, !p1;
	p6 =	slt.s32 s10, $0x1  }
0x133: {  	s31 =	sshra.s32 s10, $0x1F;
	p2 =	sne.s32 s29, $0x0;
	s30 =	sshra.s32 s1, $0x4  }
0x134: {  	p0 =	por !p0, !p0;
	s1 =	sshrl.u32 s31, $0x1C;
	p1 =	por !p6, !p2  }
0x135: {  	s1 =	sadd.s32 s1, s10;
	s10 =	simm.s32 $0x1;
	p1 =	por !p1, !p1  }
0x136: {  	v4 =	vadd.s32 v62, v4;
	s17 =	simm.s32 @!p0 $0x0;
	s18 =	sshra.s32 s1, $0x4;
	s10 =	simm.s32 @!p1 $0x0  }
0x137: {  	v4 =	vadd.s32 $0xFFFFFFFF, v4;
	s1 =	ssub.s32 s30, s17;
	s21 =	ssub.s32 s18, s10  }
0x138: {  	p0 =	sgt.s32 s1, s21;
	s22 =	smov.u32 s21  }
0x139: {  	v5 =	vadd.s32 v1, v5;
	s22 =	smov.u32 @p0 s1  }
0x13a: {  	v6 =	vadd.s32 v1, v6;
	p0 =	slt.s32 s22, $0x1  }
.Ltmp7:
0x13b: {  	s25 =	simm.s32 $0x3100;
	(pc) =	sbr.rel @p0 .LBB2_9-.Ltmp7, $4  }
0x13c: {  	[tilespmem:v4+s25+$0x0] =	vst.idx.msk vm15, v3;
	s26 =	simm.s32 $0x3980  }
0x13d: {  	v3 =	vimm.f32 $3.000000010e+38;
	[tilespmem:v4+s26+$0x0] =	vst.idx.msk vm15, v7  }
0x13e: {  	[tilespmem:v5+s23+$0x0] =	vst.idx.msk $0xffff, v3  }
0x13f: {  	vm13 =	vmmov vm10;
	v4 =	vimm.s32 $0x0;
	[tilespmem:v6+s25+$0x0] =	vst.idx.msk $0xffff, v3  }
0x140: {  	v5 =	vld [tilespmem:s26+$0x0]  }
0x141: {  	v6 =	vld [tilespmem:s25+$0x0]  }
0x142: {  	v7 =	vld [tilespmem:s23+$0x0]  }
0x143: {  	v8 =	vld [tilespmem:s24+$0x0];
	p3 =	sne.s32 s22, $0x1  }
.Ltmp8:
0x144: {  	_ = 	snop;
	(pc) =	sbr.rel @!p3 .LBB2_11-.Ltmp8, $4  }
0x145: {  	p0 =	sgt.s32 s21, $0x0  }
0x146: {  	p1 =	sgt.s32 s1, $0x0;
	v6 =	vpsel !p0, $0x7F61B1E6, v6  }
0x147: {  	v7 =	vpsel !p1, $0x7F61B1E6, v7;
	(xrf1) =	vsort.ascd.msk.f32 $0xffff, v6, v5  }
0x148: {  	p2 =	por $0x0, $0x0;
	p0 =	por $0x0, $0x0;
	p1 =	por $0x0, $0x0;
	(xrf1) =	vsort.ascd.msk.f32 $0xffff, v7, v8  }
0x149: {  	_ =	sdelay $0x6  }
0x14a: {  	s30 =	simm.s32 $0x2010  }
0x14b: {  	s29 =	simm.s32 $0x3110;
	v5 =	vmul.u32 $0xFFFFFFFF, v1;
	v8 =	vld [tilespmem:s30+$0x0]  }
0x14c: {  	s0 =	simm.s32 $0x3990;
	v6 =	vld [tilespmem:s29+$0x0]  }
0x14d: {  	s31 =	simm.s32 $0x2890;
	v7 =	vld [tilespmem:s0+$0x0]  }
0x14e: {  	v11 =	vld [tilespmem:s31+$0x0]  }
0x14f: {  	p3 =	sgt.s32 s1, $0x1;
	v9 =	vadd.s32 $0xF, v5;
	v5, v10, _ =	vpop (xrf1)  }
0x150: {  	p0 =	sgt.s32 s21, $0x1;
	v8 =	vpsel !p3, $0x7F61B1E6, v8;
	p3 =	sne.s32 s22, $0x2;
	v12 =	vperm.xlane v5, v9  }
.Ltmp9:
0x151: {  	v14 =	vpsel !p0, $0x7F61B1E6, v6;
	(pc) =	sbr.rel @!p3 .LBB2_13-.Ltmp9, $4  }
0x152: {  	(xrf1) =	vsort.ascd.msk.f32 $0xffff, v14, v7;
	v5, v13, _ =	vpop (xrf1);
	v10 =	vperm.xlane v10, v9;
	vm0 =	vle.f32 v3, v12  }
0x153: {  	(xrf1) =	vsort.ascd.msk.f32 $0xffff, v8, v11;
	v5 =	vperm.xlane v5, v9;
	v7 =	vsel vm0, v3, v12  }
0x154: {  	v6 =	vperm.xlane v13, v9;
	v13 =	vsel vm0, v4, v10;
	vm0 =	vle.f32 v3, v7  }
0x155: {  	p0 =	por $0x1, $0x1;
	v14 =	vsel vm0, v3, v7;
	v15 =	vsel vm0, v7, v3;
	v16 =	vsel vm0, v13, v4  }
0x156: {  	(xrf1) =	vsort.ascd.msk.f32 $0xffff, v15, v16  }
0x157: {  	v7 =	vsel vm0, v4, v13  }
0x158: {  	(xrf1) =	vsort.ascd.msk.f32 $0xffff, v14, v7;
	_ =	sdelay $0x4  }
0x159: {  	s30 =	simm.s32 $0x2020  }
0x15a: {  	s29 =	simm.s32 $0x3120;
	v12 =	vld [tilespmem:s30+$0x0]  }
0x15b: {  	s0 =	simm.s32 $0x39A0;
	v8 =	vld [tilespmem:s29+$0x0]  }
0x15c: {  	s31 =	simm.s32 $0x28A0;
	v10 =	vld [tilespmem:s0+$0x0]  }
0x15d: {  	v13 =	vld [tilespmem:s31+$0x0]  }
0x15e: {  	p3 =	sgt.s32 s1, $0x2;
	v7, v11, _ =	vpop (xrf1)  }
0x15f: {  	p1 =	sgt.s32 s21, $0x2;
	v12 =	vpsel !p3, $0x7F61B1E6, v12;
	p3 =	sne.s32 s22, $0x3;
	v14 =	vperm.xlane v7, v9;
	v7, v15, _ =	vpop (xrf1)  }
.Ltmp10:
0x160: {  	v18 =	vpsel !p1, $0x7F61B1E6, v8;
	v16, v17, _ =	vpop (xrf1);
	(pc) =	sbr.rel @!p3 .LBB2_15-.Ltmp10, $4  }
0x161: {  	(xrf1) =	vsort.ascd.msk.f32 $0xffff, v18, v10;
	v19 =	vperm.xlane v11, v9;
	vm0 =	vle.f32 v16, v14  }
0x162: {  	(xrf1) =	vsort.ascd.msk.f32 $0xffff, v12, v13;
	v8 =	vperm.xlane v15, v9;
	v15, v11, _ =	vpop (xrf1);
	v10 =	vsel vm0, v16, v14  }
0x163: {  	v7 =	vperm.xlane v7, v9;
	v13 =	vsel vm0, v17, v19;
	vm0 =	vle.f32 v15, v10  }
0x164: {  	p1 =	por $0x1, $0x1;
	v14 =	vsel vm0, v15, v10;
	v15 =	vsel vm0, v10, v15;
	v16 =	vsel vm0, v13, v11  }
0x165: {  	(xrf1) =	vsort.ascd.msk.f32 $0xffff, v15, v16  }
0x166: {  	v10 =	vsel vm0, v11, v13  }
0x167: {  	(xrf1) =	vsort.ascd.msk.f32 $0xffff, v14, v10;
	_ =	sdelay $0x4  }
0x168: {  	vm0 =	vle.f32 v3, v5;
	s25 =	simm.s32 $0x2030  }
0x169: {  	v12 =	vsel vm0, v3, v5;
	v14 =	vld [tilespmem:s25+$0x0]  }
0x16a: {  	s24 =	simm.s32 $0x3130;
	v16 =	vsel vm0, v4, v6;
	vm0 =	vle.f32 v3, v12  }
0x16b: {  	s23 =	simm.s32 $0x39B0;
	v11 =	vld [tilespmem:s24+$0x0];
	v21 =	vsel vm0, v16, v4  }
0x16c: {  	s26 =	simm.s32 $0x28B0;
	v13 =	vld [tilespmem:s23+$0x0];
	v20 =	vsel vm0, v12, v3  }
0x16d: {  	p3 =	sgt.s32 s1, $0x3;
	v17 =	vld [tilespmem:s26+$0x0];
	v10, v15, _ =	vpop (xrf1)  }
0x16e: {  	v16 =	vsel vm0, v4, v16;
	(xrf1) =	vsort.ascd.msk.f32 $0xffff, v20, v21;
	v14 =	vpsel !p3, $0x7F61B1E6, v14;
	p3 =	sne.s32 s22, $0x4;
	v18 =	vperm.xlane v10, v9;
	v10, v19, _ =	vpop (xrf1)  }
.Ltmp11:
0x16f: {  	p2 =	sgt.s32 s21, $0x3;
	v12 =	vsel vm0, v3, v12;
	v15 =	vperm.xlane v15, v9;
	v20, v21, _ =	vpop (xrf1);
	(pc) =	sbr.rel @!p3 .LBB2_17-.Ltmp11, $4  }
0x170: {  	v22 =	vpsel !p2, $0x7F61B1E6, v11;
	v10 =	vperm.xlane v10, v9;
	(xrf1) =	vsort.ascd.msk.f32 $0xffff, v12, v16;
	vm0 =	vle.f32 v20, v18  }
0x171: {  	v12 =	vperm.xlane v19, v9;
	v16, v11, _ =	vpop (xrf1);
	(xrf1) =	vsort.ascd.msk.f32 $0xffff, v22, v13;
	v18 =	vsel vm0, v20, v18  }
0x172: {  	(xrf1) =	vsort.ascd.msk.f32 $0xffff, v14, v17;
	v13 =	vsel vm0, v21, v15;
	vm0 =	vle.f32 v16, v18  }
0x173: {  	s28 =	simm.s32 $0x4;
	p2 =	por $0x1, $0x1;
	v14 =	vsel vm0, v16, v18;
	v15 =	vsel vm0, v18, v16;
	v16 =	vsel vm0, v13, v11  }
.LBB2_18:
0x174: {  	v11 =	vsel vm0, v11, v13;
	(xrf1) =	vsort.ascd.msk.f32 $0xffff, v15, v16;
	s0 =	smov.u32 s28;
	s28 =	sadd.s32 $0x1, s28  }
0x175: {  	p3 =	sne.s32 s22, s28;
	(xrf1) =	vsort.ascd.msk.f32 $0xffff, v14, v11;
	_ =	sdelay $0x6  }
0x176: {  	s23 =	sadd.s32 $0x10, s23;
	v11, v13, _ =	vpop (xrf1)  }
0x177: {  	s24 =	sadd.s32 $0x10, s24;
	v14 =	vld [tilespmem:s23+$0x0];
	vm0 =	vle.f32 v11, v7  }
0x178: {  	s25 =	sadd.s32 $0x10, s25;
	v15 =	vld [tilespmem:s24+$0x0];
	v11 =	vsel vm0, v11, v7;
	v13 =	vsel vm0, v13, v8;
	v16, v17, _ =	vpop (xrf1);
	v7 =	vmov v10  }
0x179: {  	s26 =	sadd.s32 $0x10, s26;
	v8 =	vmov v12;
	v18 =	vld [tilespmem:s25+$0x0];
	v10, v19, _ =	vpop (xrf1);
	vm0 =	vle.f32 v16, v11  }
0x17a: {  	v20 =	vld [tilespmem:s26+$0x0];
	v21 =	vperm.xlane v10, v9;
	v10, v12, _ =	vpop (xrf1);
	v24 =	vsel vm0, v11, v16;
	v23 =	vsel vm0, v13, v17  }
0x17b: {  	v13 =	vsel vm0, v17, v13;
	v10 =	vperm.xlane v10, v9;
	(xrf1) =	vsort.ascd.msk.f32 $0xffff, v24, v23  }
.Ltmp12:
0x17c: {  	p4 =	slt.s32 s0, s21;
	v16 =	vsel vm0, v16, v11;
	v12 =	vperm.xlane v12, v9;
	v17, v22, _ =	vpop (xrf1);
	(pc) =	sbr.rel @p3 .LBB2_18-.Ltmp12, $4  }
0x17d: {  	p5 =	slt.s32 s0, s1;
	v19 =	vperm.xlane v19, v9;
	v15 =	vpsel !p4, $0x7F61B1E6, v15;
	vm0 =	vle.f32 v17, v21;
	v23, v11, _ =	vpop (xrf1);
	(xrf1) =	vsort.ascd.msk.f32 $0xffff, v16, v13  }
0x17e: {  	v13 =	vpsel !p5, $0x7F61B1E6, v18;
	(xrf1) =	vsort.ascd.msk.f32 $0xffff, v15, v14;
	v15 =	vsel vm0, v17, v21  }
0x17f: {  	(xrf1) =	vsort.ascd.msk.f32 $0xffff, v13, v20;
	v13 =	vsel vm0, v22, v19;
	vm0 =	vle.f32 v23, v15  }
0x180: {  	v14 =	vsel vm0, v23, v15;
	v15 =	vsel vm0, v15, v23;
	v16 =	vsel vm0, v13, v11  }
0x181: {  	v9 =	vmovc v7;
	v17 =	vmov v8;
	v7 =	vmov v10;
	v8 =	vmov v12  }
.LBB2_20:
0x182: {  	_ =	sdelay $0x5  }
0x183: {  	v11 =	vsel @p0 vm0, v11, v13  }
0x184: {  	v10, v12, _ =	vpop @p2 (xrf1);
	(xrf1) =	vsort.ascd.msk.f32 @p0 $0xffff, v15, v16  }
0x185: {  	v10 =	vpsel p2, v10, v3  }
0x186: {  	(xrf1) =	vsort.ascd.msk.f32 @p0 $0xffff, v14, v11;
	vm0 =	vle.f32 @p1 v10, v9;
	v11, v13, _ =	vpop @p2 (xrf1)  }
0x187: {  	v9 =	vsel @p1 vm0, v10, v9;
	v10 =	vpsel p2, v12, v4;
	v11 =	vpsel p2, v11, v3  }
0x188: {  	v12 =	vpsel p2, v13, v4;
	v10 =	vsel @p1 vm0, v10, v17;
	vm0 =	vle.f32 @p1 v11, v9  }
0x189: {  	v13 =	vsel @p1 vm0, v9, v11;
	v14 =	vsel @p1 vm0, v10, v12  }
0x18a: {  	(xrf1) =	vsort.ascd.msk.f32 @p1 $0xffff, v13, v14  }
0x18b: {  	v10 =	vsel @p1 vm0, v12, v10;
	v9 =	vsel @p1 vm0, v11, v9  }
0x18c: {  	(xrf1) =	vsort.ascd.msk.f32 @p1 $0xffff, v9, v10;
	_ =	sdelay $0x2  }
0x18d: {  	v9 =	vmul.u32 $0xFFFFFFFF, v1  }
0x18e: {  	v10, v11, _ =	vpop (xrf1)  }
0x18f: {  	v9 =	vadd.s32 $0xF, v9;
	v58, v57, _ =	vpop (xrf1)  }
0x190: {  	v10 =	vperm.xlane v10, v9;
	v14, v15, _ =	vpop @p0 (xrf1)  }
0x191: {  	v14 =	vpsel p0, v14, v3  }
0x192: {  	v11 =	vperm.xlane v11, v9;
	v16, v17, _ =	vpop @p0 (xrf1);
	vm12 =	vle.f32 v14, v10  }
0x193: {  	v59 =	vpsel p0, v15, v4;
	v60 =	vpsel p0, v16, v3;
	v10 =	vsel vm12, v14, v10  }
0x194: {  	v11 =	vsel vm12, v59, v11;
	vm13 =	vle.f32 v60, v10  }
0x195: {  	v16 =	vsel vm13, v60, v10;
	v10 =	vsel vm13, v10, v60  }
0x196: {  	v5 =	vpsel p0, v7, v5;
	v61 =	vpsel p0, v17, v4;
	v17, v18, _ =	vpop @p1 (xrf1)  }
0x197: {  	v6 =	vpsel p0, v8, v6;
	v62 =	vsel vm13, v11, v61;
	v7 =	vpsel p1, v17, v3  }
0x198: {  	v8 =	vsel vm13, v61, v11;
	(xrf1) =	vsort.ascd.msk.f32 $0xffff, v10, v62;
	vm0 =	vle.f32 @p0 v7, v5;
	v10, v11, _ =	vpop @p1 (xrf1)  }
0x199: {  	v5 =	vsel @p0 vm0, v7, v5;
	v7 =	vpsel p1, v18, v4;
	v10 =	vpsel p1, v10, v3  }
0x19a: {  	v6 =	vsel @p0 vm0, v7, v6;
	vm0 =	vle.f32 @p0 v10, v5;
	v7 =	vpsel p1, v11, v4  }
0x19b: {  	(xrf1) =	vsort.ascd.msk.f32 $0xffff, v16, v8;
	v8 =	vsel @p0 vm0, v5, v10;
	v11 =	vsel @p0 vm0, v6, v7  }
0x19c: {  	(xrf1) =	vsort.ascd.msk.f32 @p0 $0xffff, v8, v11  }
0x19d: {  	v6 =	vsel @p0 vm0, v7, v6;
	v5 =	vsel @p0 vm0, v10, v5  }
0x19e: {  	(xrf1) =	vsort.ascd.msk.f32 @p0 $0xffff, v5, v6;
	_ =	sdelay $0x9  }
0x19f: {  	v8, v5, _ =	vpop (xrf1)  }
0x1a0: {  	v7, v6, _ =	vpop (xrf1)  }
0x1a1: {  	v10 =	vperm.xlane v58, v9;
	v11, v12, _ =	vpop @p0 (xrf1)  }
0x1a2: {  	v11 =	vpsel p0, v11, v3  }
0x1a3: {  	v9 =	vperm.xlane v57, v9;
	v13, v14, _ =	vpop @p0 (xrf1);
	vm14 =	vle.f32 v11, v10  }
0x1a4: {  	v3 =	vpsel p0, v13, v3;
	v10 =	vsel vm14, v11, v10;
	v11 =	vpsel p0, v12, v4  }
0x1a5: {  	v4 =	vpsel p0, v14, v4;
	v9 =	vsel vm14, v11, v9;
	vm15 =	vle.f32 v3, v10  }
0x1a6: {  	v11 =	vsel vm15, v10, v3;
	v63 =	vsel vm15, v9, v4  }
0x1a7: {  	v4 =	vsel vm15, v4, v9;
	v3 =	vsel vm15, v3, v10;
	(xrf1) =	vsort.ascd.msk.f32 $0xffff, v11, v63  }
0x1a8: {  	(xrf1) =	vsort.ascd.msk.f32 $0xffff, v3, v4;
	_ =	sdelay $0x9  }
.Ltmp13:
0x1a9: {  	_ = 	snop;
	(pc) =	sbr.rel .LBB2_21-.Ltmp13, $3  }
0x1aa: {  	_ =	sdelay $0x1  }
0x1ab: {  	v10, v9, _ =	vpop (xrf1)  }
0x1ac: {  	v3, v4, _ =	vpop (xrf1)  }
.LBB2_11:
.Ltmp14:
0x1ad: {  	(pc) =	sbr.rel .LBB2_20-.Ltmp14, $2  }
0x1ae: {  	_ =	sdelay $0x2  }
0x1af: {  	v11 =	vimm.s32 $0x0  }
.LBB2_13:
.Ltmp15:
0x1b0: {  	(pc) =	sbr.rel .LBB2_20-.Ltmp15, $2  }
0x1b1: {  	_ =	sdelay $0x2  }
0x1b2: {  	v7 =	vmov v5;
	v8 =	vmov v6;
	v11 =	vimm.s32 $0x0  }
.LBB2_15:
.Ltmp16:
0x1b3: {  	(pc) =	sbr.rel .LBB2_20-.Ltmp16, $2  }
0x1b4: {  	_ =	sdelay $0x2  }
0x1b5: {  	v9 =	vmov v5;
	v17 =	vmov v6  }
.LBB2_17:
.Ltmp17:
0x1b6: {  	(pc) =	sbr.rel .LBB2_20-.Ltmp17, $2  }
0x1b7: {  	_ =	sdelay $0x2  }
0x1b8: {  	v9 =	vmovc v7;
	v17 =	vmov v8;
	v7 =	vmov v10;
	v8 =	vmov v12  }
.LBB2_23:
0x1b9: {  	_ =	sfence.sel $0x180000  }
0x1ba: {  	[bflag:$0x0] =	sbarrier.arrive $0xFFFF  }
0x1bb: {  	_ =	strace $0x90000047  }
0x1bc: {  	s0 =	stileid.u32;
	[bflag:$0x2] =	sbarrier.arrive $0xFFFF  }
0x1bd: {  	p0 =	sne.s32 s0, $0x0;
	s0 =	rddreg [dreg:$0x4]  }
0x1be: {  	s0 =	sadd.s32 @!p0 $0x100000, s0  }
0x1bf: {  	[sflag:s0] =	ssyncadd.tile.s32 @!p0 $0x1;
	_ =	shalt  }
.Lfunc_end2:
_tile_overlayer_lowered:
.L_overlay_start_2:
0x1c0: {  	(tag) =	ssettag $0x2  }
0x1c1: {  	s0 =	rddreg [dreg:$0x0];
	s2 =	stileid.u32  }
0x1c2: {  	s1 =	rddreg [dreg:$0x1];
	p0 =	sne.s32 s2, $0x0  }
0x1c3: {  	s3 =	rddreg [dreg:$0x2];
	[bflag:$0x3] =	sbarrier.arrive $0xFFFF;
	s2 =	simm.s32 @!p0 $0x1C01  }
0x1c4: {  	[timem:s3], [sflag:s2] =	dma.local @!p0 [hbm:s0], s1  }
0x1c5: {  	s0 =	simm.s32 @!p0 $0x1  }
0x1c6: {  	_ =	swait.ge @!p0 [sflag:s0], s1  }
0x1c7: {  	s1 =	ssub.s32 @!p0 $0x0, s1;
	[sflag:s0] =	ssyncset.done @!p0 $0x0  }
0x1c8: {  	[sflag:s0] =	ssyncadd.s32 @!p0 s1  }
0x1c9: {  	[bflag:$0x3] =	sbarrier.arrive $0xFFFF  }
0x1ca: {  	_ =	shalt  }

</sc_bundles>
